<compile_context>
chip_gen: v7x
topology: tpu7x:2x2x1
jax: 0.10.2.dev20260603
libtpu: 0.0.44.dev20260713+nightly
codegen_flags: <defaults>
</compile_context>

<pallas_src>
import functools

import jax
import jax.numpy as jnp
from jax import lax
from jax.experimental import pallas as pl
from jax.experimental.pallas import tpu as pltpu
from jax.experimental.pallas import tpu_sc as plsc

N = 10000
E = 320000
D = 128
H = 16
O = 16
G = 128

NC = 2
NS = 16
NW = NC * NS
EP = E // NW
CH = 1000
NCH = EP // CH
NZ = N // NS
NP = N // 8



def _sc_scatter_body(with_deg, *refs):
    if with_deg:
        (p_hbm, ei_hbm, agg0, agg1, deg0, deg1,
         idx_all, dst_all, rows0, rows1, rows2, ones_v, agg_sh, deg_sh,
         isem, g0s, g1s, g2s, a0s, a1s, a2s, dsem) = refs
    else:
        (p_hbm, ei_hbm, agg0, agg1,
         idx_all, dst_all, rows0, rows1, rows2, agg_sh,
         isem, g0s, g1s, g2s, a0s, a1s, a2s) = refs
    gsems = (g0s, g1s, g2s)
    asems = (a0s, a1s, a2s)

    c = lax.axis_index("c")
    s = lax.axis_index("s")
    wid = s * NC + c
    base = wid * EP

    idesc = []
    for i in range(NCH):
        off = base + i * CH
        idesc.append(pltpu.async_copy(
            ei_hbm.at[pl.ds(off, CH)], idx_all.at[i], isem))
        idesc.append(pltpu.async_copy(
            ei_hbm.at[pl.ds(E + off, CH)], dst_all.at[i], isem))

    def _zrow(i, _):
        rows0[i, :] = jnp.zeros((16,), jnp.float32)
        return 0
    lax.fori_loop(0, NZ, _zrow, 0)
    if with_deg:
        def _orow(i, _):
            ones_v[i, :] = jnp.ones((16,), jnp.float32)
            return 0
        lax.fori_loop(0, CH, _orow, 0)

    pltpu.sync_copy(rows0.at[pl.ds(0, NZ)], agg_sh.at[pl.ds(s * NZ, NZ)])
    if with_deg:
        pltpu.sync_copy(rows0.at[pl.ds(0, NZ)], deg_sh.at[pl.ds(s * NZ, NZ)])
    plsc.subcore_barrier()
    for d in idesc:
        d.wait()

    rows = (rows0, rows1, rows2)
    nb = len(rows)
    g = [None] * NCH
    a = [None] * NCH
    dd = []
    g[0] = pltpu.async_copy(p_hbm.at[idx_all.at[0]], rows[0], gsems[0])
    for i in range(NCH):
        if i + 1 < NCH:
            if i + 1 >= nb:
                a[i + 1 - nb].wait()
            g[i + 1] = pltpu.async_copy(
                p_hbm.at[idx_all.at[i + 1]], rows[(i + 1) % nb],
                gsems[(i + 1) % nb])
        g[i].wait()
        a[i] = pltpu.async_copy(
            rows[i % nb], agg_sh.at[dst_all.at[i]], asems[i % nb], add=True)
        if with_deg:
            dd.append(pltpu.async_copy(
                ones_v, deg_sh.at[dst_all.at[i]], dsem, add=True))
    for i in range(max(0, NCH - nb), NCH):
        a[i].wait()
    for d in dd:
        d.wait()
    plsc.subcore_barrier()

    rb = s * NZ

    @pl.when(c == 0)
    def _():
        pltpu.sync_copy(agg_sh.at[pl.ds(rb, NZ)], agg0.at[pl.ds(rb, NZ)])
        if with_deg:
            pltpu.sync_copy(deg_sh.at[pl.ds(rb, NZ)], deg0.at[pl.ds(rb, NZ)])

    @pl.when(c == 1)
    def _():
        pltpu.sync_copy(agg_sh.at[pl.ds(rb, NZ)], agg1.at[pl.ds(rb, NZ)])
        if with_deg:
            pltpu.sync_copy(deg_sh.at[pl.ds(rb, NZ)], deg1.at[pl.ds(rb, NZ)])


def _make_sc_scatter(with_deg):
    n_out = 4 if with_deg else 2
    scratch = [
        pltpu.VMEM((NCH, CH), jnp.int32),
        pltpu.VMEM((NCH, CH), jnp.int32),
        pltpu.VMEM((CH, 16), jnp.float32),
        pltpu.VMEM((CH, 16), jnp.float32),
        pltpu.VMEM((CH, 16), jnp.float32),
    ]
    if with_deg:
        scratch.append(pltpu.VMEM((CH, 16), jnp.float32))
    scratch.append(pltpu.VMEM_SHARED((N, 16), jnp.float32))
    if with_deg:
        scratch.append(pltpu.VMEM_SHARED((N, 16), jnp.float32))
    scratch.extend([pltpu.SemaphoreType.DMA] * (8 if with_deg else 7))

    mesh = plsc.VectorSubcoreMesh(core_axis_name="c", subcore_axis_name="s")
    return functools.partial(
        pl.kernel,
        mesh=mesh,
        out_type=[jax.ShapeDtypeStruct((N, 16), jnp.float32)] * n_out,
        scratch_types=scratch,
        compiler_params=pltpu.CompilerParams(use_tc_tiling_on_sc=False),
    )(functools.partial(_sc_scatter_body, with_deg))



def _full_spec(shape):
    return pl.BlockSpec(shape, lambda: tuple(0 for _ in shape))


def _dot(a, b):
    return lax.dot_general(a, b, (((1,), (0,)), ((), ())),
                           preferred_element_type=jnp.float32)


def _dot_t(a, b):
    return lax.dot_general(a, b, (((1,), (1,)), ((), ())),
                           preferred_element_type=jnp.float32)


def _blockdiag_matmul(xin, w_t, din):
    outs = [_dot_t(xin[:, din * i:din * (i + 1)], w_t) for i in range(8)]
    return jnp.concatenate(outs, axis=1)


def _projp_body(x3_ref, wl_ref, wr_ref, p_ref, r_ref):
    wl, wr = wl_ref[...], wr_ref[...]
    ps, rs = [], []
    for i in range(8):
        xi = x3_ref[:, i, :]
        ps.append(_dot_t(xi, wl))
        rs.append(_dot_t(xi, wr))
    p_ref[...] = jnp.concatenate(ps, axis=1)
    r_ref[...] = jnp.concatenate(rs, axis=1)


def _midp_body(a0_ref, a1_ref, d0_ref, d1_ref, r1_ref, b1_ref,
               w2l_ref, w2r_ref, b2_ref, p2_ref, r2b_ref):
    deg = jnp.maximum(d0_ref[...] + d1_ref[...], 1.0)
    h = jnp.maximum((a0_ref[...] + a1_ref[...]) / deg
                    + b1_ref[...] + r1_ref[...], 0.0)
    p2_ref[...] = _blockdiag_matmul(h, w2l_ref[...], H)
    r2b_ref[...] = _blockdiag_matmul(h, w2r_ref[...], H) + b2_ref[...]


def _finalp_body(g0_ref, g1_ref, d0_ref, d1_ref, r2b_ref, bt_ref, out_ref):
    deg = jnp.maximum(d0_ref[...] + d1_ref[...], 1.0)
    nodep = (g0_ref[...] + g1_ref[...]) / deg + r2b_ref[...]
    acc = jnp.zeros((G, O), jnp.float32)
    cnt = jnp.zeros((G, 1), jnp.float32)
    for i in range(8):
        bv = bt_ref[i:i + 1, :]
        oh = (lax.broadcasted_iota(jnp.int32, (G, NP), 0)
              == jnp.broadcast_to(bv, (G, NP))).astype(jnp.float32)
        acc += _dot(oh, nodep[:, 16 * i:16 * i + 16])
        cnt += jnp.sum(oh, axis=1, keepdims=True)
    out_ref[...] = acc / jnp.maximum(cnt, 1.0)


def _projp(xp, wl, wr):
    return pl.pallas_call(
        _projp_body,
        in_specs=[_full_spec((NP, 8, D)), _full_spec((H, D)),
                  _full_spec((H, D))],
        out_specs=[_full_spec((NP, 128))] * 2,
        out_shape=[jax.ShapeDtypeStruct((NP, 128), jnp.float32)] * 2,
    )(xp, wl, wr)


def _midp(a0p, a1p, d0p, d1p, r1p, b1p, w2lbd, w2rbd, b2p):
    return pl.pallas_call(
        _midp_body,
        in_specs=[_full_spec((NP, 128))] * 5
        + [_full_spec((1, 128)), _full_spec((O, H)),
           _full_spec((O, H)), _full_spec((1, 128))],
        out_specs=[_full_spec((NP, 128))] * 2,
        out_shape=[jax.ShapeDtypeStruct((NP, 128), jnp.float32)] * 2,
    )(a0p, a1p, d0p, d1p, r1p, b1p, w2lbd, w2rbd, b2p)


def _finalp(g0p, g1p, d0p, d1p, r2bp, bt):
    return pl.pallas_call(
        _finalp_body,
        in_specs=[_full_spec((NP, 128))] * 5 + [_full_spec((8, NP))],
        out_specs=_full_spec((G, O)),
        out_shape=jax.ShapeDtypeStruct((G, O), jnp.float32),
    )(g0p, g1p, d0p, d1p, r2bp, bt)



_sc_pass1 = _make_sc_scatter(True)
_sc_pass2 = _make_sc_scatter(False)


def kernel(x, edge_index, batch, W1_l, b1_l, W1_r, W2_l, b2_l, W2_r):
    f32 = jnp.float32
    eif = edge_index.astype(jnp.int32).reshape(2 * E)
    xp = x.astype(f32).reshape(NP, 8, D)
    b1p = jnp.tile(b1_l.astype(f32).reshape(1, H), (1, 8))
    b2p = jnp.tile(b2_l.astype(f32).reshape(1, O), (1, 8))
    bt = batch.astype(jnp.int32).reshape(NP, 8).T

    P1p, R1p = _projp(xp, W1_l.astype(f32), W1_r.astype(f32))
    a0, a1, d0, d1 = _sc_pass1(P1p.reshape(N, H), eif)
    P2p, R2bp = _midp(a0.reshape(NP, 128), a1.reshape(NP, 128),
                      d0.reshape(NP, 128), d1.reshape(NP, 128),
                      R1p, b1p, W2_l.astype(f32), W2_r.astype(f32), b2p)
    g0, g1 = _sc_pass2(P2p.reshape(N, O), eif)
    return _finalp(g0.reshape(NP, 128), g1.reshape(NP, 128),
                   d0.reshape(NP, 128), d1.reshape(NP, 128), R2bp, bt)

# --- scband reference (transcript-rebuilt; emitter-appended) ---
"""Pipeline reference for scband-graph-sage-75496935129722 (READ-ONLY COPY).

The authoritative reference and input builder live on the scoring server;
editing this copy changes nothing except your own understanding.
"""

import jax, jax.numpy as jnp
import numpy as np

N = 10000
E = 320000
D = 128
H = 16
O = 16
G = 128


def setup_inputs(seed: int = 0) -> dict:
    key = jax.random.key(seed)
    ks = jax.random.split(key, 10)
    x = jax.random.normal(ks[0], (N, D), dtype=jnp.float32)
    edge_index = jax.random.randint(ks[1], (2, E), 0, N)
    batch = jnp.sort(jax.random.randint(ks[2], (N,), 0, G))
    # SAGEConv layer 1: lin_l (neighbor aggregate, with bias), lin_r (root, no bias)
    W1_l = jax.random.normal(ks[3], (H, D), dtype=jnp.float32) / np.sqrt(D)
    b1_l = jnp.zeros((H,), dtype=jnp.float32)
    W1_r = jax.random.normal(ks[4], (H, D), dtype=jnp.float32) / np.sqrt(D)
    # SAGEConv layer 2
    W2_l = jax.random.normal(ks[5], (O, H), dtype=jnp.float32) / np.sqrt(H)
    b2_l = jnp.zeros((O,), dtype=jnp.float32)
    W2_r = jax.random.normal(ks[6], (O, H), dtype=jnp.float32) / np.sqrt(H)
    return {
        "x": x,
        "edge_index": edge_index,
        "batch": batch,
        "W1_l": W1_l,
        "b1_l": b1_l,
        "W1_r": W1_r,
        "W2_l": W2_l,
        "b2_l": b2_l,
        "W2_r": W2_r,
    }


def _sage_conv(x, edge_index, Wl, bl, Wr):
    # PyG SAGEConv with mean aggregation:
    # out = lin_l(mean_{j in N(i)} x_j) + lin_r(x_i)
    src = edge_index[0]
    dst = edge_index[1]
    msgs = jnp.take(x, src, axis=0)                      # gather
    agg = jax.ops.segment_sum(msgs, dst, num_segments=N)  # scatter-add
    deg = jax.ops.segment_sum(jnp.ones((edge_index.shape[1],), x.dtype), dst, num_segments=N)
    mean = agg / jnp.clip(deg, 1.0)[:, None]
    return mean @ Wl.T + bl + x @ Wr.T


def reference(x, edge_index, batch, W1_l, b1_l, W1_r, W2_l, b2_l, W2_r):
    x = x.astype(jnp.float32)
    h = _sage_conv(x, edge_index, W1_l, b1_l, W1_r)
    h = jax.nn.relu(h)
    # F.dropout with training=False (inference) is identity
    h = _sage_conv(h, edge_index, W2_l, b2_l, W2_r)
    # global_mean_pool over batch ids
    s = jax.ops.segment_sum(h, batch, num_segments=G)
    cnt = jax.ops.segment_sum(jnp.ones((N,), h.dtype), batch, num_segments=G)
    return s / jnp.clip(cnt, 1.0)[:, None]

if __name__ == "__main__":
    import jax
    _d = setup_inputs()
    print(jax.jit(kernel)(*tuple(_d.values())))

</pallas_src>

<mosaic_0001>
#map = affine_map<(d0, d1) -> (0, 0)>
#map1 = affine_map<(d0, d1) -> (0)>
module attributes {stable_mosaic.version = 14 : i64} {
  func.func @_sc_scatter_body(%arg0: i32, %arg1: i32, %arg2: memref<10000x16xf32, #tpu.memory_space<hbm>>, %arg3: memref<640000xi32, #tpu.memory_space<hbm>>, %arg4: memref<10000x16xf32, #tpu.memory_space<hbm>>, %arg5: memref<10000x16xf32, #tpu.memory_space<hbm>>, %arg6: memref<10000x16xf32, #tpu.memory_space<hbm>>, %arg7: memref<10000x16xf32, #tpu.memory_space<hbm>>, %arg8: memref<10x1000xi32, #tpu.memory_space<vmem>>, %arg9: memref<10x1000xi32, #tpu.memory_space<vmem>>, %arg10: memref<1000x16xf32, #tpu.memory_space<vmem>>, %arg11: memref<1000x16xf32, #tpu.memory_space<vmem>>, %arg12: memref<1000x16xf32, #tpu.memory_space<vmem>>, %arg13: memref<1000x16xf32, #tpu.memory_space<vmem>>, %arg14: memref<10000x16xf32, #tpu.memory_space<vmem_shared>>, %arg15: memref<10000x16xf32, #tpu.memory_space<vmem_shared>>, %arg16: memref<!tpu.dma_semaphore, #tpu.memory_space<semaphore_mem>>, %arg17: memref<!tpu.dma_semaphore, #tpu.memory_space<semaphore_mem>>, %arg18: memref<!tpu.dma_semaphore, #tpu.memory_space<semaphore_mem>>, %arg19: memref<!tpu.dma_semaphore, #tpu.memory_space<semaphore_mem>>, %arg20: memref<!tpu.dma_semaphore, #tpu.memory_space<semaphore_mem>>, %arg21: memref<!tpu.dma_semaphore, #tpu.memory_space<semaphore_mem>>, %arg22: memref<!tpu.dma_semaphore, #tpu.memory_space<semaphore_mem>>, %arg23: memref<!tpu.dma_semaphore, #tpu.memory_space<semaphore_mem>>) attributes {dimension_semantics = [#tpu.dimension_semantics<core_parallel>, #tpu.dimension_semantics<subcore_parallel>], iteration_bounds = array<i64: 2, 16>, scalar_prefetch = 0 : i64, scratch_operands = 16 : i64, tpu.core_type = #tpu.core_type<sc_vector_subcore>, window_params = [{transform_indices = #map}, {transform_indices = #map1}, {transform_indices = #map}, {transform_indices = #map}, {transform_indices = #map}, {transform_indices = #map}]} {
    %mul3A = arith.constant 2 : i32
    %mul3A_0 = arith.muli %arg1, %mul3A : i32
    %add3A = arith.addi %mul3A_0, %arg0 : i32
    %mul3A_1 = arith.constant 10000 : i32
    %mul3A_2 = arith.muli %add3A, %mul3A_1 : i32
    %add3A_3 = arith.constant 0 : i32
    %add3A_4 = arith.addi %mul3A_2, %add3A_3 : i32
    %dma_start3A = arith.constant 0 : i32
    %dma_start3A_5 = arith.constant 0 : i32
    %dma_start3A_6 = tpu.memref_slice %arg8[%dma_start3A, %dma_start3A_5] : memref<10x1000xi32, #tpu.memory_space<vmem>> -> memref<1x1000xi32, #tpu.memory_space<vmem>>
    %dma_start3A_7 = tpu.memref_squeeze %dma_start3A_6 : memref<1x1000xi32, #tpu.memory_space<vmem>> -> memref<1000xi32, #tpu.memory_space<vmem>>
    %dma_start3A_8 = tpu.memref_slice %arg3[%add3A_4] : memref<640000xi32, #tpu.memory_space<hbm>> -> memref<1000xi32, #tpu.memory_space<hbm>>
    %dma_start3A_9 = arith.constant 0 : i32
    %dma_start3A_10 = tpu.memref_slice %arg8[%dma_start3A, %dma_start3A_9] : memref<10x1000xi32, #tpu.memory_space<vmem>> -> memref<1x1000xi32, #tpu.memory_space<vmem>>
    %dma_start3A_11 = tpu.memref_squeeze %dma_start3A_10 : memref<1x1000xi32, #tpu.memory_space<vmem>> -> memref<1000xi32, #tpu.memory_space<vmem>>
    %dma_start3A_12 = tpu.memref_slice %arg3[%add3A_4] : memref<640000xi32, #tpu.memory_space<hbm>> -> memref<1000xi32, #tpu.memory_space<hbm>>
    tpu.enqueue_dma source(%dma_start3A_12 : memref<1000xi32, #tpu.memory_space<hbm>>) target(%dma_start3A_11 : memref<1000xi32, #tpu.memory_space<vmem>>) target_semaphore(%arg16 : memref<!tpu.dma_semaphore, #tpu.memory_space<semaphore_mem>>)
    %add3A_13 = arith.constant 320000 : i32
    %add3A_14 = arith.addi %add3A_13, %add3A_4 : i32
    %dma_start3A_15 = arith.constant 0 : i32
    %dma_start3A_16 = arith.constant 0 : i32
    %dma_start3A_17 = tpu.memref_slice %arg9[%dma_start3A_15, %dma_start3A_16] : memref<10x1000xi32, #tpu.memory_space<vmem>> -> memref<1x1000xi32, #tpu.memory_space<vmem>>
    %dma_start3A_18 = tpu.memref_squeeze %dma_start3A_17 : memref<1x1000xi32, #tpu.memory_space<vmem>> -> memref<1000xi32, #tpu.memory_space<vmem>>
    %dma_start3A_19 = tpu.memref_slice %arg3[%add3A_14] : memref<640000xi32, #tpu.memory_space<hbm>> -> memref<1000xi32, #tpu.memory_space<hbm>>
    %dma_start3A_20 = arith.constant 0 : i32
    %dma_start3A_21 = tpu.memref_slice %arg9[%dma_start3A_15, %dma_start3A_20] : memref<10x1000xi32, #tpu.memory_space<vmem>> -> memref<1x1000xi32, #tpu.memory_space<vmem>>
    %dma_start3A_22 = tpu.memref_squeeze %dma_start3A_21 : memref<1x1000xi32, #tpu.memory_space<vmem>> -> memref<1000xi32, #tpu.memory_space<vmem>>
    %dma_start3A_23 = tpu.memref_slice %arg3[%add3A_14] : memref<640000xi32, #tpu.memory_space<hbm>> -> memref<1000xi32, #tpu.memory_space<hbm>>
    tpu.enqueue_dma source(%dma_start3A_23 : memref<1000xi32, #tpu.memory_space<hbm>>) target(%dma_start3A_22 : memref<1000xi32, #tpu.memory_space<vmem>>) target_semaphore(%arg16 : memref<!tpu.dma_semaphore, #tpu.memory_space<semaphore_mem>>)
    %add3A_24 = arith.constant 1000 : i32
    %add3A_25 = arith.addi %mul3A_2, %add3A_24 : i32
    %dma_start3A_26 = arith.constant 1 : i32
    %dma_start3A_27 = arith.constant 0 : i32
    %dma_start3A_28 = tpu.memref_slice %arg8[%dma_start3A_26, %dma_start3A_27] : memref<10x1000xi32, #tpu.memory_space<vmem>> -> memref<1x1000xi32, #tpu.memory_space<vmem>>
    %dma_start3A_29 = tpu.memref_squeeze %dma_start3A_28 : memref<1x1000xi32, #tpu.memory_space<vmem>> -> memref<1000xi32, #tpu.memory_space<vmem>>
    %dma_start3A_30 = tpu.memref_slice %arg3[%add3A_25] : memref<640000xi32, #tpu.memory_space<hbm>> -> memref<1000xi32, #tpu.memory_space<hbm>>
    %dma_start3A_31 = arith.constant 0 : i32
    %dma_start3A_32 = tpu.memref_slice %arg8[%dma_start3A_26, %dma_start3A_31] : memref<10x1000xi32, #tpu.memory_space<vmem>> -> memref<1x1000xi32, #tpu.memory_space<vmem>>
    %dma_start3A_33 = tpu.memref_squeeze %dma_start3A_32 : memref<1x1000xi32, #tpu.memory_space<vmem>> -> memref<1000xi32, #tpu.memory_space<vmem>>
    %dma_start3A_34 = tpu.memref_slice %arg3[%add3A_25] : memref<640000xi32, #tpu.memory_space<hbm>> -> memref<1000xi32, #tpu.memory_space<hbm>>
    tpu.enqueue_dma source(%dma_start3A_34 : memref<1000xi32, #tpu.memory_space<hbm>>) target(%dma_start3A_33 : memref<1000xi32, #tpu.memory_space<vmem>>) target_semaphore(%arg16 : memref<!tpu.dma_semaphore, #tpu.memory_space<semaphore_mem>>)
    %add3A_35 = arith.constant 320000 : i32
    %add3A_36 = arith.addi %add3A_35, %add3A_25 : i32
    %dma_start3A_37 = arith.constant 1 : i32
    %dma_start3A_38 = arith.constant 0 : i32
    %dma_start3A_39 = tpu.memref_slice %arg9[%dma_start3A_37, %dma_start3A_38] : memref<10x1000xi32, #tpu.memory_space<vmem>> -> memref<1x1000xi32, #tpu.memory_space<vmem>>
    %dma_start3A_40 = tpu.memref_squeeze %dma_start3A_39 : memref<1x1000xi32, #tpu.memory_space<vmem>> -> memref<1000xi32, #tpu.memory_space<vmem>>
    %dma_start3A_41 = tpu.memref_slice %arg3[%add3A_36] : memref<640000xi32, #tpu.memory_space<hbm>> -> memref<1000xi32, #tpu.memory_space<hbm>>
    %dma_start3A_42 = arith.constant 0 : i32
    %dma_start3A_43 = tpu.memref_slice %arg9[%dma_start3A_37, %dma_start3A_42] : memref<10x1000xi32, #tpu.memory_space<vmem>> -> memref<1x1000xi32, #tpu.memory_space<vmem>>
    %dma_start3A_44 = tpu.memref_squeeze %dma_start3A_43 : memref<1x1000xi32, #tpu.memory_space<vmem>> -> memref<1000xi32, #tpu.memory_space<vmem>>
    %dma_start3A_45 = tpu.memref_slice %arg3[%add3A_36] : memref<640000xi32, #tpu.memory_space<hbm>> -> memref<1000xi32, #tpu.memory_space<hbm>>
    tpu.enqueue_dma source(%dma_start3A_45 : memref<1000xi32, #tpu.memory_space<hbm>>) target(%dma_start3A_44 : memref<1000xi32, #tpu.memory_space<vmem>>) target_semaphore(%arg16 : memref<!tpu.dma_semaphore, #tpu.memory_space<semaphore_mem>>)
    %add3A_46 = arith.constant 2000 : i32
    %add3A_47 = arith.addi %mul3A_2, %add3A_46 : i32
    %dma_start3A_48 = arith.constant 2 : i32
    %dma_start3A_49 = arith.constant 0 : i32
    %dma_start3A_50 = tpu.memref_slice %arg8[%dma_start3A_48, %dma_start3A_49] : memref<10x1000xi32, #tpu.memory_space<vmem>> -> memref<1x1000xi32, #tpu.memory_space<vmem>>
    %dma_start3A_51 = tpu.memref_squeeze %dma_start3A_50 : memref<1x1000xi32, #tpu.memory_space<vmem>> -> memref<1000xi32, #tpu.memory_space<vmem>>
    %dma_start3A_52 = tpu.memref_slice %arg3[%add3A_47] : memref<640000xi32, #tpu.memory_space<hbm>> -> memref<1000xi32, #tpu.memory_space<hbm>>
    %dma_start3A_53 = arith.constant 0 : i32
    %dma_start3A_54 = tpu.memref_slice %arg8[%dma_start3A_48, %dma_start3A_53] : memref<10x1000xi32, #tpu.memory_space<vmem>> -> memref<1x1000xi32, #tpu.memory_space<vmem>>
    %dma_start3A_55 = tpu.memref_squeeze %dma_start3A_54 : memref<1x1000xi32, #tpu.memory_space<vmem>> -> memref<1000xi32, #tpu.memory_space<vmem>>
    %dma_start3A_56 = tpu.memref_slice %arg3[%add3A_47] : memref<640000xi32, #tpu.memory_space<hbm>> -> memref<1000xi32, #tpu.memory_space<hbm>>
    tpu.enqueue_dma source(%dma_start3A_56 : memref<1000xi32, #tpu.memory_space<hbm>>) target(%dma_start3A_55 : memref<1000xi32, #tpu.memory_space<vmem>>) target_semaphore(%arg16 : memref<!tpu.dma_semaphore, #tpu.memory_space<semaphore_mem>>)
    %add3A_57 = arith.constant 320000 : i32
    %add3A_58 = arith.addi %add3A_57, %add3A_47 : i32
    %dma_start3A_59 = arith.constant 2 : i32
    %dma_start3A_60 = arith.constant 0 : i32
    %dma_start3A_61 = tpu.memref_slice %arg9[%dma_start3A_59, %dma_start3A_60] : memref<10x1000xi32, #tpu.memory_space<vmem>> -> memref<1x1000xi32, #tpu.memory_space<vmem>>
    %dma_start3A_62 = tpu.memref_squeeze %dma_start3A_61 : memref<1x1000xi32, #tpu.memory_space<vmem>> -> memref<1000xi32, #tpu.memory_space<vmem>>
    %dma_start3A_63 = tpu.memref_slice %arg3[%add3A_58] : memref<640000xi32, #tpu.memory_space<hbm>> -> memref<1000xi32, #tpu.memory_space<hbm>>
    %dma_start3A_64 = arith.constant 0 : i32
    %dma_start3A_65 = tpu.memref_slice %arg9[%dma_start3A_59, %dma_start3A_64] : memref<10x1000xi32, #tpu.memory_space<vmem>> -> memref<1x1000xi32, #tpu.memory_space<vmem>>
    %dma_start3A_66 = tpu.memref_squeeze %dma_start3A_65 : memref<1x1000xi32, #tpu.memory_space<vmem>> -> memref<1000xi32, #tpu.memory_space<vmem>>
    %dma_start3A_67 = tpu.memref_slice %arg3[%add3A_58] : memref<640000xi32, #tpu.memory_space<hbm>> -> memref<1000xi32, #tpu.memory_space<hbm>>
    tpu.enqueue_dma source(%dma_start3A_67 : memref<1000xi32, #tpu.memory_space<hbm>>) target(%dma_start3A_66 : memref<1000xi32, #tpu.memory_space<vmem>>) target_semaphore(%arg16 : memref<!tpu.dma_semaphore, #tpu.memory_space<semaphore_mem>>)
    %add3A_68 = arith.constant 3000 : i32
    %add3A_69 = arith.addi %mul3A_2, %add3A_68 : i32
    %dma_start3A_70 = arith.constant 3 : i32
    %dma_start3A_71 = arith.constant 0 : i32
    %dma_start3A_72 = tpu.memref_slice %arg8[%dma_start3A_70, %dma_start3A_71] : memref<10x1000xi32, #tpu.memory_space<vmem>> -> memref<1x1000xi32, #tpu.memory_space<vmem>>
    %dma_start3A_73 = tpu.memref_squeeze %dma_start3A_72 : memref<1x1000xi32, #tpu.memory_space<vmem>> -> memref<1000xi32, #tpu.memory_space<vmem>>
    %dma_start3A_74 = tpu.memref_slice %arg3[%add3A_69] : memref<640000xi32, #tpu.memory_space<hbm>> -> memref<1000xi32, #tpu.memory_space<hbm>>
    %dma_start3A_75 = arith.constant 0 : i32
    %dma_start3A_76 = tpu.memref_slice %arg8[%dma_start3A_70, %dma_start3A_75] : memref<10x1000xi32, #tpu.memory_space<vmem>> -> memref<1x1000xi32, #tpu.memory_space<vmem>>
    %dma_start3A_77 = tpu.memref_squeeze %dma_start3A_76 : memref<1x1000xi32, #tpu.memory_space<vmem>> -> memref<1000xi32, #tpu.memory_space<vmem>>
    %dma_start3A_78 = tpu.memref_slice %arg3[%add3A_69] : memref<640000xi32, #tpu.memory_space<hbm>> -> memref<1000xi32, #tpu.memory_space<hbm>>
    tpu.enqueue_dma source(%dma_start3A_78 : memref<1000xi32, #tpu.memory_space<hbm>>) target(%dma_start3A_77 : memref<1000xi32, #tpu.memory_space<vmem>>) target_semaphore(%arg16 : memref<!tpu.dma_semaphore, #tpu.memory_space<semaphore_mem>>)
    %add3A_79 = arith.constant 320000 : i32
    %add3A_80 = arith.addi %add3A_79, %add3A_69 : i32
    %dma_start3A_81 = arith.constant 3 : i32
    %dma_start3A_82 = arith.constant 0 : i32
    %dma_start3A_83 = tpu.memref_slice %arg9[%dma_start3A_81, %dma_start3A_82] : memref<10x1000xi32, #tpu.memory_space<vmem>> -> memref<1x1000xi32, #tpu.memory_space<vmem>>
    %dma_start3A_84 = tpu.memref_squeeze %dma_start3A_83 : memref<1x1000xi32, #tpu.memory_space<vmem>> -> memref<1000xi32, #tpu.memory_space<vmem>>
    %dma_start3A_85 = tpu.memref_slice %arg3[%add3A_80] : memref<640000xi32, #tpu.memory_space<hbm>> -> memref<1000xi32, #tpu.memory_space<hbm>>
    %dma_start3A_86 = arith.constant 0 : i32
    %dma_start3A_87 = tpu.memref_slice %arg9[%dma_start3A_81, %dma_start3A_86] : memref<10x1000xi32, #tpu.memory_space<vmem>> -> memref<1x1000xi32, #tpu.memory_space<vmem>>
    %dma_start3A_88 = tpu.memref_squeeze %dma_start3A_87 : memref<1x1000xi32, #tpu.memory_space<vmem>> -> memref<1000xi32, #tpu.memory_space<vmem>>
    %dma_start3A_89 = tpu.memref_slice %arg3[%add3A_80] : memref<640000xi32, #tpu.memory_space<hbm>> -> memref<1000xi32, #tpu.memory_space<hbm>>
    tpu.enqueue_dma source(%dma_start3A_89 : memref<1000xi32, #tpu.memory_space<hbm>>) target(%dma_start3A_88 : memref<1000xi32, #tpu.memory_space<vmem>>) target_semaphore(%arg16 : memref<!tpu.dma_semaphore, #tpu.memory_space<semaphore_mem>>)
    %add3A_90 = arith.constant 4000 : i32
    %add3A_91 = arith.addi %mul3A_2, %add3A_90 : i32
    %dma_start3A_92 = arith.constant 4 : i32
    %dma_start3A_93 = arith.constant 0 : i32
    %dma_start3A_94 = tpu.memref_slice %arg8[%dma_start3A_92, %dma_start3A_93] : memref<10x1000xi32, #tpu.memory_space<vmem>> -> memref<1x1000xi32, #tpu.memory_space<vmem>>
    %dma_start3A_95 = tpu.memref_squeeze %dma_start3A_94 : memref<1x1000xi32, #tpu.memory_space<vmem>> -> memref<1000xi32, #tpu.memory_space<vmem>>
    %dma_start3A_96 = tpu.memref_slice %arg3[%add3A_91] : memref<640000xi32, #tpu.memory_space<hbm>> -> memref<1000xi32, #tpu.memory_space<hbm>>
    %dma_start3A_97 = arith.constant 0 : i32
    %dma_start3A_98 = tpu.memref_slice %arg8[%dma_start3A_92, %dma_start3A_97] : memref<10x1000xi32, #tpu.memory_space<vmem>> -> memref<1x1000xi32, #tpu.memory_space<vmem>>
    %dma_start3A_99 = tpu.memref_squeeze %dma_start3A_98 : memref<1x1000xi32, #tpu.memory_space<vmem>> -> memref<1000xi32, #tpu.memory_space<vmem>>
    %dma_start3A_100 = tpu.memref_slice %arg3[%add3A_91] : memref<640000xi32, #tpu.memory_space<hbm>> -> memref<1000xi32, #tpu.memory_space<hbm>>
    tpu.enqueue_dma source(%dma_start3A_100 : memref<1000xi32, #tpu.memory_space<hbm>>) target(%dma_start3A_99 : memref<1000xi32, #tpu.memory_space<vmem>>) target_semaphore(%arg16 : memref<!tpu.dma_semaphore, #tpu.memory_space<semaphore_mem>>)
    %add3A_101 = arith.constant 320000 : i32
    %add3A_102 = arith.addi %add3A_101, %add3A_91 : i32
    %dma_start3A_103 = arith.constant 4 : i32
    %dma_start3A_104 = arith.constant 0 : i32
    %dma_start3A_105 = tpu.memref_slice %arg9[%dma_start3A_103, %dma_start3A_104] : memref<10x1000xi32, #tpu.memory_space<vmem>> -> memref<1x1000xi32, #tpu.memory_space<vmem>>
    %dma_start3A_106 = tpu.memref_squeeze %dma_start3A_105 : memref<1x1000xi32, #tpu.memory_space<vmem>> -> memref<1000xi32, #tpu.memory_space<vmem>>
    %dma_start3A_107 = tpu.memref_slice %arg3[%add3A_102] : memref<640000xi32, #tpu.memory_space<hbm>> -> memref<1000xi32, #tpu.memory_space<hbm>>
    %dma_start3A_108 = arith.constant 0 : i32
    %dma_start3A_109 = tpu.memref_slice %arg9[%dma_start3A_103, %dma_start3A_108] : memref<10x1000xi32, #tpu.memory_space<vmem>> -> memref<1x1000xi32, #tpu.memory_space<vmem>>
    %dma_start3A_110 = tpu.memref_squeeze %dma_start3A_109 : memref<1x1000xi32, #tpu.memory_space<vmem>> -> memref<1000xi32, #tpu.memory_space<vmem>>
    %dma_start3A_111 = tpu.memref_slice %arg3[%add3A_102] : memref<640000xi32, #tpu.memory_space<hbm>> -> memref<1000xi32, #tpu.memory_space<hbm>>
    tpu.enqueue_dma source(%dma_start3A_111 : memref<1000xi32, #tpu.memory_space<hbm>>) target(%dma_start3A_110 : memref<1000xi32, #tpu.memory_space<vmem>>) target_semaphore(%arg16 : memref<!tpu.dma_semaphore, #tpu.memory_space<semaphore_mem>>)
    %add3A_112 = arith.constant 5000 : i32
    %add3A_113 = arith.addi %mul3A_2, %add3A_112 : i32
    %dma_start3A_114 = arith.constant 5 : i32
    %dma_start3A_115 = arith.constant 0 : i32
    %dma_start3A_116 = tpu.memref_slice %arg8[%dma_start3A_114, %dma_start3A_115] : memref<10x1000xi32, #tpu.memory_space<vmem>> -> memref<1x1000xi32, #tpu.memory_space<vmem>>
    %dma_start3A_117 = tpu.memref_squeeze %dma_start3A_116 : memref<1x1000xi32, #tpu.memory_space<vmem>> -> memref<1000xi32, #tpu.memory_space<vmem>>
    %dma_start3A_118 = tpu.memref_slice %arg3[%add3A_113] : memref<640000xi32, #tpu.memory_space<hbm>> -> memref<1000xi32, #tpu.memory_space<hbm>>
    %dma_start3A_119 = arith.constant 0 : i32
    %dma_start3A_120 = tpu.memref_slice %arg8[%dma_start3A_114, %dma_start3A_119] : memref<10x1000xi32, #tpu.memory_space<vmem>> -> memref<1x1000xi32, #tpu.memory_space<vmem>>
    %dma_start3A_121 = tpu.memref_squeeze %dma_start3A_120 : memref<1x1000xi32, #tpu.memory_space<vmem>> -> memref<1000xi32, #tpu.memory_space<vmem>>
    %dma_start3A_122 = tpu.memref_slice %arg3[%add3A_113] : memref<640000xi32, #tpu.memory_space<hbm>> -> memref<1000xi32, #tpu.memory_space<hbm>>
    tpu.enqueue_dma source(%dma_start3A_122 : memref<1000xi32, #tpu.memory_space<hbm>>) target(%dma_start3A_121 : memref<1000xi32, #tpu.memory_space<vmem>>) target_semaphore(%arg16 : memref<!tpu.dma_semaphore, #tpu.memory_space<semaphore_mem>>)
    %add3A_123 = arith.constant 320000 : i32
    %add3A_124 = arith.addi %add3A_123, %add3A_113 : i32
    %dma_start3A_125 = arith.constant 5 : i32
    %dma_start3A_126 = arith.constant 0 : i32
    %dma_start3A_127 = tpu.memref_slice %arg9[%dma_start3A_125, %dma_start3A_126] : memref<10x1000xi32, #tpu.memory_space<vmem>> -> memref<1x1000xi32, #tpu.memory_space<vmem>>
    %dma_start3A_128 = tpu.memref_squeeze %dma_start3A_127 : memref<1x1000xi32, #tpu.memory_space<vmem>> -> memref<1000xi32, #tpu.memory_space<vmem>>
    %dma_start3A_129 = tpu.memref_slice %arg3[%add3A_124] : memref<640000xi32, #tpu.memory_space<hbm>> -> memref<1000xi32, #tpu.memory_space<hbm>>
    %dma_start3A_130 = arith.constant 0 : i32
    %dma_start3A_131 = tpu.memref_slice %arg9[%dma_start3A_125, %dma_start3A_130] : memref<10x1000xi32, #tpu.memory_space<vmem>> -> memref<1x1000xi32, #tpu.memory_space<vmem>>
    %dma_start3A_132 = tpu.memref_squeeze %dma_start3A_131 : memref<1x1000xi32, #tpu.memory_space<vmem>> -> memref<1000xi32, #tpu.memory_space<vmem>>
    %dma_start3A_133 = tpu.memref_slice %arg3[%add3A_124] : memref<640000xi32, #tpu.memory_space<hbm>> -> memref<1000xi32, #tpu.memory_space<hbm>>
    tpu.enqueue_dma source(%dma_start3A_133 : memref<1000xi32, #tpu.memory_space<hbm>>) target(%dma_start3A_132 : memref<1000xi32, #tpu.memory_space<vmem>>) target_semaphore(%arg16 : memref<!tpu.dma_semaphore, #tpu.memory_space<semaphore_mem>>)
    %add3A_134 = arith.constant 6000 : i32
    %add3A_135 = arith.addi %mul3A_2, %add3A_134 : i32
    %dma_start3A_136 = arith.constant 6 : i32
    %dma_start3A_137 = arith.constant 0 : i32
    %dma_start3A_138 = tpu.memref_slice %arg8[%dma_start3A_136, %dma_start3A_137] : memref<10x1000xi32, #tpu.memory_space<vmem>> -> memref<1x1000xi32, #tpu.memory_space<vmem>>
    %dma_start3A_139 = tpu.memref_squeeze %dma_start3A_138 : memref<1x1000xi32, #tpu.memory_space<vmem>> -> memref<1000xi32, #tpu.memory_space<vmem>>
    %dma_start3A_140 = tpu.memref_slice %arg3[%add3A_135] : memref<640000xi32, #tpu.memory_space<hbm>> -> memref<1000xi32, #tpu.memory_space<hbm>>
    %dma_start3A_141 = arith.constant 0 : i32
    %dma_start3A_142 = tpu.memref_slice %arg8[%dma_start3A_136, %dma_start3A_141] : memref<10x1000xi32, #tpu.memory_space<vmem>> -> memref<1x1000xi32, #tpu.memory_space<vmem>>
    %dma_start3A_143 = tpu.memref_squeeze %dma_start3A_142 : memref<1x1000xi32, #tpu.memory_space<vmem>> -> memref<1000xi32, #tpu.memory_space<vmem>>
    %dma_start3A_144 = tpu.memref_slice %arg3[%add3A_135] : memref<640000xi32, #tpu.memory_space<hbm>> -> memref<1000xi32, #tpu.memory_space<hbm>>
    tpu.enqueue_dma source(%dma_start3A_144 : memref<1000xi32, #tpu.memory_space<hbm>>) target(%dma_start3A_143 : memref<1000xi32, #tpu.memory_space<vmem>>) target_semaphore(%arg16 : memref<!tpu.dma_semaphore, #tpu.memory_space<semaphore_mem>>)
    %add3A_145 = arith.constant 320000 : i32
    %add3A_146 = arith.addi %add3A_145, %add3A_135 : i32
    %dma_start3A_147 = arith.constant 6 : i32
    %dma_start3A_148 = arith.constant 0 : i32
    %dma_start3A_149 = tpu.memref_slice %arg9[%dma_start3A_147, %dma_start3A_148] : memref<10x1000xi32, #tpu.memory_space<vmem>> -> memref<1x1000xi32, #tpu.memory_space<vmem>>
    %dma_start3A_150 = tpu.memref_squeeze %dma_start3A_149 : memref<1x1000xi32, #tpu.memory_space<vmem>> -> memref<1000xi32, #tpu.memory_space<vmem>>
    %dma_start3A_151 = tpu.memref_slice %arg3[%add3A_146] : memref<640000xi32, #tpu.memory_space<hbm>> -> memref<1000xi32, #tpu.memory_space<hbm>>
    %dma_start3A_152 = arith.constant 0 : i32
    %dma_start3A_153 = tpu.memref_slice %arg9[%dma_start3A_147, %dma_start3A_152] : memref<10x1000xi32, #tpu.memory_space<vmem>> -> memref<1x1000xi32, #tpu.memory_space<vmem>>
    %dma_start3A_154 = tpu.memref_squeeze %dma_start3A_153 : memref<1x1000xi32, #tpu.memory_space<vmem>> -> memref<1000xi32, #tpu.memory_space<vmem>>
    %dma_start3A_155 = tpu.memref_slice %arg3[%add3A_146] : memref<640000xi32, #tpu.memory_space<hbm>> -> memref<1000xi32, #tpu.memory_space<hbm>>
    tpu.enqueue_dma source(%dma_start3A_155 : memref<1000xi32, #tpu.memory_space<hbm>>) target(%dma_start3A_154 : memref<1000xi32, #tpu.memory_space<vmem>>) target_semaphore(%arg16 : memref<!tpu.dma_semaphore, #tpu.memory_space<semaphore_mem>>)
    %add3A_156 = arith.constant 7000 : i32
    %add3A_157 = arith.addi %mul3A_2, %add3A_156 : i32
    %dma_start3A_158 = arith.constant 7 : i32
    %dma_start3A_159 = arith.constant 0 : i32
    %dma_start3A_160 = tpu.memref_slice %arg8[%dma_start3A_158, %dma_start3A_159] : memref<10x1000xi32, #tpu.memory_space<vmem>> -> memref<1x1000xi32, #tpu.memory_space<vmem>>
    %dma_start3A_161 = tpu.memref_squeeze %dma_start3A_160 : memref<1x1000xi32, #tpu.memory_space<vmem>> -> memref<1000xi32, #tpu.memory_space<vmem>>
    %dma_start3A_162 = tpu.memref_slice %arg3[%add3A_157] : memref<640000xi32, #tpu.memory_space<hbm>> -> memref<1000xi32, #tpu.memory_space<hbm>>
    %dma_start3A_163 = arith.constant 0 : i32
    %dma_start3A_164 = tpu.memref_slice %arg8[%dma_start3A_158, %dma_start3A_163] : memref<10x1000xi32, #tpu.memory_space<vmem>> -> memref<1x1000xi32, #tpu.memory_space<vmem>>
    %dma_start3A_165 = tpu.memref_squeeze %dma_start3A_164 : memref<1x1000xi32, #tpu.memory_space<vmem>> -> memref<1000xi32, #tpu.memory_space<vmem>>
    %dma_start3A_166 = tpu.memref_slice %arg3[%add3A_157] : memref<640000xi32, #tpu.memory_space<hbm>> -> memref<1000xi32, #tpu.memory_space<hbm>>
    tpu.enqueue_dma source(%dma_start3A_166 : memref<1000xi32, #tpu.memory_space<hbm>>) target(%dma_start3A_165 : memref<1000xi32, #tpu.memory_space<vmem>>) target_semaphore(%arg16 : memref<!tpu.dma_semaphore, #tpu.memory_space<semaphore_mem>>)
    %add3A_167 = arith.constant 320000 : i32
    %add3A_168 = arith.addi %add3A_167, %add3A_157 : i32
    %dma_start3A_169 = arith.constant 7 : i32
    %dma_start3A_170 = arith.constant 0 : i32
    %dma_start3A_171 = tpu.memref_slice %arg9[%dma_start3A_169, %dma_start3A_170] : memref<10x1000xi32, #tpu.memory_space<vmem>> -> memref<1x1000xi32, #tpu.memory_space<vmem>>
    %dma_start3A_172 = tpu.memref_squeeze %dma_start3A_171 : memref<1x1000xi32, #tpu.memory_space<vmem>> -> memref<1000xi32, #tpu.memory_space<vmem>>
    %dma_start3A_173 = tpu.memref_slice %arg3[%add3A_168] : memref<640000xi32, #tpu.memory_space<hbm>> -> memref<1000xi32, #tpu.memory_space<hbm>>
    %dma_start3A_174 = arith.constant 0 : i32
    %dma_start3A_175 = tpu.memref_slice %arg9[%dma_start3A_169, %dma_start3A_174] : memref<10x1000xi32, #tpu.memory_space<vmem>> -> memref<1x1000xi32, #tpu.memory_space<vmem>>
    %dma_start3A_176 = tpu.memref_squeeze %dma_start3A_175 : memref<1x1000xi32, #tpu.memory_space<vmem>> -> memref<1000xi32, #tpu.memory_space<vmem>>
    %dma_start3A_177 = tpu.memref_slice %arg3[%add3A_168] : memref<640000xi32, #tpu.memory_space<hbm>> -> memref<1000xi32, #tpu.memory_space<hbm>>
    tpu.enqueue_dma source(%dma_start3A_177 : memref<1000xi32, #tpu.memory_space<hbm>>) target(%dma_start3A_176 : memref<1000xi32, #tpu.memory_space<vmem>>) target_semaphore(%arg16 : memref<!tpu.dma_semaphore, #tpu.memory_space<semaphore_mem>>)
    %add3A_178 = arith.constant 8000 : i32
    %add3A_179 = arith.addi %mul3A_2, %add3A_178 : i32
    %dma_start3A_180 = arith.constant 8 : i32
    %dma_start3A_181 = arith.constant 0 : i32
    %dma_start3A_182 = tpu.memref_slice %arg8[%dma_start3A_180, %dma_start3A_181] : memref<10x1000xi32, #tpu.memory_space<vmem>> -> memref<1x1000xi32, #tpu.memory_space<vmem>>
    %dma_start3A_183 = tpu.memref_squeeze %dma_start3A_182 : memref<1x1000xi32, #tpu.memory_space<vmem>> -> memref<1000xi32, #tpu.memory_space<vmem>>
    %dma_start3A_184 = tpu.memref_slice %arg3[%add3A_179] : memref<640000xi32, #tpu.memory_space<hbm>> -> memref<1000xi32, #tpu.memory_space<hbm>>
    %dma_start3A_185 = arith.constant 0 : i32
    %dma_start3A_186 = tpu.memref_slice %arg8[%dma_start3A_180, %dma_start3A_185] : memref<10x1000xi32, #tpu.memory_space<vmem>> -> memref<1x1000xi32, #tpu.memory_space<vmem>>
    %dma_start3A_187 = tpu.memref_squeeze %dma_start3A_186 : memref<1x1000xi32, #tpu.memory_space<vmem>> -> memref<1000xi32, #tpu.memory_space<vmem>>
    %dma_start3A_188 = tpu.memref_slice %arg3[%add3A_179] : memref<640000xi32, #tpu.memory_space<hbm>> -> memref<1000xi32, #tpu.memory_space<hbm>>
    tpu.enqueue_dma source(%dma_start3A_188 : memref<1000xi32, #tpu.memory_space<hbm>>) target(%dma_start3A_187 : memref<1000xi32, #tpu.memory_space<vmem>>) target_semaphore(%arg16 : memref<!tpu.dma_semaphore, #tpu.memory_space<semaphore_mem>>)
    %add3A_189 = arith.constant 320000 : i32
    %add3A_190 = arith.addi %add3A_189, %add3A_179 : i32
    %dma_start3A_191 = arith.constant 8 : i32
    %dma_start3A_192 = arith.constant 0 : i32
    %dma_start3A_193 = tpu.memref_slice %arg9[%dma_start3A_191, %dma_start3A_192] : memref<10x1000xi32, #tpu.memory_space<vmem>> -> memref<1x1000xi32, #tpu.memory_space<vmem>>
    %dma_start3A_194 = tpu.memref_squeeze %dma_start3A_193 : memref<1x1000xi32, #tpu.memory_space<vmem>> -> memref<1000xi32, #tpu.memory_space<vmem>>
    %dma_start3A_195 = tpu.memref_slice %arg3[%add3A_190] : memref<640000xi32, #tpu.memory_space<hbm>> -> memref<1000xi32, #tpu.memory_space<hbm>>
    %dma_start3A_196 = arith.constant 0 : i32
    %dma_start3A_197 = tpu.memref_slice %arg9[%dma_start3A_191, %dma_start3A_196] : memref<10x1000xi32, #tpu.memory_space<vmem>> -> memref<1x1000xi32, #tpu.memory_space<vmem>>
    %dma_start3A_198 = tpu.memref_squeeze %dma_start3A_197 : memref<1x1000xi32, #tpu.memory_space<vmem>> -> memref<1000xi32, #tpu.memory_space<vmem>>
    %dma_start3A_199 = tpu.memref_slice %arg3[%add3A_190] : memref<640000xi32, #tpu.memory_space<hbm>> -> memref<1000xi32, #tpu.memory_space<hbm>>
    tpu.enqueue_dma source(%dma_start3A_199 : memref<1000xi32, #tpu.memory_space<hbm>>) target(%dma_start3A_198 : memref<1000xi32, #tpu.memory_space<vmem>>) target_semaphore(%arg16 : memref<!tpu.dma_semaphore, #tpu.memory_space<semaphore_mem>>)
    %add3A_200 = arith.constant 9000 : i32
    %add3A_201 = arith.addi %mul3A_2, %add3A_200 : i32
    %dma_start3A_202 = arith.constant 9 : i32
    %dma_start3A_203 = arith.constant 0 : i32
    %dma_start3A_204 = tpu.memref_slice %arg8[%dma_start3A_202, %dma_start3A_203] : memref<10x1000xi32, #tpu.memory_space<vmem>> -> memref<1x1000xi32, #tpu.memory_space<vmem>>
    %dma_start3A_205 = tpu.memref_squeeze %dma_start3A_204 : memref<1x1000xi32, #tpu.memory_space<vmem>> -> memref<1000xi32, #tpu.memory_space<vmem>>
    %dma_start3A_206 = tpu.memref_slice %arg3[%add3A_201] : memref<640000xi32, #tpu.memory_space<hbm>> -> memref<1000xi32, #tpu.memory_space<hbm>>
    %dma_start3A_207 = arith.constant 0 : i32
    %dma_start3A_208 = tpu.memref_slice %arg8[%dma_start3A_202, %dma_start3A_207] : memref<10x1000xi32, #tpu.memory_space<vmem>> -> memref<1x1000xi32, #tpu.memory_space<vmem>>
    %dma_start3A_209 = tpu.memref_squeeze %dma_start3A_208 : memref<1x1000xi32, #tpu.memory_space<vmem>> -> memref<1000xi32, #tpu.memory_space<vmem>>
    %dma_start3A_210 = tpu.memref_slice %arg3[%add3A_201] : memref<640000xi32, #tpu.memory_space<hbm>> -> memref<1000xi32, #tpu.memory_space<hbm>>
    tpu.enqueue_dma source(%dma_start3A_210 : memref<1000xi32, #tpu.memory_space<hbm>>) target(%dma_start3A_209 : memref<1000xi32, #tpu.memory_space<vmem>>) target_semaphore(%arg16 : memref<!tpu.dma_semaphore, #tpu.memory_space<semaphore_mem>>)
    %add3A_211 = arith.constant 320000 : i32
    %add3A_212 = arith.addi %add3A_211, %add3A_201 : i32
    %dma_start3A_213 = arith.constant 9 : i32
    %dma_start3A_214 = arith.constant 0 : i32
    %dma_start3A_215 = tpu.memref_slice %arg9[%dma_start3A_213, %dma_start3A_214] : memref<10x1000xi32, #tpu.memory_space<vmem>> -> memref<1x1000xi32, #tpu.memory_space<vmem>>
    %dma_start3A_216 = tpu.memref_squeeze %dma_start3A_215 : memref<1x1000xi32, #tpu.memory_space<vmem>> -> memref<1000xi32, #tpu.memory_space<vmem>>
    %dma_start3A_217 = tpu.memref_slice %arg3[%add3A_212] : memref<640000xi32, #tpu.memory_space<hbm>> -> memref<1000xi32, #tpu.memory_space<hbm>>
    %dma_start3A_218 = arith.constant 0 : i32
    %dma_start3A_219 = tpu.memref_slice %arg9[%dma_start3A_213, %dma_start3A_218] : memref<10x1000xi32, #tpu.memory_space<vmem>> -> memref<1x1000xi32, #tpu.memory_space<vmem>>
    %dma_start3A_220 = tpu.memref_squeeze %dma_start3A_219 : memref<1x1000xi32, #tpu.memory_space<vmem>> -> memref<1000xi32, #tpu.memory_space<vmem>>
    %dma_start3A_221 = tpu.memref_slice %arg3[%add3A_212] : memref<640000xi32, #tpu.memory_space<hbm>> -> memref<1000xi32, #tpu.memory_space<hbm>>
    tpu.enqueue_dma source(%dma_start3A_221 : memref<1000xi32, #tpu.memory_space<hbm>>) target(%dma_start3A_220 : memref<1000xi32, #tpu.memory_space<vmem>>) target_semaphore(%arg16 : memref<!tpu.dma_semaphore, #tpu.memory_space<semaphore_mem>>)
    %scan3A = arith.constant 0 : i32
    %scan3A_222 = arith.constant 0 : i32
    %scan3A_223 = arith.constant 625 : i32
    %scan3A_224 = arith.addi %scan3A_222, %scan3A_223 : i32
    %scan3A_225 = arith.constant 1 : i32
    %scan3A_226 = scf.for %scan3A_848 = %scan3A_222 to %scan3A_224 step %scan3A_225 iter_args(%scan3A_849 = %scan3A) -> (i32)  : i32 {
      %broadcast_in_dim3A = arith.constant 0.000000e+00 : f32
      %broadcast_in_dim3A_850 = vector.broadcast %broadcast_in_dim3A : f32 to vector<16xf32>
      %swap3A = arith.index_cast %scan3A_848 : i32 to index
      %swap3A_851 = arith.constant 0 : index
      %swap3A_852 = tpu.vector_load %arg10[%swap3A, %swap3A_851] {strides = array<i32>} : memref<1000x16xf32, #tpu.memory_space<vmem>>, vector<1x16xf32>,
      %swap3A_853 = vector.shape_cast %swap3A_852 : vector<1x16xf32> to vector<16xf32>
      %swap3A_854 = vector.shape_cast %broadcast_in_dim3A_850 : vector<16xf32> to vector<1x16xf32>
      tpu.vector_store %arg10[%swap3A, %swap3A_851], %swap3A_854 {strides = array<i32>} : memref<1000x16xf32, #tpu.memory_space<vmem>>, vector<1x16xf32>,
      %scan3A_855 = arith.constant 0 : i32
      scf.yield %scan3A_855 : i32
    }
    %scan3A_227 = arith.constant 625 : i32
    %scan3A_228 = arith.constant 0 : i32
    %scan3A_229 = arith.constant 0 : i32
    %scan3A_230 = arith.constant 1000 : i32
    %scan3A_231 = arith.addi %scan3A_229, %scan3A_230 : i32
    %scan3A_232 = arith.constant 1 : i32
    %scan3A_233 = scf.for %scan3A_848 = %scan3A_229 to %scan3A_231 step %scan3A_232 iter_args(%scan3A_849 = %scan3A_228) -> (i32)  : i32 {
      %broadcast_in_dim3A = arith.constant 1.000000e+00 : f32
      %broadcast_in_dim3A_850 = vector.broadcast %broadcast_in_dim3A : f32 to vector<16xf32>
      %swap3A = arith.index_cast %scan3A_848 : i32 to index
      %swap3A_851 = arith.constant 0 : index
      %swap3A_852 = tpu.vector_load %arg13[%swap3A, %swap3A_851] {strides = array<i32>} : memref<1000x16xf32, #tpu.memory_space<vmem>>, vector<1x16xf32>,
      %swap3A_853 = vector.shape_cast %swap3A_852 : vector<1x16xf32> to vector<16xf32>
      %swap3A_854 = vector.shape_cast %broadcast_in_dim3A_850 : vector<16xf32> to vector<1x16xf32>
      tpu.vector_store %arg13[%swap3A, %swap3A_851], %swap3A_854 {strides = array<i32>} : memref<1000x16xf32, #tpu.memory_space<vmem>>, vector<1x16xf32>,
      %scan3A_855 = arith.constant 0 : i32
      scf.yield %scan3A_855 : i32
    }
    %scan3A_234 = arith.constant 1000 : i32
    %mul3A_235 = arith.constant 625 : i32
    %mul3A_236 = arith.muli %arg1, %mul3A_235 : i32
    "tpu.region"() ({
      %run_scoped3A = tpu.sem_alloc : memref<!tpu.dma_semaphore, #tpu.memory_space<semaphore_mem>>
      %dma_start3A_848 = arith.constant 0 : i32
      %dma_start3A_849 = arith.constant 0 : i32
      %dma_start3A_850 = tpu.memref_slice %arg10[%dma_start3A_848, %dma_start3A_849] : memref<1000x16xf32, #tpu.memory_space<vmem>> -> memref<625x16xf32, #tpu.memory_space<vmem>>
      %dma_start3A_851 = arith.constant 0 : i32
      %dma_start3A_852 = tpu.memref_slice %arg14[%mul3A_236, %dma_start3A_851] : memref<10000x16xf32, #tpu.memory_space<vmem_shared>> -> memref<625x16xf32, #tpu.memory_space<vmem_shared>>
      %dma_start3A_853 = arith.constant 0 : i32
      %dma_start3A_854 = tpu.memref_slice %arg14[%mul3A_236, %dma_start3A_853] : memref<10000x16xf32, #tpu.memory_space<vmem_shared>> -> memref<625x16xf32, #tpu.memory_space<vmem_shared>>
      %dma_start3A_855 = arith.constant 0 : i32
      %dma_start3A_856 = arith.constant 0 : i32
      %dma_start3A_857 = tpu.memref_slice %arg10[%dma_start3A_855, %dma_start3A_856] : memref<1000x16xf32, #tpu.memory_space<vmem>> -> memref<625x16xf32, #tpu.memory_space<vmem>>
      tpu.enqueue_dma source(%dma_start3A_857 : memref<625x16xf32, #tpu.memory_space<vmem>>) target(%dma_start3A_854 : memref<625x16xf32, #tpu.memory_space<vmem_shared>>) target_semaphore(%run_scoped3A : memref<!tpu.dma_semaphore, #tpu.memory_space<semaphore_mem>>)
      %dma_wait3A_858 = arith.constant 0 : i32
      %dma_wait3A_859 = arith.constant 0 : i32
      %dma_wait3A_860 = tpu.memref_slice %arg10[%dma_wait3A_858, %dma_wait3A_859] : memref<1000x16xf32, #tpu.memory_space<vmem>> -> memref<625x16xf32, #tpu.memory_space<vmem>>
      %dma_wait3A_861 = arith.constant 0 : i32
      %dma_wait3A_862 = tpu.memref_slice %arg14[%mul3A_236, %dma_wait3A_861] : memref<10000x16xf32, #tpu.memory_space<vmem_shared>> -> memref<625x16xf32, #tpu.memory_space<vmem_shared>>
      %dma_wait3A_863 = arith.constant 0 : i32
      %dma_wait3A_864 = tpu.memref_slice %arg14[%mul3A_236, %dma_wait3A_863] : memref<10000x16xf32, #tpu.memory_space<vmem_shared>> -> memref<625x16xf32, #tpu.memory_space<vmem_shared>>
      %dma_wait3A_865 = arith.constant 0 : i32
      %dma_wait3A_866 = arith.constant 0 : i32
      %dma_wait3A_867 = tpu.memref_slice %arg10[%dma_wait3A_865, %dma_wait3A_866] : memref<1000x16xf32, #tpu.memory_space<vmem>> -> memref<625x16xf32, #tpu.memory_space<vmem>>
      tpu.wait_dma2 semaphore(%run_scoped3A : memref<!tpu.dma_semaphore, #tpu.memory_space<semaphore_mem>>) src(%dma_wait3A_867 : memref<625x16xf32, #tpu.memory_space<vmem>>) dst(%dma_wait3A_864 : memref<625x16xf32, #tpu.memory_space<vmem_shared>>)
      tpu.yield
    }) : () -> ()
    %mul3A_237 = arith.constant 625 : i32
    %mul3A_238 = arith.muli %arg1, %mul3A_237 : i32
    "tpu.region"() ({
      %run_scoped3A = tpu.sem_alloc : memref<!tpu.dma_semaphore, #tpu.memory_space<semaphore_mem>>
      %dma_start3A_848 = arith.constant 0 : i32
      %dma_start3A_849 = arith.constant 0 : i32
      %dma_start3A_850 = tpu.memref_slice %arg10[%dma_start3A_848, %dma_start3A_849] : memref<1000x16xf32, #tpu.memory_space<vmem>> -> memref<625x16xf32, #tpu.memory_space<vmem>>
      %dma_start3A_851 = arith.constant 0 : i32
      %dma_start3A_852 = tpu.memref_slice %arg15[%mul3A_238, %dma_start3A_851] : memref<10000x16xf32, #tpu.memory_space<vmem_shared>> -> memref<625x16xf32, #tpu.memory_space<vmem_shared>>
      %dma_start3A_853 = arith.constant 0 : i32
      %dma_start3A_854 = tpu.memref_slice %arg15[%mul3A_238, %dma_start3A_853] : memref<10000x16xf32, #tpu.memory_space<vmem_shared>> -> memref<625x16xf32, #tpu.memory_space<vmem_shared>>
      %dma_start3A_855 = arith.constant 0 : i32
      %dma_start3A_856 = arith.constant 0 : i32
      %dma_start3A_857 = tpu.memref_slice %arg10[%dma_start3A_855, %dma_start3A_856] : memref<1000x16xf32, #tpu.memory_space<vmem>> -> memref<625x16xf32, #tpu.memory_space<vmem>>
      tpu.enqueue_dma source(%dma_start3A_857 : memref<625x16xf32, #tpu.memory_space<vmem>>) target(%dma_start3A_854 : memref<625x16xf32, #tpu.memory_space<vmem_shared>>) target_semaphore(%run_scoped3A : memref<!tpu.dma_semaphore, #tpu.memory_space<semaphore_mem>>)
      %dma_wait3A_858 = arith.constant 0 : i32
      %dma_wait3A_859 = arith.constant 0 : i32
      %dma_wait3A_860 = tpu.memref_slice %arg10[%dma_wait3A_858, %dma_wait3A_859] : memref<1000x16xf32, #tpu.memory_space<vmem>> -> memref<625x16xf32, #tpu.memory_space<vmem>>
      %dma_wait3A_861 = arith.constant 0 : i32
      %dma_wait3A_862 = tpu.memref_slice %arg15[%mul3A_238, %dma_wait3A_861] : memref<10000x16xf32, #tpu.memory_space<vmem_shared>> -> memref<625x16xf32, #tpu.memory_space<vmem_shared>>
      %dma_wait3A_863 = arith.constant 0 : i32
      %dma_wait3A_864 = tpu.memref_slice %arg15[%mul3A_238, %dma_wait3A_863] : memref<10000x16xf32, #tpu.memory_space<vmem_shared>> -> memref<625x16xf32, #tpu.memory_space<vmem_shared>>
      %dma_wait3A_865 = arith.constant 0 : i32
      %dma_wait3A_866 = arith.constant 0 : i32
      %dma_wait3A_867 = tpu.memref_slice %arg10[%dma_wait3A_865, %dma_wait3A_866] : memref<1000x16xf32, #tpu.memory_space<vmem>> -> memref<625x16xf32, #tpu.memory_space<vmem>>
      tpu.wait_dma2 semaphore(%run_scoped3A : memref<!tpu.dma_semaphore, #tpu.memory_space<semaphore_mem>>) src(%dma_wait3A_867 : memref<625x16xf32, #tpu.memory_space<vmem>>) dst(%dma_wait3A_864 : memref<625x16xf32, #tpu.memory_space<vmem_shared>>)
      tpu.yield
    }) : () -> ()
    %barrier3A = arith.constant 0 : index
    tpu.barrier barrier_id(%barrier3A)
    %dma_wait3A = arith.constant 0 : i32
    %dma_wait3A_239 = arith.constant 0 : i32
    %dma_wait3A_240 = tpu.memref_slice %arg8[%dma_wait3A, %dma_wait3A_239] : memref<10x1000xi32, #tpu.memory_space<vmem>> -> memref<1x1000xi32, #tpu.memory_space<vmem>>
    %dma_wait3A_241 = tpu.memref_squeeze %dma_wait3A_240 : memref<1x1000xi32, #tpu.memory_space<vmem>> -> memref<1000xi32, #tpu.memory_space<vmem>>
    %dma_wait3A_242 = tpu.memref_slice %arg3[%add3A_4] : memref<640000xi32, #tpu.memory_space<hbm>> -> memref<1000xi32, #tpu.memory_space<hbm>>
    %dma_wait3A_243 = arith.constant 0 : i32
    %dma_wait3A_244 = tpu.memref_slice %arg8[%dma_wait3A, %dma_wait3A_243] : memref<10x1000xi32, #tpu.memory_space<vmem>> -> memref<1x1000xi32, #tpu.memory_space<vmem>>
    %dma_wait3A_245 = tpu.memref_squeeze %dma_wait3A_244 : memref<1x1000xi32, #tpu.memory_space<vmem>> -> memref<1000xi32, #tpu.memory_space<vmem>>
    %dma_wait3A_246 = tpu.memref_slice %arg3[%add3A_4] : memref<640000xi32, #tpu.memory_space<hbm>> -> memref<1000xi32, #tpu.memory_space<hbm>>
    tpu.wait_dma2 semaphore(%arg16 : memref<!tpu.dma_semaphore, #tpu.memory_space<semaphore_mem>>) src(%dma_wait3A_246 : memref<1000xi32, #tpu.memory_space<hbm>>) dst(%dma_wait3A_245 : memref<1000xi32, #tpu.memory_space<vmem>>)
    %dma_wait3A_247 = arith.constant 0 : i32
    %dma_wait3A_248 = arith.constant 0 : i32
    %dma_wait3A_249 = tpu.memref_slice %arg9[%dma_wait3A_247, %dma_wait3A_248] : memref<10x1000xi32, #tpu.memory_space<vmem>> -> memref<1x1000xi32, #tpu.memory_space<vmem>>
    %dma_wait3A_250 = tpu.memref_squeeze %dma_wait3A_249 : memref<1x1000xi32, #tpu.memory_space<vmem>> -> memref<1000xi32, #tpu.memory_space<vmem>>
    %dma_wait3A_251 = tpu.memref_slice %arg3[%add3A_14] : memref<640000xi32, #tpu.memory_space<hbm>> -> memref<1000xi32, #tpu.memory_space<hbm>>
    %dma_wait3A_252 = arith.constant 0 : i32
    %dma_wait3A_253 = tpu.memref_slice %arg9[%dma_wait3A_247, %dma_wait3A_252] : memref<10x1000xi32, #tpu.memory_space<vmem>> -> memref<1x1000xi32, #tpu.memory_space<vmem>>
    %dma_wait3A_254 = tpu.memref_squeeze %dma_wait3A_253 : memref<1x1000xi32, #tpu.memory_space<vmem>> -> memref<1000xi32, #tpu.memory_space<vmem>>
    %dma_wait3A_255 = tpu.memref_slice %arg3[%add3A_14] : memref<640000xi32, #tpu.memory_space<hbm>> -> memref<1000xi32, #tpu.memory_space<hbm>>
    tpu.wait_dma2 semaphore(%arg16 : memref<!tpu.dma_semaphore, #tpu.memory_space<semaphore_mem>>) src(%dma_wait3A_255 : memref<1000xi32, #tpu.memory_space<hbm>>) dst(%dma_wait3A_254 : memref<1000xi32, #tpu.memory_space<vmem>>)
    %dma_wait3A_256 = arith.constant 1 : i32
    %dma_wait3A_257 = arith.constant 0 : i32
    %dma_wait3A_258 = tpu.memref_slice %arg8[%dma_wait3A_256, %dma_wait3A_257] : memref<10x1000xi32, #tpu.memory_space<vmem>> -> memref<1x1000xi32, #tpu.memory_space<vmem>>
    %dma_wait3A_259 = tpu.memref_squeeze %dma_wait3A_258 : memref<1x1000xi32, #tpu.memory_space<vmem>> -> memref<1000xi32, #tpu.memory_space<vmem>>
    %dma_wait3A_260 = tpu.memref_slice %arg3[%add3A_25] : memref<640000xi32, #tpu.memory_space<hbm>> -> memref<1000xi32, #tpu.memory_space<hbm>>
    %dma_wait3A_261 = arith.constant 0 : i32
    %dma_wait3A_262 = tpu.memref_slice %arg8[%dma_wait3A_256, %dma_wait3A_261] : memref<10x1000xi32, #tpu.memory_space<vmem>> -> memref<1x1000xi32, #tpu.memory_space<vmem>>
    %dma_wait3A_263 = tpu.memref_squeeze %dma_wait3A_262 : memref<1x1000xi32, #tpu.memory_space<vmem>> -> memref<1000xi32, #tpu.memory_space<vmem>>
    %dma_wait3A_264 = tpu.memref_slice %arg3[%add3A_25] : memref<640000xi32, #tpu.memory_space<hbm>> -> memref<1000xi32, #tpu.memory_space<hbm>>
    tpu.wait_dma2 semaphore(%arg16 : memref<!tpu.dma_semaphore, #tpu.memory_space<semaphore_mem>>) src(%dma_wait3A_264 : memref<1000xi32, #tpu.memory_space<hbm>>) dst(%dma_wait3A_263 : memref<1000xi32, #tpu.memory_space<vmem>>)
    %dma_wait3A_265 = arith.constant 1 : i32
    %dma_wait3A_266 = arith.constant 0 : i32
    %dma_wait3A_267 = tpu.memref_slice %arg9[%dma_wait3A_265, %dma_wait3A_266] : memref<10x1000xi32, #tpu.memory_space<vmem>> -> memref<1x1000xi32, #tpu.memory_space<vmem>>
    %dma_wait3A_268 = tpu.memref_squeeze %dma_wait3A_267 : memref<1x1000xi32, #tpu.memory_space<vmem>> -> memref<1000xi32, #tpu.memory_space<vmem>>
    %dma_wait3A_269 = tpu.memref_slice %arg3[%add3A_36] : memref<640000xi32, #tpu.memory_space<hbm>> -> memref<1000xi32, #tpu.memory_space<hbm>>
    %dma_wait3A_270 = arith.constant 0 : i32
    %dma_wait3A_271 = tpu.memref_slice %arg9[%dma_wait3A_265, %dma_wait3A_270] : memref<10x1000xi32, #tpu.memory_space<vmem>> -> memref<1x1000xi32, #tpu.memory_space<vmem>>
    %dma_wait3A_272 = tpu.memref_squeeze %dma_wait3A_271 : memref<1x1000xi32, #tpu.memory_space<vmem>> -> memref<1000xi32, #tpu.memory_space<vmem>>
    %dma_wait3A_273 = tpu.memref_slice %arg3[%add3A_36] : memref<640000xi32, #tpu.memory_space<hbm>> -> memref<1000xi32, #tpu.memory_space<hbm>>
    tpu.wait_dma2 semaphore(%arg16 : memref<!tpu.dma_semaphore, #tpu.memory_space<semaphore_mem>>) src(%dma_wait3A_273 : memref<1000xi32, #tpu.memory_space<hbm>>) dst(%dma_wait3A_272 : memref<1000xi32, #tpu.memory_space<vmem>>)
    %dma_wait3A_274 = arith.constant 2 : i32
    %dma_wait3A_275 = arith.constant 0 : i32
    %dma_wait3A_276 = tpu.memref_slice %arg8[%dma_wait3A_274, %dma_wait3A_275] : memref<10x1000xi32, #tpu.memory_space<vmem>> -> memref<1x1000xi32, #tpu.memory_space<vmem>>
    %dma_wait3A_277 = tpu.memref_squeeze %dma_wait3A_276 : memref<1x1000xi32, #tpu.memory_space<vmem>> -> memref<1000xi32, #tpu.memory_space<vmem>>
    %dma_wait3A_278 = tpu.memref_slice %arg3[%add3A_47] : memref<640000xi32, #tpu.memory_space<hbm>> -> memref<1000xi32, #tpu.memory_space<hbm>>
    %dma_wait3A_279 = arith.constant 0 : i32
    %dma_wait3A_280 = tpu.memref_slice %arg8[%dma_wait3A_274, %dma_wait3A_279] : memref<10x1000xi32, #tpu.memory_space<vmem>> -> memref<1x1000xi32, #tpu.memory_space<vmem>>
    %dma_wait3A_281 = tpu.memref_squeeze %dma_wait3A_280 : memref<1x1000xi32, #tpu.memory_space<vmem>> -> memref<1000xi32, #tpu.memory_space<vmem>>
    %dma_wait3A_282 = tpu.memref_slice %arg3[%add3A_47] : memref<640000xi32, #tpu.memory_space<hbm>> -> memref<1000xi32, #tpu.memory_space<hbm>>
    tpu.wait_dma2 semaphore(%arg16 : memref<!tpu.dma_semaphore, #tpu.memory_space<semaphore_mem>>) src(%dma_wait3A_282 : memref<1000xi32, #tpu.memory_space<hbm>>) dst(%dma_wait3A_281 : memref<1000xi32, #tpu.memory_space<vmem>>)
    %dma_wait3A_283 = arith.constant 2 : i32
    %dma_wait3A_284 = arith.constant 0 : i32
    %dma_wait3A_285 = tpu.memref_slice %arg9[%dma_wait3A_283, %dma_wait3A_284] : memref<10x1000xi32, #tpu.memory_space<vmem>> -> memref<1x1000xi32, #tpu.memory_space<vmem>>
    %dma_wait3A_286 = tpu.memref_squeeze %dma_wait3A_285 : memref<1x1000xi32, #tpu.memory_space<vmem>> -> memref<1000xi32, #tpu.memory_space<vmem>>
    %dma_wait3A_287 = tpu.memref_slice %arg3[%add3A_58] : memref<640000xi32, #tpu.memory_space<hbm>> -> memref<1000xi32, #tpu.memory_space<hbm>>
    %dma_wait3A_288 = arith.constant 0 : i32
    %dma_wait3A_289 = tpu.memref_slice %arg9[%dma_wait3A_283, %dma_wait3A_288] : memref<10x1000xi32, #tpu.memory_space<vmem>> -> memref<1x1000xi32, #tpu.memory_space<vmem>>
    %dma_wait3A_290 = tpu.memref_squeeze %dma_wait3A_289 : memref<1x1000xi32, #tpu.memory_space<vmem>> -> memref<1000xi32, #tpu.memory_space<vmem>>
    %dma_wait3A_291 = tpu.memref_slice %arg3[%add3A_58] : memref<640000xi32, #tpu.memory_space<hbm>> -> memref<1000xi32, #tpu.memory_space<hbm>>
    tpu.wait_dma2 semaphore(%arg16 : memref<!tpu.dma_semaphore, #tpu.memory_space<semaphore_mem>>) src(%dma_wait3A_291 : memref<1000xi32, #tpu.memory_space<hbm>>) dst(%dma_wait3A_290 : memref<1000xi32, #tpu.memory_space<vmem>>)
    %dma_wait3A_292 = arith.constant 3 : i32
    %dma_wait3A_293 = arith.constant 0 : i32
    %dma_wait3A_294 = tpu.memref_slice %arg8[%dma_wait3A_292, %dma_wait3A_293] : memref<10x1000xi32, #tpu.memory_space<vmem>> -> memref<1x1000xi32, #tpu.memory_space<vmem>>
    %dma_wait3A_295 = tpu.memref_squeeze %dma_wait3A_294 : memref<1x1000xi32, #tpu.memory_space<vmem>> -> memref<1000xi32, #tpu.memory_space<vmem>>
    %dma_wait3A_296 = tpu.memref_slice %arg3[%add3A_69] : memref<640000xi32, #tpu.memory_space<hbm>> -> memref<1000xi32, #tpu.memory_space<hbm>>
    %dma_wait3A_297 = arith.constant 0 : i32
    %dma_wait3A_298 = tpu.memref_slice %arg8[%dma_wait3A_292, %dma_wait3A_297] : memref<10x1000xi32, #tpu.memory_space<vmem>> -> memref<1x1000xi32, #tpu.memory_space<vmem>>
    %dma_wait3A_299 = tpu.memref_squeeze %dma_wait3A_298 : memref<1x1000xi32, #tpu.memory_space<vmem>> -> memref<1000xi32, #tpu.memory_space<vmem>>
    %dma_wait3A_300 = tpu.memref_slice %arg3[%add3A_69] : memref<640000xi32, #tpu.memory_space<hbm>> -> memref<1000xi32, #tpu.memory_space<hbm>>
    tpu.wait_dma2 semaphore(%arg16 : memref<!tpu.dma_semaphore, #tpu.memory_space<semaphore_mem>>) src(%dma_wait3A_300 : memref<1000xi32, #tpu.memory_space<hbm>>) dst(%dma_wait3A_299 : memref<1000xi32, #tpu.memory_space<vmem>>)
    %dma_wait3A_301 = arith.constant 3 : i32
    %dma_wait3A_302 = arith.constant 0 : i32
    %dma_wait3A_303 = tpu.memref_slice %arg9[%dma_wait3A_301, %dma_wait3A_302] : memref<10x1000xi32, #tpu.memory_space<vmem>> -> memref<1x1000xi32, #tpu.memory_space<vmem>>
    %dma_wait3A_304 = tpu.memref_squeeze %dma_wait3A_303 : memref<1x1000xi32, #tpu.memory_space<vmem>> -> memref<1000xi32, #tpu.memory_space<vmem>>
    %dma_wait3A_305 = tpu.memref_slice %arg3[%add3A_80] : memref<640000xi32, #tpu.memory_space<hbm>> -> memref<1000xi32, #tpu.memory_space<hbm>>
    %dma_wait3A_306 = arith.constant 0 : i32
    %dma_wait3A_307 = tpu.memref_slice %arg9[%dma_wait3A_301, %dma_wait3A_306] : memref<10x1000xi32, #tpu.memory_space<vmem>> -> memref<1x1000xi32, #tpu.memory_space<vmem>>
    %dma_wait3A_308 = tpu.memref_squeeze %dma_wait3A_307 : memref<1x1000xi32, #tpu.memory_space<vmem>> -> memref<1000xi32, #tpu.memory_space<vmem>>
    %dma_wait3A_309 = tpu.memref_slice %arg3[%add3A_80] : memref<640000xi32, #tpu.memory_space<hbm>> -> memref<1000xi32, #tpu.memory_space<hbm>>
    tpu.wait_dma2 semaphore(%arg16 : memref<!tpu.dma_semaphore, #tpu.memory_space<semaphore_mem>>) src(%dma_wait3A_309 : memref<1000xi32, #tpu.memory_space<hbm>>) dst(%dma_wait3A_308 : memref<1000xi32, #tpu.memory_space<vmem>>)
    %dma_wait3A_310 = arith.constant 4 : i32
    %dma_wait3A_311 = arith.constant 0 : i32
    %dma_wait3A_312 = tpu.memref_slice %arg8[%dma_wait3A_310, %dma_wait3A_311] : memref<10x1000xi32, #tpu.memory_space<vmem>> -> memref<1x1000xi32, #tpu.memory_space<vmem>>
    %dma_wait3A_313 = tpu.memref_squeeze %dma_wait3A_312 : memref<1x1000xi32, #tpu.memory_space<vmem>> -> memref<1000xi32, #tpu.memory_space<vmem>>
    %dma_wait3A_314 = tpu.memref_slice %arg3[%add3A_91] : memref<640000xi32, #tpu.memory_space<hbm>> -> memref<1000xi32, #tpu.memory_space<hbm>>
    %dma_wait3A_315 = arith.constant 0 : i32
    %dma_wait3A_316 = tpu.memref_slice %arg8[%dma_wait3A_310, %dma_wait3A_315] : memref<10x1000xi32, #tpu.memory_space<vmem>> -> memref<1x1000xi32, #tpu.memory_space<vmem>>
    %dma_wait3A_317 = tpu.memref_squeeze %dma_wait3A_316 : memref<1x1000xi32, #tpu.memory_space<vmem>> -> memref<1000xi32, #tpu.memory_space<vmem>>
    %dma_wait3A_318 = tpu.memref_slice %arg3[%add3A_91] : memref<640000xi32, #tpu.memory_space<hbm>> -> memref<1000xi32, #tpu.memory_space<hbm>>
    tpu.wait_dma2 semaphore(%arg16 : memref<!tpu.dma_semaphore, #tpu.memory_space<semaphore_mem>>) src(%dma_wait3A_318 : memref<1000xi32, #tpu.memory_space<hbm>>) dst(%dma_wait3A_317 : memref<1000xi32, #tpu.memory_space<vmem>>)
    %dma_wait3A_319 = arith.constant 4 : i32
    %dma_wait3A_320 = arith.constant 0 : i32
    %dma_wait3A_321 = tpu.memref_slice %arg9[%dma_wait3A_319, %dma_wait3A_320] : memref<10x1000xi32, #tpu.memory_space<vmem>> -> memref<1x1000xi32, #tpu.memory_space<vmem>>
    %dma_wait3A_322 = tpu.memref_squeeze %dma_wait3A_321 : memref<1x1000xi32, #tpu.memory_space<vmem>> -> memref<1000xi32, #tpu.memory_space<vmem>>
    %dma_wait3A_323 = tpu.memref_slice %arg3[%add3A_102] : memref<640000xi32, #tpu.memory_space<hbm>> -> memref<1000xi32, #tpu.memory_space<hbm>>
    %dma_wait3A_324 = arith.constant 0 : i32
    %dma_wait3A_325 = tpu.memref_slice %arg9[%dma_wait3A_319, %dma_wait3A_324] : memref<10x1000xi32, #tpu.memory_space<vmem>> -> memref<1x1000xi32, #tpu.memory_space<vmem>>
    %dma_wait3A_326 = tpu.memref_squeeze %dma_wait3A_325 : memref<1x1000xi32, #tpu.memory_space<vmem>> -> memref<1000xi32, #tpu.memory_space<vmem>>
    %dma_wait3A_327 = tpu.memref_slice %arg3[%add3A_102] : memref<640000xi32, #tpu.memory_space<hbm>> -> memref<1000xi32, #tpu.memory_space<hbm>>
    tpu.wait_dma2 semaphore(%arg16 : memref<!tpu.dma_semaphore, #tpu.memory_space<semaphore_mem>>) src(%dma_wait3A_327 : memref<1000xi32, #tpu.memory_space<hbm>>) dst(%dma_wait3A_326 : memref<1000xi32, #tpu.memory_space<vmem>>)
    %dma_wait3A_328 = arith.constant 5 : i32
    %dma_wait3A_329 = arith.constant 0 : i32
    %dma_wait3A_330 = tpu.memref_slice %arg8[%dma_wait3A_328, %dma_wait3A_329] : memref<10x1000xi32, #tpu.memory_space<vmem>> -> memref<1x1000xi32, #tpu.memory_space<vmem>>
    %dma_wait3A_331 = tpu.memref_squeeze %dma_wait3A_330 : memref<1x1000xi32, #tpu.memory_space<vmem>> -> memref<1000xi32, #tpu.memory_space<vmem>>
    %dma_wait3A_332 = tpu.memref_slice %arg3[%add3A_113] : memref<640000xi32, #tpu.memory_space<hbm>> -> memref<1000xi32, #tpu.memory_space<hbm>>
    %dma_wait3A_333 = arith.constant 0 : i32
    %dma_wait3A_334 = tpu.memref_slice %arg8[%dma_wait3A_328, %dma_wait3A_333] : memref<10x1000xi32, #tpu.memory_space<vmem>> -> memref<1x1000xi32, #tpu.memory_space<vmem>>
    %dma_wait3A_335 = tpu.memref_squeeze %dma_wait3A_334 : memref<1x1000xi32, #tpu.memory_space<vmem>> -> memref<1000xi32, #tpu.memory_space<vmem>>
    %dma_wait3A_336 = tpu.memref_slice %arg3[%add3A_113] : memref<640000xi32, #tpu.memory_space<hbm>> -> memref<1000xi32, #tpu.memory_space<hbm>>
    tpu.wait_dma2 semaphore(%arg16 : memref<!tpu.dma_semaphore, #tpu.memory_space<semaphore_mem>>) src(%dma_wait3A_336 : memref<1000xi32, #tpu.memory_space<hbm>>) dst(%dma_wait3A_335 : memref<1000xi32, #tpu.memory_space<vmem>>)
    %dma_wait3A_337 = arith.constant 5 : i32
    %dma_wait3A_338 = arith.constant 0 : i32
    %dma_wait3A_339 = tpu.memref_slice %arg9[%dma_wait3A_337, %dma_wait3A_338] : memref<10x1000xi32, #tpu.memory_space<vmem>> -> memref<1x1000xi32, #tpu.memory_space<vmem>>
    %dma_wait3A_340 = tpu.memref_squeeze %dma_wait3A_339 : memref<1x1000xi32, #tpu.memory_space<vmem>> -> memref<1000xi32, #tpu.memory_space<vmem>>
    %dma_wait3A_341 = tpu.memref_slice %arg3[%add3A_124] : memref<640000xi32, #tpu.memory_space<hbm>> -> memref<1000xi32, #tpu.memory_space<hbm>>
    %dma_wait3A_342 = arith.constant 0 : i32
    %dma_wait3A_343 = tpu.memref_slice %arg9[%dma_wait3A_337, %dma_wait3A_342] : memref<10x1000xi32, #tpu.memory_space<vmem>> -> memref<1x1000xi32, #tpu.memory_space<vmem>>
    %dma_wait3A_344 = tpu.memref_squeeze %dma_wait3A_343 : memref<1x1000xi32, #tpu.memory_space<vmem>> -> memref<1000xi32, #tpu.memory_space<vmem>>
    %dma_wait3A_345 = tpu.memref_slice %arg3[%add3A_124] : memref<640000xi32, #tpu.memory_space<hbm>> -> memref<1000xi32, #tpu.memory_space<hbm>>
    tpu.wait_dma2 semaphore(%arg16 : memref<!tpu.dma_semaphore, #tpu.memory_space<semaphore_mem>>) src(%dma_wait3A_345 : memref<1000xi32, #tpu.memory_space<hbm>>) dst(%dma_wait3A_344 : memref<1000xi32, #tpu.memory_space<vmem>>)
    %dma_wait3A_346 = arith.constant 6 : i32
    %dma_wait3A_347 = arith.constant 0 : i32
    %dma_wait3A_348 = tpu.memref_slice %arg8[%dma_wait3A_346, %dma_wait3A_347] : memref<10x1000xi32, #tpu.memory_space<vmem>> -> memref<1x1000xi32, #tpu.memory_space<vmem>>
    %dma_wait3A_349 = tpu.memref_squeeze %dma_wait3A_348 : memref<1x1000xi32, #tpu.memory_space<vmem>> -> memref<1000xi32, #tpu.memory_space<vmem>>
    %dma_wait3A_350 = tpu.memref_slice %arg3[%add3A_135] : memref<640000xi32, #tpu.memory_space<hbm>> -> memref<1000xi32, #tpu.memory_space<hbm>>
    %dma_wait3A_351 = arith.constant 0 : i32
    %dma_wait3A_352 = tpu.memref_slice %arg8[%dma_wait3A_346, %dma_wait3A_351] : memref<10x1000xi32, #tpu.memory_space<vmem>> -> memref<1x1000xi32, #tpu.memory_space<vmem>>
    %dma_wait3A_353 = tpu.memref_squeeze %dma_wait3A_352 : memref<1x1000xi32, #tpu.memory_space<vmem>> -> memref<1000xi32, #tpu.memory_space<vmem>>
    %dma_wait3A_354 = tpu.memref_slice %arg3[%add3A_135] : memref<640000xi32, #tpu.memory_space<hbm>> -> memref<1000xi32, #tpu.memory_space<hbm>>
    tpu.wait_dma2 semaphore(%arg16 : memref<!tpu.dma_semaphore, #tpu.memory_space<semaphore_mem>>) src(%dma_wait3A_354 : memref<1000xi32, #tpu.memory_space<hbm>>) dst(%dma_wait3A_353 : memref<1000xi32, #tpu.memory_space<vmem>>)
    %dma_wait3A_355 = arith.constant 6 : i32
    %dma_wait3A_356 = arith.constant 0 : i32
    %dma_wait3A_357 = tpu.memref_slice %arg9[%dma_wait3A_355, %dma_wait3A_356] : memref<10x1000xi32, #tpu.memory_space<vmem>> -> memref<1x1000xi32, #tpu.memory_space<vmem>>
    %dma_wait3A_358 = tpu.memref_squeeze %dma_wait3A_357 : memref<1x1000xi32, #tpu.memory_space<vmem>> -> memref<1000xi32, #tpu.memory_space<vmem>>
    %dma_wait3A_359 = tpu.memref_slice %arg3[%add3A_146] : memref<640000xi32, #tpu.memory_space<hbm>> -> memref<1000xi32, #tpu.memory_space<hbm>>
    %dma_wait3A_360 = arith.constant 0 : i32
    %dma_wait3A_361 = tpu.memref_slice %arg9[%dma_wait3A_355, %dma_wait3A_360] : memref<10x1000xi32, #tpu.memory_space<vmem>> -> memref<1x1000xi32, #tpu.memory_space<vmem>>
    %dma_wait3A_362 = tpu.memref_squeeze %dma_wait3A_361 : memref<1x1000xi32, #tpu.memory_space<vmem>> -> memref<1000xi32, #tpu.memory_space<vmem>>
    %dma_wait3A_363 = tpu.memref_slice %arg3[%add3A_146] : memref<640000xi32, #tpu.memory_space<hbm>> -> memref<1000xi32, #tpu.memory_space<hbm>>
    tpu.wait_dma2 semaphore(%arg16 : memref<!tpu.dma_semaphore, #tpu.memory_space<semaphore_mem>>) src(%dma_wait3A_363 : memref<1000xi32, #tpu.memory_space<hbm>>) dst(%dma_wait3A_362 : memref<1000xi32, #tpu.memory_space<vmem>>)
    %dma_wait3A_364 = arith.constant 7 : i32
    %dma_wait3A_365 = arith.constant 0 : i32
    %dma_wait3A_366 = tpu.memref_slice %arg8[%dma_wait3A_364, %dma_wait3A_365] : memref<10x1000xi32, #tpu.memory_space<vmem>> -> memref<1x1000xi32, #tpu.memory_space<vmem>>
    %dma_wait3A_367 = tpu.memref_squeeze %dma_wait3A_366 : memref<1x1000xi32, #tpu.memory_space<vmem>> -> memref<1000xi32, #tpu.memory_space<vmem>>
    %dma_wait3A_368 = tpu.memref_slice %arg3[%add3A_157] : memref<640000xi32, #tpu.memory_space<hbm>> -> memref<1000xi32, #tpu.memory_space<hbm>>
    %dma_wait3A_369 = arith.constant 0 : i32
    %dma_wait3A_370 = tpu.memref_slice %arg8[%dma_wait3A_364, %dma_wait3A_369] : memref<10x1000xi32, #tpu.memory_space<vmem>> -> memref<1x1000xi32, #tpu.memory_space<vmem>>
    %dma_wait3A_371 = tpu.memref_squeeze %dma_wait3A_370 : memref<1x1000xi32, #tpu.memory_space<vmem>> -> memref<1000xi32, #tpu.memory_space<vmem>>
    %dma_wait3A_372 = tpu.memref_slice %arg3[%add3A_157] : memref<640000xi32, #tpu.memory_space<hbm>> -> memref<1000xi32, #tpu.memory_space<hbm>>
    tpu.wait_dma2 semaphore(%arg16 : memref<!tpu.dma_semaphore, #tpu.memory_space<semaphore_mem>>) src(%dma_wait3A_372 : memref<1000xi32, #tpu.memory_space<hbm>>) dst(%dma_wait3A_371 : memref<1000xi32, #tpu.memory_space<vmem>>)
    %dma_wait3A_373 = arith.constant 7 : i32
    %dma_wait3A_374 = arith.constant 0 : i32
    %dma_wait3A_375 = tpu.memref_slice %arg9[%dma_wait3A_373, %dma_wait3A_374] : memref<10x1000xi32, #tpu.memory_space<vmem>> -> memref<1x1000xi32, #tpu.memory_space<vmem>>
    %dma_wait3A_376 = tpu.memref_squeeze %dma_wait3A_375 : memref<1x1000xi32, #tpu.memory_space<vmem>> -> memref<1000xi32, #tpu.memory_space<vmem>>
    %dma_wait3A_377 = tpu.memref_slice %arg3[%add3A_168] : memref<640000xi32, #tpu.memory_space<hbm>> -> memref<1000xi32, #tpu.memory_space<hbm>>
    %dma_wait3A_378 = arith.constant 0 : i32
    %dma_wait3A_379 = tpu.memref_slice %arg9[%dma_wait3A_373, %dma_wait3A_378] : memref<10x1000xi32, #tpu.memory_space<vmem>> -> memref<1x1000xi32, #tpu.memory_space<vmem>>
    %dma_wait3A_380 = tpu.memref_squeeze %dma_wait3A_379 : memref<1x1000xi32, #tpu.memory_space<vmem>> -> memref<1000xi32, #tpu.memory_space<vmem>>
    %dma_wait3A_381 = tpu.memref_slice %arg3[%add3A_168] : memref<640000xi32, #tpu.memory_space<hbm>> -> memref<1000xi32, #tpu.memory_space<hbm>>
    tpu.wait_dma2 semaphore(%arg16 : memref<!tpu.dma_semaphore, #tpu.memory_space<semaphore_mem>>) src(%dma_wait3A_381 : memref<1000xi32, #tpu.memory_space<hbm>>) dst(%dma_wait3A_380 : memref<1000xi32, #tpu.memory_space<vmem>>)
    %dma_wait3A_382 = arith.constant 8 : i32
    %dma_wait3A_383 = arith.constant 0 : i32
    %dma_wait3A_384 = tpu.memref_slice %arg8[%dma_wait3A_382, %dma_wait3A_383] : memref<10x1000xi32, #tpu.memory_space<vmem>> -> memref<1x1000xi32, #tpu.memory_space<vmem>>
    %dma_wait3A_385 = tpu.memref_squeeze %dma_wait3A_384 : memref<1x1000xi32, #tpu.memory_space<vmem>> -> memref<1000xi32, #tpu.memory_space<vmem>>
    %dma_wait3A_386 = tpu.memref_slice %arg3[%add3A_179] : memref<640000xi32, #tpu.memory_space<hbm>> -> memref<1000xi32, #tpu.memory_space<hbm>>
    %dma_wait3A_387 = arith.constant 0 : i32
    %dma_wait3A_388 = tpu.memref_slice %arg8[%dma_wait3A_382, %dma_wait3A_387] : memref<10x1000xi32, #tpu.memory_space<vmem>> -> memref<1x1000xi32, #tpu.memory_space<vmem>>
    %dma_wait3A_389 = tpu.memref_squeeze %dma_wait3A_388 : memref<1x1000xi32, #tpu.memory_space<vmem>> -> memref<1000xi32, #tpu.memory_space<vmem>>
    %dma_wait3A_390 = tpu.memref_slice %arg3[%add3A_179] : memref<640000xi32, #tpu.memory_space<hbm>> -> memref<1000xi32, #tpu.memory_space<hbm>>
    tpu.wait_dma2 semaphore(%arg16 : memref<!tpu.dma_semaphore, #tpu.memory_space<semaphore_mem>>) src(%dma_wait3A_390 : memref<1000xi32, #tpu.memory_space<hbm>>) dst(%dma_wait3A_389 : memref<1000xi32, #tpu.memory_space<vmem>>)
    %dma_wait3A_391 = arith.constant 8 : i32
    %dma_wait3A_392 = arith.constant 0 : i32
    %dma_wait3A_393 = tpu.memref_slice %arg9[%dma_wait3A_391, %dma_wait3A_392] : memref<10x1000xi32, #tpu.memory_space<vmem>> -> memref<1x1000xi32, #tpu.memory_space<vmem>>
    %dma_wait3A_394 = tpu.memref_squeeze %dma_wait3A_393 : memref<1x1000xi32, #tpu.memory_space<vmem>> -> memref<1000xi32, #tpu.memory_space<vmem>>
    %dma_wait3A_395 = tpu.memref_slice %arg3[%add3A_190] : memref<640000xi32, #tpu.memory_space<hbm>> -> memref<1000xi32, #tpu.memory_space<hbm>>
    %dma_wait3A_396 = arith.constant 0 : i32
    %dma_wait3A_397 = tpu.memref_slice %arg9[%dma_wait3A_391, %dma_wait3A_396] : memref<10x1000xi32, #tpu.memory_space<vmem>> -> memref<1x1000xi32, #tpu.memory_space<vmem>>
    %dma_wait3A_398 = tpu.memref_squeeze %dma_wait3A_397 : memref<1x1000xi32, #tpu.memory_space<vmem>> -> memref<1000xi32, #tpu.memory_space<vmem>>
    %dma_wait3A_399 = tpu.memref_slice %arg3[%add3A_190] : memref<640000xi32, #tpu.memory_space<hbm>> -> memref<1000xi32, #tpu.memory_space<hbm>>
    tpu.wait_dma2 semaphore(%arg16 : memref<!tpu.dma_semaphore, #tpu.memory_space<semaphore_mem>>) src(%dma_wait3A_399 : memref<1000xi32, #tpu.memory_space<hbm>>) dst(%dma_wait3A_398 : memref<1000xi32, #tpu.memory_space<vmem>>)
    %dma_wait3A_400 = arith.constant 9 : i32
    %dma_wait3A_401 = arith.constant 0 : i32
    %dma_wait3A_402 = tpu.memref_slice %arg8[%dma_wait3A_400, %dma_wait3A_401] : memref<10x1000xi32, #tpu.memory_space<vmem>> -> memref<1x1000xi32, #tpu.memory_space<vmem>>
    %dma_wait3A_403 = tpu.memref_squeeze %dma_wait3A_402 : memref<1x1000xi32, #tpu.memory_space<vmem>> -> memref<1000xi32, #tpu.memory_space<vmem>>
    %dma_wait3A_404 = tpu.memref_slice %arg3[%add3A_201] : memref<640000xi32, #tpu.memory_space<hbm>> -> memref<1000xi32, #tpu.memory_space<hbm>>
    %dma_wait3A_405 = arith.constant 0 : i32
    %dma_wait3A_406 = tpu.memref_slice %arg8[%dma_wait3A_400, %dma_wait3A_405] : memref<10x1000xi32, #tpu.memory_space<vmem>> -> memref<1x1000xi32, #tpu.memory_space<vmem>>
    %dma_wait3A_407 = tpu.memref_squeeze %dma_wait3A_406 : memref<1x1000xi32, #tpu.memory_space<vmem>> -> memref<1000xi32, #tpu.memory_space<vmem>>
    %dma_wait3A_408 = tpu.memref_slice %arg3[%add3A_201] : memref<640000xi32, #tpu.memory_space<hbm>> -> memref<1000xi32, #tpu.memory_space<hbm>>
    tpu.wait_dma2 semaphore(%arg16 : memref<!tpu.dma_semaphore, #tpu.memory_space<semaphore_mem>>) src(%dma_wait3A_408 : memref<1000xi32, #tpu.memory_space<hbm>>) dst(%dma_wait3A_407 : memref<1000xi32, #tpu.memory_space<vmem>>)
    %dma_wait3A_409 = arith.constant 9 : i32
    %dma_wait3A_410 = arith.constant 0 : i32
    %dma_wait3A_411 = tpu.memref_slice %arg9[%dma_wait3A_409, %dma_wait3A_410] : memref<10x1000xi32, #tpu.memory_space<vmem>> -> memref<1x1000xi32, #tpu.memory_space<vmem>>
    %dma_wait3A_412 = tpu.memref_squeeze %dma_wait3A_411 : memref<1x1000xi32, #tpu.memory_space<vmem>> -> memref<1000xi32, #tpu.memory_space<vmem>>
    %dma_wait3A_413 = tpu.memref_slice %arg3[%add3A_212] : memref<640000xi32, #tpu.memory_space<hbm>> -> memref<1000xi32, #tpu.memory_space<hbm>>
    %dma_wait3A_414 = arith.constant 0 : i32
    %dma_wait3A_415 = tpu.memref_slice %arg9[%dma_wait3A_409, %dma_wait3A_414] : memref<10x1000xi32, #tpu.memory_space<vmem>> -> memref<1x1000xi32, #tpu.memory_space<vmem>>
    %dma_wait3A_416 = tpu.memref_squeeze %dma_wait3A_415 : memref<1x1000xi32, #tpu.memory_space<vmem>> -> memref<1000xi32, #tpu.memory_space<vmem>>
    %dma_wait3A_417 = tpu.memref_slice %arg3[%add3A_212] : memref<640000xi32, #tpu.memory_space<hbm>> -> memref<1000xi32, #tpu.memory_space<hbm>>
    tpu.wait_dma2 semaphore(%arg16 : memref<!tpu.dma_semaphore, #tpu.memory_space<semaphore_mem>>) src(%dma_wait3A_417 : memref<1000xi32, #tpu.memory_space<hbm>>) dst(%dma_wait3A_416 : memref<1000xi32, #tpu.memory_space<vmem>>)
    %dma_start3A_418 = arith.constant 0 : i32
    %dma_start3A_419 = arith.constant 0 : i32
    %dma_start3A_420 = tpu.memref_slice %arg8[%dma_start3A_418, %dma_start3A_419] : memref<10x1000xi32, #tpu.memory_space<vmem>> -> memref<1x1000xi32, #tpu.memory_space<vmem>>
    %dma_start3A_421 = tpu.memref_squeeze %dma_start3A_420 : memref<1x1000xi32, #tpu.memory_space<vmem>> -> memref<1000xi32, #tpu.memory_space<vmem>>
    %dma_start3A_422 = arith.constant 0 : i32
    %dma_start3A_423 = arith.constant 0 : i32
    %dma_start3A_424 = tpu.memref_slice %arg2[%dma_start3A_422, %dma_start3A_423] : memref<10000x16xf32, #tpu.memory_space<hbm>> -> memref<10000x16xf32, #tpu.memory_space<hbm>>
    tpu.enqueue_indirect_dma source(%dma_start3A_424 : memref<10000x16xf32, #tpu.memory_space<hbm>>) target(%arg10 : memref<1000x16xf32, #tpu.memory_space<vmem>>) offsets(%dma_start3A_421 : memref<1000xi32, #tpu.memory_space<vmem>>) semaphore(%arg17 : memref<!tpu.dma_semaphore, #tpu.memory_space<semaphore_mem>>)
    %dma_start3A_425 = arith.constant 1 : i32
    %dma_start3A_426 = arith.constant 0 : i32
    %dma_start3A_427 = tpu.memref_slice %arg8[%dma_start3A_425, %dma_start3A_426] : memref<10x1000xi32, #tpu.memory_space<vmem>> -> memref<1x1000xi32, #tpu.memory_space<vmem>>
    %dma_start3A_428 = tpu.memref_squeeze %dma_start3A_427 : memref<1x1000xi32, #tpu.memory_space<vmem>> -> memref<1000xi32, #tpu.memory_space<vmem>>
    %dma_start3A_429 = arith.constant 0 : i32
    %dma_start3A_430 = arith.constant 0 : i32
    %dma_start3A_431 = tpu.memref_slice %arg2[%dma_start3A_429, %dma_start3A_430] : memref<10000x16xf32, #tpu.memory_space<hbm>> -> memref<10000x16xf32, #tpu.memory_space<hbm>>
    tpu.enqueue_indirect_dma source(%dma_start3A_431 : memref<10000x16xf32, #tpu.memory_space<hbm>>) target(%arg11 : memref<1000x16xf32, #tpu.memory_space<vmem>>) offsets(%dma_start3A_428 : memref<1000xi32, #tpu.memory_space<vmem>>) semaphore(%arg18 : memref<!tpu.dma_semaphore, #tpu.memory_space<semaphore_mem>>)
    %dma_wait3A_432 = arith.constant 0 : i32
    %dma_wait3A_433 = arith.constant 0 : i32
    %dma_wait3A_434 = tpu.memref_slice %arg8[%dma_wait3A_432, %dma_wait3A_433] : memref<10x1000xi32, #tpu.memory_space<vmem>> -> memref<1x1000xi32, #tpu.memory_space<vmem>>
    %dma_wait3A_435 = tpu.memref_squeeze %dma_wait3A_434 : memref<1x1000xi32, #tpu.memory_space<vmem>> -> memref<1000xi32, #tpu.memory_space<vmem>>
    %dma_wait3A_436 = arith.constant 0 : i32
    %dma_wait3A_437 = arith.constant 0 : i32
    %dma_wait3A_438 = tpu.memref_slice %arg2[%dma_wait3A_436, %dma_wait3A_437] : memref<10000x16xf32, #tpu.memory_space<hbm>> -> memref<10000x16xf32, #tpu.memory_space<hbm>>
    tpu.wait_indirect_dma semaphore(%arg17 : memref<!tpu.dma_semaphore, #tpu.memory_space<semaphore_mem>>) src(%dma_wait3A_438 : memref<10000x16xf32, #tpu.memory_space<hbm>>) dst(%arg10 : memref<1000x16xf32, #tpu.memory_space<vmem>>)
    %dma_start3A_439 = arith.constant 0 : i32
    %dma_start3A_440 = arith.constant 0 : i32
    %dma_start3A_441 = tpu.memref_slice %arg9[%dma_start3A_439, %dma_start3A_440] : memref<10x1000xi32, #tpu.memory_space<vmem>> -> memref<1x1000xi32, #tpu.memory_space<vmem>>
    %dma_start3A_442 = tpu.memref_squeeze %dma_start3A_441 : memref<1x1000xi32, #tpu.memory_space<vmem>> -> memref<1000xi32, #tpu.memory_space<vmem>>
    %dma_start3A_443 = arith.constant 0 : i32
    %dma_start3A_444 = arith.constant 0 : i32
    %dma_start3A_445 = tpu.memref_slice %arg14[%dma_start3A_443, %dma_start3A_444] : memref<10000x16xf32, #tpu.memory_space<vmem_shared>> -> memref<10000x16xf32, #tpu.memory_space<vmem_shared>>
    tpu.enqueue_indirect_dma source(%arg10 : memref<1000x16xf32, #tpu.memory_space<vmem>>) target(%dma_start3A_445 : memref<10000x16xf32, #tpu.memory_space<vmem_shared>>) offsets(%dma_start3A_442 : memref<1000xi32, #tpu.memory_space<vmem>>) semaphore(%arg20 : memref<!tpu.dma_semaphore, #tpu.memory_space<semaphore_mem>>) {add = true}
    %dma_start3A_446 = arith.constant 0 : i32
    %dma_start3A_447 = arith.constant 0 : i32
    %dma_start3A_448 = tpu.memref_slice %arg9[%dma_start3A_446, %dma_start3A_447] : memref<10x1000xi32, #tpu.memory_space<vmem>> -> memref<1x1000xi32, #tpu.memory_space<vmem>>
    %dma_start3A_449 = tpu.memref_squeeze %dma_start3A_448 : memref<1x1000xi32, #tpu.memory_space<vmem>> -> memref<1000xi32, #tpu.memory_space<vmem>>
    %dma_start3A_450 = arith.constant 0 : i32
    %dma_start3A_451 = arith.constant 0 : i32
    %dma_start3A_452 = tpu.memref_slice %arg15[%dma_start3A_450, %dma_start3A_451] : memref<10000x16xf32, #tpu.memory_space<vmem_shared>> -> memref<10000x16xf32, #tpu.memory_space<vmem_shared>>
    tpu.enqueue_indirect_dma source(%arg13 : memref<1000x16xf32, #tpu.memory_space<vmem>>) target(%dma_start3A_452 : memref<10000x16xf32, #tpu.memory_space<vmem_shared>>) offsets(%dma_start3A_449 : memref<1000xi32, #tpu.memory_space<vmem>>) semaphore(%arg23 : memref<!tpu.dma_semaphore, #tpu.memory_space<semaphore_mem>>) {add = true}
    %dma_start3A_453 = arith.constant 2 : i32
    %dma_start3A_454 = arith.constant 0 : i32
    %dma_start3A_455 = tpu.memref_slice %arg8[%dma_start3A_453, %dma_start3A_454] : memref<10x1000xi32, #tpu.memory_space<vmem>> -> memref<1x1000xi32, #tpu.memory_space<vmem>>
    %dma_start3A_456 = tpu.memref_squeeze %dma_start3A_455 : memref<1x1000xi32, #tpu.memory_space<vmem>> -> memref<1000xi32, #tpu.memory_space<vmem>>
    %dma_start3A_457 = arith.constant 0 : i32
    %dma_start3A_458 = arith.constant 0 : i32
    %dma_start3A_459 = tpu.memref_slice %arg2[%dma_start3A_457, %dma_start3A_458] : memref<10000x16xf32, #tpu.memory_space<hbm>> -> memref<10000x16xf32, #tpu.memory_space<hbm>>
    tpu.enqueue_indirect_dma source(%dma_start3A_459 : memref<10000x16xf32, #tpu.memory_space<hbm>>) target(%arg12 : memref<1000x16xf32, #tpu.memory_space<vmem>>) offsets(%dma_start3A_456 : memref<1000xi32, #tpu.memory_space<vmem>>) semaphore(%arg19 : memref<!tpu.dma_semaphore, #tpu.memory_space<semaphore_mem>>)
    %dma_wait3A_460 = arith.constant 1 : i32
    %dma_wait3A_461 = arith.constant 0 : i32
    %dma_wait3A_462 = tpu.memref_slice %arg8[%dma_wait3A_460, %dma_wait3A_461] : memref<10x1000xi32, #tpu.memory_space<vmem>> -> memref<1x1000xi32, #tpu.memory_space<vmem>>
    %dma_wait3A_463 = tpu.memref_squeeze %dma_wait3A_462 : memref<1x1000xi32, #tpu.memory_space<vmem>> -> memref<1000xi32, #tpu.memory_space<vmem>>
    %dma_wait3A_464 = arith.constant 0 : i32
    %dma_wait3A_465 = arith.constant 0 : i32
    %dma_wait3A_466 = tpu.memref_slice %arg2[%dma_wait3A_464, %dma_wait3A_465] : memref<10000x16xf32, #tpu.memory_space<hbm>> -> memref<10000x16xf32, #tpu.memory_space<hbm>>
    tpu.wait_indirect_dma semaphore(%arg18 : memref<!tpu.dma_semaphore, #tpu.memory_space<semaphore_mem>>) src(%dma_wait3A_466 : memref<10000x16xf32, #tpu.memory_space<hbm>>) dst(%arg11 : memref<1000x16xf32, #tpu.memory_space<vmem>>)
    %dma_start3A_467 = arith.constant 1 : i32
    %dma_start3A_468 = arith.constant 0 : i32
    %dma_start3A_469 = tpu.memref_slice %arg9[%dma_start3A_467, %dma_start3A_468] : memref<10x1000xi32, #tpu.memory_space<vmem>> -> memref<1x1000xi32, #tpu.memory_space<vmem>>
    %dma_start3A_470 = tpu.memref_squeeze %dma_start3A_469 : memref<1x1000xi32, #tpu.memory_space<vmem>> -> memref<1000xi32, #tpu.memory_space<vmem>>
    %dma_start3A_471 = arith.constant 0 : i32
    %dma_start3A_472 = arith.constant 0 : i32
    %dma_start3A_473 = tpu.memref_slice %arg14[%dma_start3A_471, %dma_start3A_472] : memref<10000x16xf32, #tpu.memory_space<vmem_shared>> -> memref<10000x16xf32, #tpu.memory_space<vmem_shared>>
    tpu.enqueue_indirect_dma source(%arg11 : memref<1000x16xf32, #tpu.memory_space<vmem>>) target(%dma_start3A_473 : memref<10000x16xf32, #tpu.memory_space<vmem_shared>>) offsets(%dma_start3A_470 : memref<1000xi32, #tpu.memory_space<vmem>>) semaphore(%arg21 : memref<!tpu.dma_semaphore, #tpu.memory_space<semaphore_mem>>) {add = true}
    %dma_start3A_474 = arith.constant 1 : i32
    %dma_start3A_475 = arith.constant 0 : i32
    %dma_start3A_476 = tpu.memref_slice %arg9[%dma_start3A_474, %dma_start3A_475] : memref<10x1000xi32, #tpu.memory_space<vmem>> -> memref<1x1000xi32, #tpu.memory_space<vmem>>
    %dma_start3A_477 = tpu.memref_squeeze %dma_start3A_476 : memref<1x1000xi32, #tpu.memory_space<vmem>> -> memref<1000xi32, #tpu.memory_space<vmem>>
    %dma_start3A_478 = arith.constant 0 : i32
    %dma_start3A_479 = arith.constant 0 : i32
    %dma_start3A_480 = tpu.memref_slice %arg15[%dma_start3A_478, %dma_start3A_479] : memref<10000x16xf32, #tpu.memory_space<vmem_shared>> -> memref<10000x16xf32, #tpu.memory_space<vmem_shared>>
    tpu.enqueue_indirect_dma source(%arg13 : memref<1000x16xf32, #tpu.memory_space<vmem>>) target(%dma_start3A_480 : memref<10000x16xf32, #tpu.memory_space<vmem_shared>>) offsets(%dma_start3A_477 : memref<1000xi32, #tpu.memory_space<vmem>>) semaphore(%arg23 : memref<!tpu.dma_semaphore, #tpu.memory_space<semaphore_mem>>) {add = true}
    %dma_wait3A_481 = arith.constant 0 : i32
    %dma_wait3A_482 = arith.constant 0 : i32
    %dma_wait3A_483 = tpu.memref_slice %arg9[%dma_wait3A_481, %dma_wait3A_482] : memref<10x1000xi32, #tpu.memory_space<vmem>> -> memref<1x1000xi32, #tpu.memory_space<vmem>>
    %dma_wait3A_484 = tpu.memref_squeeze %dma_wait3A_483 : memref<1x1000xi32, #tpu.memory_space<vmem>> -> memref<1000xi32, #tpu.memory_space<vmem>>
    %dma_wait3A_485 = arith.constant 0 : i32
    %dma_wait3A_486 = arith.constant 0 : i32
    %dma_wait3A_487 = tpu.memref_slice %arg14[%dma_wait3A_485, %dma_wait3A_486] : memref<10000x16xf32, #tpu.memory_space<vmem_shared>> -> memref<10000x16xf32, #tpu.memory_space<vmem_shared>>
    tpu.wait_indirect_dma semaphore(%arg20 : memref<!tpu.dma_semaphore, #tpu.memory_space<semaphore_mem>>) src(%arg10 : memref<1000x16xf32, #tpu.memory_space<vmem>>) dst(%dma_wait3A_487 : memref<10000x16xf32, #tpu.memory_space<vmem_shared>>)
    %dma_start3A_488 = arith.constant 3 : i32
    %dma_start3A_489 = arith.constant 0 : i32
    %dma_start3A_490 = tpu.memref_slice %arg8[%dma_start3A_488, %dma_start3A_489] : memref<10x1000xi32, #tpu.memory_space<vmem>> -> memref<1x1000xi32, #tpu.memory_space<vmem>>
    %dma_start3A_491 = tpu.memref_squeeze %dma_start3A_490 : memref<1x1000xi32, #tpu.memory_space<vmem>> -> memref<1000xi32, #tpu.memory_space<vmem>>
    %dma_start3A_492 = arith.constant 0 : i32
    %dma_start3A_493 = arith.constant 0 : i32
    %dma_start3A_494 = tpu.memref_slice %arg2[%dma_start3A_492, %dma_start3A_493] : memref<10000x16xf32, #tpu.memory_space<hbm>> -> memref<10000x16xf32, #tpu.memory_space<hbm>>
    tpu.enqueue_indirect_dma source(%dma_start3A_494 : memref<10000x16xf32, #tpu.memory_space<hbm>>) target(%arg10 : memref<1000x16xf32, #tpu.memory_space<vmem>>) offsets(%dma_start3A_491 : memref<1000xi32, #tpu.memory_space<vmem>>) semaphore(%arg17 : memref<!tpu.dma_semaphore, #tpu.memory_space<semaphore_mem>>)
    %dma_wait3A_495 = arith.constant 2 : i32
    %dma_wait3A_496 = arith.constant 0 : i32
    %dma_wait3A_497 = tpu.memref_slice %arg8[%dma_wait3A_495, %dma_wait3A_496] : memref<10x1000xi32, #tpu.memory_space<vmem>> -> memref<1x1000xi32, #tpu.memory_space<vmem>>
    %dma_wait3A_498 = tpu.memref_squeeze %dma_wait3A_497 : memref<1x1000xi32, #tpu.memory_space<vmem>> -> memref<1000xi32, #tpu.memory_space<vmem>>
    %dma_wait3A_499 = arith.constant 0 : i32
    %dma_wait3A_500 = arith.constant 0 : i32
    %dma_wait3A_501 = tpu.memref_slice %arg2[%dma_wait3A_499, %dma_wait3A_500] : memref<10000x16xf32, #tpu.memory_space<hbm>> -> memref<10000x16xf32, #tpu.memory_space<hbm>>
    tpu.wait_indirect_dma semaphore(%arg19 : memref<!tpu.dma_semaphore, #tpu.memory_space<semaphore_mem>>) src(%dma_wait3A_501 : memref<10000x16xf32, #tpu.memory_space<hbm>>) dst(%arg12 : memref<1000x16xf32, #tpu.memory_space<vmem>>)
    %dma_start3A_502 = arith.constant 2 : i32
    %dma_start3A_503 = arith.constant 0 : i32
    %dma_start3A_504 = tpu.memref_slice %arg9[%dma_start3A_502, %dma_start3A_503] : memref<10x1000xi32, #tpu.memory_space<vmem>> -> memref<1x1000xi32, #tpu.memory_space<vmem>>
    %dma_start3A_505 = tpu.memref_squeeze %dma_start3A_504 : memref<1x1000xi32, #tpu.memory_space<vmem>> -> memref<1000xi32, #tpu.memory_space<vmem>>
    %dma_start3A_506 = arith.constant 0 : i32
    %dma_start3A_507 = arith.constant 0 : i32
    %dma_start3A_508 = tpu.memref_slice %arg14[%dma_start3A_506, %dma_start3A_507] : memref<10000x16xf32, #tpu.memory_space<vmem_shared>> -> memref<10000x16xf32, #tpu.memory_space<vmem_shared>>
    tpu.enqueue_indirect_dma source(%arg12 : memref<1000x16xf32, #tpu.memory_space<vmem>>) target(%dma_start3A_508 : memref<10000x16xf32, #tpu.memory_space<vmem_shared>>) offsets(%dma_start3A_505 : memref<1000xi32, #tpu.memory_space<vmem>>) semaphore(%arg22 : memref<!tpu.dma_semaphore, #tpu.memory_space<semaphore_mem>>) {add = true}
    %dma_start3A_509 = arith.constant 2 : i32
    %dma_start3A_510 = arith.constant 0 : i32
    %dma_start3A_511 = tpu.memref_slice %arg9[%dma_start3A_509, %dma_start3A_510] : memref<10x1000xi32, #tpu.memory_space<vmem>> -> memref<1x1000xi32, #tpu.memory_space<vmem>>
    %dma_start3A_512 = tpu.memref_squeeze %dma_start3A_511 : memref<1x1000xi32, #tpu.memory_space<vmem>> -> memref<1000xi32, #tpu.memory_space<vmem>>
    %dma_start3A_513 = arith.constant 0 : i32
    %dma_start3A_514 = arith.constant 0 : i32
    %dma_start3A_515 = tpu.memref_slice %arg15[%dma_start3A_513, %dma_start3A_514] : memref<10000x16xf32, #tpu.memory_space<vmem_shared>> -> memref<10000x16xf32, #tpu.memory_space<vmem_shared>>
    tpu.enqueue_indirect_dma source(%arg13 : memref<1000x16xf32, #tpu.memory_space<vmem>>) target(%dma_start3A_515 : memref<10000x16xf32, #tpu.memory_space<vmem_shared>>) offsets(%dma_start3A_512 : memref<1000xi32, #tpu.memory_space<vmem>>) semaphore(%arg23 : memref<!tpu.dma_semaphore, #tpu.memory_space<semaphore_mem>>) {add = true}
    %dma_wait3A_516 = arith.constant 1 : i32
    %dma_wait3A_517 = arith.constant 0 : i32
    %dma_wait3A_518 = tpu.memref_slice %arg9[%dma_wait3A_516, %dma_wait3A_517] : memref<10x1000xi32, #tpu.memory_space<vmem>> -> memref<1x1000xi32, #tpu.memory_space<vmem>>
    %dma_wait3A_519 = tpu.memref_squeeze %dma_wait3A_518 : memref<1x1000xi32, #tpu.memory_space<vmem>> -> memref<1000xi32, #tpu.memory_space<vmem>>
    %dma_wait3A_520 = arith.constant 0 : i32
    %dma_wait3A_521 = arith.constant 0 : i32
    %dma_wait3A_522 = tpu.memref_slice %arg14[%dma_wait3A_520, %dma_wait3A_521] : memref<10000x16xf32, #tpu.memory_space<vmem_shared>> -> memref<10000x16xf32, #tpu.memory_space<vmem_shared>>
    tpu.wait_indirect_dma semaphore(%arg21 : memref<!tpu.dma_semaphore, #tpu.memory_space<semaphore_mem>>) src(%arg11 : memref<1000x16xf32, #tpu.memory_space<vmem>>) dst(%dma_wait3A_522 : memref<10000x16xf32, #tpu.memory_space<vmem_shared>>)
    %dma_start3A_523 = arith.constant 4 : i32
    %dma_start3A_524 = arith.constant 0 : i32
    %dma_start3A_525 = tpu.memref_slice %arg8[%dma_start3A_523, %dma_start3A_524] : memref<10x1000xi32, #tpu.memory_space<vmem>> -> memref<1x1000xi32, #tpu.memory_space<vmem>>
    %dma_start3A_526 = tpu.memref_squeeze %dma_start3A_525 : memref<1x1000xi32, #tpu.memory_space<vmem>> -> memref<1000xi32, #tpu.memory_space<vmem>>
    %dma_start3A_527 = arith.constant 0 : i32
    %dma_start3A_528 = arith.constant 0 : i32
    %dma_start3A_529 = tpu.memref_slice %arg2[%dma_start3A_527, %dma_start3A_528] : memref<10000x16xf32, #tpu.memory_space<hbm>> -> memref<10000x16xf32, #tpu.memory_space<hbm>>
    tpu.enqueue_indirect_dma source(%dma_start3A_529 : memref<10000x16xf32, #tpu.memory_space<hbm>>) target(%arg11 : memref<1000x16xf32, #tpu.memory_space<vmem>>) offsets(%dma_start3A_526 : memref<1000xi32, #tpu.memory_space<vmem>>) semaphore(%arg18 : memref<!tpu.dma_semaphore, #tpu.memory_space<semaphore_mem>>)
    %dma_wait3A_530 = arith.constant 3 : i32
    %dma_wait3A_531 = arith.constant 0 : i32
    %dma_wait3A_532 = tpu.memref_slice %arg8[%dma_wait3A_530, %dma_wait3A_531] : memref<10x1000xi32, #tpu.memory_space<vmem>> -> memref<1x1000xi32, #tpu.memory_space<vmem>>
    %dma_wait3A_533 = tpu.memref_squeeze %dma_wait3A_532 : memref<1x1000xi32, #tpu.memory_space<vmem>> -> memref<1000xi32, #tpu.memory_space<vmem>>
    %dma_wait3A_534 = arith.constant 0 : i32
    %dma_wait3A_535 = arith.constant 0 : i32
    %dma_wait3A_536 = tpu.memref_slice %arg2[%dma_wait3A_534, %dma_wait3A_535] : memref<10000x16xf32, #tpu.memory_space<hbm>> -> memref<10000x16xf32, #tpu.memory_space<hbm>>
    tpu.wait_indirect_dma semaphore(%arg17 : memref<!tpu.dma_semaphore, #tpu.memory_space<semaphore_mem>>) src(%dma_wait3A_536 : memref<10000x16xf32, #tpu.memory_space<hbm>>) dst(%arg10 : memref<1000x16xf32, #tpu.memory_space<vmem>>)
    %dma_start3A_537 = arith.constant 3 : i32
    %dma_start3A_538 = arith.constant 0 : i32
    %dma_start3A_539 = tpu.memref_slice %arg9[%dma_start3A_537, %dma_start3A_538] : memref<10x1000xi32, #tpu.memory_space<vmem>> -> memref<1x1000xi32, #tpu.memory_space<vmem>>
    %dma_start3A_540 = tpu.memref_squeeze %dma_start3A_539 : memref<1x1000xi32, #tpu.memory_space<vmem>> -> memref<1000xi32, #tpu.memory_space<vmem>>
    %dma_start3A_541 = arith.constant 0 : i32
    %dma_start3A_542 = arith.constant 0 : i32
    %dma_start3A_543 = tpu.memref_slice %arg14[%dma_start3A_541, %dma_start3A_542] : memref<10000x16xf32, #tpu.memory_space<vmem_shared>> -> memref<10000x16xf32, #tpu.memory_space<vmem_shared>>
    tpu.enqueue_indirect_dma source(%arg10 : memref<1000x16xf32, #tpu.memory_space<vmem>>) target(%dma_start3A_543 : memref<10000x16xf32, #tpu.memory_space<vmem_shared>>) offsets(%dma_start3A_540 : memref<1000xi32, #tpu.memory_space<vmem>>) semaphore(%arg20 : memref<!tpu.dma_semaphore, #tpu.memory_space<semaphore_mem>>) {add = true}
    %dma_start3A_544 = arith.constant 3 : i32
    %dma_start3A_545 = arith.constant 0 : i32
    %dma_start3A_546 = tpu.memref_slice %arg9[%dma_start3A_544, %dma_start3A_545] : memref<10x1000xi32, #tpu.memory_space<vmem>> -> memref<1x1000xi32, #tpu.memory_space<vmem>>
    %dma_start3A_547 = tpu.memref_squeeze %dma_start3A_546 : memref<1x1000xi32, #tpu.memory_space<vmem>> -> memref<1000xi32, #tpu.memory_space<vmem>>
    %dma_start3A_548 = arith.constant 0 : i32
    %dma_start3A_549 = arith.constant 0 : i32
    %dma_start3A_550 = tpu.memref_slice %arg15[%dma_start3A_548, %dma_start3A_549] : memref<10000x16xf32, #tpu.memory_space<vmem_shared>> -> memref<10000x16xf32, #tpu.memory_space<vmem_shared>>
    tpu.enqueue_indirect_dma source(%arg13 : memref<1000x16xf32, #tpu.memory_space<vmem>>) target(%dma_start3A_550 : memref<10000x16xf32, #tpu.memory_space<vmem_shared>>) offsets(%dma_start3A_547 : memref<1000xi32, #tpu.memory_space<vmem>>) semaphore(%arg23 : memref<!tpu.dma_semaphore, #tpu.memory_space<semaphore_mem>>) {add = true}
    %dma_wait3A_551 = arith.constant 2 : i32
    %dma_wait3A_552 = arith.constant 0 : i32
    %dma_wait3A_553 = tpu.memref_slice %arg9[%dma_wait3A_551, %dma_wait3A_552] : memref<10x1000xi32, #tpu.memory_space<vmem>> -> memref<1x1000xi32, #tpu.memory_space<vmem>>
    %dma_wait3A_554 = tpu.memref_squeeze %dma_wait3A_553 : memref<1x1000xi32, #tpu.memory_space<vmem>> -> memref<1000xi32, #tpu.memory_space<vmem>>
    %dma_wait3A_555 = arith.constant 0 : i32
    %dma_wait3A_556 = arith.constant 0 : i32
    %dma_wait3A_557 = tpu.memref_slice %arg14[%dma_wait3A_555, %dma_wait3A_556] : memref<10000x16xf32, #tpu.memory_space<vmem_shared>> -> memref<10000x16xf32, #tpu.memory_space<vmem_shared>>
    tpu.wait_indirect_dma semaphore(%arg22 : memref<!tpu.dma_semaphore, #tpu.memory_space<semaphore_mem>>) src(%arg12 : memref<1000x16xf32, #tpu.memory_space<vmem>>) dst(%dma_wait3A_557 : memref<10000x16xf32, #tpu.memory_space<vmem_shared>>)
    %dma_start3A_558 = arith.constant 5 : i32
    %dma_start3A_559 = arith.constant 0 : i32
    %dma_start3A_560 = tpu.memref_slice %arg8[%dma_start3A_558, %dma_start3A_559] : memref<10x1000xi32, #tpu.memory_space<vmem>> -> memref<1x1000xi32, #tpu.memory_space<vmem>>
    %dma_start3A_561 = tpu.memref_squeeze %dma_start3A_560 : memref<1x1000xi32, #tpu.memory_space<vmem>> -> memref<1000xi32, #tpu.memory_space<vmem>>
    %dma_start3A_562 = arith.constant 0 : i32
    %dma_start3A_563 = arith.constant 0 : i32
    %dma_start3A_564 = tpu.memref_slice %arg2[%dma_start3A_562, %dma_start3A_563] : memref<10000x16xf32, #tpu.memory_space<hbm>> -> memref<10000x16xf32, #tpu.memory_space<hbm>>
    tpu.enqueue_indirect_dma source(%dma_start3A_564 : memref<10000x16xf32, #tpu.memory_space<hbm>>) target(%arg12 : memref<1000x16xf32, #tpu.memory_space<vmem>>) offsets(%dma_start3A_561 : memref<1000xi32, #tpu.memory_space<vmem>>) semaphore(%arg19 : memref<!tpu.dma_semaphore, #tpu.memory_space<semaphore_mem>>)
    %dma_wait3A_565 = arith.constant 4 : i32
    %dma_wait3A_566 = arith.constant 0 : i32
    %dma_wait3A_567 = tpu.memref_slice %arg8[%dma_wait3A_565, %dma_wait3A_566] : memref<10x1000xi32, #tpu.memory_space<vmem>> -> memref<1x1000xi32, #tpu.memory_space<vmem>>
    %dma_wait3A_568 = tpu.memref_squeeze %dma_wait3A_567 : memref<1x1000xi32, #tpu.memory_space<vmem>> -> memref<1000xi32, #tpu.memory_space<vmem>>
    %dma_wait3A_569 = arith.constant 0 : i32
    %dma_wait3A_570 = arith.constant 0 : i32
    %dma_wait3A_571 = tpu.memref_slice %arg2[%dma_wait3A_569, %dma_wait3A_570] : memref<10000x16xf32, #tpu.memory_space<hbm>> -> memref<10000x16xf32, #tpu.memory_space<hbm>>
    tpu.wait_indirect_dma semaphore(%arg18 : memref<!tpu.dma_semaphore, #tpu.memory_space<semaphore_mem>>) src(%dma_wait3A_571 : memref<10000x16xf32, #tpu.memory_space<hbm>>) dst(%arg11 : memref<1000x16xf32, #tpu.memory_space<vmem>>)
    %dma_start3A_572 = arith.constant 4 : i32
    %dma_start3A_573 = arith.constant 0 : i32
    %dma_start3A_574 = tpu.memref_slice %arg9[%dma_start3A_572, %dma_start3A_573] : memref<10x1000xi32, #tpu.memory_space<vmem>> -> memref<1x1000xi32, #tpu.memory_space<vmem>>
    %dma_start3A_575 = tpu.memref_squeeze %dma_start3A_574 : memref<1x1000xi32, #tpu.memory_space<vmem>> -> memref<1000xi32, #tpu.memory_space<vmem>>
    %dma_start3A_576 = arith.constant 0 : i32
    %dma_start3A_577 = arith.constant 0 : i32
    %dma_start3A_578 = tpu.memref_slice %arg14[%dma_start3A_576, %dma_start3A_577] : memref<10000x16xf32, #tpu.memory_space<vmem_shared>> -> memref<10000x16xf32, #tpu.memory_space<vmem_shared>>
    tpu.enqueue_indirect_dma source(%arg11 : memref<1000x16xf32, #tpu.memory_space<vmem>>) target(%dma_start3A_578 : memref<10000x16xf32, #tpu.memory_space<vmem_shared>>) offsets(%dma_start3A_575 : memref<1000xi32, #tpu.memory_space<vmem>>) semaphore(%arg21 : memref<!tpu.dma_semaphore, #tpu.memory_space<semaphore_mem>>) {add = true}
    %dma_start3A_579 = arith.constant 4 : i32
    %dma_start3A_580 = arith.constant 0 : i32
    %dma_start3A_581 = tpu.memref_slice %arg9[%dma_start3A_579, %dma_start3A_580] : memref<10x1000xi32, #tpu.memory_space<vmem>> -> memref<1x1000xi32, #tpu.memory_space<vmem>>
    %dma_start3A_582 = tpu.memref_squeeze %dma_start3A_581 : memref<1x1000xi32, #tpu.memory_space<vmem>> -> memref<1000xi32, #tpu.memory_space<vmem>>
    %dma_start3A_583 = arith.constant 0 : i32
    %dma_start3A_584 = arith.constant 0 : i32
    %dma_start3A_585 = tpu.memref_slice %arg15[%dma_start3A_583, %dma_start3A_584] : memref<10000x16xf32, #tpu.memory_space<vmem_shared>> -> memref<10000x16xf32, #tpu.memory_space<vmem_shared>>
    tpu.enqueue_indirect_dma source(%arg13 : memref<1000x16xf32, #tpu.memory_space<vmem>>) target(%dma_start3A_585 : memref<10000x16xf32, #tpu.memory_space<vmem_shared>>) offsets(%dma_start3A_582 : memref<1000xi32, #tpu.memory_space<vmem>>) semaphore(%arg23 : memref<!tpu.dma_semaphore, #tpu.memory_space<semaphore_mem>>) {add = true}
    %dma_wait3A_586 = arith.constant 3 : i32
    %dma_wait3A_587 = arith.constant 0 : i32
    %dma_wait3A_588 = tpu.memref_slice %arg9[%dma_wait3A_586, %dma_wait3A_587] : memref<10x1000xi32, #tpu.memory_space<vmem>> -> memref<1x1000xi32, #tpu.memory_space<vmem>>
    %dma_wait3A_589 = tpu.memref_squeeze %dma_wait3A_588 : memref<1x1000xi32, #tpu.memory_space<vmem>> -> memref<1000xi32, #tpu.memory_space<vmem>>
    %dma_wait3A_590 = arith.constant 0 : i32
    %dma_wait3A_591 = arith.constant 0 : i32
    %dma_wait3A_592 = tpu.memref_slice %arg14[%dma_wait3A_590, %dma_wait3A_591] : memref<10000x16xf32, #tpu.memory_space<vmem_shared>> -> memref<10000x16xf32, #tpu.memory_space<vmem_shared>>
    tpu.wait_indirect_dma semaphore(%arg20 : memref<!tpu.dma_semaphore, #tpu.memory_space<semaphore_mem>>) src(%arg10 : memref<1000x16xf32, #tpu.memory_space<vmem>>) dst(%dma_wait3A_592 : memref<10000x16xf32, #tpu.memory_space<vmem_shared>>)
    %dma_start3A_593 = arith.constant 6 : i32
    %dma_start3A_594 = arith.constant 0 : i32
    %dma_start3A_595 = tpu.memref_slice %arg8[%dma_start3A_593, %dma_start3A_594] : memref<10x1000xi32, #tpu.memory_space<vmem>> -> memref<1x1000xi32, #tpu.memory_space<vmem>>
    %dma_start3A_596 = tpu.memref_squeeze %dma_start3A_595 : memref<1x1000xi32, #tpu.memory_space<vmem>> -> memref<1000xi32, #tpu.memory_space<vmem>>
    %dma_start3A_597 = arith.constant 0 : i32
    %dma_start3A_598 = arith.constant 0 : i32
    %dma_start3A_599 = tpu.memref_slice %arg2[%dma_start3A_597, %dma_start3A_598] : memref<10000x16xf32, #tpu.memory_space<hbm>> -> memref<10000x16xf32, #tpu.memory_space<hbm>>
    tpu.enqueue_indirect_dma source(%dma_start3A_599 : memref<10000x16xf32, #tpu.memory_space<hbm>>) target(%arg10 : memref<1000x16xf32, #tpu.memory_space<vmem>>) offsets(%dma_start3A_596 : memref<1000xi32, #tpu.memory_space<vmem>>) semaphore(%arg17 : memref<!tpu.dma_semaphore, #tpu.memory_space<semaphore_mem>>)
    %dma_wait3A_600 = arith.constant 5 : i32
    %dma_wait3A_601 = arith.constant 0 : i32
    %dma_wait3A_602 = tpu.memref_slice %arg8[%dma_wait3A_600, %dma_wait3A_601] : memref<10x1000xi32, #tpu.memory_space<vmem>> -> memref<1x1000xi32, #tpu.memory_space<vmem>>
    %dma_wait3A_603 = tpu.memref_squeeze %dma_wait3A_602 : memref<1x1000xi32, #tpu.memory_space<vmem>> -> memref<1000xi32, #tpu.memory_space<vmem>>
    %dma_wait3A_604 = arith.constant 0 : i32
    %dma_wait3A_605 = arith.constant 0 : i32
    %dma_wait3A_606 = tpu.memref_slice %arg2[%dma_wait3A_604, %dma_wait3A_605] : memref<10000x16xf32, #tpu.memory_space<hbm>> -> memref<10000x16xf32, #tpu.memory_space<hbm>>
    tpu.wait_indirect_dma semaphore(%arg19 : memref<!tpu.dma_semaphore, #tpu.memory_space<semaphore_mem>>) src(%dma_wait3A_606 : memref<10000x16xf32, #tpu.memory_space<hbm>>) dst(%arg12 : memref<1000x16xf32, #tpu.memory_space<vmem>>)
    %dma_start3A_607 = arith.constant 5 : i32
    %dma_start3A_608 = arith.constant 0 : i32
    %dma_start3A_609 = tpu.memref_slice %arg9[%dma_start3A_607, %dma_start3A_608] : memref<10x1000xi32, #tpu.memory_space<vmem>> -> memref<1x1000xi32, #tpu.memory_space<vmem>>
    %dma_start3A_610 = tpu.memref_squeeze %dma_start3A_609 : memref<1x1000xi32, #tpu.memory_space<vmem>> -> memref<1000xi32, #tpu.memory_space<vmem>>
    %dma_start3A_611 = arith.constant 0 : i32
    %dma_start3A_612 = arith.constant 0 : i32
    %dma_start3A_613 = tpu.memref_slice %arg14[%dma_start3A_611, %dma_start3A_612] : memref<10000x16xf32, #tpu.memory_space<vmem_shared>> -> memref<10000x16xf32, #tpu.memory_space<vmem_shared>>
    tpu.enqueue_indirect_dma source(%arg12 : memref<1000x16xf32, #tpu.memory_space<vmem>>) target(%dma_start3A_613 : memref<10000x16xf32, #tpu.memory_space<vmem_shared>>) offsets(%dma_start3A_610 : memref<1000xi32, #tpu.memory_space<vmem>>) semaphore(%arg22 : memref<!tpu.dma_semaphore, #tpu.memory_space<semaphore_mem>>) {add = true}
    %dma_start3A_614 = arith.constant 5 : i32
    %dma_start3A_615 = arith.constant 0 : i32
    %dma_start3A_616 = tpu.memref_slice %arg9[%dma_start3A_614, %dma_start3A_615] : memref<10x1000xi32, #tpu.memory_space<vmem>> -> memref<1x1000xi32, #tpu.memory_space<vmem>>
    %dma_start3A_617 = tpu.memref_squeeze %dma_start3A_616 : memref<1x1000xi32, #tpu.memory_space<vmem>> -> memref<1000xi32, #tpu.memory_space<vmem>>
    %dma_start3A_618 = arith.constant 0 : i32
    %dma_start3A_619 = arith.constant 0 : i32
    %dma_start3A_620 = tpu.memref_slice %arg15[%dma_start3A_618, %dma_start3A_619] : memref<10000x16xf32, #tpu.memory_space<vmem_shared>> -> memref<10000x16xf32, #tpu.memory_space<vmem_shared>>
    tpu.enqueue_indirect_dma source(%arg13 : memref<1000x16xf32, #tpu.memory_space<vmem>>) target(%dma_start3A_620 : memref<10000x16xf32, #tpu.memory_space<vmem_shared>>) offsets(%dma_start3A_617 : memref<1000xi32, #tpu.memory_space<vmem>>) semaphore(%arg23 : memref<!tpu.dma_semaphore, #tpu.memory_space<semaphore_mem>>) {add = true}
    %dma_wait3A_621 = arith.constant 4 : i32
    %dma_wait3A_622 = arith.constant 0 : i32
    %dma_wait3A_623 = tpu.memref_slice %arg9[%dma_wait3A_621, %dma_wait3A_622] : memref<10x1000xi32, #tpu.memory_space<vmem>> -> memref<1x1000xi32, #tpu.memory_space<vmem>>
    %dma_wait3A_624 = tpu.memref_squeeze %dma_wait3A_623 : memref<1x1000xi32, #tpu.memory_space<vmem>> -> memref<1000xi32, #tpu.memory_space<vmem>>
    %dma_wait3A_625 = arith.constant 0 : i32
    %dma_wait3A_626 = arith.constant 0 : i32
    %dma_wait3A_627 = tpu.memref_slice %arg14[%dma_wait3A_625, %dma_wait3A_626] : memref<10000x16xf32, #tpu.memory_space<vmem_shared>> -> memref<10000x16xf32, #tpu.memory_space<vmem_shared>>
    tpu.wait_indirect_dma semaphore(%arg21 : memref<!tpu.dma_semaphore, #tpu.memory_space<semaphore_mem>>) src(%arg11 : memref<1000x16xf32, #tpu.memory_space<vmem>>) dst(%dma_wait3A_627 : memref<10000x16xf32, #tpu.memory_space<vmem_shared>>)
    %dma_start3A_628 = arith.constant 7 : i32
    %dma_start3A_629 = arith.constant 0 : i32
    %dma_start3A_630 = tpu.memref_slice %arg8[%dma_start3A_628, %dma_start3A_629] : memref<10x1000xi32, #tpu.memory_space<vmem>> -> memref<1x1000xi32, #tpu.memory_space<vmem>>
    %dma_start3A_631 = tpu.memref_squeeze %dma_start3A_630 : memref<1x1000xi32, #tpu.memory_space<vmem>> -> memref<1000xi32, #tpu.memory_space<vmem>>
    %dma_start3A_632 = arith.constant 0 : i32
    %dma_start3A_633 = arith.constant 0 : i32
    %dma_start3A_634 = tpu.memref_slice %arg2[%dma_start3A_632, %dma_start3A_633] : memref<10000x16xf32, #tpu.memory_space<hbm>> -> memref<10000x16xf32, #tpu.memory_space<hbm>>
    tpu.enqueue_indirect_dma source(%dma_start3A_634 : memref<10000x16xf32, #tpu.memory_space<hbm>>) target(%arg11 : memref<1000x16xf32, #tpu.memory_space<vmem>>) offsets(%dma_start3A_631 : memref<1000xi32, #tpu.memory_space<vmem>>) semaphore(%arg18 : memref<!tpu.dma_semaphore, #tpu.memory_space<semaphore_mem>>)
    %dma_wait3A_635 = arith.constant 6 : i32
    %dma_wait3A_636 = arith.constant 0 : i32
    %dma_wait3A_637 = tpu.memref_slice %arg8[%dma_wait3A_635, %dma_wait3A_636] : memref<10x1000xi32, #tpu.memory_space<vmem>> -> memref<1x1000xi32, #tpu.memory_space<vmem>>
    %dma_wait3A_638 = tpu.memref_squeeze %dma_wait3A_637 : memref<1x1000xi32, #tpu.memory_space<vmem>> -> memref<1000xi32, #tpu.memory_space<vmem>>
    %dma_wait3A_639 = arith.constant 0 : i32
    %dma_wait3A_640 = arith.constant 0 : i32
    %dma_wait3A_641 = tpu.memref_slice %arg2[%dma_wait3A_639, %dma_wait3A_640] : memref<10000x16xf32, #tpu.memory_space<hbm>> -> memref<10000x16xf32, #tpu.memory_space<hbm>>
    tpu.wait_indirect_dma semaphore(%arg17 : memref<!tpu.dma_semaphore, #tpu.memory_space<semaphore_mem>>) src(%dma_wait3A_641 : memref<10000x16xf32, #tpu.memory_space<hbm>>) dst(%arg10 : memref<1000x16xf32, #tpu.memory_space<vmem>>)
    %dma_start3A_642 = arith.constant 6 : i32
    %dma_start3A_643 = arith.constant 0 : i32
    %dma_start3A_644 = tpu.memref_slice %arg9[%dma_start3A_642, %dma_start3A_643] : memref<10x1000xi32, #tpu.memory_space<vmem>> -> memref<1x1000xi32, #tpu.memory_space<vmem>>
    %dma_start3A_645 = tpu.memref_squeeze %dma_start3A_644 : memref<1x1000xi32, #tpu.memory_space<vmem>> -> memref<1000xi32, #tpu.memory_space<vmem>>
    %dma_start3A_646 = arith.constant 0 : i32
    %dma_start3A_647 = arith.constant 0 : i32
    %dma_start3A_648 = tpu.memref_slice %arg14[%dma_start3A_646, %dma_start3A_647] : memref<10000x16xf32, #tpu.memory_space<vmem_shared>> -> memref<10000x16xf32, #tpu.memory_space<vmem_shared>>
    tpu.enqueue_indirect_dma source(%arg10 : memref<1000x16xf32, #tpu.memory_space<vmem>>) target(%dma_start3A_648 : memref<10000x16xf32, #tpu.memory_space<vmem_shared>>) offsets(%dma_start3A_645 : memref<1000xi32, #tpu.memory_space<vmem>>) semaphore(%arg20 : memref<!tpu.dma_semaphore, #tpu.memory_space<semaphore_mem>>) {add = true}
    %dma_start3A_649 = arith.constant 6 : i32
    %dma_start3A_650 = arith.constant 0 : i32
    %dma_start3A_651 = tpu.memref_slice %arg9[%dma_start3A_649, %dma_start3A_650] : memref<10x1000xi32, #tpu.memory_space<vmem>> -> memref<1x1000xi32, #tpu.memory_space<vmem>>
    %dma_start3A_652 = tpu.memref_squeeze %dma_start3A_651 : memref<1x1000xi32, #tpu.memory_space<vmem>> -> memref<1000xi32, #tpu.memory_space<vmem>>
    %dma_start3A_653 = arith.constant 0 : i32
    %dma_start3A_654 = arith.constant 0 : i32
    %dma_start3A_655 = tpu.memref_slice %arg15[%dma_start3A_653, %dma_start3A_654] : memref<10000x16xf32, #tpu.memory_space<vmem_shared>> -> memref<10000x16xf32, #tpu.memory_space<vmem_shared>>
    tpu.enqueue_indirect_dma source(%arg13 : memref<1000x16xf32, #tpu.memory_space<vmem>>) target(%dma_start3A_655 : memref<10000x16xf32, #tpu.memory_space<vmem_shared>>) offsets(%dma_start3A_652 : memref<1000xi32, #tpu.memory_space<vmem>>) semaphore(%arg23 : memref<!tpu.dma_semaphore, #tpu.memory_space<semaphore_mem>>) {add = true}
    %dma_wait3A_656 = arith.constant 5 : i32
    %dma_wait3A_657 = arith.constant 0 : i32
    %dma_wait3A_658 = tpu.memref_slice %arg9[%dma_wait3A_656, %dma_wait3A_657] : memref<10x1000xi32, #tpu.memory_space<vmem>> -> memref<1x1000xi32, #tpu.memory_space<vmem>>
    %dma_wait3A_659 = tpu.memref_squeeze %dma_wait3A_658 : memref<1x1000xi32, #tpu.memory_space<vmem>> -> memref<1000xi32, #tpu.memory_space<vmem>>
    %dma_wait3A_660 = arith.constant 0 : i32
    %dma_wait3A_661 = arith.constant 0 : i32
    %dma_wait3A_662 = tpu.memref_slice %arg14[%dma_wait3A_660, %dma_wait3A_661] : memref<10000x16xf32, #tpu.memory_space<vmem_shared>> -> memref<10000x16xf32, #tpu.memory_space<vmem_shared>>
    tpu.wait_indirect_dma semaphore(%arg22 : memref<!tpu.dma_semaphore, #tpu.memory_space<semaphore_mem>>) src(%arg12 : memref<1000x16xf32, #tpu.memory_space<vmem>>) dst(%dma_wait3A_662 : memref<10000x16xf32, #tpu.memory_space<vmem_shared>>)
    %dma_start3A_663 = arith.constant 8 : i32
    %dma_start3A_664 = arith.constant 0 : i32
    %dma_start3A_665 = tpu.memref_slice %arg8[%dma_start3A_663, %dma_start3A_664] : memref<10x1000xi32, #tpu.memory_space<vmem>> -> memref<1x1000xi32, #tpu.memory_space<vmem>>
    %dma_start3A_666 = tpu.memref_squeeze %dma_start3A_665 : memref<1x1000xi32, #tpu.memory_space<vmem>> -> memref<1000xi32, #tpu.memory_space<vmem>>
    %dma_start3A_667 = arith.constant 0 : i32
    %dma_start3A_668 = arith.constant 0 : i32
    %dma_start3A_669 = tpu.memref_slice %arg2[%dma_start3A_667, %dma_start3A_668] : memref<10000x16xf32, #tpu.memory_space<hbm>> -> memref<10000x16xf32, #tpu.memory_space<hbm>>
    tpu.enqueue_indirect_dma source(%dma_start3A_669 : memref<10000x16xf32, #tpu.memory_space<hbm>>) target(%arg12 : memref<1000x16xf32, #tpu.memory_space<vmem>>) offsets(%dma_start3A_666 : memref<1000xi32, #tpu.memory_space<vmem>>) semaphore(%arg19 : memref<!tpu.dma_semaphore, #tpu.memory_space<semaphore_mem>>)
    %dma_wait3A_670 = arith.constant 7 : i32
    %dma_wait3A_671 = arith.constant 0 : i32
    %dma_wait3A_672 = tpu.memref_slice %arg8[%dma_wait3A_670, %dma_wait3A_671] : memref<10x1000xi32, #tpu.memory_space<vmem>> -> memref<1x1000xi32, #tpu.memory_space<vmem>>
    %dma_wait3A_673 = tpu.memref_squeeze %dma_wait3A_672 : memref<1x1000xi32, #tpu.memory_space<vmem>> -> memref<1000xi32, #tpu.memory_space<vmem>>
    %dma_wait3A_674 = arith.constant 0 : i32
    %dma_wait3A_675 = arith.constant 0 : i32
    %dma_wait3A_676 = tpu.memref_slice %arg2[%dma_wait3A_674, %dma_wait3A_675] : memref<10000x16xf32, #tpu.memory_space<hbm>> -> memref<10000x16xf32, #tpu.memory_space<hbm>>
    tpu.wait_indirect_dma semaphore(%arg18 : memref<!tpu.dma_semaphore, #tpu.memory_space<semaphore_mem>>) src(%dma_wait3A_676 : memref<10000x16xf32, #tpu.memory_space<hbm>>) dst(%arg11 : memref<1000x16xf32, #tpu.memory_space<vmem>>)
    %dma_start3A_677 = arith.constant 7 : i32
    %dma_start3A_678 = arith.constant 0 : i32
    %dma_start3A_679 = tpu.memref_slice %arg9[%dma_start3A_677, %dma_start3A_678] : memref<10x1000xi32, #tpu.memory_space<vmem>> -> memref<1x1000xi32, #tpu.memory_space<vmem>>
    %dma_start3A_680 = tpu.memref_squeeze %dma_start3A_679 : memref<1x1000xi32, #tpu.memory_space<vmem>> -> memref<1000xi32, #tpu.memory_space<vmem>>
    %dma_start3A_681 = arith.constant 0 : i32
    %dma_start3A_682 = arith.constant 0 : i32
    %dma_start3A_683 = tpu.memref_slice %arg14[%dma_start3A_681, %dma_start3A_682] : memref<10000x16xf32, #tpu.memory_space<vmem_shared>> -> memref<10000x16xf32, #tpu.memory_space<vmem_shared>>
    tpu.enqueue_indirect_dma source(%arg11 : memref<1000x16xf32, #tpu.memory_space<vmem>>) target(%dma_start3A_683 : memref<10000x16xf32, #tpu.memory_space<vmem_shared>>) offsets(%dma_start3A_680 : memref<1000xi32, #tpu.memory_space<vmem>>) semaphore(%arg21 : memref<!tpu.dma_semaphore, #tpu.memory_space<semaphore_mem>>) {add = true}
    %dma_start3A_684 = arith.constant 7 : i32
    %dma_start3A_685 = arith.constant 0 : i32
    %dma_start3A_686 = tpu.memref_slice %arg9[%dma_start3A_684, %dma_start3A_685] : memref<10x1000xi32, #tpu.memory_space<vmem>> -> memref<1x1000xi32, #tpu.memory_space<vmem>>
    %dma_start3A_687 = tpu.memref_squeeze %dma_start3A_686 : memref<1x1000xi32, #tpu.memory_space<vmem>> -> memref<1000xi32, #tpu.memory_space<vmem>>
    %dma_start3A_688 = arith.constant 0 : i32
    %dma_start3A_689 = arith.constant 0 : i32
    %dma_start3A_690 = tpu.memref_slice %arg15[%dma_start3A_688, %dma_start3A_689] : memref<10000x16xf32, #tpu.memory_space<vmem_shared>> -> memref<10000x16xf32, #tpu.memory_space<vmem_shared>>
    tpu.enqueue_indirect_dma source(%arg13 : memref<1000x16xf32, #tpu.memory_space<vmem>>) target(%dma_start3A_690 : memref<10000x16xf32, #tpu.memory_space<vmem_shared>>) offsets(%dma_start3A_687 : memref<1000xi32, #tpu.memory_space<vmem>>) semaphore(%arg23 : memref<!tpu.dma_semaphore, #tpu.memory_space<semaphore_mem>>) {add = true}
    %dma_wait3A_691 = arith.constant 6 : i32
    %dma_wait3A_692 = arith.constant 0 : i32
    %dma_wait3A_693 = tpu.memref_slice %arg9[%dma_wait3A_691, %dma_wait3A_692] : memref<10x1000xi32, #tpu.memory_space<vmem>> -> memref<1x1000xi32, #tpu.memory_space<vmem>>
    %dma_wait3A_694 = tpu.memref_squeeze %dma_wait3A_693 : memref<1x1000xi32, #tpu.memory_space<vmem>> -> memref<1000xi32, #tpu.memory_space<vmem>>
    %dma_wait3A_695 = arith.constant 0 : i32
    %dma_wait3A_696 = arith.constant 0 : i32
    %dma_wait3A_697 = tpu.memref_slice %arg14[%dma_wait3A_695, %dma_wait3A_696] : memref<10000x16xf32, #tpu.memory_space<vmem_shared>> -> memref<10000x16xf32, #tpu.memory_space<vmem_shared>>
    tpu.wait_indirect_dma semaphore(%arg20 : memref<!tpu.dma_semaphore, #tpu.memory_space<semaphore_mem>>) src(%arg10 : memref<1000x16xf32, #tpu.memory_space<vmem>>) dst(%dma_wait3A_697 : memref<10000x16xf32, #tpu.memory_space<vmem_shared>>)
    %dma_start3A_698 = arith.constant 9 : i32
    %dma_start3A_699 = arith.constant 0 : i32
    %dma_start3A_700 = tpu.memref_slice %arg8[%dma_start3A_698, %dma_start3A_699] : memref<10x1000xi32, #tpu.memory_space<vmem>> -> memref<1x1000xi32, #tpu.memory_space<vmem>>
    %dma_start3A_701 = tpu.memref_squeeze %dma_start3A_700 : memref<1x1000xi32, #tpu.memory_space<vmem>> -> memref<1000xi32, #tpu.memory_space<vmem>>
    %dma_start3A_702 = arith.constant 0 : i32
    %dma_start3A_703 = arith.constant 0 : i32
    %dma_start3A_704 = tpu.memref_slice %arg2[%dma_start3A_702, %dma_start3A_703] : memref<10000x16xf32, #tpu.memory_space<hbm>> -> memref<10000x16xf32, #tpu.memory_space<hbm>>
    tpu.enqueue_indirect_dma source(%dma_start3A_704 : memref<10000x16xf32, #tpu.memory_space<hbm>>) target(%arg10 : memref<1000x16xf32, #tpu.memory_space<vmem>>) offsets(%dma_start3A_701 : memref<1000xi32, #tpu.memory_space<vmem>>) semaphore(%arg17 : memref<!tpu.dma_semaphore, #tpu.memory_space<semaphore_mem>>)
    %dma_wait3A_705 = arith.constant 8 : i32
    %dma_wait3A_706 = arith.constant 0 : i32
    %dma_wait3A_707 = tpu.memref_slice %arg8[%dma_wait3A_705, %dma_wait3A_706] : memref<10x1000xi32, #tpu.memory_space<vmem>> -> memref<1x1000xi32, #tpu.memory_space<vmem>>
    %dma_wait3A_708 = tpu.memref_squeeze %dma_wait3A_707 : memref<1x1000xi32, #tpu.memory_space<vmem>> -> memref<1000xi32, #tpu.memory_space<vmem>>
    %dma_wait3A_709 = arith.constant 0 : i32
    %dma_wait3A_710 = arith.constant 0 : i32
    %dma_wait3A_711 = tpu.memref_slice %arg2[%dma_wait3A_709, %dma_wait3A_710] : memref<10000x16xf32, #tpu.memory_space<hbm>> -> memref<10000x16xf32, #tpu.memory_space<hbm>>
    tpu.wait_indirect_dma semaphore(%arg19 : memref<!tpu.dma_semaphore, #tpu.memory_space<semaphore_mem>>) src(%dma_wait3A_711 : memref<10000x16xf32, #tpu.memory_space<hbm>>) dst(%arg12 : memref<1000x16xf32, #tpu.memory_space<vmem>>)
    %dma_start3A_712 = arith.constant 8 : i32
    %dma_start3A_713 = arith.constant 0 : i32
    %dma_start3A_714 = tpu.memref_slice %arg9[%dma_start3A_712, %dma_start3A_713] : memref<10x1000xi32, #tpu.memory_space<vmem>> -> memref<1x1000xi32, #tpu.memory_space<vmem>>
    %dma_start3A_715 = tpu.memref_squeeze %dma_start3A_714 : memref<1x1000xi32, #tpu.memory_space<vmem>> -> memref<1000xi32, #tpu.memory_space<vmem>>
    %dma_start3A_716 = arith.constant 0 : i32
    %dma_start3A_717 = arith.constant 0 : i32
    %dma_start3A_718 = tpu.memref_slice %arg14[%dma_start3A_716, %dma_start3A_717] : memref<10000x16xf32, #tpu.memory_space<vmem_shared>> -> memref<10000x16xf32, #tpu.memory_space<vmem_shared>>
    tpu.enqueue_indirect_dma source(%arg12 : memref<1000x16xf32, #tpu.memory_space<vmem>>) target(%dma_start3A_718 : memref<10000x16xf32, #tpu.memory_space<vmem_shared>>) offsets(%dma_start3A_715 : memref<1000xi32, #tpu.memory_space<vmem>>) semaphore(%arg22 : memref<!tpu.dma_semaphore, #tpu.memory_space<semaphore_mem>>) {add = true}
    %dma_start3A_719 = arith.constant 8 : i32
    %dma_start3A_720 = arith.constant 0 : i32
    %dma_start3A_721 = tpu.memref_slice %arg9[%dma_start3A_719, %dma_start3A_720] : memref<10x1000xi32, #tpu.memory_space<vmem>> -> memref<1x1000xi32, #tpu.memory_space<vmem>>
    %dma_start3A_722 = tpu.memref_squeeze %dma_start3A_721 : memref<1x1000xi32, #tpu.memory_space<vmem>> -> memref<1000xi32, #tpu.memory_space<vmem>>
    %dma_start3A_723 = arith.constant 0 : i32
    %dma_start3A_724 = arith.constant 0 : i32
    %dma_start3A_725 = tpu.memref_slice %arg15[%dma_start3A_723, %dma_start3A_724] : memref<10000x16xf32, #tpu.memory_space<vmem_shared>> -> memref<10000x16xf32, #tpu.memory_space<vmem_shared>>
    tpu.enqueue_indirect_dma source(%arg13 : memref<1000x16xf32, #tpu.memory_space<vmem>>) target(%dma_start3A_725 : memref<10000x16xf32, #tpu.memory_space<vmem_shared>>) offsets(%dma_start3A_722 : memref<1000xi32, #tpu.memory_space<vmem>>) semaphore(%arg23 : memref<!tpu.dma_semaphore, #tpu.memory_space<semaphore_mem>>) {add = true}
    %dma_wait3A_726 = arith.constant 9 : i32
    %dma_wait3A_727 = arith.constant 0 : i32
    %dma_wait3A_728 = tpu.memref_slice %arg8[%dma_wait3A_726, %dma_wait3A_727] : memref<10x1000xi32, #tpu.memory_space<vmem>> -> memref<1x1000xi32, #tpu.memory_space<vmem>>
    %dma_wait3A_729 = tpu.memref_squeeze %dma_wait3A_728 : memref<1x1000xi32, #tpu.memory_space<vmem>> -> memref<1000xi32, #tpu.memory_space<vmem>>
    %dma_wait3A_730 = arith.constant 0 : i32
    %dma_wait3A_731 = arith.constant 0 : i32
    %dma_wait3A_732 = tpu.memref_slice %arg2[%dma_wait3A_730, %dma_wait3A_731] : memref<10000x16xf32, #tpu.memory_space<hbm>> -> memref<10000x16xf32, #tpu.memory_space<hbm>>
    tpu.wait_indirect_dma semaphore(%arg17 : memref<!tpu.dma_semaphore, #tpu.memory_space<semaphore_mem>>) src(%dma_wait3A_732 : memref<10000x16xf32, #tpu.memory_space<hbm>>) dst(%arg10 : memref<1000x16xf32, #tpu.memory_space<vmem>>)
    %dma_start3A_733 = arith.constant 9 : i32
    %dma_start3A_734 = arith.constant 0 : i32
    %dma_start3A_735 = tpu.memref_slice %arg9[%dma_start3A_733, %dma_start3A_734] : memref<10x1000xi32, #tpu.memory_space<vmem>> -> memref<1x1000xi32, #tpu.memory_space<vmem>>
    %dma_start3A_736 = tpu.memref_squeeze %dma_start3A_735 : memref<1x1000xi32, #tpu.memory_space<vmem>> -> memref<1000xi32, #tpu.memory_space<vmem>>
    %dma_start3A_737 = arith.constant 0 : i32
    %dma_start3A_738 = arith.constant 0 : i32
    %dma_start3A_739 = tpu.memref_slice %arg14[%dma_start3A_737, %dma_start3A_738] : memref<10000x16xf32, #tpu.memory_space<vmem_shared>> -> memref<10000x16xf32, #tpu.memory_space<vmem_shared>>
    tpu.enqueue_indirect_dma source(%arg10 : memref<1000x16xf32, #tpu.memory_space<vmem>>) target(%dma_start3A_739 : memref<10000x16xf32, #tpu.memory_space<vmem_shared>>) offsets(%dma_start3A_736 : memref<1000xi32, #tpu.memory_space<vmem>>) semaphore(%arg20 : memref<!tpu.dma_semaphore, #tpu.memory_space<semaphore_mem>>) {add = true}
    %dma_start3A_740 = arith.constant 9 : i32
    %dma_start3A_741 = arith.constant 0 : i32
    %dma_start3A_742 = tpu.memref_slice %arg9[%dma_start3A_740, %dma_start3A_741] : memref<10x1000xi32, #tpu.memory_space<vmem>> -> memref<1x1000xi32, #tpu.memory_space<vmem>>
    %dma_start3A_743 = tpu.memref_squeeze %dma_start3A_742 : memref<1x1000xi32, #tpu.memory_space<vmem>> -> memref<1000xi32, #tpu.memory_space<vmem>>
    %dma_start3A_744 = arith.constant 0 : i32
    %dma_start3A_745 = arith.constant 0 : i32
    %dma_start3A_746 = tpu.memref_slice %arg15[%dma_start3A_744, %dma_start3A_745] : memref<10000x16xf32, #tpu.memory_space<vmem_shared>> -> memref<10000x16xf32, #tpu.memory_space<vmem_shared>>
    tpu.enqueue_indirect_dma source(%arg13 : memref<1000x16xf32, #tpu.memory_space<vmem>>) target(%dma_start3A_746 : memref<10000x16xf32, #tpu.memory_space<vmem_shared>>) offsets(%dma_start3A_743 : memref<1000xi32, #tpu.memory_space<vmem>>) semaphore(%arg23 : memref<!tpu.dma_semaphore, #tpu.memory_space<semaphore_mem>>) {add = true}
    %dma_wait3A_747 = arith.constant 7 : i32
    %dma_wait3A_748 = arith.constant 0 : i32
    %dma_wait3A_749 = tpu.memref_slice %arg9[%dma_wait3A_747, %dma_wait3A_748] : memref<10x1000xi32, #tpu.memory_space<vmem>> -> memref<1x1000xi32, #tpu.memory_space<vmem>>
    %dma_wait3A_750 = tpu.memref_squeeze %dma_wait3A_749 : memref<1x1000xi32, #tpu.memory_space<vmem>> -> memref<1000xi32, #tpu.memory_space<vmem>>
    %dma_wait3A_751 = arith.constant 0 : i32
    %dma_wait3A_752 = arith.constant 0 : i32
    %dma_wait3A_753 = tpu.memref_slice %arg14[%dma_wait3A_751, %dma_wait3A_752] : memref<10000x16xf32, #tpu.memory_space<vmem_shared>> -> memref<10000x16xf32, #tpu.memory_space<vmem_shared>>
    tpu.wait_indirect_dma semaphore(%arg21 : memref<!tpu.dma_semaphore, #tpu.memory_space<semaphore_mem>>) src(%arg11 : memref<1000x16xf32, #tpu.memory_space<vmem>>) dst(%dma_wait3A_753 : memref<10000x16xf32, #tpu.memory_space<vmem_shared>>)
    %dma_wait3A_754 = arith.constant 8 : i32
    %dma_wait3A_755 = arith.constant 0 : i32
    %dma_wait3A_756 = tpu.memref_slice %arg9[%dma_wait3A_754, %dma_wait3A_755] : memref<10x1000xi32, #tpu.memory_space<vmem>> -> memref<1x1000xi32, #tpu.memory_space<vmem>>
    %dma_wait3A_757 = tpu.memref_squeeze %dma_wait3A_756 : memref<1x1000xi32, #tpu.memory_space<vmem>> -> memref<1000xi32, #tpu.memory_space<vmem>>
    %dma_wait3A_758 = arith.constant 0 : i32
    %dma_wait3A_759 = arith.constant 0 : i32
    %dma_wait3A_760 = tpu.memref_slice %arg14[%dma_wait3A_758, %dma_wait3A_759] : memref<10000x16xf32, #tpu.memory_space<vmem_shared>> -> memref<10000x16xf32, #tpu.memory_space<vmem_shared>>
    tpu.wait_indirect_dma semaphore(%arg22 : memref<!tpu.dma_semaphore, #tpu.memory_space<semaphore_mem>>) src(%arg12 : memref<1000x16xf32, #tpu.memory_space<vmem>>) dst(%dma_wait3A_760 : memref<10000x16xf32, #tpu.memory_space<vmem_shared>>)
    %dma_wait3A_761 = arith.constant 9 : i32
    %dma_wait3A_762 = arith.constant 0 : i32
    %dma_wait3A_763 = tpu.memref_slice %arg9[%dma_wait3A_761, %dma_wait3A_762] : memref<10x1000xi32, #tpu.memory_space<vmem>> -> memref<1x1000xi32, #tpu.memory_space<vmem>>
    %dma_wait3A_764 = tpu.memref_squeeze %dma_wait3A_763 : memref<1x1000xi32, #tpu.memory_space<vmem>> -> memref<1000xi32, #tpu.memory_space<vmem>>
    %dma_wait3A_765 = arith.constant 0 : i32
    %dma_wait3A_766 = arith.constant 0 : i32
    %dma_wait3A_767 = tpu.memref_slice %arg14[%dma_wait3A_765, %dma_wait3A_766] : memref<10000x16xf32, #tpu.memory_space<vmem_shared>> -> memref<10000x16xf32, #tpu.memory_space<vmem_shared>>
    tpu.wait_indirect_dma semaphore(%arg20 : memref<!tpu.dma_semaphore, #tpu.memory_space<semaphore_mem>>) src(%arg10 : memref<1000x16xf32, #tpu.memory_space<vmem>>) dst(%dma_wait3A_767 : memref<10000x16xf32, #tpu.memory_space<vmem_shared>>)
    %dma_wait3A_768 = arith.constant 0 : i32
    %dma_wait3A_769 = arith.constant 0 : i32
    %dma_wait3A_770 = tpu.memref_slice %arg9[%dma_wait3A_768, %dma_wait3A_769] : memref<10x1000xi32, #tpu.memory_space<vmem>> -> memref<1x1000xi32, #tpu.memory_space<vmem>>
    %dma_wait3A_771 = tpu.memref_squeeze %dma_wait3A_770 : memref<1x1000xi32, #tpu.memory_space<vmem>> -> memref<1000xi32, #tpu.memory_space<vmem>>
    %dma_wait3A_772 = arith.constant 0 : i32
    %dma_wait3A_773 = arith.constant 0 : i32
    %dma_wait3A_774 = tpu.memref_slice %arg15[%dma_wait3A_772, %dma_wait3A_773] : memref<10000x16xf32, #tpu.memory_space<vmem_shared>> -> memref<10000x16xf32, #tpu.memory_space<vmem_shared>>
    tpu.wait_indirect_dma semaphore(%arg23 : memref<!tpu.dma_semaphore, #tpu.memory_space<semaphore_mem>>) src(%arg13 : memref<1000x16xf32, #tpu.memory_space<vmem>>) dst(%dma_wait3A_774 : memref<10000x16xf32, #tpu.memory_space<vmem_shared>>)
    %dma_wait3A_775 = arith.constant 1 : i32
    %dma_wait3A_776 = arith.constant 0 : i32
    %dma_wait3A_777 = tpu.memref_slice %arg9[%dma_wait3A_775, %dma_wait3A_776] : memref<10x1000xi32, #tpu.memory_space<vmem>> -> memref<1x1000xi32, #tpu.memory_space<vmem>>
    %dma_wait3A_778 = tpu.memref_squeeze %dma_wait3A_777 : memref<1x1000xi32, #tpu.memory_space<vmem>> -> memref<1000xi32, #tpu.memory_space<vmem>>
    %dma_wait3A_779 = arith.constant 0 : i32
    %dma_wait3A_780 = arith.constant 0 : i32
    %dma_wait3A_781 = tpu.memref_slice %arg15[%dma_wait3A_779, %dma_wait3A_780] : memref<10000x16xf32, #tpu.memory_space<vmem_shared>> -> memref<10000x16xf32, #tpu.memory_space<vmem_shared>>
    tpu.wait_indirect_dma semaphore(%arg23 : memref<!tpu.dma_semaphore, #tpu.memory_space<semaphore_mem>>) src(%arg13 : memref<1000x16xf32, #tpu.memory_space<vmem>>) dst(%dma_wait3A_781 : memref<10000x16xf32, #tpu.memory_space<vmem_shared>>)
    %dma_wait3A_782 = arith.constant 2 : i32
    %dma_wait3A_783 = arith.constant 0 : i32
    %dma_wait3A_784 = tpu.memref_slice %arg9[%dma_wait3A_782, %dma_wait3A_783] : memref<10x1000xi32, #tpu.memory_space<vmem>> -> memref<1x1000xi32, #tpu.memory_space<vmem>>
    %dma_wait3A_785 = tpu.memref_squeeze %dma_wait3A_784 : memref<1x1000xi32, #tpu.memory_space<vmem>> -> memref<1000xi32, #tpu.memory_space<vmem>>
    %dma_wait3A_786 = arith.constant 0 : i32
    %dma_wait3A_787 = arith.constant 0 : i32
    %dma_wait3A_788 = tpu.memref_slice %arg15[%dma_wait3A_786, %dma_wait3A_787] : memref<10000x16xf32, #tpu.memory_space<vmem_shared>> -> memref<10000x16xf32, #tpu.memory_space<vmem_shared>>
    tpu.wait_indirect_dma semaphore(%arg23 : memref<!tpu.dma_semaphore, #tpu.memory_space<semaphore_mem>>) src(%arg13 : memref<1000x16xf32, #tpu.memory_space<vmem>>) dst(%dma_wait3A_788 : memref<10000x16xf32, #tpu.memory_space<vmem_shared>>)
    %dma_wait3A_789 = arith.constant 3 : i32
    %dma_wait3A_790 = arith.constant 0 : i32
    %dma_wait3A_791 = tpu.memref_slice %arg9[%dma_wait3A_789, %dma_wait3A_790] : memref<10x1000xi32, #tpu.memory_space<vmem>> -> memref<1x1000xi32, #tpu.memory_space<vmem>>
    %dma_wait3A_792 = tpu.memref_squeeze %dma_wait3A_791 : memref<1x1000xi32, #tpu.memory_space<vmem>> -> memref<1000xi32, #tpu.memory_space<vmem>>
    %dma_wait3A_793 = arith.constant 0 : i32
    %dma_wait3A_794 = arith.constant 0 : i32
    %dma_wait3A_795 = tpu.memref_slice %arg15[%dma_wait3A_793, %dma_wait3A_794] : memref<10000x16xf32, #tpu.memory_space<vmem_shared>> -> memref<10000x16xf32, #tpu.memory_space<vmem_shared>>
    tpu.wait_indirect_dma semaphore(%arg23 : memref<!tpu.dma_semaphore, #tpu.memory_space<semaphore_mem>>) src(%arg13 : memref<1000x16xf32, #tpu.memory_space<vmem>>) dst(%dma_wait3A_795 : memref<10000x16xf32, #tpu.memory_space<vmem_shared>>)
    %dma_wait3A_796 = arith.constant 4 : i32
    %dma_wait3A_797 = arith.constant 0 : i32
    %dma_wait3A_798 = tpu.memref_slice %arg9[%dma_wait3A_796, %dma_wait3A_797] : memref<10x1000xi32, #tpu.memory_space<vmem>> -> memref<1x1000xi32, #tpu.memory_space<vmem>>
    %dma_wait3A_799 = tpu.memref_squeeze %dma_wait3A_798 : memref<1x1000xi32, #tpu.memory_space<vmem>> -> memref<1000xi32, #tpu.memory_space<vmem>>
    %dma_wait3A_800 = arith.constant 0 : i32
    %dma_wait3A_801 = arith.constant 0 : i32
    %dma_wait3A_802 = tpu.memref_slice %arg15[%dma_wait3A_800, %dma_wait3A_801] : memref<10000x16xf32, #tpu.memory_space<vmem_shared>> -> memref<10000x16xf32, #tpu.memory_space<vmem_shared>>
    tpu.wait_indirect_dma semaphore(%arg23 : memref<!tpu.dma_semaphore, #tpu.memory_space<semaphore_mem>>) src(%arg13 : memref<1000x16xf32, #tpu.memory_space<vmem>>) dst(%dma_wait3A_802 : memref<10000x16xf32, #tpu.memory_space<vmem_shared>>)
    %dma_wait3A_803 = arith.constant 5 : i32
    %dma_wait3A_804 = arith.constant 0 : i32
    %dma_wait3A_805 = tpu.memref_slice %arg9[%dma_wait3A_803, %dma_wait3A_804] : memref<10x1000xi32, #tpu.memory_space<vmem>> -> memref<1x1000xi32, #tpu.memory_space<vmem>>
    %dma_wait3A_806 = tpu.memref_squeeze %dma_wait3A_805 : memref<1x1000xi32, #tpu.memory_space<vmem>> -> memref<1000xi32, #tpu.memory_space<vmem>>
    %dma_wait3A_807 = arith.constant 0 : i32
    %dma_wait3A_808 = arith.constant 0 : i32
    %dma_wait3A_809 = tpu.memref_slice %arg15[%dma_wait3A_807, %dma_wait3A_808] : memref<10000x16xf32, #tpu.memory_space<vmem_shared>> -> memref<10000x16xf32, #tpu.memory_space<vmem_shared>>
    tpu.wait_indirect_dma semaphore(%arg23 : memref<!tpu.dma_semaphore, #tpu.memory_space<semaphore_mem>>) src(%arg13 : memref<1000x16xf32, #tpu.memory_space<vmem>>) dst(%dma_wait3A_809 : memref<10000x16xf32, #tpu.memory_space<vmem_shared>>)
    %dma_wait3A_810 = arith.constant 6 : i32
    %dma_wait3A_811 = arith.constant 0 : i32
    %dma_wait3A_812 = tpu.memref_slice %arg9[%dma_wait3A_810, %dma_wait3A_811] : memref<10x1000xi32, #tpu.memory_space<vmem>> -> memref<1x1000xi32, #tpu.memory_space<vmem>>
    %dma_wait3A_813 = tpu.memref_squeeze %dma_wait3A_812 : memref<1x1000xi32, #tpu.memory_space<vmem>> -> memref<1000xi32, #tpu.memory_space<vmem>>
    %dma_wait3A_814 = arith.constant 0 : i32
    %dma_wait3A_815 = arith.constant 0 : i32
    %dma_wait3A_816 = tpu.memref_slice %arg15[%dma_wait3A_814, %dma_wait3A_815] : memref<10000x16xf32, #tpu.memory_space<vmem_shared>> -> memref<10000x16xf32, #tpu.memory_space<vmem_shared>>
    tpu.wait_indirect_dma semaphore(%arg23 : memref<!tpu.dma_semaphore, #tpu.memory_space<semaphore_mem>>) src(%arg13 : memref<1000x16xf32, #tpu.memory_space<vmem>>) dst(%dma_wait3A_816 : memref<10000x16xf32, #tpu.memory_space<vmem_shared>>)
    %dma_wait3A_817 = arith.constant 7 : i32
    %dma_wait3A_818 = arith.constant 0 : i32
    %dma_wait3A_819 = tpu.memref_slice %arg9[%dma_wait3A_817, %dma_wait3A_818] : memref<10x1000xi32, #tpu.memory_space<vmem>> -> memref<1x1000xi32, #tpu.memory_space<vmem>>
    %dma_wait3A_820 = tpu.memref_squeeze %dma_wait3A_819 : memref<1x1000xi32, #tpu.memory_space<vmem>> -> memref<1000xi32, #tpu.memory_space<vmem>>
    %dma_wait3A_821 = arith.constant 0 : i32
    %dma_wait3A_822 = arith.constant 0 : i32
    %dma_wait3A_823 = tpu.memref_slice %arg15[%dma_wait3A_821, %dma_wait3A_822] : memref<10000x16xf32, #tpu.memory_space<vmem_shared>> -> memref<10000x16xf32, #tpu.memory_space<vmem_shared>>
    tpu.wait_indirect_dma semaphore(%arg23 : memref<!tpu.dma_semaphore, #tpu.memory_space<semaphore_mem>>) src(%arg13 : memref<1000x16xf32, #tpu.memory_space<vmem>>) dst(%dma_wait3A_823 : memref<10000x16xf32, #tpu.memory_space<vmem_shared>>)
    %dma_wait3A_824 = arith.constant 8 : i32
    %dma_wait3A_825 = arith.constant 0 : i32
    %dma_wait3A_826 = tpu.memref_slice %arg9[%dma_wait3A_824, %dma_wait3A_825] : memref<10x1000xi32, #tpu.memory_space<vmem>> -> memref<1x1000xi32, #tpu.memory_space<vmem>>
    %dma_wait3A_827 = tpu.memref_squeeze %dma_wait3A_826 : memref<1x1000xi32, #tpu.memory_space<vmem>> -> memref<1000xi32, #tpu.memory_space<vmem>>
    %dma_wait3A_828 = arith.constant 0 : i32
    %dma_wait3A_829 = arith.constant 0 : i32
    %dma_wait3A_830 = tpu.memref_slice %arg15[%dma_wait3A_828, %dma_wait3A_829] : memref<10000x16xf32, #tpu.memory_space<vmem_shared>> -> memref<10000x16xf32, #tpu.memory_space<vmem_shared>>
    tpu.wait_indirect_dma semaphore(%arg23 : memref<!tpu.dma_semaphore, #tpu.memory_space<semaphore_mem>>) src(%arg13 : memref<1000x16xf32, #tpu.memory_space<vmem>>) dst(%dma_wait3A_830 : memref<10000x16xf32, #tpu.memory_space<vmem_shared>>)
    %dma_wait3A_831 = arith.constant 9 : i32
    %dma_wait3A_832 = arith.constant 0 : i32
    %dma_wait3A_833 = tpu.memref_slice %arg9[%dma_wait3A_831, %dma_wait3A_832] : memref<10x1000xi32, #tpu.memory_space<vmem>> -> memref<1x1000xi32, #tpu.memory_space<vmem>>
    %dma_wait3A_834 = tpu.memref_squeeze %dma_wait3A_833 : memref<1x1000xi32, #tpu.memory_space<vmem>> -> memref<1000xi32, #tpu.memory_space<vmem>>
    %dma_wait3A_835 = arith.constant 0 : i32
    %dma_wait3A_836 = arith.constant 0 : i32
    %dma_wait3A_837 = tpu.memref_slice %arg15[%dma_wait3A_835, %dma_wait3A_836] : memref<10000x16xf32, #tpu.memory_space<vmem_shared>> -> memref<10000x16xf32, #tpu.memory_space<vmem_shared>>
    tpu.wait_indirect_dma semaphore(%arg23 : memref<!tpu.dma_semaphore, #tpu.memory_space<semaphore_mem>>) src(%arg13 : memref<1000x16xf32, #tpu.memory_space<vmem>>) dst(%dma_wait3A_837 : memref<10000x16xf32, #tpu.memory_space<vmem_shared>>)
    %barrier3A_838 = arith.constant 0 : index
    tpu.barrier barrier_id(%barrier3A_838)
    %mul3A_839 = arith.constant 625 : i32
    %mul3A_840 = arith.muli %arg1, %mul3A_839 : i32
    %eq3A = arith.constant 0 : i32
    %eq3A_841 = arith.cmpi eq, %arg0, %eq3A : i32
    %convert_element_type3A = arith.extui %eq3A_841 : i1 to i32
    %cond3A = arith.constant 0 : i32
    %cond3A_842 = arith.cmpi ne, %convert_element_type3A, %cond3A : i32
    scf.if %cond3A_842 {
      "tpu.region"() ({
        %run_scoped3A = tpu.sem_alloc : memref<!tpu.dma_semaphore, #tpu.memory_space<semaphore_mem>>
        %dma_start3A_848 = arith.constant 0 : i32
        %dma_start3A_849 = tpu.memref_slice %arg4[%mul3A_840, %dma_start3A_848] : memref<10000x16xf32, #tpu.memory_space<hbm>> -> memref<625x16xf32, #tpu.memory_space<hbm>>
        %dma_start3A_850 = arith.constant 0 : i32
        %dma_start3A_851 = tpu.memref_slice %arg14[%mul3A_840, %dma_start3A_850] : memref<10000x16xf32, #tpu.memory_space<vmem_shared>> -> memref<625x16xf32, #tpu.memory_space<vmem_shared>>
        tpu.enqueue_dma source(%dma_start3A_851 : memref<625x16xf32, #tpu.memory_space<vmem_shared>>) target(%dma_start3A_849 : memref<625x16xf32, #tpu.memory_space<hbm>>) target_semaphore(%run_scoped3A : memref<!tpu.dma_semaphore, #tpu.memory_space<semaphore_mem>>)
        %dma_wait3A_852 = arith.constant 0 : i32
        %dma_wait3A_853 = tpu.memref_slice %arg4[%mul3A_840, %dma_wait3A_852] : memref<10000x16xf32, #tpu.memory_space<hbm>> -> memref<625x16xf32, #tpu.memory_space<hbm>>
        %dma_wait3A_854 = arith.constant 0 : i32
        %dma_wait3A_855 = tpu.memref_slice %arg14[%mul3A_840, %dma_wait3A_854] : memref<10000x16xf32, #tpu.memory_space<vmem_shared>> -> memref<625x16xf32, #tpu.memory_space<vmem_shared>>
        tpu.wait_dma2 semaphore(%run_scoped3A : memref<!tpu.dma_semaphore, #tpu.memory_space<semaphore_mem>>) src(%dma_wait3A_855 : memref<625x16xf32, #tpu.memory_space<vmem_shared>>) dst(%dma_wait3A_853 : memref<625x16xf32, #tpu.memory_space<hbm>>)
        tpu.yield
      }) : () -> ()
      "tpu.region"() ({
        %run_scoped3A = tpu.sem_alloc : memref<!tpu.dma_semaphore, #tpu.memory_space<semaphore_mem>>
        %dma_start3A_848 = arith.constant 0 : i32
        %dma_start3A_849 = tpu.memref_slice %arg6[%mul3A_840, %dma_start3A_848] : memref<10000x16xf32, #tpu.memory_space<hbm>> -> memref<625x16xf32, #tpu.memory_space<hbm>>
        %dma_start3A_850 = arith.constant 0 : i32
        %dma_start3A_851 = tpu.memref_slice %arg15[%mul3A_840, %dma_start3A_850] : memref<10000x16xf32, #tpu.memory_space<vmem_shared>> -> memref<625x16xf32, #tpu.memory_space<vmem_shared>>
        tpu.enqueue_dma source(%dma_start3A_851 : memref<625x16xf32, #tpu.memory_space<vmem_shared>>) target(%dma_start3A_849 : memref<625x16xf32, #tpu.memory_space<hbm>>) target_semaphore(%run_scoped3A : memref<!tpu.dma_semaphore, #tpu.memory_space<semaphore_mem>>)
        %dma_wait3A_852 = arith.constant 0 : i32
        %dma_wait3A_853 = tpu.memref_slice %arg6[%mul3A_840, %dma_wait3A_852] : memref<10000x16xf32, #tpu.memory_space<hbm>> -> memref<625x16xf32, #tpu.memory_space<hbm>>
        %dma_wait3A_854 = arith.constant 0 : i32
        %dma_wait3A_855 = tpu.memref_slice %arg15[%mul3A_840, %dma_wait3A_854] : memref<10000x16xf32, #tpu.memory_space<vmem_shared>> -> memref<625x16xf32, #tpu.memory_space<vmem_shared>>
        tpu.wait_dma2 semaphore(%run_scoped3A : memref<!tpu.dma_semaphore, #tpu.memory_space<semaphore_mem>>) src(%dma_wait3A_855 : memref<625x16xf32, #tpu.memory_space<vmem_shared>>) dst(%dma_wait3A_853 : memref<625x16xf32, #tpu.memory_space<hbm>>)
        tpu.yield
      }) : () -> ()
    } else {
    }
    %eq3A_843 = arith.constant 1 : i32
    %eq3A_844 = arith.cmpi eq, %arg0, %eq3A_843 : i32
    %convert_element_type3A_845 = arith.extui %eq3A_844 : i1 to i32
    %cond3A_846 = arith.constant 0 : i32
    %cond3A_847 = arith.cmpi ne, %convert_element_type3A_845, %cond3A_846 : i32
    scf.if %cond3A_847 {
      "tpu.region"() ({
        %run_scoped3A = tpu.sem_alloc : memref<!tpu.dma_semaphore, #tpu.memory_space<semaphore_mem>>
        %dma_start3A_848 = arith.constant 0 : i32
        %dma_start3A_849 = tpu.memref_slice %arg5[%mul3A_840, %dma_start3A_848] : memref<10000x16xf32, #tpu.memory_space<hbm>> -> memref<625x16xf32, #tpu.memory_space<hbm>>
        %dma_start3A_850 = arith.constant 0 : i32
        %dma_start3A_851 = tpu.memref_slice %arg14[%mul3A_840, %dma_start3A_850] : memref<10000x16xf32, #tpu.memory_space<vmem_shared>> -> memref<625x16xf32, #tpu.memory_space<vmem_shared>>
        tpu.enqueue_dma source(%dma_start3A_851 : memref<625x16xf32, #tpu.memory_space<vmem_shared>>) target(%dma_start3A_849 : memref<625x16xf32, #tpu.memory_space<hbm>>) target_semaphore(%run_scoped3A : memref<!tpu.dma_semaphore, #tpu.memory_space<semaphore_mem>>)
        %dma_wait3A_852 = arith.constant 0 : i32
        %dma_wait3A_853 = tpu.memref_slice %arg5[%mul3A_840, %dma_wait3A_852] : memref<10000x16xf32, #tpu.memory_space<hbm>> -> memref<625x16xf32, #tpu.memory_space<hbm>>
        %dma_wait3A_854 = arith.constant 0 : i32
        %dma_wait3A_855 = tpu.memref_slice %arg14[%mul3A_840, %dma_wait3A_854] : memref<10000x16xf32, #tpu.memory_space<vmem_shared>> -> memref<625x16xf32, #tpu.memory_space<vmem_shared>>
        tpu.wait_dma2 semaphore(%run_scoped3A : memref<!tpu.dma_semaphore, #tpu.memory_space<semaphore_mem>>) src(%dma_wait3A_855 : memref<625x16xf32, #tpu.memory_space<vmem_shared>>) dst(%dma_wait3A_853 : memref<625x16xf32, #tpu.memory_space<hbm>>)
        tpu.yield
      }) : () -> ()
      "tpu.region"() ({
        %run_scoped3A = tpu.sem_alloc : memref<!tpu.dma_semaphore, #tpu.memory_space<semaphore_mem>>
        %dma_start3A_848 = arith.constant 0 : i32
        %dma_start3A_849 = tpu.memref_slice %arg7[%mul3A_840, %dma_start3A_848] : memref<10000x16xf32, #tpu.memory_space<hbm>> -> memref<625x16xf32, #tpu.memory_space<hbm>>
        %dma_start3A_850 = arith.constant 0 : i32
        %dma_start3A_851 = tpu.memref_slice %arg15[%mul3A_840, %dma_start3A_850] : memref<10000x16xf32, #tpu.memory_space<vmem_shared>> -> memref<625x16xf32, #tpu.memory_space<vmem_shared>>
        tpu.enqueue_dma source(%dma_start3A_851 : memref<625x16xf32, #tpu.memory_space<vmem_shared>>) target(%dma_start3A_849 : memref<625x16xf32, #tpu.memory_space<hbm>>) target_semaphore(%run_scoped3A : memref<!tpu.dma_semaphore, #tpu.memory_space<semaphore_mem>>)
        %dma_wait3A_852 = arith.constant 0 : i32
        %dma_wait3A_853 = tpu.memref_slice %arg7[%mul3A_840, %dma_wait3A_852] : memref<10000x16xf32, #tpu.memory_space<hbm>> -> memref<625x16xf32, #tpu.memory_space<hbm>>
        %dma_wait3A_854 = arith.constant 0 : i32
        %dma_wait3A_855 = tpu.memref_slice %arg15[%mul3A_840, %dma_wait3A_854] : memref<10000x16xf32, #tpu.memory_space<vmem_shared>> -> memref<625x16xf32, #tpu.memory_space<vmem_shared>>
        tpu.wait_dma2 semaphore(%run_scoped3A : memref<!tpu.dma_semaphore, #tpu.memory_space<semaphore_mem>>) src(%dma_wait3A_855 : memref<625x16xf32, #tpu.memory_space<vmem_shared>>) dst(%dma_wait3A_853 : memref<625x16xf32, #tpu.memory_space<hbm>>)
        tpu.yield
      }) : () -> ()
    } else {
    }
    return
  }
}

#map = affine_map<(d0, d1) -> (0, 0)>
#map1 = affine_map<(d0, d1) -> (0)>
module attributes {stable_mosaic.version = 14 : i64} {
  func.func @_sc_scatter_body(%arg0: i32, %arg1: i32, %arg2: memref<10000x16xf32, #tpu.memory_space<hbm>>, %arg3: memref<640000xi32, #tpu.memory_space<hbm>>, %arg4: memref<10000x16xf32, #tpu.memory_space<hbm>>, %arg5: memref<10000x16xf32, #tpu.memory_space<hbm>>, %arg6: memref<10x1000xi32, #tpu.memory_space<vmem>>, %arg7: memref<10x1000xi32, #tpu.memory_space<vmem>>, %arg8: memref<1000x16xf32, #tpu.memory_space<vmem>>, %arg9: memref<1000x16xf32, #tpu.memory_space<vmem>>, %arg10: memref<1000x16xf32, #tpu.memory_space<vmem>>, %arg11: memref<10000x16xf32, #tpu.memory_space<vmem_shared>>, %arg12: memref<!tpu.dma_semaphore, #tpu.memory_space<semaphore_mem>>, %arg13: memref<!tpu.dma_semaphore, #tpu.memory_space<semaphore_mem>>, %arg14: memref<!tpu.dma_semaphore, #tpu.memory_space<semaphore_mem>>, %arg15: memref<!tpu.dma_semaphore, #tpu.memory_space<semaphore_mem>>, %arg16: memref<!tpu.dma_semaphore, #tpu.memory_space<semaphore_mem>>, %arg17: memref<!tpu.dma_semaphore, #tpu.memory_space<semaphore_mem>>, %arg18: memref<!tpu.dma_semaphore, #tpu.memory_space<semaphore_mem>>) attributes {dimension_semantics = [#tpu.dimension_semantics<core_parallel>, #tpu.dimension_semantics<subcore_parallel>], iteration_bounds = array<i64: 2, 16>, scalar_prefetch = 0 : i64, scratch_operands = 13 : i64, tpu.core_type = #tpu.core_type<sc_vector_subcore>, window_params = [{transform_indices = #map}, {transform_indices = #map1}, {transform_indices = #map}, {transform_indices = #map}]} {
    %mul3A = arith.constant 2 : i32
    %mul3A_0 = arith.muli %arg1, %mul3A : i32
    %add3A = arith.addi %mul3A_0, %arg0 : i32
    %mul3A_1 = arith.constant 10000 : i32
    %mul3A_2 = arith.muli %add3A, %mul3A_1 : i32
    %add3A_3 = arith.constant 0 : i32
    %add3A_4 = arith.addi %mul3A_2, %add3A_3 : i32
    %dma_start3A = arith.constant 0 : i32
    %dma_start3A_5 = arith.constant 0 : i32
    %dma_start3A_6 = tpu.memref_slice %arg6[%dma_start3A, %dma_start3A_5] : memref<10x1000xi32, #tpu.memory_space<vmem>> -> memref<1x1000xi32, #tpu.memory_space<vmem>>
    %dma_start3A_7 = tpu.memref_squeeze %dma_start3A_6 : memref<1x1000xi32, #tpu.memory_space<vmem>> -> memref<1000xi32, #tpu.memory_space<vmem>>
    %dma_start3A_8 = tpu.memref_slice %arg3[%add3A_4] : memref<640000xi32, #tpu.memory_space<hbm>> -> memref<1000xi32, #tpu.memory_space<hbm>>
    %dma_start3A_9 = arith.constant 0 : i32
    %dma_start3A_10 = tpu.memref_slice %arg6[%dma_start3A, %dma_start3A_9] : memref<10x1000xi32, #tpu.memory_space<vmem>> -> memref<1x1000xi32, #tpu.memory_space<vmem>>
    %dma_start3A_11 = tpu.memref_squeeze %dma_start3A_10 : memref<1x1000xi32, #tpu.memory_space<vmem>> -> memref<1000xi32, #tpu.memory_space<vmem>>
    %dma_start3A_12 = tpu.memref_slice %arg3[%add3A_4] : memref<640000xi32, #tpu.memory_space<hbm>> -> memref<1000xi32, #tpu.memory_space<hbm>>
    tpu.enqueue_dma source(%dma_start3A_12 : memref<1000xi32, #tpu.memory_space<hbm>>) target(%dma_start3A_11 : memref<1000xi32, #tpu.memory_space<vmem>>) target_semaphore(%arg12 : memref<!tpu.dma_semaphore, #tpu.memory_space<semaphore_mem>>)
    %add3A_13 = arith.constant 320000 : i32
    %add3A_14 = arith.addi %add3A_13, %add3A_4 : i32
    %dma_start3A_15 = arith.constant 0 : i32
    %dma_start3A_16 = arith.constant 0 : i32
    %dma_start3A_17 = tpu.memref_slice %arg7[%dma_start3A_15, %dma_start3A_16] : memref<10x1000xi32, #tpu.memory_space<vmem>> -> memref<1x1000xi32, #tpu.memory_space<vmem>>
    %dma_start3A_18 = tpu.memref_squeeze %dma_start3A_17 : memref<1x1000xi32, #tpu.memory_space<vmem>> -> memref<1000xi32, #tpu.memory_space<vmem>>
    %dma_start3A_19 = tpu.memref_slice %arg3[%add3A_14] : memref<640000xi32, #tpu.memory_space<hbm>> -> memref<1000xi32, #tpu.memory_space<hbm>>
    %dma_start3A_20 = arith.constant 0 : i32
    %dma_start3A_21 = tpu.memref_slice %arg7[%dma_start3A_15, %dma_start3A_20] : memref<10x1000xi32, #tpu.memory_space<vmem>> -> memref<1x1000xi32, #tpu.memory_space<vmem>>
    %dma_start3A_22 = tpu.memref_squeeze %dma_start3A_21 : memref<1x1000xi32, #tpu.memory_space<vmem>> -> memref<1000xi32, #tpu.memory_space<vmem>>
    %dma_start3A_23 = tpu.memref_slice %arg3[%add3A_14] : memref<640000xi32, #tpu.memory_space<hbm>> -> memref<1000xi32, #tpu.memory_space<hbm>>
    tpu.enqueue_dma source(%dma_start3A_23 : memref<1000xi32, #tpu.memory_space<hbm>>) target(%dma_start3A_22 : memref<1000xi32, #tpu.memory_space<vmem>>) target_semaphore(%arg12 : memref<!tpu.dma_semaphore, #tpu.memory_space<semaphore_mem>>)
    %add3A_24 = arith.constant 1000 : i32
    %add3A_25 = arith.addi %mul3A_2, %add3A_24 : i32
    %dma_start3A_26 = arith.constant 1 : i32
    %dma_start3A_27 = arith.constant 0 : i32
    %dma_start3A_28 = tpu.memref_slice %arg6[%dma_start3A_26, %dma_start3A_27] : memref<10x1000xi32, #tpu.memory_space<vmem>> -> memref<1x1000xi32, #tpu.memory_space<vmem>>
    %dma_start3A_29 = tpu.memref_squeeze %dma_start3A_28 : memref<1x1000xi32, #tpu.memory_space<vmem>> -> memref<1000xi32, #tpu.memory_space<vmem>>
    %dma_start3A_30 = tpu.memref_slice %arg3[%add3A_25] : memref<640000xi32, #tpu.memory_space<hbm>> -> memref<1000xi32, #tpu.memory_space<hbm>>
    %dma_start3A_31 = arith.constant 0 : i32
    %dma_start3A_32 = tpu.memref_slice %arg6[%dma_start3A_26, %dma_start3A_31] : memref<10x1000xi32, #tpu.memory_space<vmem>> -> memref<1x1000xi32, #tpu.memory_space<vmem>>
    %dma_start3A_33 = tpu.memref_squeeze %dma_start3A_32 : memref<1x1000xi32, #tpu.memory_space<vmem>> -> memref<1000xi32, #tpu.memory_space<vmem>>
    %dma_start3A_34 = tpu.memref_slice %arg3[%add3A_25] : memref<640000xi32, #tpu.memory_space<hbm>> -> memref<1000xi32, #tpu.memory_space<hbm>>
    tpu.enqueue_dma source(%dma_start3A_34 : memref<1000xi32, #tpu.memory_space<hbm>>) target(%dma_start3A_33 : memref<1000xi32, #tpu.memory_space<vmem>>) target_semaphore(%arg12 : memref<!tpu.dma_semaphore, #tpu.memory_space<semaphore_mem>>)
    %add3A_35 = arith.constant 320000 : i32
    %add3A_36 = arith.addi %add3A_35, %add3A_25 : i32
    %dma_start3A_37 = arith.constant 1 : i32
    %dma_start3A_38 = arith.constant 0 : i32
    %dma_start3A_39 = tpu.memref_slice %arg7[%dma_start3A_37, %dma_start3A_38] : memref<10x1000xi32, #tpu.memory_space<vmem>> -> memref<1x1000xi32, #tpu.memory_space<vmem>>
    %dma_start3A_40 = tpu.memref_squeeze %dma_start3A_39 : memref<1x1000xi32, #tpu.memory_space<vmem>> -> memref<1000xi32, #tpu.memory_space<vmem>>
    %dma_start3A_41 = tpu.memref_slice %arg3[%add3A_36] : memref<640000xi32, #tpu.memory_space<hbm>> -> memref<1000xi32, #tpu.memory_space<hbm>>
    %dma_start3A_42 = arith.constant 0 : i32
    %dma_start3A_43 = tpu.memref_slice %arg7[%dma_start3A_37, %dma_start3A_42] : memref<10x1000xi32, #tpu.memory_space<vmem>> -> memref<1x1000xi32, #tpu.memory_space<vmem>>
    %dma_start3A_44 = tpu.memref_squeeze %dma_start3A_43 : memref<1x1000xi32, #tpu.memory_space<vmem>> -> memref<1000xi32, #tpu.memory_space<vmem>>
    %dma_start3A_45 = tpu.memref_slice %arg3[%add3A_36] : memref<640000xi32, #tpu.memory_space<hbm>> -> memref<1000xi32, #tpu.memory_space<hbm>>
    tpu.enqueue_dma source(%dma_start3A_45 : memref<1000xi32, #tpu.memory_space<hbm>>) target(%dma_start3A_44 : memref<1000xi32, #tpu.memory_space<vmem>>) target_semaphore(%arg12 : memref<!tpu.dma_semaphore, #tpu.memory_space<semaphore_mem>>)
    %add3A_46 = arith.constant 2000 : i32
    %add3A_47 = arith.addi %mul3A_2, %add3A_46 : i32
    %dma_start3A_48 = arith.constant 2 : i32
    %dma_start3A_49 = arith.constant 0 : i32
    %dma_start3A_50 = tpu.memref_slice %arg6[%dma_start3A_48, %dma_start3A_49] : memref<10x1000xi32, #tpu.memory_space<vmem>> -> memref<1x1000xi32, #tpu.memory_space<vmem>>
    %dma_start3A_51 = tpu.memref_squeeze %dma_start3A_50 : memref<1x1000xi32, #tpu.memory_space<vmem>> -> memref<1000xi32, #tpu.memory_space<vmem>>
    %dma_start3A_52 = tpu.memref_slice %arg3[%add3A_47] : memref<640000xi32, #tpu.memory_space<hbm>> -> memref<1000xi32, #tpu.memory_space<hbm>>
    %dma_start3A_53 = arith.constant 0 : i32
    %dma_start3A_54 = tpu.memref_slice %arg6[%dma_start3A_48, %dma_start3A_53] : memref<10x1000xi32, #tpu.memory_space<vmem>> -> memref<1x1000xi32, #tpu.memory_space<vmem>>
    %dma_start3A_55 = tpu.memref_squeeze %dma_start3A_54 : memref<1x1000xi32, #tpu.memory_space<vmem>> -> memref<1000xi32, #tpu.memory_space<vmem>>
    %dma_start3A_56 = tpu.memref_slice %arg3[%add3A_47] : memref<640000xi32, #tpu.memory_space<hbm>> -> memref<1000xi32, #tpu.memory_space<hbm>>
    tpu.enqueue_dma source(%dma_start3A_56 : memref<1000xi32, #tpu.memory_space<hbm>>) target(%dma_start3A_55 : memref<1000xi32, #tpu.memory_space<vmem>>) target_semaphore(%arg12 : memref<!tpu.dma_semaphore, #tpu.memory_space<semaphore_mem>>)
    %add3A_57 = arith.constant 320000 : i32
    %add3A_58 = arith.addi %add3A_57, %add3A_47 : i32
    %dma_start3A_59 = arith.constant 2 : i32
    %dma_start3A_60 = arith.constant 0 : i32
    %dma_start3A_61 = tpu.memref_slice %arg7[%dma_start3A_59, %dma_start3A_60] : memref<10x1000xi32, #tpu.memory_space<vmem>> -> memref<1x1000xi32, #tpu.memory_space<vmem>>
    %dma_start3A_62 = tpu.memref_squeeze %dma_start3A_61 : memref<1x1000xi32, #tpu.memory_space<vmem>> -> memref<1000xi32, #tpu.memory_space<vmem>>
    %dma_start3A_63 = tpu.memref_slice %arg3[%add3A_58] : memref<640000xi32, #tpu.memory_space<hbm>> -> memref<1000xi32, #tpu.memory_space<hbm>>
    %dma_start3A_64 = arith.constant 0 : i32
    %dma_start3A_65 = tpu.memref_slice %arg7[%dma_start3A_59, %dma_start3A_64] : memref<10x1000xi32, #tpu.memory_space<vmem>> -> memref<1x1000xi32, #tpu.memory_space<vmem>>
    %dma_start3A_66 = tpu.memref_squeeze %dma_start3A_65 : memref<1x1000xi32, #tpu.memory_space<vmem>> -> memref<1000xi32, #tpu.memory_space<vmem>>
    %dma_start3A_67 = tpu.memref_slice %arg3[%add3A_58] : memref<640000xi32, #tpu.memory_space<hbm>> -> memref<1000xi32, #tpu.memory_space<hbm>>
    tpu.enqueue_dma source(%dma_start3A_67 : memref<1000xi32, #tpu.memory_space<hbm>>) target(%dma_start3A_66 : memref<1000xi32, #tpu.memory_space<vmem>>) target_semaphore(%arg12 : memref<!tpu.dma_semaphore, #tpu.memory_space<semaphore_mem>>)
    %add3A_68 = arith.constant 3000 : i32
    %add3A_69 = arith.addi %mul3A_2, %add3A_68 : i32
    %dma_start3A_70 = arith.constant 3 : i32
    %dma_start3A_71 = arith.constant 0 : i32
    %dma_start3A_72 = tpu.memref_slice %arg6[%dma_start3A_70, %dma_start3A_71] : memref<10x1000xi32, #tpu.memory_space<vmem>> -> memref<1x1000xi32, #tpu.memory_space<vmem>>
    %dma_start3A_73 = tpu.memref_squeeze %dma_start3A_72 : memref<1x1000xi32, #tpu.memory_space<vmem>> -> memref<1000xi32, #tpu.memory_space<vmem>>
    %dma_start3A_74 = tpu.memref_slice %arg3[%add3A_69] : memref<640000xi32, #tpu.memory_space<hbm>> -> memref<1000xi32, #tpu.memory_space<hbm>>
    %dma_start3A_75 = arith.constant 0 : i32
    %dma_start3A_76 = tpu.memref_slice %arg6[%dma_start3A_70, %dma_start3A_75] : memref<10x1000xi32, #tpu.memory_space<vmem>> -> memref<1x1000xi32, #tpu.memory_space<vmem>>
    %dma_start3A_77 = tpu.memref_squeeze %dma_start3A_76 : memref<1x1000xi32, #tpu.memory_space<vmem>> -> memref<1000xi32, #tpu.memory_space<vmem>>
    %dma_start3A_78 = tpu.memref_slice %arg3[%add3A_69] : memref<640000xi32, #tpu.memory_space<hbm>> -> memref<1000xi32, #tpu.memory_space<hbm>>
    tpu.enqueue_dma source(%dma_start3A_78 : memref<1000xi32, #tpu.memory_space<hbm>>) target(%dma_start3A_77 : memref<1000xi32, #tpu.memory_space<vmem>>) target_semaphore(%arg12 : memref<!tpu.dma_semaphore, #tpu.memory_space<semaphore_mem>>)
    %add3A_79 = arith.constant 320000 : i32
    %add3A_80 = arith.addi %add3A_79, %add3A_69 : i32
    %dma_start3A_81 = arith.constant 3 : i32
    %dma_start3A_82 = arith.constant 0 : i32
    %dma_start3A_83 = tpu.memref_slice %arg7[%dma_start3A_81, %dma_start3A_82] : memref<10x1000xi32, #tpu.memory_space<vmem>> -> memref<1x1000xi32, #tpu.memory_space<vmem>>
    %dma_start3A_84 = tpu.memref_squeeze %dma_start3A_83 : memref<1x1000xi32, #tpu.memory_space<vmem>> -> memref<1000xi32, #tpu.memory_space<vmem>>
    %dma_start3A_85 = tpu.memref_slice %arg3[%add3A_80] : memref<640000xi32, #tpu.memory_space<hbm>> -> memref<1000xi32, #tpu.memory_space<hbm>>
    %dma_start3A_86 = arith.constant 0 : i32
    %dma_start3A_87 = tpu.memref_slice %arg7[%dma_start3A_81, %dma_start3A_86] : memref<10x1000xi32, #tpu.memory_space<vmem>> -> memref<1x1000xi32, #tpu.memory_space<vmem>>
    %dma_start3A_88 = tpu.memref_squeeze %dma_start3A_87 : memref<1x1000xi32, #tpu.memory_space<vmem>> -> memref<1000xi32, #tpu.memory_space<vmem>>
    %dma_start3A_89 = tpu.memref_slice %arg3[%add3A_80] : memref<640000xi32, #tpu.memory_space<hbm>> -> memref<1000xi32, #tpu.memory_space<hbm>>
    tpu.enqueue_dma source(%dma_start3A_89 : memref<1000xi32, #tpu.memory_space<hbm>>) target(%dma_start3A_88 : memref<1000xi32, #tpu.memory_space<vmem>>) target_semaphore(%arg12 : memref<!tpu.dma_semaphore, #tpu.memory_space<semaphore_mem>>)
    %add3A_90 = arith.constant 4000 : i32
    %add3A_91 = arith.addi %mul3A_2, %add3A_90 : i32
    %dma_start3A_92 = arith.constant 4 : i32
    %dma_start3A_93 = arith.constant 0 : i32
    %dma_start3A_94 = tpu.memref_slice %arg6[%dma_start3A_92, %dma_start3A_93] : memref<10x1000xi32, #tpu.memory_space<vmem>> -> memref<1x1000xi32, #tpu.memory_space<vmem>>
    %dma_start3A_95 = tpu.memref_squeeze %dma_start3A_94 : memref<1x1000xi32, #tpu.memory_space<vmem>> -> memref<1000xi32, #tpu.memory_space<vmem>>
    %dma_start3A_96 = tpu.memref_slice %arg3[%add3A_91] : memref<640000xi32, #tpu.memory_space<hbm>> -> memref<1000xi32, #tpu.memory_space<hbm>>
    %dma_start3A_97 = arith.constant 0 : i32
    %dma_start3A_98 = tpu.memref_slice %arg6[%dma_start3A_92, %dma_start3A_97] : memref<10x1000xi32, #tpu.memory_space<vmem>> -> memref<1x1000xi32, #tpu.memory_space<vmem>>
    %dma_start3A_99 = tpu.memref_squeeze %dma_start3A_98 : memref<1x1000xi32, #tpu.memory_space<vmem>> -> memref<1000xi32, #tpu.memory_space<vmem>>
    %dma_start3A_100 = tpu.memref_slice %arg3[%add3A_91] : memref<640000xi32, #tpu.memory_space<hbm>> -> memref<1000xi32, #tpu.memory_space<hbm>>
    tpu.enqueue_dma source(%dma_start3A_100 : memref<1000xi32, #tpu.memory_space<hbm>>) target(%dma_start3A_99 : memref<1000xi32, #tpu.memory_space<vmem>>) target_semaphore(%arg12 : memref<!tpu.dma_semaphore, #tpu.memory_space<semaphore_mem>>)
    %add3A_101 = arith.constant 320000 : i32
    %add3A_102 = arith.addi %add3A_101, %add3A_91 : i32
    %dma_start3A_103 = arith.constant 4 : i32
    %dma_start3A_104 = arith.constant 0 : i32
    %dma_start3A_105 = tpu.memref_slice %arg7[%dma_start3A_103, %dma_start3A_104] : memref<10x1000xi32, #tpu.memory_space<vmem>> -> memref<1x1000xi32, #tpu.memory_space<vmem>>
    %dma_start3A_106 = tpu.memref_squeeze %dma_start3A_105 : memref<1x1000xi32, #tpu.memory_space<vmem>> -> memref<1000xi32, #tpu.memory_space<vmem>>
    %dma_start3A_107 = tpu.memref_slice %arg3[%add3A_102] : memref<640000xi32, #tpu.memory_space<hbm>> -> memref<1000xi32, #tpu.memory_space<hbm>>
    %dma_start3A_108 = arith.constant 0 : i32
    %dma_start3A_109 = tpu.memref_slice %arg7[%dma_start3A_103, %dma_start3A_108] : memref<10x1000xi32, #tpu.memory_space<vmem>> -> memref<1x1000xi32, #tpu.memory_space<vmem>>
    %dma_start3A_110 = tpu.memref_squeeze %dma_start3A_109 : memref<1x1000xi32, #tpu.memory_space<vmem>> -> memref<1000xi32, #tpu.memory_space<vmem>>
    %dma_start3A_111 = tpu.memref_slice %arg3[%add3A_102] : memref<640000xi32, #tpu.memory_space<hbm>> -> memref<1000xi32, #tpu.memory_space<hbm>>
    tpu.enqueue_dma source(%dma_start3A_111 : memref<1000xi32, #tpu.memory_space<hbm>>) target(%dma_start3A_110 : memref<1000xi32, #tpu.memory_space<vmem>>) target_semaphore(%arg12 : memref<!tpu.dma_semaphore, #tpu.memory_space<semaphore_mem>>)
    %add3A_112 = arith.constant 5000 : i32
    %add3A_113 = arith.addi %mul3A_2, %add3A_112 : i32
    %dma_start3A_114 = arith.constant 5 : i32
    %dma_start3A_115 = arith.constant 0 : i32
    %dma_start3A_116 = tpu.memref_slice %arg6[%dma_start3A_114, %dma_start3A_115] : memref<10x1000xi32, #tpu.memory_space<vmem>> -> memref<1x1000xi32, #tpu.memory_space<vmem>>
    %dma_start3A_117 = tpu.memref_squeeze %dma_start3A_116 : memref<1x1000xi32, #tpu.memory_space<vmem>> -> memref<1000xi32, #tpu.memory_space<vmem>>
    %dma_start3A_118 = tpu.memref_slice %arg3[%add3A_113] : memref<640000xi32, #tpu.memory_space<hbm>> -> memref<1000xi32, #tpu.memory_space<hbm>>
    %dma_start3A_119 = arith.constant 0 : i32
    %dma_start3A_120 = tpu.memref_slice %arg6[%dma_start3A_114, %dma_start3A_119] : memref<10x1000xi32, #tpu.memory_space<vmem>> -> memref<1x1000xi32, #tpu.memory_space<vmem>>
    %dma_start3A_121 = tpu.memref_squeeze %dma_start3A_120 : memref<1x1000xi32, #tpu.memory_space<vmem>> -> memref<1000xi32, #tpu.memory_space<vmem>>
    %dma_start3A_122 = tpu.memref_slice %arg3[%add3A_113] : memref<640000xi32, #tpu.memory_space<hbm>> -> memref<1000xi32, #tpu.memory_space<hbm>>
    tpu.enqueue_dma source(%dma_start3A_122 : memref<1000xi32, #tpu.memory_space<hbm>>) target(%dma_start3A_121 : memref<1000xi32, #tpu.memory_space<vmem>>) target_semaphore(%arg12 : memref<!tpu.dma_semaphore, #tpu.memory_space<semaphore_mem>>)
    %add3A_123 = arith.constant 320000 : i32
    %add3A_124 = arith.addi %add3A_123, %add3A_113 : i32
    %dma_start3A_125 = arith.constant 5 : i32
    %dma_start3A_126 = arith.constant 0 : i32
    %dma_start3A_127 = tpu.memref_slice %arg7[%dma_start3A_125, %dma_start3A_126] : memref<10x1000xi32, #tpu.memory_space<vmem>> -> memref<1x1000xi32, #tpu.memory_space<vmem>>
    %dma_start3A_128 = tpu.memref_squeeze %dma_start3A_127 : memref<1x1000xi32, #tpu.memory_space<vmem>> -> memref<1000xi32, #tpu.memory_space<vmem>>
    %dma_start3A_129 = tpu.memref_slice %arg3[%add3A_124] : memref<640000xi32, #tpu.memory_space<hbm>> -> memref<1000xi32, #tpu.memory_space<hbm>>
    %dma_start3A_130 = arith.constant 0 : i32
    %dma_start3A_131 = tpu.memref_slice %arg7[%dma_start3A_125, %dma_start3A_130] : memref<10x1000xi32, #tpu.memory_space<vmem>> -> memref<1x1000xi32, #tpu.memory_space<vmem>>
    %dma_start3A_132 = tpu.memref_squeeze %dma_start3A_131 : memref<1x1000xi32, #tpu.memory_space<vmem>> -> memref<1000xi32, #tpu.memory_space<vmem>>
    %dma_start3A_133 = tpu.memref_slice %arg3[%add3A_124] : memref<640000xi32, #tpu.memory_space<hbm>> -> memref<1000xi32, #tpu.memory_space<hbm>>
    tpu.enqueue_dma source(%dma_start3A_133 : memref<1000xi32, #tpu.memory_space<hbm>>) target(%dma_start3A_132 : memref<1000xi32, #tpu.memory_space<vmem>>) target_semaphore(%arg12 : memref<!tpu.dma_semaphore, #tpu.memory_space<semaphore_mem>>)
    %add3A_134 = arith.constant 6000 : i32
    %add3A_135 = arith.addi %mul3A_2, %add3A_134 : i32
    %dma_start3A_136 = arith.constant 6 : i32
    %dma_start3A_137 = arith.constant 0 : i32
    %dma_start3A_138 = tpu.memref_slice %arg6[%dma_start3A_136, %dma_start3A_137] : memref<10x1000xi32, #tpu.memory_space<vmem>> -> memref<1x1000xi32, #tpu.memory_space<vmem>>
    %dma_start3A_139 = tpu.memref_squeeze %dma_start3A_138 : memref<1x1000xi32, #tpu.memory_space<vmem>> -> memref<1000xi32, #tpu.memory_space<vmem>>
    %dma_start3A_140 = tpu.memref_slice %arg3[%add3A_135] : memref<640000xi32, #tpu.memory_space<hbm>> -> memref<1000xi32, #tpu.memory_space<hbm>>
    %dma_start3A_141 = arith.constant 0 : i32
    %dma_start3A_142 = tpu.memref_slice %arg6[%dma_start3A_136, %dma_start3A_141] : memref<10x1000xi32, #tpu.memory_space<vmem>> -> memref<1x1000xi32, #tpu.memory_space<vmem>>
    %dma_start3A_143 = tpu.memref_squeeze %dma_start3A_142 : memref<1x1000xi32, #tpu.memory_space<vmem>> -> memref<1000xi32, #tpu.memory_space<vmem>>
    %dma_start3A_144 = tpu.memref_slice %arg3[%add3A_135] : memref<640000xi32, #tpu.memory_space<hbm>> -> memref<1000xi32, #tpu.memory_space<hbm>>
    tpu.enqueue_dma source(%dma_start3A_144 : memref<1000xi32, #tpu.memory_space<hbm>>) target(%dma_start3A_143 : memref<1000xi32, #tpu.memory_space<vmem>>) target_semaphore(%arg12 : memref<!tpu.dma_semaphore, #tpu.memory_space<semaphore_mem>>)
    %add3A_145 = arith.constant 320000 : i32
    %add3A_146 = arith.addi %add3A_145, %add3A_135 : i32
    %dma_start3A_147 = arith.constant 6 : i32
    %dma_start3A_148 = arith.constant 0 : i32
    %dma_start3A_149 = tpu.memref_slice %arg7[%dma_start3A_147, %dma_start3A_148] : memref<10x1000xi32, #tpu.memory_space<vmem>> -> memref<1x1000xi32, #tpu.memory_space<vmem>>
    %dma_start3A_150 = tpu.memref_squeeze %dma_start3A_149 : memref<1x1000xi32, #tpu.memory_space<vmem>> -> memref<1000xi32, #tpu.memory_space<vmem>>
    %dma_start3A_151 = tpu.memref_slice %arg3[%add3A_146] : memref<640000xi32, #tpu.memory_space<hbm>> -> memref<1000xi32, #tpu.memory_space<hbm>>
    %dma_start3A_152 = arith.constant 0 : i32
    %dma_start3A_153 = tpu.memref_slice %arg7[%dma_start3A_147, %dma_start3A_152] : memref<10x1000xi32, #tpu.memory_space<vmem>> -> memref<1x1000xi32, #tpu.memory_space<vmem>>
    %dma_start3A_154 = tpu.memref_squeeze %dma_start3A_153 : memref<1x1000xi32, #tpu.memory_space<vmem>> -> memref<1000xi32, #tpu.memory_space<vmem>>
    %dma_start3A_155 = tpu.memref_slice %arg3[%add3A_146] : memref<640000xi32, #tpu.memory_space<hbm>> -> memref<1000xi32, #tpu.memory_space<hbm>>
    tpu.enqueue_dma source(%dma_start3A_155 : memref<1000xi32, #tpu.memory_space<hbm>>) target(%dma_start3A_154 : memref<1000xi32, #tpu.memory_space<vmem>>) target_semaphore(%arg12 : memref<!tpu.dma_semaphore, #tpu.memory_space<semaphore_mem>>)
    %add3A_156 = arith.constant 7000 : i32
    %add3A_157 = arith.addi %mul3A_2, %add3A_156 : i32
    %dma_start3A_158 = arith.constant 7 : i32
    %dma_start3A_159 = arith.constant 0 : i32
    %dma_start3A_160 = tpu.memref_slice %arg6[%dma_start3A_158, %dma_start3A_159] : memref<10x1000xi32, #tpu.memory_space<vmem>> -> memref<1x1000xi32, #tpu.memory_space<vmem>>
    %dma_start3A_161 = tpu.memref_squeeze %dma_start3A_160 : memref<1x1000xi32, #tpu.memory_space<vmem>> -> memref<1000xi32, #tpu.memory_space<vmem>>
    %dma_start3A_162 = tpu.memref_slice %arg3[%add3A_157] : memref<640000xi32, #tpu.memory_space<hbm>> -> memref<1000xi32, #tpu.memory_space<hbm>>
    %dma_start3A_163 = arith.constant 0 : i32
    %dma_start3A_164 = tpu.memref_slice %arg6[%dma_start3A_158, %dma_start3A_163] : memref<10x1000xi32, #tpu.memory_space<vmem>> -> memref<1x1000xi32, #tpu.memory_space<vmem>>
    %dma_start3A_165 = tpu.memref_squeeze %dma_start3A_164 : memref<1x1000xi32, #tpu.memory_space<vmem>> -> memref<1000xi32, #tpu.memory_space<vmem>>
    %dma_start3A_166 = tpu.memref_slice %arg3[%add3A_157] : memref<640000xi32, #tpu.memory_space<hbm>> -> memref<1000xi32, #tpu.memory_space<hbm>>
    tpu.enqueue_dma source(%dma_start3A_166 : memref<1000xi32, #tpu.memory_space<hbm>>) target(%dma_start3A_165 : memref<1000xi32, #tpu.memory_space<vmem>>) target_semaphore(%arg12 : memref<!tpu.dma_semaphore, #tpu.memory_space<semaphore_mem>>)
    %add3A_167 = arith.constant 320000 : i32
    %add3A_168 = arith.addi %add3A_167, %add3A_157 : i32
    %dma_start3A_169 = arith.constant 7 : i32
    %dma_start3A_170 = arith.constant 0 : i32
    %dma_start3A_171 = tpu.memref_slice %arg7[%dma_start3A_169, %dma_start3A_170] : memref<10x1000xi32, #tpu.memory_space<vmem>> -> memref<1x1000xi32, #tpu.memory_space<vmem>>
    %dma_start3A_172 = tpu.memref_squeeze %dma_start3A_171 : memref<1x1000xi32, #tpu.memory_space<vmem>> -> memref<1000xi32, #tpu.memory_space<vmem>>
    %dma_start3A_173 = tpu.memref_slice %arg3[%add3A_168] : memref<640000xi32, #tpu.memory_space<hbm>> -> memref<1000xi32, #tpu.memory_space<hbm>>
    %dma_start3A_174 = arith.constant 0 : i32
    %dma_start3A_175 = tpu.memref_slice %arg7[%dma_start3A_169, %dma_start3A_174] : memref<10x1000xi32, #tpu.memory_space<vmem>> -> memref<1x1000xi32, #tpu.memory_space<vmem>>
    %dma_start3A_176 = tpu.memref_squeeze %dma_start3A_175 : memref<1x1000xi32, #tpu.memory_space<vmem>> -> memref<1000xi32, #tpu.memory_space<vmem>>
    %dma_start3A_177 = tpu.memref_slice %arg3[%add3A_168] : memref<640000xi32, #tpu.memory_space<hbm>> -> memref<1000xi32, #tpu.memory_space<hbm>>
    tpu.enqueue_dma source(%dma_start3A_177 : memref<1000xi32, #tpu.memory_space<hbm>>) target(%dma_start3A_176 : memref<1000xi32, #tpu.memory_space<vmem>>) target_semaphore(%arg12 : memref<!tpu.dma_semaphore, #tpu.memory_space<semaphore_mem>>)
    %add3A_178 = arith.constant 8000 : i32
    %add3A_179 = arith.addi %mul3A_2, %add3A_178 : i32
    %dma_start3A_180 = arith.constant 8 : i32
    %dma_start3A_181 = arith.constant 0 : i32
    %dma_start3A_182 = tpu.memref_slice %arg6[%dma_start3A_180, %dma_start3A_181] : memref<10x1000xi32, #tpu.memory_space<vmem>> -> memref<1x1000xi32, #tpu.memory_space<vmem>>
    %dma_start3A_183 = tpu.memref_squeeze %dma_start3A_182 : memref<1x1000xi32, #tpu.memory_space<vmem>> -> memref<1000xi32, #tpu.memory_space<vmem>>
    %dma_start3A_184 = tpu.memref_slice %arg3[%add3A_179] : memref<640000xi32, #tpu.memory_space<hbm>> -> memref<1000xi32, #tpu.memory_space<hbm>>
    %dma_start3A_185 = arith.constant 0 : i32
    %dma_start3A_186 = tpu.memref_slice %arg6[%dma_start3A_180, %dma_start3A_185] : memref<10x1000xi32, #tpu.memory_space<vmem>> -> memref<1x1000xi32, #tpu.memory_space<vmem>>
    %dma_start3A_187 = tpu.memref_squeeze %dma_start3A_186 : memref<1x1000xi32, #tpu.memory_space<vmem>> -> memref<1000xi32, #tpu.memory_space<vmem>>
    %dma_start3A_188 = tpu.memref_slice %arg3[%add3A_179] : memref<640000xi32, #tpu.memory_space<hbm>> -> memref<1000xi32, #tpu.memory_space<hbm>>
    tpu.enqueue_dma source(%dma_start3A_188 : memref<1000xi32, #tpu.memory_space<hbm>>) target(%dma_start3A_187 : memref<1000xi32, #tpu.memory_space<vmem>>) target_semaphore(%arg12 : memref<!tpu.dma_semaphore, #tpu.memory_space<semaphore_mem>>)
    %add3A_189 = arith.constant 320000 : i32
    %add3A_190 = arith.addi %add3A_189, %add3A_179 : i32
    %dma_start3A_191 = arith.constant 8 : i32
    %dma_start3A_192 = arith.constant 0 : i32
    %dma_start3A_193 = tpu.memref_slice %arg7[%dma_start3A_191, %dma_start3A_192] : memref<10x1000xi32, #tpu.memory_space<vmem>> -> memref<1x1000xi32, #tpu.memory_space<vmem>>
    %dma_start3A_194 = tpu.memref_squeeze %dma_start3A_193 : memref<1x1000xi32, #tpu.memory_space<vmem>> -> memref<1000xi32, #tpu.memory_space<vmem>>
    %dma_start3A_195 = tpu.memref_slice %arg3[%add3A_190] : memref<640000xi32, #tpu.memory_space<hbm>> -> memref<1000xi32, #tpu.memory_space<hbm>>
    %dma_start3A_196 = arith.constant 0 : i32
    %dma_start3A_197 = tpu.memref_slice %arg7[%dma_start3A_191, %dma_start3A_196] : memref<10x1000xi32, #tpu.memory_space<vmem>> -> memref<1x1000xi32, #tpu.memory_space<vmem>>
    %dma_start3A_198 = tpu.memref_squeeze %dma_start3A_197 : memref<1x1000xi32, #tpu.memory_space<vmem>> -> memref<1000xi32, #tpu.memory_space<vmem>>
    %dma_start3A_199 = tpu.memref_slice %arg3[%add3A_190] : memref<640000xi32, #tpu.memory_space<hbm>> -> memref<1000xi32, #tpu.memory_space<hbm>>
    tpu.enqueue_dma source(%dma_start3A_199 : memref<1000xi32, #tpu.memory_space<hbm>>) target(%dma_start3A_198 : memref<1000xi32, #tpu.memory_space<vmem>>) target_semaphore(%arg12 : memref<!tpu.dma_semaphore, #tpu.memory_space<semaphore_mem>>)
    %add3A_200 = arith.constant 9000 : i32
    %add3A_201 = arith.addi %mul3A_2, %add3A_200 : i32
    %dma_start3A_202 = arith.constant 9 : i32
    %dma_start3A_203 = arith.constant 0 : i32
    %dma_start3A_204 = tpu.memref_slice %arg6[%dma_start3A_202, %dma_start3A_203] : memref<10x1000xi32, #tpu.memory_space<vmem>> -> memref<1x1000xi32, #tpu.memory_space<vmem>>
    %dma_start3A_205 = tpu.memref_squeeze %dma_start3A_204 : memref<1x1000xi32, #tpu.memory_space<vmem>> -> memref<1000xi32, #tpu.memory_space<vmem>>
    %dma_start3A_206 = tpu.memref_slice %arg3[%add3A_201] : memref<640000xi32, #tpu.memory_space<hbm>> -> memref<1000xi32, #tpu.memory_space<hbm>>
    %dma_start3A_207 = arith.constant 0 : i32
    %dma_start3A_208 = tpu.memref_slice %arg6[%dma_start3A_202, %dma_start3A_207] : memref<10x1000xi32, #tpu.memory_space<vmem>> -> memref<1x1000xi32, #tpu.memory_space<vmem>>
    %dma_start3A_209 = tpu.memref_squeeze %dma_start3A_208 : memref<1x1000xi32, #tpu.memory_space<vmem>> -> memref<1000xi32, #tpu.memory_space<vmem>>
    %dma_start3A_210 = tpu.memref_slice %arg3[%add3A_201] : memref<640000xi32, #tpu.memory_space<hbm>> -> memref<1000xi32, #tpu.memory_space<hbm>>
    tpu.enqueue_dma source(%dma_start3A_210 : memref<1000xi32, #tpu.memory_space<hbm>>) target(%dma_start3A_209 : memref<1000xi32, #tpu.memory_space<vmem>>) target_semaphore(%arg12 : memref<!tpu.dma_semaphore, #tpu.memory_space<semaphore_mem>>)
    %add3A_211 = arith.constant 320000 : i32
    %add3A_212 = arith.addi %add3A_211, %add3A_201 : i32
    %dma_start3A_213 = arith.constant 9 : i32
    %dma_start3A_214 = arith.constant 0 : i32
    %dma_start3A_215 = tpu.memref_slice %arg7[%dma_start3A_213, %dma_start3A_214] : memref<10x1000xi32, #tpu.memory_space<vmem>> -> memref<1x1000xi32, #tpu.memory_space<vmem>>
    %dma_start3A_216 = tpu.memref_squeeze %dma_start3A_215 : memref<1x1000xi32, #tpu.memory_space<vmem>> -> memref<1000xi32, #tpu.memory_space<vmem>>
    %dma_start3A_217 = tpu.memref_slice %arg3[%add3A_212] : memref<640000xi32, #tpu.memory_space<hbm>> -> memref<1000xi32, #tpu.memory_space<hbm>>
    %dma_start3A_218 = arith.constant 0 : i32
    %dma_start3A_219 = tpu.memref_slice %arg7[%dma_start3A_213, %dma_start3A_218] : memref<10x1000xi32, #tpu.memory_space<vmem>> -> memref<1x1000xi32, #tpu.memory_space<vmem>>
    %dma_start3A_220 = tpu.memref_squeeze %dma_start3A_219 : memref<1x1000xi32, #tpu.memory_space<vmem>> -> memref<1000xi32, #tpu.memory_space<vmem>>
    %dma_start3A_221 = tpu.memref_slice %arg3[%add3A_212] : memref<640000xi32, #tpu.memory_space<hbm>> -> memref<1000xi32, #tpu.memory_space<hbm>>
    tpu.enqueue_dma source(%dma_start3A_221 : memref<1000xi32, #tpu.memory_space<hbm>>) target(%dma_start3A_220 : memref<1000xi32, #tpu.memory_space<vmem>>) target_semaphore(%arg12 : memref<!tpu.dma_semaphore, #tpu.memory_space<semaphore_mem>>)
    %scan3A = arith.constant 0 : i32
    %scan3A_222 = arith.constant 0 : i32
    %scan3A_223 = arith.constant 625 : i32
    %scan3A_224 = arith.addi %scan3A_222, %scan3A_223 : i32
    %scan3A_225 = arith.constant 1 : i32
    %scan3A_226 = scf.for %scan3A_699 = %scan3A_222 to %scan3A_224 step %scan3A_225 iter_args(%scan3A_700 = %scan3A) -> (i32)  : i32 {
      %broadcast_in_dim3A = arith.constant 0.000000e+00 : f32
      %broadcast_in_dim3A_701 = vector.broadcast %broadcast_in_dim3A : f32 to vector<16xf32>
      %swap3A = arith.index_cast %scan3A_699 : i32 to index
      %swap3A_702 = arith.constant 0 : index
      %swap3A_703 = tpu.vector_load %arg8[%swap3A, %swap3A_702] {strides = array<i32>} : memref<1000x16xf32, #tpu.memory_space<vmem>>, vector<1x16xf32>,
      %swap3A_704 = vector.shape_cast %swap3A_703 : vector<1x16xf32> to vector<16xf32>
      %swap3A_705 = vector.shape_cast %broadcast_in_dim3A_701 : vector<16xf32> to vector<1x16xf32>
      tpu.vector_store %arg8[%swap3A, %swap3A_702], %swap3A_705 {strides = array<i32>} : memref<1000x16xf32, #tpu.memory_space<vmem>>, vector<1x16xf32>,
      %scan3A_706 = arith.constant 0 : i32
      scf.yield %scan3A_706 : i32
    }
    %scan3A_227 = arith.constant 625 : i32
    %mul3A_228 = arith.constant 625 : i32
    %mul3A_229 = arith.muli %arg1, %mul3A_228 : i32
    "tpu.region"() ({
      %run_scoped3A = tpu.sem_alloc : memref<!tpu.dma_semaphore, #tpu.memory_space<semaphore_mem>>
      %dma_start3A_699 = arith.constant 0 : i32
      %dma_start3A_700 = arith.constant 0 : i32
      %dma_start3A_701 = tpu.memref_slice %arg8[%dma_start3A_699, %dma_start3A_700] : memref<1000x16xf32, #tpu.memory_space<vmem>> -> memref<625x16xf32, #tpu.memory_space<vmem>>
      %dma_start3A_702 = arith.constant 0 : i32
      %dma_start3A_703 = tpu.memref_slice %arg11[%mul3A_229, %dma_start3A_702] : memref<10000x16xf32, #tpu.memory_space<vmem_shared>> -> memref<625x16xf32, #tpu.memory_space<vmem_shared>>
      %dma_start3A_704 = arith.constant 0 : i32
      %dma_start3A_705 = tpu.memref_slice %arg11[%mul3A_229, %dma_start3A_704] : memref<10000x16xf32, #tpu.memory_space<vmem_shared>> -> memref<625x16xf32, #tpu.memory_space<vmem_shared>>
      %dma_start3A_706 = arith.constant 0 : i32
      %dma_start3A_707 = arith.constant 0 : i32
      %dma_start3A_708 = tpu.memref_slice %arg8[%dma_start3A_706, %dma_start3A_707] : memref<1000x16xf32, #tpu.memory_space<vmem>> -> memref<625x16xf32, #tpu.memory_space<vmem>>
      tpu.enqueue_dma source(%dma_start3A_708 : memref<625x16xf32, #tpu.memory_space<vmem>>) target(%dma_start3A_705 : memref<625x16xf32, #tpu.memory_space<vmem_shared>>) target_semaphore(%run_scoped3A : memref<!tpu.dma_semaphore, #tpu.memory_space<semaphore_mem>>)
      %dma_wait3A_709 = arith.constant 0 : i32
      %dma_wait3A_710 = arith.constant 0 : i32
      %dma_wait3A_711 = tpu.memref_slice %arg8[%dma_wait3A_709, %dma_wait3A_710] : memref<1000x16xf32, #tpu.memory_space<vmem>> -> memref<625x16xf32, #tpu.memory_space<vmem>>
      %dma_wait3A_712 = arith.constant 0 : i32
      %dma_wait3A_713 = tpu.memref_slice %arg11[%mul3A_229, %dma_wait3A_712] : memref<10000x16xf32, #tpu.memory_space<vmem_shared>> -> memref<625x16xf32, #tpu.memory_space<vmem_shared>>
      %dma_wait3A_714 = arith.constant 0 : i32
      %dma_wait3A_715 = tpu.memref_slice %arg11[%mul3A_229, %dma_wait3A_714] : memref<10000x16xf32, #tpu.memory_space<vmem_shared>> -> memref<625x16xf32, #tpu.memory_space<vmem_shared>>
      %dma_wait3A_716 = arith.constant 0 : i32
      %dma_wait3A_717 = arith.constant 0 : i32
      %dma_wait3A_718 = tpu.memref_slice %arg8[%dma_wait3A_716, %dma_wait3A_717] : memref<1000x16xf32, #tpu.memory_space<vmem>> -> memref<625x16xf32, #tpu.memory_space<vmem>>
      tpu.wait_dma2 semaphore(%run_scoped3A : memref<!tpu.dma_semaphore, #tpu.memory_space<semaphore_mem>>) src(%dma_wait3A_718 : memref<625x16xf32, #tpu.memory_space<vmem>>) dst(%dma_wait3A_715 : memref<625x16xf32, #tpu.memory_space<vmem_shared>>)
      tpu.yield
    }) : () -> ()
    %barrier3A = arith.constant 0 : index
    tpu.barrier barrier_id(%barrier3A)
    %dma_wait3A = arith.constant 0 : i32
    %dma_wait3A_230 = arith.constant 0 : i32
    %dma_wait3A_231 = tpu.memref_slice %arg6[%dma_wait3A, %dma_wait3A_230] : memref<10x1000xi32, #tpu.memory_space<vmem>> -> memref<1x1000xi32, #tpu.memory_space<vmem>>
    %dma_wait3A_232 = tpu.memref_squeeze %dma_wait3A_231 : memref<1x1000xi32, #tpu.memory_space<vmem>> -> memref<1000xi32, #tpu.memory_space<vmem>>
    %dma_wait3A_233 = tpu.memref_slice %arg3[%add3A_4] : memref<640000xi32, #tpu.memory_space<hbm>> -> memref<1000xi32, #tpu.memory_space<hbm>>
    %dma_wait3A_234 = arith.constant 0 : i32
    %dma_wait3A_235 = tpu.memref_slice %arg6[%dma_wait3A, %dma_wait3A_234] : memref<10x1000xi32, #tpu.memory_space<vmem>> -> memref<1x1000xi32, #tpu.memory_space<vmem>>
    %dma_wait3A_236 = tpu.memref_squeeze %dma_wait3A_235 : memref<1x1000xi32, #tpu.memory_space<vmem>> -> memref<1000xi32, #tpu.memory_space<vmem>>
    %dma_wait3A_237 = tpu.memref_slice %arg3[%add3A_4] : memref<640000xi32, #tpu.memory_space<hbm>> -> memref<1000xi32, #tpu.memory_space<hbm>>
    tpu.wait_dma2 semaphore(%arg12 : memref<!tpu.dma_semaphore, #tpu.memory_space<semaphore_mem>>) src(%dma_wait3A_237 : memref<1000xi32, #tpu.memory_space<hbm>>) dst(%dma_wait3A_236 : memref<1000xi32, #tpu.memory_space<vmem>>)
    %dma_wait3A_238 = arith.constant 0 : i32
    %dma_wait3A_239 = arith.constant 0 : i32
    %dma_wait3A_240 = tpu.memref_slice %arg7[%dma_wait3A_238, %dma_wait3A_239] : memref<10x1000xi32, #tpu.memory_space<vmem>> -> memref<1x1000xi32, #tpu.memory_space<vmem>>
    %dma_wait3A_241 = tpu.memref_squeeze %dma_wait3A_240 : memref<1x1000xi32, #tpu.memory_space<vmem>> -> memref<1000xi32, #tpu.memory_space<vmem>>
    %dma_wait3A_242 = tpu.memref_slice %arg3[%add3A_14] : memref<640000xi32, #tpu.memory_space<hbm>> -> memref<1000xi32, #tpu.memory_space<hbm>>
    %dma_wait3A_243 = arith.constant 0 : i32
    %dma_wait3A_244 = tpu.memref_slice %arg7[%dma_wait3A_238, %dma_wait3A_243] : memref<10x1000xi32, #tpu.memory_space<vmem>> -> memref<1x1000xi32, #tpu.memory_space<vmem>>
    %dma_wait3A_245 = tpu.memref_squeeze %dma_wait3A_244 : memref<1x1000xi32, #tpu.memory_space<vmem>> -> memref<1000xi32, #tpu.memory_space<vmem>>
    %dma_wait3A_246 = tpu.memref_slice %arg3[%add3A_14] : memref<640000xi32, #tpu.memory_space<hbm>> -> memref<1000xi32, #tpu.memory_space<hbm>>
    tpu.wait_dma2 semaphore(%arg12 : memref<!tpu.dma_semaphore, #tpu.memory_space<semaphore_mem>>) src(%dma_wait3A_246 : memref<1000xi32, #tpu.memory_space<hbm>>) dst(%dma_wait3A_245 : memref<1000xi32, #tpu.memory_space<vmem>>)
    %dma_wait3A_247 = arith.constant 1 : i32
    %dma_wait3A_248 = arith.constant 0 : i32
    %dma_wait3A_249 = tpu.memref_slice %arg6[%dma_wait3A_247, %dma_wait3A_248] : memref<10x1000xi32, #tpu.memory_space<vmem>> -> memref<1x1000xi32, #tpu.memory_space<vmem>>
    %dma_wait3A_250 = tpu.memref_squeeze %dma_wait3A_249 : memref<1x1000xi32, #tpu.memory_space<vmem>> -> memref<1000xi32, #tpu.memory_space<vmem>>
    %dma_wait3A_251 = tpu.memref_slice %arg3[%add3A_25] : memref<640000xi32, #tpu.memory_space<hbm>> -> memref<1000xi32, #tpu.memory_space<hbm>>
    %dma_wait3A_252 = arith.constant 0 : i32
    %dma_wait3A_253 = tpu.memref_slice %arg6[%dma_wait3A_247, %dma_wait3A_252] : memref<10x1000xi32, #tpu.memory_space<vmem>> -> memref<1x1000xi32, #tpu.memory_space<vmem>>
    %dma_wait3A_254 = tpu.memref_squeeze %dma_wait3A_253 : memref<1x1000xi32, #tpu.memory_space<vmem>> -> memref<1000xi32, #tpu.memory_space<vmem>>
    %dma_wait3A_255 = tpu.memref_slice %arg3[%add3A_25] : memref<640000xi32, #tpu.memory_space<hbm>> -> memref<1000xi32, #tpu.memory_space<hbm>>
    tpu.wait_dma2 semaphore(%arg12 : memref<!tpu.dma_semaphore, #tpu.memory_space<semaphore_mem>>) src(%dma_wait3A_255 : memref<1000xi32, #tpu.memory_space<hbm>>) dst(%dma_wait3A_254 : memref<1000xi32, #tpu.memory_space<vmem>>)
    %dma_wait3A_256 = arith.constant 1 : i32
    %dma_wait3A_257 = arith.constant 0 : i32
    %dma_wait3A_258 = tpu.memref_slice %arg7[%dma_wait3A_256, %dma_wait3A_257] : memref<10x1000xi32, #tpu.memory_space<vmem>> -> memref<1x1000xi32, #tpu.memory_space<vmem>>
    %dma_wait3A_259 = tpu.memref_squeeze %dma_wait3A_258 : memref<1x1000xi32, #tpu.memory_space<vmem>> -> memref<1000xi32, #tpu.memory_space<vmem>>
    %dma_wait3A_260 = tpu.memref_slice %arg3[%add3A_36] : memref<640000xi32, #tpu.memory_space<hbm>> -> memref<1000xi32, #tpu.memory_space<hbm>>
    %dma_wait3A_261 = arith.constant 0 : i32
    %dma_wait3A_262 = tpu.memref_slice %arg7[%dma_wait3A_256, %dma_wait3A_261] : memref<10x1000xi32, #tpu.memory_space<vmem>> -> memref<1x1000xi32, #tpu.memory_space<vmem>>
    %dma_wait3A_263 = tpu.memref_squeeze %dma_wait3A_262 : memref<1x1000xi32, #tpu.memory_space<vmem>> -> memref<1000xi32, #tpu.memory_space<vmem>>
    %dma_wait3A_264 = tpu.memref_slice %arg3[%add3A_36] : memref<640000xi32, #tpu.memory_space<hbm>> -> memref<1000xi32, #tpu.memory_space<hbm>>
    tpu.wait_dma2 semaphore(%arg12 : memref<!tpu.dma_semaphore, #tpu.memory_space<semaphore_mem>>) src(%dma_wait3A_264 : memref<1000xi32, #tpu.memory_space<hbm>>) dst(%dma_wait3A_263 : memref<1000xi32, #tpu.memory_space<vmem>>)
    %dma_wait3A_265 = arith.constant 2 : i32
    %dma_wait3A_266 = arith.constant 0 : i32
    %dma_wait3A_267 = tpu.memref_slice %arg6[%dma_wait3A_265, %dma_wait3A_266] : memref<10x1000xi32, #tpu.memory_space<vmem>> -> memref<1x1000xi32, #tpu.memory_space<vmem>>
    %dma_wait3A_268 = tpu.memref_squeeze %dma_wait3A_267 : memref<1x1000xi32, #tpu.memory_space<vmem>> -> memref<1000xi32, #tpu.memory_space<vmem>>
    %dma_wait3A_269 = tpu.memref_slice %arg3[%add3A_47] : memref<640000xi32, #tpu.memory_space<hbm>> -> memref<1000xi32, #tpu.memory_space<hbm>>
    %dma_wait3A_270 = arith.constant 0 : i32
    %dma_wait3A_271 = tpu.memref_slice %arg6[%dma_wait3A_265, %dma_wait3A_270] : memref<10x1000xi32, #tpu.memory_space<vmem>> -> memref<1x1000xi32, #tpu.memory_space<vmem>>
    %dma_wait3A_272 = tpu.memref_squeeze %dma_wait3A_271 : memref<1x1000xi32, #tpu.memory_space<vmem>> -> memref<1000xi32, #tpu.memory_space<vmem>>
    %dma_wait3A_273 = tpu.memref_slice %arg3[%add3A_47] : memref<640000xi32, #tpu.memory_space<hbm>> -> memref<1000xi32, #tpu.memory_space<hbm>>
    tpu.wait_dma2 semaphore(%arg12 : memref<!tpu.dma_semaphore, #tpu.memory_space<semaphore_mem>>) src(%dma_wait3A_273 : memref<1000xi32, #tpu.memory_space<hbm>>) dst(%dma_wait3A_272 : memref<1000xi32, #tpu.memory_space<vmem>>)
    %dma_wait3A_274 = arith.constant 2 : i32
    %dma_wait3A_275 = arith.constant 0 : i32
    %dma_wait3A_276 = tpu.memref_slice %arg7[%dma_wait3A_274, %dma_wait3A_275] : memref<10x1000xi32, #tpu.memory_space<vmem>> -> memref<1x1000xi32, #tpu.memory_space<vmem>>
    %dma_wait3A_277 = tpu.memref_squeeze %dma_wait3A_276 : memref<1x1000xi32, #tpu.memory_space<vmem>> -> memref<1000xi32, #tpu.memory_space<vmem>>
    %dma_wait3A_278 = tpu.memref_slice %arg3[%add3A_58] : memref<640000xi32, #tpu.memory_space<hbm>> -> memref<1000xi32, #tpu.memory_space<hbm>>
    %dma_wait3A_279 = arith.constant 0 : i32
    %dma_wait3A_280 = tpu.memref_slice %arg7[%dma_wait3A_274, %dma_wait3A_279] : memref<10x1000xi32, #tpu.memory_space<vmem>> -> memref<1x1000xi32, #tpu.memory_space<vmem>>
    %dma_wait3A_281 = tpu.memref_squeeze %dma_wait3A_280 : memref<1x1000xi32, #tpu.memory_space<vmem>> -> memref<1000xi32, #tpu.memory_space<vmem>>
    %dma_wait3A_282 = tpu.memref_slice %arg3[%add3A_58] : memref<640000xi32, #tpu.memory_space<hbm>> -> memref<1000xi32, #tpu.memory_space<hbm>>
    tpu.wait_dma2 semaphore(%arg12 : memref<!tpu.dma_semaphore, #tpu.memory_space<semaphore_mem>>) src(%dma_wait3A_282 : memref<1000xi32, #tpu.memory_space<hbm>>) dst(%dma_wait3A_281 : memref<1000xi32, #tpu.memory_space<vmem>>)
    %dma_wait3A_283 = arith.constant 3 : i32
    %dma_wait3A_284 = arith.constant 0 : i32
    %dma_wait3A_285 = tpu.memref_slice %arg6[%dma_wait3A_283, %dma_wait3A_284] : memref<10x1000xi32, #tpu.memory_space<vmem>> -> memref<1x1000xi32, #tpu.memory_space<vmem>>
    %dma_wait3A_286 = tpu.memref_squeeze %dma_wait3A_285 : memref<1x1000xi32, #tpu.memory_space<vmem>> -> memref<1000xi32, #tpu.memory_space<vmem>>
    %dma_wait3A_287 = tpu.memref_slice %arg3[%add3A_69] : memref<640000xi32, #tpu.memory_space<hbm>> -> memref<1000xi32, #tpu.memory_space<hbm>>
    %dma_wait3A_288 = arith.constant 0 : i32
    %dma_wait3A_289 = tpu.memref_slice %arg6[%dma_wait3A_283, %dma_wait3A_288] : memref<10x1000xi32, #tpu.memory_space<vmem>> -> memref<1x1000xi32, #tpu.memory_space<vmem>>
    %dma_wait3A_290 = tpu.memref_squeeze %dma_wait3A_289 : memref<1x1000xi32, #tpu.memory_space<vmem>> -> memref<1000xi32, #tpu.memory_space<vmem>>
    %dma_wait3A_291 = tpu.memref_slice %arg3[%add3A_69] : memref<640000xi32, #tpu.memory_space<hbm>> -> memref<1000xi32, #tpu.memory_space<hbm>>
    tpu.wait_dma2 semaphore(%arg12 : memref<!tpu.dma_semaphore, #tpu.memory_space<semaphore_mem>>) src(%dma_wait3A_291 : memref<1000xi32, #tpu.memory_space<hbm>>) dst(%dma_wait3A_290 : memref<1000xi32, #tpu.memory_space<vmem>>)
    %dma_wait3A_292 = arith.constant 3 : i32
    %dma_wait3A_293 = arith.constant 0 : i32
    %dma_wait3A_294 = tpu.memref_slice %arg7[%dma_wait3A_292, %dma_wait3A_293] : memref<10x1000xi32, #tpu.memory_space<vmem>> -> memref<1x1000xi32, #tpu.memory_space<vmem>>
    %dma_wait3A_295 = tpu.memref_squeeze %dma_wait3A_294 : memref<1x1000xi32, #tpu.memory_space<vmem>> -> memref<1000xi32, #tpu.memory_space<vmem>>
    %dma_wait3A_296 = tpu.memref_slice %arg3[%add3A_80] : memref<640000xi32, #tpu.memory_space<hbm>> -> memref<1000xi32, #tpu.memory_space<hbm>>
    %dma_wait3A_297 = arith.constant 0 : i32
    %dma_wait3A_298 = tpu.memref_slice %arg7[%dma_wait3A_292, %dma_wait3A_297] : memref<10x1000xi32, #tpu.memory_space<vmem>> -> memref<1x1000xi32, #tpu.memory_space<vmem>>
    %dma_wait3A_299 = tpu.memref_squeeze %dma_wait3A_298 : memref<1x1000xi32, #tpu.memory_space<vmem>> -> memref<1000xi32, #tpu.memory_space<vmem>>
    %dma_wait3A_300 = tpu.memref_slice %arg3[%add3A_80] : memref<640000xi32, #tpu.memory_space<hbm>> -> memref<1000xi32, #tpu.memory_space<hbm>>
    tpu.wait_dma2 semaphore(%arg12 : memref<!tpu.dma_semaphore, #tpu.memory_space<semaphore_mem>>) src(%dma_wait3A_300 : memref<1000xi32, #tpu.memory_space<hbm>>) dst(%dma_wait3A_299 : memref<1000xi32, #tpu.memory_space<vmem>>)
    %dma_wait3A_301 = arith.constant 4 : i32
    %dma_wait3A_302 = arith.constant 0 : i32
    %dma_wait3A_303 = tpu.memref_slice %arg6[%dma_wait3A_301, %dma_wait3A_302] : memref<10x1000xi32, #tpu.memory_space<vmem>> -> memref<1x1000xi32, #tpu.memory_space<vmem>>
    %dma_wait3A_304 = tpu.memref_squeeze %dma_wait3A_303 : memref<1x1000xi32, #tpu.memory_space<vmem>> -> memref<1000xi32, #tpu.memory_space<vmem>>
    %dma_wait3A_305 = tpu.memref_slice %arg3[%add3A_91] : memref<640000xi32, #tpu.memory_space<hbm>> -> memref<1000xi32, #tpu.memory_space<hbm>>
    %dma_wait3A_306 = arith.constant 0 : i32
    %dma_wait3A_307 = tpu.memref_slice %arg6[%dma_wait3A_301, %dma_wait3A_306] : memref<10x1000xi32, #tpu.memory_space<vmem>> -> memref<1x1000xi32, #tpu.memory_space<vmem>>
    %dma_wait3A_308 = tpu.memref_squeeze %dma_wait3A_307 : memref<1x1000xi32, #tpu.memory_space<vmem>> -> memref<1000xi32, #tpu.memory_space<vmem>>
    %dma_wait3A_309 = tpu.memref_slice %arg3[%add3A_91] : memref<640000xi32, #tpu.memory_space<hbm>> -> memref<1000xi32, #tpu.memory_space<hbm>>
    tpu.wait_dma2 semaphore(%arg12 : memref<!tpu.dma_semaphore, #tpu.memory_space<semaphore_mem>>) src(%dma_wait3A_309 : memref<1000xi32, #tpu.memory_space<hbm>>) dst(%dma_wait3A_308 : memref<1000xi32, #tpu.memory_space<vmem>>)
    %dma_wait3A_310 = arith.constant 4 : i32
    %dma_wait3A_311 = arith.constant 0 : i32
    %dma_wait3A_312 = tpu.memref_slice %arg7[%dma_wait3A_310, %dma_wait3A_311] : memref<10x1000xi32, #tpu.memory_space<vmem>> -> memref<1x1000xi32, #tpu.memory_space<vmem>>
    %dma_wait3A_313 = tpu.memref_squeeze %dma_wait3A_312 : memref<1x1000xi32, #tpu.memory_space<vmem>> -> memref<1000xi32, #tpu.memory_space<vmem>>
    %dma_wait3A_314 = tpu.memref_slice %arg3[%add3A_102] : memref<640000xi32, #tpu.memory_space<hbm>> -> memref<1000xi32, #tpu.memory_space<hbm>>
    %dma_wait3A_315 = arith.constant 0 : i32
    %dma_wait3A_316 = tpu.memref_slice %arg7[%dma_wait3A_310, %dma_wait3A_315] : memref<10x1000xi32, #tpu.memory_space<vmem>> -> memref<1x1000xi32, #tpu.memory_space<vmem>>
    %dma_wait3A_317 = tpu.memref_squeeze %dma_wait3A_316 : memref<1x1000xi32, #tpu.memory_space<vmem>> -> memref<1000xi32, #tpu.memory_space<vmem>>
    %dma_wait3A_318 = tpu.memref_slice %arg3[%add3A_102] : memref<640000xi32, #tpu.memory_space<hbm>> -> memref<1000xi32, #tpu.memory_space<hbm>>
    tpu.wait_dma2 semaphore(%arg12 : memref<!tpu.dma_semaphore, #tpu.memory_space<semaphore_mem>>) src(%dma_wait3A_318 : memref<1000xi32, #tpu.memory_space<hbm>>) dst(%dma_wait3A_317 : memref<1000xi32, #tpu.memory_space<vmem>>)
    %dma_wait3A_319 = arith.constant 5 : i32
    %dma_wait3A_320 = arith.constant 0 : i32
    %dma_wait3A_321 = tpu.memref_slice %arg6[%dma_wait3A_319, %dma_wait3A_320] : memref<10x1000xi32, #tpu.memory_space<vmem>> -> memref<1x1000xi32, #tpu.memory_space<vmem>>
    %dma_wait3A_322 = tpu.memref_squeeze %dma_wait3A_321 : memref<1x1000xi32, #tpu.memory_space<vmem>> -> memref<1000xi32, #tpu.memory_space<vmem>>
    %dma_wait3A_323 = tpu.memref_slice %arg3[%add3A_113] : memref<640000xi32, #tpu.memory_space<hbm>> -> memref<1000xi32, #tpu.memory_space<hbm>>
    %dma_wait3A_324 = arith.constant 0 : i32
    %dma_wait3A_325 = tpu.memref_slice %arg6[%dma_wait3A_319, %dma_wait3A_324] : memref<10x1000xi32, #tpu.memory_space<vmem>> -> memref<1x1000xi32, #tpu.memory_space<vmem>>
    %dma_wait3A_326 = tpu.memref_squeeze %dma_wait3A_325 : memref<1x1000xi32, #tpu.memory_space<vmem>> -> memref<1000xi32, #tpu.memory_space<vmem>>
    %dma_wait3A_327 = tpu.memref_slice %arg3[%add3A_113] : memref<640000xi32, #tpu.memory_space<hbm>> -> memref<1000xi32, #tpu.memory_space<hbm>>
    tpu.wait_dma2 semaphore(%arg12 : memref<!tpu.dma_semaphore, #tpu.memory_space<semaphore_mem>>) src(%dma_wait3A_327 : memref<1000xi32, #tpu.memory_space<hbm>>) dst(%dma_wait3A_326 : memref<1000xi32, #tpu.memory_space<vmem>>)
    %dma_wait3A_328 = arith.constant 5 : i32
    %dma_wait3A_329 = arith.constant 0 : i32
    %dma_wait3A_330 = tpu.memref_slice %arg7[%dma_wait3A_328, %dma_wait3A_329] : memref<10x1000xi32, #tpu.memory_space<vmem>> -> memref<1x1000xi32, #tpu.memory_space<vmem>>
    %dma_wait3A_331 = tpu.memref_squeeze %dma_wait3A_330 : memref<1x1000xi32, #tpu.memory_space<vmem>> -> memref<1000xi32, #tpu.memory_space<vmem>>
    %dma_wait3A_332 = tpu.memref_slice %arg3[%add3A_124] : memref<640000xi32, #tpu.memory_space<hbm>> -> memref<1000xi32, #tpu.memory_space<hbm>>
    %dma_wait3A_333 = arith.constant 0 : i32
    %dma_wait3A_334 = tpu.memref_slice %arg7[%dma_wait3A_328, %dma_wait3A_333] : memref<10x1000xi32, #tpu.memory_space<vmem>> -> memref<1x1000xi32, #tpu.memory_space<vmem>>
    %dma_wait3A_335 = tpu.memref_squeeze %dma_wait3A_334 : memref<1x1000xi32, #tpu.memory_space<vmem>> -> memref<1000xi32, #tpu.memory_space<vmem>>
    %dma_wait3A_336 = tpu.memref_slice %arg3[%add3A_124] : memref<640000xi32, #tpu.memory_space<hbm>> -> memref<1000xi32, #tpu.memory_space<hbm>>
    tpu.wait_dma2 semaphore(%arg12 : memref<!tpu.dma_semaphore, #tpu.memory_space<semaphore_mem>>) src(%dma_wait3A_336 : memref<1000xi32, #tpu.memory_space<hbm>>) dst(%dma_wait3A_335 : memref<1000xi32, #tpu.memory_space<vmem>>)
    %dma_wait3A_337 = arith.constant 6 : i32
    %dma_wait3A_338 = arith.constant 0 : i32
    %dma_wait3A_339 = tpu.memref_slice %arg6[%dma_wait3A_337, %dma_wait3A_338] : memref<10x1000xi32, #tpu.memory_space<vmem>> -> memref<1x1000xi32, #tpu.memory_space<vmem>>
    %dma_wait3A_340 = tpu.memref_squeeze %dma_wait3A_339 : memref<1x1000xi32, #tpu.memory_space<vmem>> -> memref<1000xi32, #tpu.memory_space<vmem>>
    %dma_wait3A_341 = tpu.memref_slice %arg3[%add3A_135] : memref<640000xi32, #tpu.memory_space<hbm>> -> memref<1000xi32, #tpu.memory_space<hbm>>
    %dma_wait3A_342 = arith.constant 0 : i32
    %dma_wait3A_343 = tpu.memref_slice %arg6[%dma_wait3A_337, %dma_wait3A_342] : memref<10x1000xi32, #tpu.memory_space<vmem>> -> memref<1x1000xi32, #tpu.memory_space<vmem>>
    %dma_wait3A_344 = tpu.memref_squeeze %dma_wait3A_343 : memref<1x1000xi32, #tpu.memory_space<vmem>> -> memref<1000xi32, #tpu.memory_space<vmem>>
    %dma_wait3A_345 = tpu.memref_slice %arg3[%add3A_135] : memref<640000xi32, #tpu.memory_space<hbm>> -> memref<1000xi32, #tpu.memory_space<hbm>>
    tpu.wait_dma2 semaphore(%arg12 : memref<!tpu.dma_semaphore, #tpu.memory_space<semaphore_mem>>) src(%dma_wait3A_345 : memref<1000xi32, #tpu.memory_space<hbm>>) dst(%dma_wait3A_344 : memref<1000xi32, #tpu.memory_space<vmem>>)
    %dma_wait3A_346 = arith.constant 6 : i32
    %dma_wait3A_347 = arith.constant 0 : i32
    %dma_wait3A_348 = tpu.memref_slice %arg7[%dma_wait3A_346, %dma_wait3A_347] : memref<10x1000xi32, #tpu.memory_space<vmem>> -> memref<1x1000xi32, #tpu.memory_space<vmem>>
    %dma_wait3A_349 = tpu.memref_squeeze %dma_wait3A_348 : memref<1x1000xi32, #tpu.memory_space<vmem>> -> memref<1000xi32, #tpu.memory_space<vmem>>
    %dma_wait3A_350 = tpu.memref_slice %arg3[%add3A_146] : memref<640000xi32, #tpu.memory_space<hbm>> -> memref<1000xi32, #tpu.memory_space<hbm>>
    %dma_wait3A_351 = arith.constant 0 : i32
    %dma_wait3A_352 = tpu.memref_slice %arg7[%dma_wait3A_346, %dma_wait3A_351] : memref<10x1000xi32, #tpu.memory_space<vmem>> -> memref<1x1000xi32, #tpu.memory_space<vmem>>
    %dma_wait3A_353 = tpu.memref_squeeze %dma_wait3A_352 : memref<1x1000xi32, #tpu.memory_space<vmem>> -> memref<1000xi32, #tpu.memory_space<vmem>>
    %dma_wait3A_354 = tpu.memref_slice %arg3[%add3A_146] : memref<640000xi32, #tpu.memory_space<hbm>> -> memref<1000xi32, #tpu.memory_space<hbm>>
    tpu.wait_dma2 semaphore(%arg12 : memref<!tpu.dma_semaphore, #tpu.memory_space<semaphore_mem>>) src(%dma_wait3A_354 : memref<1000xi32, #tpu.memory_space<hbm>>) dst(%dma_wait3A_353 : memref<1000xi32, #tpu.memory_space<vmem>>)
    %dma_wait3A_355 = arith.constant 7 : i32
    %dma_wait3A_356 = arith.constant 0 : i32
    %dma_wait3A_357 = tpu.memref_slice %arg6[%dma_wait3A_355, %dma_wait3A_356] : memref<10x1000xi32, #tpu.memory_space<vmem>> -> memref<1x1000xi32, #tpu.memory_space<vmem>>
    %dma_wait3A_358 = tpu.memref_squeeze %dma_wait3A_357 : memref<1x1000xi32, #tpu.memory_space<vmem>> -> memref<1000xi32, #tpu.memory_space<vmem>>
    %dma_wait3A_359 = tpu.memref_slice %arg3[%add3A_157] : memref<640000xi32, #tpu.memory_space<hbm>> -> memref<1000xi32, #tpu.memory_space<hbm>>
    %dma_wait3A_360 = arith.constant 0 : i32
    %dma_wait3A_361 = tpu.memref_slice %arg6[%dma_wait3A_355, %dma_wait3A_360] : memref<10x1000xi32, #tpu.memory_space<vmem>> -> memref<1x1000xi32, #tpu.memory_space<vmem>>
    %dma_wait3A_362 = tpu.memref_squeeze %dma_wait3A_361 : memref<1x1000xi32, #tpu.memory_space<vmem>> -> memref<1000xi32, #tpu.memory_space<vmem>>
    %dma_wait3A_363 = tpu.memref_slice %arg3[%add3A_157] : memref<640000xi32, #tpu.memory_space<hbm>> -> memref<1000xi32, #tpu.memory_space<hbm>>
    tpu.wait_dma2 semaphore(%arg12 : memref<!tpu.dma_semaphore, #tpu.memory_space<semaphore_mem>>) src(%dma_wait3A_363 : memref<1000xi32, #tpu.memory_space<hbm>>) dst(%dma_wait3A_362 : memref<1000xi32, #tpu.memory_space<vmem>>)
    %dma_wait3A_364 = arith.constant 7 : i32
    %dma_wait3A_365 = arith.constant 0 : i32
    %dma_wait3A_366 = tpu.memref_slice %arg7[%dma_wait3A_364, %dma_wait3A_365] : memref<10x1000xi32, #tpu.memory_space<vmem>> -> memref<1x1000xi32, #tpu.memory_space<vmem>>
    %dma_wait3A_367 = tpu.memref_squeeze %dma_wait3A_366 : memref<1x1000xi32, #tpu.memory_space<vmem>> -> memref<1000xi32, #tpu.memory_space<vmem>>
    %dma_wait3A_368 = tpu.memref_slice %arg3[%add3A_168] : memref<640000xi32, #tpu.memory_space<hbm>> -> memref<1000xi32, #tpu.memory_space<hbm>>
    %dma_wait3A_369 = arith.constant 0 : i32
    %dma_wait3A_370 = tpu.memref_slice %arg7[%dma_wait3A_364, %dma_wait3A_369] : memref<10x1000xi32, #tpu.memory_space<vmem>> -> memref<1x1000xi32, #tpu.memory_space<vmem>>
    %dma_wait3A_371 = tpu.memref_squeeze %dma_wait3A_370 : memref<1x1000xi32, #tpu.memory_space<vmem>> -> memref<1000xi32, #tpu.memory_space<vmem>>
    %dma_wait3A_372 = tpu.memref_slice %arg3[%add3A_168] : memref<640000xi32, #tpu.memory_space<hbm>> -> memref<1000xi32, #tpu.memory_space<hbm>>
    tpu.wait_dma2 semaphore(%arg12 : memref<!tpu.dma_semaphore, #tpu.memory_space<semaphore_mem>>) src(%dma_wait3A_372 : memref<1000xi32, #tpu.memory_space<hbm>>) dst(%dma_wait3A_371 : memref<1000xi32, #tpu.memory_space<vmem>>)
    %dma_wait3A_373 = arith.constant 8 : i32
    %dma_wait3A_374 = arith.constant 0 : i32
    %dma_wait3A_375 = tpu.memref_slice %arg6[%dma_wait3A_373, %dma_wait3A_374] : memref<10x1000xi32, #tpu.memory_space<vmem>> -> memref<1x1000xi32, #tpu.memory_space<vmem>>
    %dma_wait3A_376 = tpu.memref_squeeze %dma_wait3A_375 : memref<1x1000xi32, #tpu.memory_space<vmem>> -> memref<1000xi32, #tpu.memory_space<vmem>>
    %dma_wait3A_377 = tpu.memref_slice %arg3[%add3A_179] : memref<640000xi32, #tpu.memory_space<hbm>> -> memref<1000xi32, #tpu.memory_space<hbm>>
    %dma_wait3A_378 = arith.constant 0 : i32
    %dma_wait3A_379 = tpu.memref_slice %arg6[%dma_wait3A_373, %dma_wait3A_378] : memref<10x1000xi32, #tpu.memory_space<vmem>> -> memref<1x1000xi32, #tpu.memory_space<vmem>>
    %dma_wait3A_380 = tpu.memref_squeeze %dma_wait3A_379 : memref<1x1000xi32, #tpu.memory_space<vmem>> -> memref<1000xi32, #tpu.memory_space<vmem>>
    %dma_wait3A_381 = tpu.memref_slice %arg3[%add3A_179] : memref<640000xi32, #tpu.memory_space<hbm>> -> memref<1000xi32, #tpu.memory_space<hbm>>
    tpu.wait_dma2 semaphore(%arg12 : memref<!tpu.dma_semaphore, #tpu.memory_space<semaphore_mem>>) src(%dma_wait3A_381 : memref<1000xi32, #tpu.memory_space<hbm>>) dst(%dma_wait3A_380 : memref<1000xi32, #tpu.memory_space<vmem>>)
    %dma_wait3A_382 = arith.constant 8 : i32
    %dma_wait3A_383 = arith.constant 0 : i32
    %dma_wait3A_384 = tpu.memref_slice %arg7[%dma_wait3A_382, %dma_wait3A_383] : memref<10x1000xi32, #tpu.memory_space<vmem>> -> memref<1x1000xi32, #tpu.memory_space<vmem>>
    %dma_wait3A_385 = tpu.memref_squeeze %dma_wait3A_384 : memref<1x1000xi32, #tpu.memory_space<vmem>> -> memref<1000xi32, #tpu.memory_space<vmem>>
    %dma_wait3A_386 = tpu.memref_slice %arg3[%add3A_190] : memref<640000xi32, #tpu.memory_space<hbm>> -> memref<1000xi32, #tpu.memory_space<hbm>>
    %dma_wait3A_387 = arith.constant 0 : i32
    %dma_wait3A_388 = tpu.memref_slice %arg7[%dma_wait3A_382, %dma_wait3A_387] : memref<10x1000xi32, #tpu.memory_space<vmem>> -> memref<1x1000xi32, #tpu.memory_space<vmem>>
    %dma_wait3A_389 = tpu.memref_squeeze %dma_wait3A_388 : memref<1x1000xi32, #tpu.memory_space<vmem>> -> memref<1000xi32, #tpu.memory_space<vmem>>
    %dma_wait3A_390 = tpu.memref_slice %arg3[%add3A_190] : memref<640000xi32, #tpu.memory_space<hbm>> -> memref<1000xi32, #tpu.memory_space<hbm>>
    tpu.wait_dma2 semaphore(%arg12 : memref<!tpu.dma_semaphore, #tpu.memory_space<semaphore_mem>>) src(%dma_wait3A_390 : memref<1000xi32, #tpu.memory_space<hbm>>) dst(%dma_wait3A_389 : memref<1000xi32, #tpu.memory_space<vmem>>)
    %dma_wait3A_391 = arith.constant 9 : i32
    %dma_wait3A_392 = arith.constant 0 : i32
    %dma_wait3A_393 = tpu.memref_slice %arg6[%dma_wait3A_391, %dma_wait3A_392] : memref<10x1000xi32, #tpu.memory_space<vmem>> -> memref<1x1000xi32, #tpu.memory_space<vmem>>
    %dma_wait3A_394 = tpu.memref_squeeze %dma_wait3A_393 : memref<1x1000xi32, #tpu.memory_space<vmem>> -> memref<1000xi32, #tpu.memory_space<vmem>>
    %dma_wait3A_395 = tpu.memref_slice %arg3[%add3A_201] : memref<640000xi32, #tpu.memory_space<hbm>> -> memref<1000xi32, #tpu.memory_space<hbm>>
    %dma_wait3A_396 = arith.constant 0 : i32
    %dma_wait3A_397 = tpu.memref_slice %arg6[%dma_wait3A_391, %dma_wait3A_396] : memref<10x1000xi32, #tpu.memory_space<vmem>> -> memref<1x1000xi32, #tpu.memory_space<vmem>>
    %dma_wait3A_398 = tpu.memref_squeeze %dma_wait3A_397 : memref<1x1000xi32, #tpu.memory_space<vmem>> -> memref<1000xi32, #tpu.memory_space<vmem>>
    %dma_wait3A_399 = tpu.memref_slice %arg3[%add3A_201] : memref<640000xi32, #tpu.memory_space<hbm>> -> memref<1000xi32, #tpu.memory_space<hbm>>
    tpu.wait_dma2 semaphore(%arg12 : memref<!tpu.dma_semaphore, #tpu.memory_space<semaphore_mem>>) src(%dma_wait3A_399 : memref<1000xi32, #tpu.memory_space<hbm>>) dst(%dma_wait3A_398 : memref<1000xi32, #tpu.memory_space<vmem>>)
    %dma_wait3A_400 = arith.constant 9 : i32
    %dma_wait3A_401 = arith.constant 0 : i32
    %dma_wait3A_402 = tpu.memref_slice %arg7[%dma_wait3A_400, %dma_wait3A_401] : memref<10x1000xi32, #tpu.memory_space<vmem>> -> memref<1x1000xi32, #tpu.memory_space<vmem>>
    %dma_wait3A_403 = tpu.memref_squeeze %dma_wait3A_402 : memref<1x1000xi32, #tpu.memory_space<vmem>> -> memref<1000xi32, #tpu.memory_space<vmem>>
    %dma_wait3A_404 = tpu.memref_slice %arg3[%add3A_212] : memref<640000xi32, #tpu.memory_space<hbm>> -> memref<1000xi32, #tpu.memory_space<hbm>>
    %dma_wait3A_405 = arith.constant 0 : i32
    %dma_wait3A_406 = tpu.memref_slice %arg7[%dma_wait3A_400, %dma_wait3A_405] : memref<10x1000xi32, #tpu.memory_space<vmem>> -> memref<1x1000xi32, #tpu.memory_space<vmem>>
    %dma_wait3A_407 = tpu.memref_squeeze %dma_wait3A_406 : memref<1x1000xi32, #tpu.memory_space<vmem>> -> memref<1000xi32, #tpu.memory_space<vmem>>
    %dma_wait3A_408 = tpu.memref_slice %arg3[%add3A_212] : memref<640000xi32, #tpu.memory_space<hbm>> -> memref<1000xi32, #tpu.memory_space<hbm>>
    tpu.wait_dma2 semaphore(%arg12 : memref<!tpu.dma_semaphore, #tpu.memory_space<semaphore_mem>>) src(%dma_wait3A_408 : memref<1000xi32, #tpu.memory_space<hbm>>) dst(%dma_wait3A_407 : memref<1000xi32, #tpu.memory_space<vmem>>)
    %dma_start3A_409 = arith.constant 0 : i32
    %dma_start3A_410 = arith.constant 0 : i32
    %dma_start3A_411 = tpu.memref_slice %arg6[%dma_start3A_409, %dma_start3A_410] : memref<10x1000xi32, #tpu.memory_space<vmem>> -> memref<1x1000xi32, #tpu.memory_space<vmem>>
    %dma_start3A_412 = tpu.memref_squeeze %dma_start3A_411 : memref<1x1000xi32, #tpu.memory_space<vmem>> -> memref<1000xi32, #tpu.memory_space<vmem>>
    %dma_start3A_413 = arith.constant 0 : i32
    %dma_start3A_414 = arith.constant 0 : i32
    %dma_start3A_415 = tpu.memref_slice %arg2[%dma_start3A_413, %dma_start3A_414] : memref<10000x16xf32, #tpu.memory_space<hbm>> -> memref<10000x16xf32, #tpu.memory_space<hbm>>
    tpu.enqueue_indirect_dma source(%dma_start3A_415 : memref<10000x16xf32, #tpu.memory_space<hbm>>) target(%arg8 : memref<1000x16xf32, #tpu.memory_space<vmem>>) offsets(%dma_start3A_412 : memref<1000xi32, #tpu.memory_space<vmem>>) semaphore(%arg13 : memref<!tpu.dma_semaphore, #tpu.memory_space<semaphore_mem>>)
    %dma_start3A_416 = arith.constant 1 : i32
    %dma_start3A_417 = arith.constant 0 : i32
    %dma_start3A_418 = tpu.memref_slice %arg6[%dma_start3A_416, %dma_start3A_417] : memref<10x1000xi32, #tpu.memory_space<vmem>> -> memref<1x1000xi32, #tpu.memory_space<vmem>>
    %dma_start3A_419 = tpu.memref_squeeze %dma_start3A_418 : memref<1x1000xi32, #tpu.memory_space<vmem>> -> memref<1000xi32, #tpu.memory_space<vmem>>
    %dma_start3A_420 = arith.constant 0 : i32
    %dma_start3A_421 = arith.constant 0 : i32
    %dma_start3A_422 = tpu.memref_slice %arg2[%dma_start3A_420, %dma_start3A_421] : memref<10000x16xf32, #tpu.memory_space<hbm>> -> memref<10000x16xf32, #tpu.memory_space<hbm>>
    tpu.enqueue_indirect_dma source(%dma_start3A_422 : memref<10000x16xf32, #tpu.memory_space<hbm>>) target(%arg9 : memref<1000x16xf32, #tpu.memory_space<vmem>>) offsets(%dma_start3A_419 : memref<1000xi32, #tpu.memory_space<vmem>>) semaphore(%arg14 : memref<!tpu.dma_semaphore, #tpu.memory_space<semaphore_mem>>)
    %dma_wait3A_423 = arith.constant 0 : i32
    %dma_wait3A_424 = arith.constant 0 : i32
    %dma_wait3A_425 = tpu.memref_slice %arg6[%dma_wait3A_423, %dma_wait3A_424] : memref<10x1000xi32, #tpu.memory_space<vmem>> -> memref<1x1000xi32, #tpu.memory_space<vmem>>
    %dma_wait3A_426 = tpu.memref_squeeze %dma_wait3A_425 : memref<1x1000xi32, #tpu.memory_space<vmem>> -> memref<1000xi32, #tpu.memory_space<vmem>>
    %dma_wait3A_427 = arith.constant 0 : i32
    %dma_wait3A_428 = arith.constant 0 : i32
    %dma_wait3A_429 = tpu.memref_slice %arg2[%dma_wait3A_427, %dma_wait3A_428] : memref<10000x16xf32, #tpu.memory_space<hbm>> -> memref<10000x16xf32, #tpu.memory_space<hbm>>
    tpu.wait_indirect_dma semaphore(%arg13 : memref<!tpu.dma_semaphore, #tpu.memory_space<semaphore_mem>>) src(%dma_wait3A_429 : memref<10000x16xf32, #tpu.memory_space<hbm>>) dst(%arg8 : memref<1000x16xf32, #tpu.memory_space<vmem>>)
    %dma_start3A_430 = arith.constant 0 : i32
    %dma_start3A_431 = arith.constant 0 : i32
    %dma_start3A_432 = tpu.memref_slice %arg7[%dma_start3A_430, %dma_start3A_431] : memref<10x1000xi32, #tpu.memory_space<vmem>> -> memref<1x1000xi32, #tpu.memory_space<vmem>>
    %dma_start3A_433 = tpu.memref_squeeze %dma_start3A_432 : memref<1x1000xi32, #tpu.memory_space<vmem>> -> memref<1000xi32, #tpu.memory_space<vmem>>
    %dma_start3A_434 = arith.constant 0 : i32
    %dma_start3A_435 = arith.constant 0 : i32
    %dma_start3A_436 = tpu.memref_slice %arg11[%dma_start3A_434, %dma_start3A_435] : memref<10000x16xf32, #tpu.memory_space<vmem_shared>> -> memref<10000x16xf32, #tpu.memory_space<vmem_shared>>
    tpu.enqueue_indirect_dma source(%arg8 : memref<1000x16xf32, #tpu.memory_space<vmem>>) target(%dma_start3A_436 : memref<10000x16xf32, #tpu.memory_space<vmem_shared>>) offsets(%dma_start3A_433 : memref<1000xi32, #tpu.memory_space<vmem>>) semaphore(%arg16 : memref<!tpu.dma_semaphore, #tpu.memory_space<semaphore_mem>>) {add = true}
    %dma_start3A_437 = arith.constant 2 : i32
    %dma_start3A_438 = arith.constant 0 : i32
    %dma_start3A_439 = tpu.memref_slice %arg6[%dma_start3A_437, %dma_start3A_438] : memref<10x1000xi32, #tpu.memory_space<vmem>> -> memref<1x1000xi32, #tpu.memory_space<vmem>>
    %dma_start3A_440 = tpu.memref_squeeze %dma_start3A_439 : memref<1x1000xi32, #tpu.memory_space<vmem>> -> memref<1000xi32, #tpu.memory_space<vmem>>
    %dma_start3A_441 = arith.constant 0 : i32
    %dma_start3A_442 = arith.constant 0 : i32
    %dma_start3A_443 = tpu.memref_slice %arg2[%dma_start3A_441, %dma_start3A_442] : memref<10000x16xf32, #tpu.memory_space<hbm>> -> memref<10000x16xf32, #tpu.memory_space<hbm>>
    tpu.enqueue_indirect_dma source(%dma_start3A_443 : memref<10000x16xf32, #tpu.memory_space<hbm>>) target(%arg10 : memref<1000x16xf32, #tpu.memory_space<vmem>>) offsets(%dma_start3A_440 : memref<1000xi32, #tpu.memory_space<vmem>>) semaphore(%arg15 : memref<!tpu.dma_semaphore, #tpu.memory_space<semaphore_mem>>)
    %dma_wait3A_444 = arith.constant 1 : i32
    %dma_wait3A_445 = arith.constant 0 : i32
    %dma_wait3A_446 = tpu.memref_slice %arg6[%dma_wait3A_444, %dma_wait3A_445] : memref<10x1000xi32, #tpu.memory_space<vmem>> -> memref<1x1000xi32, #tpu.memory_space<vmem>>
    %dma_wait3A_447 = tpu.memref_squeeze %dma_wait3A_446 : memref<1x1000xi32, #tpu.memory_space<vmem>> -> memref<1000xi32, #tpu.memory_space<vmem>>
    %dma_wait3A_448 = arith.constant 0 : i32
    %dma_wait3A_449 = arith.constant 0 : i32
    %dma_wait3A_450 = tpu.memref_slice %arg2[%dma_wait3A_448, %dma_wait3A_449] : memref<10000x16xf32, #tpu.memory_space<hbm>> -> memref<10000x16xf32, #tpu.memory_space<hbm>>
    tpu.wait_indirect_dma semaphore(%arg14 : memref<!tpu.dma_semaphore, #tpu.memory_space<semaphore_mem>>) src(%dma_wait3A_450 : memref<10000x16xf32, #tpu.memory_space<hbm>>) dst(%arg9 : memref<1000x16xf32, #tpu.memory_space<vmem>>)
    %dma_start3A_451 = arith.constant 1 : i32
    %dma_start3A_452 = arith.constant 0 : i32
    %dma_start3A_453 = tpu.memref_slice %arg7[%dma_start3A_451, %dma_start3A_452] : memref<10x1000xi32, #tpu.memory_space<vmem>> -> memref<1x1000xi32, #tpu.memory_space<vmem>>
    %dma_start3A_454 = tpu.memref_squeeze %dma_start3A_453 : memref<1x1000xi32, #tpu.memory_space<vmem>> -> memref<1000xi32, #tpu.memory_space<vmem>>
    %dma_start3A_455 = arith.constant 0 : i32
    %dma_start3A_456 = arith.constant 0 : i32
    %dma_start3A_457 = tpu.memref_slice %arg11[%dma_start3A_455, %dma_start3A_456] : memref<10000x16xf32, #tpu.memory_space<vmem_shared>> -> memref<10000x16xf32, #tpu.memory_space<vmem_shared>>
    tpu.enqueue_indirect_dma source(%arg9 : memref<1000x16xf32, #tpu.memory_space<vmem>>) target(%dma_start3A_457 : memref<10000x16xf32, #tpu.memory_space<vmem_shared>>) offsets(%dma_start3A_454 : memref<1000xi32, #tpu.memory_space<vmem>>) semaphore(%arg17 : memref<!tpu.dma_semaphore, #tpu.memory_space<semaphore_mem>>) {add = true}
    %dma_wait3A_458 = arith.constant 0 : i32
    %dma_wait3A_459 = arith.constant 0 : i32
    %dma_wait3A_460 = tpu.memref_slice %arg7[%dma_wait3A_458, %dma_wait3A_459] : memref<10x1000xi32, #tpu.memory_space<vmem>> -> memref<1x1000xi32, #tpu.memory_space<vmem>>
    %dma_wait3A_461 = tpu.memref_squeeze %dma_wait3A_460 : memref<1x1000xi32, #tpu.memory_space<vmem>> -> memref<1000xi32, #tpu.memory_space<vmem>>
    %dma_wait3A_462 = arith.constant 0 : i32
    %dma_wait3A_463 = arith.constant 0 : i32
    %dma_wait3A_464 = tpu.memref_slice %arg11[%dma_wait3A_462, %dma_wait3A_463] : memref<10000x16xf32, #tpu.memory_space<vmem_shared>> -> memref<10000x16xf32, #tpu.memory_space<vmem_shared>>
    tpu.wait_indirect_dma semaphore(%arg16 : memref<!tpu.dma_semaphore, #tpu.memory_space<semaphore_mem>>) src(%arg8 : memref<1000x16xf32, #tpu.memory_space<vmem>>) dst(%dma_wait3A_464 : memref<10000x16xf32, #tpu.memory_space<vmem_shared>>)
    %dma_start3A_465 = arith.constant 3 : i32
    %dma_start3A_466 = arith.constant 0 : i32
    %dma_start3A_467 = tpu.memref_slice %arg6[%dma_start3A_465, %dma_start3A_466] : memref<10x1000xi32, #tpu.memory_space<vmem>> -> memref<1x1000xi32, #tpu.memory_space<vmem>>
    %dma_start3A_468 = tpu.memref_squeeze %dma_start3A_467 : memref<1x1000xi32, #tpu.memory_space<vmem>> -> memref<1000xi32, #tpu.memory_space<vmem>>
    %dma_start3A_469 = arith.constant 0 : i32
    %dma_start3A_470 = arith.constant 0 : i32
    %dma_start3A_471 = tpu.memref_slice %arg2[%dma_start3A_469, %dma_start3A_470] : memref<10000x16xf32, #tpu.memory_space<hbm>> -> memref<10000x16xf32, #tpu.memory_space<hbm>>
    tpu.enqueue_indirect_dma source(%dma_start3A_471 : memref<10000x16xf32, #tpu.memory_space<hbm>>) target(%arg8 : memref<1000x16xf32, #tpu.memory_space<vmem>>) offsets(%dma_start3A_468 : memref<1000xi32, #tpu.memory_space<vmem>>) semaphore(%arg13 : memref<!tpu.dma_semaphore, #tpu.memory_space<semaphore_mem>>)
    %dma_wait3A_472 = arith.constant 2 : i32
    %dma_wait3A_473 = arith.constant 0 : i32
    %dma_wait3A_474 = tpu.memref_slice %arg6[%dma_wait3A_472, %dma_wait3A_473] : memref<10x1000xi32, #tpu.memory_space<vmem>> -> memref<1x1000xi32, #tpu.memory_space<vmem>>
    %dma_wait3A_475 = tpu.memref_squeeze %dma_wait3A_474 : memref<1x1000xi32, #tpu.memory_space<vmem>> -> memref<1000xi32, #tpu.memory_space<vmem>>
    %dma_wait3A_476 = arith.constant 0 : i32
    %dma_wait3A_477 = arith.constant 0 : i32
    %dma_wait3A_478 = tpu.memref_slice %arg2[%dma_wait3A_476, %dma_wait3A_477] : memref<10000x16xf32, #tpu.memory_space<hbm>> -> memref<10000x16xf32, #tpu.memory_space<hbm>>
    tpu.wait_indirect_dma semaphore(%arg15 : memref<!tpu.dma_semaphore, #tpu.memory_space<semaphore_mem>>) src(%dma_wait3A_478 : memref<10000x16xf32, #tpu.memory_space<hbm>>) dst(%arg10 : memref<1000x16xf32, #tpu.memory_space<vmem>>)
    %dma_start3A_479 = arith.constant 2 : i32
    %dma_start3A_480 = arith.constant 0 : i32
    %dma_start3A_481 = tpu.memref_slice %arg7[%dma_start3A_479, %dma_start3A_480] : memref<10x1000xi32, #tpu.memory_space<vmem>> -> memref<1x1000xi32, #tpu.memory_space<vmem>>
    %dma_start3A_482 = tpu.memref_squeeze %dma_start3A_481 : memref<1x1000xi32, #tpu.memory_space<vmem>> -> memref<1000xi32, #tpu.memory_space<vmem>>
    %dma_start3A_483 = arith.constant 0 : i32
    %dma_start3A_484 = arith.constant 0 : i32
    %dma_start3A_485 = tpu.memref_slice %arg11[%dma_start3A_483, %dma_start3A_484] : memref<10000x16xf32, #tpu.memory_space<vmem_shared>> -> memref<10000x16xf32, #tpu.memory_space<vmem_shared>>
    tpu.enqueue_indirect_dma source(%arg10 : memref<1000x16xf32, #tpu.memory_space<vmem>>) target(%dma_start3A_485 : memref<10000x16xf32, #tpu.memory_space<vmem_shared>>) offsets(%dma_start3A_482 : memref<1000xi32, #tpu.memory_space<vmem>>) semaphore(%arg18 : memref<!tpu.dma_semaphore, #tpu.memory_space<semaphore_mem>>) {add = true}
    %dma_wait3A_486 = arith.constant 1 : i32
    %dma_wait3A_487 = arith.constant 0 : i32
    %dma_wait3A_488 = tpu.memref_slice %arg7[%dma_wait3A_486, %dma_wait3A_487] : memref<10x1000xi32, #tpu.memory_space<vmem>> -> memref<1x1000xi32, #tpu.memory_space<vmem>>
    %dma_wait3A_489 = tpu.memref_squeeze %dma_wait3A_488 : memref<1x1000xi32, #tpu.memory_space<vmem>> -> memref<1000xi32, #tpu.memory_space<vmem>>
    %dma_wait3A_490 = arith.constant 0 : i32
    %dma_wait3A_491 = arith.constant 0 : i32
    %dma_wait3A_492 = tpu.memref_slice %arg11[%dma_wait3A_490, %dma_wait3A_491] : memref<10000x16xf32, #tpu.memory_space<vmem_shared>> -> memref<10000x16xf32, #tpu.memory_space<vmem_shared>>
    tpu.wait_indirect_dma semaphore(%arg17 : memref<!tpu.dma_semaphore, #tpu.memory_space<semaphore_mem>>) src(%arg9 : memref<1000x16xf32, #tpu.memory_space<vmem>>) dst(%dma_wait3A_492 : memref<10000x16xf32, #tpu.memory_space<vmem_shared>>)
    %dma_start3A_493 = arith.constant 4 : i32
    %dma_start3A_494 = arith.constant 0 : i32
    %dma_start3A_495 = tpu.memref_slice %arg6[%dma_start3A_493, %dma_start3A_494] : memref<10x1000xi32, #tpu.memory_space<vmem>> -> memref<1x1000xi32, #tpu.memory_space<vmem>>
    %dma_start3A_496 = tpu.memref_squeeze %dma_start3A_495 : memref<1x1000xi32, #tpu.memory_space<vmem>> -> memref<1000xi32, #tpu.memory_space<vmem>>
    %dma_start3A_497 = arith.constant 0 : i32
    %dma_start3A_498 = arith.constant 0 : i32
    %dma_start3A_499 = tpu.memref_slice %arg2[%dma_start3A_497, %dma_start3A_498] : memref<10000x16xf32, #tpu.memory_space<hbm>> -> memref<10000x16xf32, #tpu.memory_space<hbm>>
    tpu.enqueue_indirect_dma source(%dma_start3A_499 : memref<10000x16xf32, #tpu.memory_space<hbm>>) target(%arg9 : memref<1000x16xf32, #tpu.memory_space<vmem>>) offsets(%dma_start3A_496 : memref<1000xi32, #tpu.memory_space<vmem>>) semaphore(%arg14 : memref<!tpu.dma_semaphore, #tpu.memory_space<semaphore_mem>>)
    %dma_wait3A_500 = arith.constant 3 : i32
    %dma_wait3A_501 = arith.constant 0 : i32
    %dma_wait3A_502 = tpu.memref_slice %arg6[%dma_wait3A_500, %dma_wait3A_501] : memref<10x1000xi32, #tpu.memory_space<vmem>> -> memref<1x1000xi32, #tpu.memory_space<vmem>>
    %dma_wait3A_503 = tpu.memref_squeeze %dma_wait3A_502 : memref<1x1000xi32, #tpu.memory_space<vmem>> -> memref<1000xi32, #tpu.memory_space<vmem>>
    %dma_wait3A_504 = arith.constant 0 : i32
    %dma_wait3A_505 = arith.constant 0 : i32
    %dma_wait3A_506 = tpu.memref_slice %arg2[%dma_wait3A_504, %dma_wait3A_505] : memref<10000x16xf32, #tpu.memory_space<hbm>> -> memref<10000x16xf32, #tpu.memory_space<hbm>>
    tpu.wait_indirect_dma semaphore(%arg13 : memref<!tpu.dma_semaphore, #tpu.memory_space<semaphore_mem>>) src(%dma_wait3A_506 : memref<10000x16xf32, #tpu.memory_space<hbm>>) dst(%arg8 : memref<1000x16xf32, #tpu.memory_space<vmem>>)
    %dma_start3A_507 = arith.constant 3 : i32
    %dma_start3A_508 = arith.constant 0 : i32
    %dma_start3A_509 = tpu.memref_slice %arg7[%dma_start3A_507, %dma_start3A_508] : memref<10x1000xi32, #tpu.memory_space<vmem>> -> memref<1x1000xi32, #tpu.memory_space<vmem>>
    %dma_start3A_510 = tpu.memref_squeeze %dma_start3A_509 : memref<1x1000xi32, #tpu.memory_space<vmem>> -> memref<1000xi32, #tpu.memory_space<vmem>>
    %dma_start3A_511 = arith.constant 0 : i32
    %dma_start3A_512 = arith.constant 0 : i32
    %dma_start3A_513 = tpu.memref_slice %arg11[%dma_start3A_511, %dma_start3A_512] : memref<10000x16xf32, #tpu.memory_space<vmem_shared>> -> memref<10000x16xf32, #tpu.memory_space<vmem_shared>>
    tpu.enqueue_indirect_dma source(%arg8 : memref<1000x16xf32, #tpu.memory_space<vmem>>) target(%dma_start3A_513 : memref<10000x16xf32, #tpu.memory_space<vmem_shared>>) offsets(%dma_start3A_510 : memref<1000xi32, #tpu.memory_space<vmem>>) semaphore(%arg16 : memref<!tpu.dma_semaphore, #tpu.memory_space<semaphore_mem>>) {add = true}
    %dma_wait3A_514 = arith.constant 2 : i32
    %dma_wait3A_515 = arith.constant 0 : i32
    %dma_wait3A_516 = tpu.memref_slice %arg7[%dma_wait3A_514, %dma_wait3A_515] : memref<10x1000xi32, #tpu.memory_space<vmem>> -> memref<1x1000xi32, #tpu.memory_space<vmem>>
    %dma_wait3A_517 = tpu.memref_squeeze %dma_wait3A_516 : memref<1x1000xi32, #tpu.memory_space<vmem>> -> memref<1000xi32, #tpu.memory_space<vmem>>
    %dma_wait3A_518 = arith.constant 0 : i32
    %dma_wait3A_519 = arith.constant 0 : i32
    %dma_wait3A_520 = tpu.memref_slice %arg11[%dma_wait3A_518, %dma_wait3A_519] : memref<10000x16xf32, #tpu.memory_space<vmem_shared>> -> memref<10000x16xf32, #tpu.memory_space<vmem_shared>>
    tpu.wait_indirect_dma semaphore(%arg18 : memref<!tpu.dma_semaphore, #tpu.memory_space<semaphore_mem>>) src(%arg10 : memref<1000x16xf32, #tpu.memory_space<vmem>>) dst(%dma_wait3A_520 : memref<10000x16xf32, #tpu.memory_space<vmem_shared>>)
    %dma_start3A_521 = arith.constant 5 : i32
    %dma_start3A_522 = arith.constant 0 : i32
    %dma_start3A_523 = tpu.memref_slice %arg6[%dma_start3A_521, %dma_start3A_522] : memref<10x1000xi32, #tpu.memory_space<vmem>> -> memref<1x1000xi32, #tpu.memory_space<vmem>>
    %dma_start3A_524 = tpu.memref_squeeze %dma_start3A_523 : memref<1x1000xi32, #tpu.memory_space<vmem>> -> memref<1000xi32, #tpu.memory_space<vmem>>
    %dma_start3A_525 = arith.constant 0 : i32
    %dma_start3A_526 = arith.constant 0 : i32
    %dma_start3A_527 = tpu.memref_slice %arg2[%dma_start3A_525, %dma_start3A_526] : memref<10000x16xf32, #tpu.memory_space<hbm>> -> memref<10000x16xf32, #tpu.memory_space<hbm>>
    tpu.enqueue_indirect_dma source(%dma_start3A_527 : memref<10000x16xf32, #tpu.memory_space<hbm>>) target(%arg10 : memref<1000x16xf32, #tpu.memory_space<vmem>>) offsets(%dma_start3A_524 : memref<1000xi32, #tpu.memory_space<vmem>>) semaphore(%arg15 : memref<!tpu.dma_semaphore, #tpu.memory_space<semaphore_mem>>)
    %dma_wait3A_528 = arith.constant 4 : i32
    %dma_wait3A_529 = arith.constant 0 : i32
    %dma_wait3A_530 = tpu.memref_slice %arg6[%dma_wait3A_528, %dma_wait3A_529] : memref<10x1000xi32, #tpu.memory_space<vmem>> -> memref<1x1000xi32, #tpu.memory_space<vmem>>
    %dma_wait3A_531 = tpu.memref_squeeze %dma_wait3A_530 : memref<1x1000xi32, #tpu.memory_space<vmem>> -> memref<1000xi32, #tpu.memory_space<vmem>>
    %dma_wait3A_532 = arith.constant 0 : i32
    %dma_wait3A_533 = arith.constant 0 : i32
    %dma_wait3A_534 = tpu.memref_slice %arg2[%dma_wait3A_532, %dma_wait3A_533] : memref<10000x16xf32, #tpu.memory_space<hbm>> -> memref<10000x16xf32, #tpu.memory_space<hbm>>
    tpu.wait_indirect_dma semaphore(%arg14 : memref<!tpu.dma_semaphore, #tpu.memory_space<semaphore_mem>>) src(%dma_wait3A_534 : memref<10000x16xf32, #tpu.memory_space<hbm>>) dst(%arg9 : memref<1000x16xf32, #tpu.memory_space<vmem>>)
    %dma_start3A_535 = arith.constant 4 : i32
    %dma_start3A_536 = arith.constant 0 : i32
    %dma_start3A_537 = tpu.memref_slice %arg7[%dma_start3A_535, %dma_start3A_536] : memref<10x1000xi32, #tpu.memory_space<vmem>> -> memref<1x1000xi32, #tpu.memory_space<vmem>>
    %dma_start3A_538 = tpu.memref_squeeze %dma_start3A_537 : memref<1x1000xi32, #tpu.memory_space<vmem>> -> memref<1000xi32, #tpu.memory_space<vmem>>
    %dma_start3A_539 = arith.constant 0 : i32
    %dma_start3A_540 = arith.constant 0 : i32
    %dma_start3A_541 = tpu.memref_slice %arg11[%dma_start3A_539, %dma_start3A_540] : memref<10000x16xf32, #tpu.memory_space<vmem_shared>> -> memref<10000x16xf32, #tpu.memory_space<vmem_shared>>
    tpu.enqueue_indirect_dma source(%arg9 : memref<1000x16xf32, #tpu.memory_space<vmem>>) target(%dma_start3A_541 : memref<10000x16xf32, #tpu.memory_space<vmem_shared>>) offsets(%dma_start3A_538 : memref<1000xi32, #tpu.memory_space<vmem>>) semaphore(%arg17 : memref<!tpu.dma_semaphore, #tpu.memory_space<semaphore_mem>>) {add = true}
    %dma_wait3A_542 = arith.constant 3 : i32
    %dma_wait3A_543 = arith.constant 0 : i32
    %dma_wait3A_544 = tpu.memref_slice %arg7[%dma_wait3A_542, %dma_wait3A_543] : memref<10x1000xi32, #tpu.memory_space<vmem>> -> memref<1x1000xi32, #tpu.memory_space<vmem>>
    %dma_wait3A_545 = tpu.memref_squeeze %dma_wait3A_544 : memref<1x1000xi32, #tpu.memory_space<vmem>> -> memref<1000xi32, #tpu.memory_space<vmem>>
    %dma_wait3A_546 = arith.constant 0 : i32
    %dma_wait3A_547 = arith.constant 0 : i32
    %dma_wait3A_548 = tpu.memref_slice %arg11[%dma_wait3A_546, %dma_wait3A_547] : memref<10000x16xf32, #tpu.memory_space<vmem_shared>> -> memref<10000x16xf32, #tpu.memory_space<vmem_shared>>
    tpu.wait_indirect_dma semaphore(%arg16 : memref<!tpu.dma_semaphore, #tpu.memory_space<semaphore_mem>>) src(%arg8 : memref<1000x16xf32, #tpu.memory_space<vmem>>) dst(%dma_wait3A_548 : memref<10000x16xf32, #tpu.memory_space<vmem_shared>>)
    %dma_start3A_549 = arith.constant 6 : i32
    %dma_start3A_550 = arith.constant 0 : i32
    %dma_start3A_551 = tpu.memref_slice %arg6[%dma_start3A_549, %dma_start3A_550] : memref<10x1000xi32, #tpu.memory_space<vmem>> -> memref<1x1000xi32, #tpu.memory_space<vmem>>
    %dma_start3A_552 = tpu.memref_squeeze %dma_start3A_551 : memref<1x1000xi32, #tpu.memory_space<vmem>> -> memref<1000xi32, #tpu.memory_space<vmem>>
    %dma_start3A_553 = arith.constant 0 : i32
    %dma_start3A_554 = arith.constant 0 : i32
    %dma_start3A_555 = tpu.memref_slice %arg2[%dma_start3A_553, %dma_start3A_554] : memref<10000x16xf32, #tpu.memory_space<hbm>> -> memref<10000x16xf32, #tpu.memory_space<hbm>>
    tpu.enqueue_indirect_dma source(%dma_start3A_555 : memref<10000x16xf32, #tpu.memory_space<hbm>>) target(%arg8 : memref<1000x16xf32, #tpu.memory_space<vmem>>) offsets(%dma_start3A_552 : memref<1000xi32, #tpu.memory_space<vmem>>) semaphore(%arg13 : memref<!tpu.dma_semaphore, #tpu.memory_space<semaphore_mem>>)
    %dma_wait3A_556 = arith.constant 5 : i32
    %dma_wait3A_557 = arith.constant 0 : i32
    %dma_wait3A_558 = tpu.memref_slice %arg6[%dma_wait3A_556, %dma_wait3A_557] : memref<10x1000xi32, #tpu.memory_space<vmem>> -> memref<1x1000xi32, #tpu.memory_space<vmem>>
    %dma_wait3A_559 = tpu.memref_squeeze %dma_wait3A_558 : memref<1x1000xi32, #tpu.memory_space<vmem>> -> memref<1000xi32, #tpu.memory_space<vmem>>
    %dma_wait3A_560 = arith.constant 0 : i32
    %dma_wait3A_561 = arith.constant 0 : i32
    %dma_wait3A_562 = tpu.memref_slice %arg2[%dma_wait3A_560, %dma_wait3A_561] : memref<10000x16xf32, #tpu.memory_space<hbm>> -> memref<10000x16xf32, #tpu.memory_space<hbm>>
    tpu.wait_indirect_dma semaphore(%arg15 : memref<!tpu.dma_semaphore, #tpu.memory_space<semaphore_mem>>) src(%dma_wait3A_562 : memref<10000x16xf32, #tpu.memory_space<hbm>>) dst(%arg10 : memref<1000x16xf32, #tpu.memory_space<vmem>>)
    %dma_start3A_563 = arith.constant 5 : i32
    %dma_start3A_564 = arith.constant 0 : i32
    %dma_start3A_565 = tpu.memref_slice %arg7[%dma_start3A_563, %dma_start3A_564] : memref<10x1000xi32, #tpu.memory_space<vmem>> -> memref<1x1000xi32, #tpu.memory_space<vmem>>
    %dma_start3A_566 = tpu.memref_squeeze %dma_start3A_565 : memref<1x1000xi32, #tpu.memory_space<vmem>> -> memref<1000xi32, #tpu.memory_space<vmem>>
    %dma_start3A_567 = arith.constant 0 : i32
    %dma_start3A_568 = arith.constant 0 : i32
    %dma_start3A_569 = tpu.memref_slice %arg11[%dma_start3A_567, %dma_start3A_568] : memref<10000x16xf32, #tpu.memory_space<vmem_shared>> -> memref<10000x16xf32, #tpu.memory_space<vmem_shared>>
    tpu.enqueue_indirect_dma source(%arg10 : memref<1000x16xf32, #tpu.memory_space<vmem>>) target(%dma_start3A_569 : memref<10000x16xf32, #tpu.memory_space<vmem_shared>>) offsets(%dma_start3A_566 : memref<1000xi32, #tpu.memory_space<vmem>>) semaphore(%arg18 : memref<!tpu.dma_semaphore, #tpu.memory_space<semaphore_mem>>) {add = true}
    %dma_wait3A_570 = arith.constant 4 : i32
    %dma_wait3A_571 = arith.constant 0 : i32
    %dma_wait3A_572 = tpu.memref_slice %arg7[%dma_wait3A_570, %dma_wait3A_571] : memref<10x1000xi32, #tpu.memory_space<vmem>> -> memref<1x1000xi32, #tpu.memory_space<vmem>>
    %dma_wait3A_573 = tpu.memref_squeeze %dma_wait3A_572 : memref<1x1000xi32, #tpu.memory_space<vmem>> -> memref<1000xi32, #tpu.memory_space<vmem>>
    %dma_wait3A_574 = arith.constant 0 : i32
    %dma_wait3A_575 = arith.constant 0 : i32
    %dma_wait3A_576 = tpu.memref_slice %arg11[%dma_wait3A_574, %dma_wait3A_575] : memref<10000x16xf32, #tpu.memory_space<vmem_shared>> -> memref<10000x16xf32, #tpu.memory_space<vmem_shared>>
    tpu.wait_indirect_dma semaphore(%arg17 : memref<!tpu.dma_semaphore, #tpu.memory_space<semaphore_mem>>) src(%arg9 : memref<1000x16xf32, #tpu.memory_space<vmem>>) dst(%dma_wait3A_576 : memref<10000x16xf32, #tpu.memory_space<vmem_shared>>)
    %dma_start3A_577 = arith.constant 7 : i32
    %dma_start3A_578 = arith.constant 0 : i32
    %dma_start3A_579 = tpu.memref_slice %arg6[%dma_start3A_577, %dma_start3A_578] : memref<10x1000xi32, #tpu.memory_space<vmem>> -> memref<1x1000xi32, #tpu.memory_space<vmem>>
    %dma_start3A_580 = tpu.memref_squeeze %dma_start3A_579 : memref<1x1000xi32, #tpu.memory_space<vmem>> -> memref<1000xi32, #tpu.memory_space<vmem>>
    %dma_start3A_581 = arith.constant 0 : i32
    %dma_start3A_582 = arith.constant 0 : i32
    %dma_start3A_583 = tpu.memref_slice %arg2[%dma_start3A_581, %dma_start3A_582] : memref<10000x16xf32, #tpu.memory_space<hbm>> -> memref<10000x16xf32, #tpu.memory_space<hbm>>
    tpu.enqueue_indirect_dma source(%dma_start3A_583 : memref<10000x16xf32, #tpu.memory_space<hbm>>) target(%arg9 : memref<1000x16xf32, #tpu.memory_space<vmem>>) offsets(%dma_start3A_580 : memref<1000xi32, #tpu.memory_space<vmem>>) semaphore(%arg14 : memref<!tpu.dma_semaphore, #tpu.memory_space<semaphore_mem>>)
    %dma_wait3A_584 = arith.constant 6 : i32
    %dma_wait3A_585 = arith.constant 0 : i32
    %dma_wait3A_586 = tpu.memref_slice %arg6[%dma_wait3A_584, %dma_wait3A_585] : memref<10x1000xi32, #tpu.memory_space<vmem>> -> memref<1x1000xi32, #tpu.memory_space<vmem>>
    %dma_wait3A_587 = tpu.memref_squeeze %dma_wait3A_586 : memref<1x1000xi32, #tpu.memory_space<vmem>> -> memref<1000xi32, #tpu.memory_space<vmem>>
    %dma_wait3A_588 = arith.constant 0 : i32
    %dma_wait3A_589 = arith.constant 0 : i32
    %dma_wait3A_590 = tpu.memref_slice %arg2[%dma_wait3A_588, %dma_wait3A_589] : memref<10000x16xf32, #tpu.memory_space<hbm>> -> memref<10000x16xf32, #tpu.memory_space<hbm>>
    tpu.wait_indirect_dma semaphore(%arg13 : memref<!tpu.dma_semaphore, #tpu.memory_space<semaphore_mem>>) src(%dma_wait3A_590 : memref<10000x16xf32, #tpu.memory_space<hbm>>) dst(%arg8 : memref<1000x16xf32, #tpu.memory_space<vmem>>)
    %dma_start3A_591 = arith.constant 6 : i32
    %dma_start3A_592 = arith.constant 0 : i32
    %dma_start3A_593 = tpu.memref_slice %arg7[%dma_start3A_591, %dma_start3A_592] : memref<10x1000xi32, #tpu.memory_space<vmem>> -> memref<1x1000xi32, #tpu.memory_space<vmem>>
    %dma_start3A_594 = tpu.memref_squeeze %dma_start3A_593 : memref<1x1000xi32, #tpu.memory_space<vmem>> -> memref<1000xi32, #tpu.memory_space<vmem>>
    %dma_start3A_595 = arith.constant 0 : i32
    %dma_start3A_596 = arith.constant 0 : i32
    %dma_start3A_597 = tpu.memref_slice %arg11[%dma_start3A_595, %dma_start3A_596] : memref<10000x16xf32, #tpu.memory_space<vmem_shared>> -> memref<10000x16xf32, #tpu.memory_space<vmem_shared>>
    tpu.enqueue_indirect_dma source(%arg8 : memref<1000x16xf32, #tpu.memory_space<vmem>>) target(%dma_start3A_597 : memref<10000x16xf32, #tpu.memory_space<vmem_shared>>) offsets(%dma_start3A_594 : memref<1000xi32, #tpu.memory_space<vmem>>) semaphore(%arg16 : memref<!tpu.dma_semaphore, #tpu.memory_space<semaphore_mem>>) {add = true}
    %dma_wait3A_598 = arith.constant 5 : i32
    %dma_wait3A_599 = arith.constant 0 : i32
    %dma_wait3A_600 = tpu.memref_slice %arg7[%dma_wait3A_598, %dma_wait3A_599] : memref<10x1000xi32, #tpu.memory_space<vmem>> -> memref<1x1000xi32, #tpu.memory_space<vmem>>
    %dma_wait3A_601 = tpu.memref_squeeze %dma_wait3A_600 : memref<1x1000xi32, #tpu.memory_space<vmem>> -> memref<1000xi32, #tpu.memory_space<vmem>>
    %dma_wait3A_602 = arith.constant 0 : i32
    %dma_wait3A_603 = arith.constant 0 : i32
    %dma_wait3A_604 = tpu.memref_slice %arg11[%dma_wait3A_602, %dma_wait3A_603] : memref<10000x16xf32, #tpu.memory_space<vmem_shared>> -> memref<10000x16xf32, #tpu.memory_space<vmem_shared>>
    tpu.wait_indirect_dma semaphore(%arg18 : memref<!tpu.dma_semaphore, #tpu.memory_space<semaphore_mem>>) src(%arg10 : memref<1000x16xf32, #tpu.memory_space<vmem>>) dst(%dma_wait3A_604 : memref<10000x16xf32, #tpu.memory_space<vmem_shared>>)
    %dma_start3A_605 = arith.constant 8 : i32
    %dma_start3A_606 = arith.constant 0 : i32
    %dma_start3A_607 = tpu.memref_slice %arg6[%dma_start3A_605, %dma_start3A_606] : memref<10x1000xi32, #tpu.memory_space<vmem>> -> memref<1x1000xi32, #tpu.memory_space<vmem>>
    %dma_start3A_608 = tpu.memref_squeeze %dma_start3A_607 : memref<1x1000xi32, #tpu.memory_space<vmem>> -> memref<1000xi32, #tpu.memory_space<vmem>>
    %dma_start3A_609 = arith.constant 0 : i32
    %dma_start3A_610 = arith.constant 0 : i32
    %dma_start3A_611 = tpu.memref_slice %arg2[%dma_start3A_609, %dma_start3A_610] : memref<10000x16xf32, #tpu.memory_space<hbm>> -> memref<10000x16xf32, #tpu.memory_space<hbm>>
    tpu.enqueue_indirect_dma source(%dma_start3A_611 : memref<10000x16xf32, #tpu.memory_space<hbm>>) target(%arg10 : memref<1000x16xf32, #tpu.memory_space<vmem>>) offsets(%dma_start3A_608 : memref<1000xi32, #tpu.memory_space<vmem>>) semaphore(%arg15 : memref<!tpu.dma_semaphore, #tpu.memory_space<semaphore_mem>>)
    %dma_wait3A_612 = arith.constant 7 : i32
    %dma_wait3A_613 = arith.constant 0 : i32
    %dma_wait3A_614 = tpu.memref_slice %arg6[%dma_wait3A_612, %dma_wait3A_613] : memref<10x1000xi32, #tpu.memory_space<vmem>> -> memref<1x1000xi32, #tpu.memory_space<vmem>>
    %dma_wait3A_615 = tpu.memref_squeeze %dma_wait3A_614 : memref<1x1000xi32, #tpu.memory_space<vmem>> -> memref<1000xi32, #tpu.memory_space<vmem>>
    %dma_wait3A_616 = arith.constant 0 : i32
    %dma_wait3A_617 = arith.constant 0 : i32
    %dma_wait3A_618 = tpu.memref_slice %arg2[%dma_wait3A_616, %dma_wait3A_617] : memref<10000x16xf32, #tpu.memory_space<hbm>> -> memref<10000x16xf32, #tpu.memory_space<hbm>>
    tpu.wait_indirect_dma semaphore(%arg14 : memref<!tpu.dma_semaphore, #tpu.memory_space<semaphore_mem>>) src(%dma_wait3A_618 : memref<10000x16xf32, #tpu.memory_space<hbm>>) dst(%arg9 : memref<1000x16xf32, #tpu.memory_space<vmem>>)
    %dma_start3A_619 = arith.constant 7 : i32
    %dma_start3A_620 = arith.constant 0 : i32
    %dma_start3A_621 = tpu.memref_slice %arg7[%dma_start3A_619, %dma_start3A_620] : memref<10x1000xi32, #tpu.memory_space<vmem>> -> memref<1x1000xi32, #tpu.memory_space<vmem>>
    %dma_start3A_622 = tpu.memref_squeeze %dma_start3A_621 : memref<1x1000xi32, #tpu.memory_space<vmem>> -> memref<1000xi32, #tpu.memory_space<vmem>>
    %dma_start3A_623 = arith.constant 0 : i32
    %dma_start3A_624 = arith.constant 0 : i32
    %dma_start3A_625 = tpu.memref_slice %arg11[%dma_start3A_623, %dma_start3A_624] : memref<10000x16xf32, #tpu.memory_space<vmem_shared>> -> memref<10000x16xf32, #tpu.memory_space<vmem_shared>>
    tpu.enqueue_indirect_dma source(%arg9 : memref<1000x16xf32, #tpu.memory_space<vmem>>) target(%dma_start3A_625 : memref<10000x16xf32, #tpu.memory_space<vmem_shared>>) offsets(%dma_start3A_622 : memref<1000xi32, #tpu.memory_space<vmem>>) semaphore(%arg17 : memref<!tpu.dma_semaphore, #tpu.memory_space<semaphore_mem>>) {add = true}
    %dma_wait3A_626 = arith.constant 6 : i32
    %dma_wait3A_627 = arith.constant 0 : i32
    %dma_wait3A_628 = tpu.memref_slice %arg7[%dma_wait3A_626, %dma_wait3A_627] : memref<10x1000xi32, #tpu.memory_space<vmem>> -> memref<1x1000xi32, #tpu.memory_space<vmem>>
    %dma_wait3A_629 = tpu.memref_squeeze %dma_wait3A_628 : memref<1x1000xi32, #tpu.memory_space<vmem>> -> memref<1000xi32, #tpu.memory_space<vmem>>
    %dma_wait3A_630 = arith.constant 0 : i32
    %dma_wait3A_631 = arith.constant 0 : i32
    %dma_wait3A_632 = tpu.memref_slice %arg11[%dma_wait3A_630, %dma_wait3A_631] : memref<10000x16xf32, #tpu.memory_space<vmem_shared>> -> memref<10000x16xf32, #tpu.memory_space<vmem_shared>>
    tpu.wait_indirect_dma semaphore(%arg16 : memref<!tpu.dma_semaphore, #tpu.memory_space<semaphore_mem>>) src(%arg8 : memref<1000x16xf32, #tpu.memory_space<vmem>>) dst(%dma_wait3A_632 : memref<10000x16xf32, #tpu.memory_space<vmem_shared>>)
    %dma_start3A_633 = arith.constant 9 : i32
    %dma_start3A_634 = arith.constant 0 : i32
    %dma_start3A_635 = tpu.memref_slice %arg6[%dma_start3A_633, %dma_start3A_634] : memref<10x1000xi32, #tpu.memory_space<vmem>> -> memref<1x1000xi32, #tpu.memory_space<vmem>>
    %dma_start3A_636 = tpu.memref_squeeze %dma_start3A_635 : memref<1x1000xi32, #tpu.memory_space<vmem>> -> memref<1000xi32, #tpu.memory_space<vmem>>
    %dma_start3A_637 = arith.constant 0 : i32
    %dma_start3A_638 = arith.constant 0 : i32
    %dma_start3A_639 = tpu.memref_slice %arg2[%dma_start3A_637, %dma_start3A_638] : memref<10000x16xf32, #tpu.memory_space<hbm>> -> memref<10000x16xf32, #tpu.memory_space<hbm>>
    tpu.enqueue_indirect_dma source(%dma_start3A_639 : memref<10000x16xf32, #tpu.memory_space<hbm>>) target(%arg8 : memref<1000x16xf32, #tpu.memory_space<vmem>>) offsets(%dma_start3A_636 : memref<1000xi32, #tpu.memory_space<vmem>>) semaphore(%arg13 : memref<!tpu.dma_semaphore, #tpu.memory_space<semaphore_mem>>)
    %dma_wait3A_640 = arith.constant 8 : i32
    %dma_wait3A_641 = arith.constant 0 : i32
    %dma_wait3A_642 = tpu.memref_slice %arg6[%dma_wait3A_640, %dma_wait3A_641] : memref<10x1000xi32, #tpu.memory_space<vmem>> -> memref<1x1000xi32, #tpu.memory_space<vmem>>
    %dma_wait3A_643 = tpu.memref_squeeze %dma_wait3A_642 : memref<1x1000xi32, #tpu.memory_space<vmem>> -> memref<1000xi32, #tpu.memory_space<vmem>>
    %dma_wait3A_644 = arith.constant 0 : i32
    %dma_wait3A_645 = arith.constant 0 : i32
    %dma_wait3A_646 = tpu.memref_slice %arg2[%dma_wait3A_644, %dma_wait3A_645] : memref<10000x16xf32, #tpu.memory_space<hbm>> -> memref<10000x16xf32, #tpu.memory_space<hbm>>
    tpu.wait_indirect_dma semaphore(%arg15 : memref<!tpu.dma_semaphore, #tpu.memory_space<semaphore_mem>>) src(%dma_wait3A_646 : memref<10000x16xf32, #tpu.memory_space<hbm>>) dst(%arg10 : memref<1000x16xf32, #tpu.memory_space<vmem>>)
    %dma_start3A_647 = arith.constant 8 : i32
    %dma_start3A_648 = arith.constant 0 : i32
    %dma_start3A_649 = tpu.memref_slice %arg7[%dma_start3A_647, %dma_start3A_648] : memref<10x1000xi32, #tpu.memory_space<vmem>> -> memref<1x1000xi32, #tpu.memory_space<vmem>>
    %dma_start3A_650 = tpu.memref_squeeze %dma_start3A_649 : memref<1x1000xi32, #tpu.memory_space<vmem>> -> memref<1000xi32, #tpu.memory_space<vmem>>
    %dma_start3A_651 = arith.constant 0 : i32
    %dma_start3A_652 = arith.constant 0 : i32
    %dma_start3A_653 = tpu.memref_slice %arg11[%dma_start3A_651, %dma_start3A_652] : memref<10000x16xf32, #tpu.memory_space<vmem_shared>> -> memref<10000x16xf32, #tpu.memory_space<vmem_shared>>
    tpu.enqueue_indirect_dma source(%arg10 : memref<1000x16xf32, #tpu.memory_space<vmem>>) target(%dma_start3A_653 : memref<10000x16xf32, #tpu.memory_space<vmem_shared>>) offsets(%dma_start3A_650 : memref<1000xi32, #tpu.memory_space<vmem>>) semaphore(%arg18 : memref<!tpu.dma_semaphore, #tpu.memory_space<semaphore_mem>>) {add = true}
    %dma_wait3A_654 = arith.constant 9 : i32
    %dma_wait3A_655 = arith.constant 0 : i32
    %dma_wait3A_656 = tpu.memref_slice %arg6[%dma_wait3A_654, %dma_wait3A_655] : memref<10x1000xi32, #tpu.memory_space<vmem>> -> memref<1x1000xi32, #tpu.memory_space<vmem>>
    %dma_wait3A_657 = tpu.memref_squeeze %dma_wait3A_656 : memref<1x1000xi32, #tpu.memory_space<vmem>> -> memref<1000xi32, #tpu.memory_space<vmem>>
    %dma_wait3A_658 = arith.constant 0 : i32
    %dma_wait3A_659 = arith.constant 0 : i32
    %dma_wait3A_660 = tpu.memref_slice %arg2[%dma_wait3A_658, %dma_wait3A_659] : memref<10000x16xf32, #tpu.memory_space<hbm>> -> memref<10000x16xf32, #tpu.memory_space<hbm>>
    tpu.wait_indirect_dma semaphore(%arg13 : memref<!tpu.dma_semaphore, #tpu.memory_space<semaphore_mem>>) src(%dma_wait3A_660 : memref<10000x16xf32, #tpu.memory_space<hbm>>) dst(%arg8 : memref<1000x16xf32, #tpu.memory_space<vmem>>)
    %dma_start3A_661 = arith.constant 9 : i32
    %dma_start3A_662 = arith.constant 0 : i32
    %dma_start3A_663 = tpu.memref_slice %arg7[%dma_start3A_661, %dma_start3A_662] : memref<10x1000xi32, #tpu.memory_space<vmem>> -> memref<1x1000xi32, #tpu.memory_space<vmem>>
    %dma_start3A_664 = tpu.memref_squeeze %dma_start3A_663 : memref<1x1000xi32, #tpu.memory_space<vmem>> -> memref<1000xi32, #tpu.memory_space<vmem>>
    %dma_start3A_665 = arith.constant 0 : i32
    %dma_start3A_666 = arith.constant 0 : i32
    %dma_start3A_667 = tpu.memref_slice %arg11[%dma_start3A_665, %dma_start3A_666] : memref<10000x16xf32, #tpu.memory_space<vmem_shared>> -> memref<10000x16xf32, #tpu.memory_space<vmem_shared>>
    tpu.enqueue_indirect_dma source(%arg8 : memref<1000x16xf32, #tpu.memory_space<vmem>>) target(%dma_start3A_667 : memref<10000x16xf32, #tpu.memory_space<vmem_shared>>) offsets(%dma_start3A_664 : memref<1000xi32, #tpu.memory_space<vmem>>) semaphore(%arg16 : memref<!tpu.dma_semaphore, #tpu.memory_space<semaphore_mem>>) {add = true}
    %dma_wait3A_668 = arith.constant 7 : i32
    %dma_wait3A_669 = arith.constant 0 : i32
    %dma_wait3A_670 = tpu.memref_slice %arg7[%dma_wait3A_668, %dma_wait3A_669] : memref<10x1000xi32, #tpu.memory_space<vmem>> -> memref<1x1000xi32, #tpu.memory_space<vmem>>
    %dma_wait3A_671 = tpu.memref_squeeze %dma_wait3A_670 : memref<1x1000xi32, #tpu.memory_space<vmem>> -> memref<1000xi32, #tpu.memory_space<vmem>>
    %dma_wait3A_672 = arith.constant 0 : i32
    %dma_wait3A_673 = arith.constant 0 : i32
    %dma_wait3A_674 = tpu.memref_slice %arg11[%dma_wait3A_672, %dma_wait3A_673] : memref<10000x16xf32, #tpu.memory_space<vmem_shared>> -> memref<10000x16xf32, #tpu.memory_space<vmem_shared>>
    tpu.wait_indirect_dma semaphore(%arg17 : memref<!tpu.dma_semaphore, #tpu.memory_space<semaphore_mem>>) src(%arg9 : memref<1000x16xf32, #tpu.memory_space<vmem>>) dst(%dma_wait3A_674 : memref<10000x16xf32, #tpu.memory_space<vmem_shared>>)
    %dma_wait3A_675 = arith.constant 8 : i32
    %dma_wait3A_676 = arith.constant 0 : i32
    %dma_wait3A_677 = tpu.memref_slice %arg7[%dma_wait3A_675, %dma_wait3A_676] : memref<10x1000xi32, #tpu.memory_space<vmem>> -> memref<1x1000xi32, #tpu.memory_space<vmem>>
    %dma_wait3A_678 = tpu.memref_squeeze %dma_wait3A_677 : memref<1x1000xi32, #tpu.memory_space<vmem>> -> memref<1000xi32, #tpu.memory_space<vmem>>
    %dma_wait3A_679 = arith.constant 0 : i32
    %dma_wait3A_680 = arith.constant 0 : i32
    %dma_wait3A_681 = tpu.memref_slice %arg11[%dma_wait3A_679, %dma_wait3A_680] : memref<10000x16xf32, #tpu.memory_space<vmem_shared>> -> memref<10000x16xf32, #tpu.memory_space<vmem_shared>>
    tpu.wait_indirect_dma semaphore(%arg18 : memref<!tpu.dma_semaphore, #tpu.memory_space<semaphore_mem>>) src(%arg10 : memref<1000x16xf32, #tpu.memory_space<vmem>>) dst(%dma_wait3A_681 : memref<10000x16xf32, #tpu.memory_space<vmem_shared>>)
    %dma_wait3A_682 = arith.constant 9 : i32
    %dma_wait3A_683 = arith.constant 0 : i32
    %dma_wait3A_684 = tpu.memref_slice %arg7[%dma_wait3A_682, %dma_wait3A_683] : memref<10x1000xi32, #tpu.memory_space<vmem>> -> memref<1x1000xi32, #tpu.memory_space<vmem>>
    %dma_wait3A_685 = tpu.memref_squeeze %dma_wait3A_684 : memref<1x1000xi32, #tpu.memory_space<vmem>> -> memref<1000xi32, #tpu.memory_space<vmem>>
    %dma_wait3A_686 = arith.constant 0 : i32
    %dma_wait3A_687 = arith.constant 0 : i32
    %dma_wait3A_688 = tpu.memref_slice %arg11[%dma_wait3A_686, %dma_wait3A_687] : memref<10000x16xf32, #tpu.memory_space<vmem_shared>> -> memref<10000x16xf32, #tpu.memory_space<vmem_shared>>
    tpu.wait_indirect_dma semaphore(%arg16 : memref<!tpu.dma_semaphore, #tpu.memory_space<semaphore_mem>>) src(%arg8 : memref<1000x16xf32, #tpu.memory_space<vmem>>) dst(%dma_wait3A_688 : memref<10000x16xf32, #tpu.memory_space<vmem_shared>>)
    %barrier3A_689 = arith.constant 0 : index
    tpu.barrier barrier_id(%barrier3A_689)
    %mul3A_690 = arith.constant 625 : i32
    %mul3A_691 = arith.muli %arg1, %mul3A_690 : i32
    %eq3A = arith.constant 0 : i32
    %eq3A_692 = arith.cmpi eq, %arg0, %eq3A : i32
    %convert_element_type3A = arith.extui %eq3A_692 : i1 to i32
    %cond3A = arith.constant 0 : i32
    %cond3A_693 = arith.cmpi ne, %convert_element_type3A, %cond3A : i32
    scf.if %cond3A_693 {
      "tpu.region"() ({
        %run_scoped3A = tpu.sem_alloc : memref<!tpu.dma_semaphore, #tpu.memory_space<semaphore_mem>>
        %dma_start3A_699 = arith.constant 0 : i32
        %dma_start3A_700 = tpu.memref_slice %arg4[%mul3A_691, %dma_start3A_699] : memref<10000x16xf32, #tpu.memory_space<hbm>> -> memref<625x16xf32, #tpu.memory_space<hbm>>
        %dma_start3A_701 = arith.constant 0 : i32
        %dma_start3A_702 = tpu.memref_slice %arg11[%mul3A_691, %dma_start3A_701] : memref<10000x16xf32, #tpu.memory_space<vmem_shared>> -> memref<625x16xf32, #tpu.memory_space<vmem_shared>>
        tpu.enqueue_dma source(%dma_start3A_702 : memref<625x16xf32, #tpu.memory_space<vmem_shared>>) target(%dma_start3A_700 : memref<625x16xf32, #tpu.memory_space<hbm>>) target_semaphore(%run_scoped3A : memref<!tpu.dma_semaphore, #tpu.memory_space<semaphore_mem>>)
        %dma_wait3A_703 = arith.constant 0 : i32
        %dma_wait3A_704 = tpu.memref_slice %arg4[%mul3A_691, %dma_wait3A_703] : memref<10000x16xf32, #tpu.memory_space<hbm>> -> memref<625x16xf32, #tpu.memory_space<hbm>>
        %dma_wait3A_705 = arith.constant 0 : i32
        %dma_wait3A_706 = tpu.memref_slice %arg11[%mul3A_691, %dma_wait3A_705] : memref<10000x16xf32, #tpu.memory_space<vmem_shared>> -> memref<625x16xf32, #tpu.memory_space<vmem_shared>>
        tpu.wait_dma2 semaphore(%run_scoped3A : memref<!tpu.dma_semaphore, #tpu.memory_space<semaphore_mem>>) src(%dma_wait3A_706 : memref<625x16xf32, #tpu.memory_space<vmem_shared>>) dst(%dma_wait3A_704 : memref<625x16xf32, #tpu.memory_space<hbm>>)
        tpu.yield
      }) : () -> ()
    } else {
    }
    %eq3A_694 = arith.constant 1 : i32
    %eq3A_695 = arith.cmpi eq, %arg0, %eq3A_694 : i32
    %convert_element_type3A_696 = arith.extui %eq3A_695 : i1 to i32
    %cond3A_697 = arith.constant 0 : i32
    %cond3A_698 = arith.cmpi ne, %convert_element_type3A_696, %cond3A_697 : i32
    scf.if %cond3A_698 {
      "tpu.region"() ({
        %run_scoped3A = tpu.sem_alloc : memref<!tpu.dma_semaphore, #tpu.memory_space<semaphore_mem>>
        %dma_start3A_699 = arith.constant 0 : i32
        %dma_start3A_700 = tpu.memref_slice %arg5[%mul3A_691, %dma_start3A_699] : memref<10000x16xf32, #tpu.memory_space<hbm>> -> memref<625x16xf32, #tpu.memory_space<hbm>>
        %dma_start3A_701 = arith.constant 0 : i32
        %dma_start3A_702 = tpu.memref_slice %arg11[%mul3A_691, %dma_start3A_701] : memref<10000x16xf32, #tpu.memory_space<vmem_shared>> -> memref<625x16xf32, #tpu.memory_space<vmem_shared>>
        tpu.enqueue_dma source(%dma_start3A_702 : memref<625x16xf32, #tpu.memory_space<vmem_shared>>) target(%dma_start3A_700 : memref<625x16xf32, #tpu.memory_space<hbm>>) target_semaphore(%run_scoped3A : memref<!tpu.dma_semaphore, #tpu.memory_space<semaphore_mem>>)
        %dma_wait3A_703 = arith.constant 0 : i32
        %dma_wait3A_704 = tpu.memref_slice %arg5[%mul3A_691, %dma_wait3A_703] : memref<10000x16xf32, #tpu.memory_space<hbm>> -> memref<625x16xf32, #tpu.memory_space<hbm>>
        %dma_wait3A_705 = arith.constant 0 : i32
        %dma_wait3A_706 = tpu.memref_slice %arg11[%mul3A_691, %dma_wait3A_705] : memref<10000x16xf32, #tpu.memory_space<vmem_shared>> -> memref<625x16xf32, #tpu.memory_space<vmem_shared>>
        tpu.wait_dma2 semaphore(%run_scoped3A : memref<!tpu.dma_semaphore, #tpu.memory_space<semaphore_mem>>) src(%dma_wait3A_706 : memref<625x16xf32, #tpu.memory_space<vmem_shared>>) dst(%dma_wait3A_704 : memref<625x16xf32, #tpu.memory_space<hbm>>)
        tpu.yield
      }) : () -> ()
    } else {
    }
    return
  }
}

module attributes {stable_mosaic.version = 14 : i64} {
  func.func @_projp_body(%arg0: memref<1250x8x128xf32, #tpu.memory_space<vmem>>, %arg1: memref<16x128xf32, #tpu.memory_space<vmem>>, %arg2: memref<16x128xf32, #tpu.memory_space<vmem>>, %arg3: memref<1250x128xf32, #tpu.memory_space<vmem>>, %arg4: memref<1250x128xf32, #tpu.memory_space<vmem>>) attributes {dimension_semantics = [], scalar_prefetch = 0 : i64, scratch_operands = 0 : i64, tpu.core_type = #tpu.core_type<tc>} {
    %get3A = arith.constant 0 : index
    %get3A_0 = arith.constant 0 : index
    %get3A_1 = vector.load %arg1[%get3A, %get3A_0] : memref<16x128xf32, #tpu.memory_space<vmem>>, vector<16x128xf32>
    %get3A_2 = arith.constant 0 : index
    %get3A_3 = arith.constant 0 : index
    %get3A_4 = vector.load %arg2[%get3A_2, %get3A_3] : memref<16x128xf32, #tpu.memory_space<vmem>>, vector<16x128xf32>
    %get3A_5 = arith.constant 0 : index
    %get3A_6 = arith.constant 0 : index
    %get3A_7 = arith.constant 0 : index
    %get3A_8 = vector.load %arg0[%get3A_5, %get3A_6, %get3A_7] : memref<1250x8x128xf32, #tpu.memory_space<vmem>>, vector<1250x1x128xf32>
    %get3A_9 = vector.shape_cast %get3A_8 : vector<1250x1x128xf32> to vector<1250x128xf32>
    %dot_general3A = arith.constant dense<0.000000e+00> : vector<1250x16xf32>
    %dot_general3A_10 = tpu.matmul %get3A_9, %get3A_1, %dot_general3A {dimension_numbers = #tpu.dot_dimension_numbers<[1], [1], [0], [0], [0, 0, 1, 0], [], []>, transpose_lhs_hint = false} : vector<1250x128xf32>, vector<16x128xf32>, vector<1250x16xf32> -> vector<1250x16xf32>
    %dot_general3A_11 = arith.constant dense<0.000000e+00> : vector<1250x16xf32>
    %dot_general3A_12 = tpu.matmul %get3A_9, %get3A_4, %dot_general3A_11 {dimension_numbers = #tpu.dot_dimension_numbers<[1], [1], [0], [0], [0, 0, 1, 0], [], []>, transpose_lhs_hint = false} : vector<1250x128xf32>, vector<16x128xf32>, vector<1250x16xf32> -> vector<1250x16xf32>
    %get3A_13 = arith.constant 0 : index
    %get3A_14 = arith.constant 1 : index
    %get3A_15 = arith.constant 0 : index
    %get3A_16 = vector.load %arg0[%get3A_13, %get3A_14, %get3A_15] : memref<1250x8x128xf32, #tpu.memory_space<vmem>>, vector<1250x1x128xf32>
    %get3A_17 = vector.shape_cast %get3A_16 : vector<1250x1x128xf32> to vector<1250x128xf32>
    %dot_general3A_18 = arith.constant dense<0.000000e+00> : vector<1250x16xf32>
    %dot_general3A_19 = tpu.matmul %get3A_17, %get3A_1, %dot_general3A_18 {dimension_numbers = #tpu.dot_dimension_numbers<[1], [1], [0], [0], [0, 0, 1, 0], [], []>, transpose_lhs_hint = false} : vector<1250x128xf32>, vector<16x128xf32>, vector<1250x16xf32> -> vector<1250x16xf32>
    %dot_general3A_20 = arith.constant dense<0.000000e+00> : vector<1250x16xf32>
    %dot_general3A_21 = tpu.matmul %get3A_17, %get3A_4, %dot_general3A_20 {dimension_numbers = #tpu.dot_dimension_numbers<[1], [1], [0], [0], [0, 0, 1, 0], [], []>, transpose_lhs_hint = false} : vector<1250x128xf32>, vector<16x128xf32>, vector<1250x16xf32> -> vector<1250x16xf32>
    %get3A_22 = arith.constant 0 : index
    %get3A_23 = arith.constant 2 : index
    %get3A_24 = arith.constant 0 : index
    %get3A_25 = vector.load %arg0[%get3A_22, %get3A_23, %get3A_24] : memref<1250x8x128xf32, #tpu.memory_space<vmem>>, vector<1250x1x128xf32>
    %get3A_26 = vector.shape_cast %get3A_25 : vector<1250x1x128xf32> to vector<1250x128xf32>
    %dot_general3A_27 = arith.constant dense<0.000000e+00> : vector<1250x16xf32>
    %dot_general3A_28 = tpu.matmul %get3A_26, %get3A_1, %dot_general3A_27 {dimension_numbers = #tpu.dot_dimension_numbers<[1], [1], [0], [0], [0, 0, 1, 0], [], []>, transpose_lhs_hint = false} : vector<1250x128xf32>, vector<16x128xf32>, vector<1250x16xf32> -> vector<1250x16xf32>
    %dot_general3A_29 = arith.constant dense<0.000000e+00> : vector<1250x16xf32>
    %dot_general3A_30 = tpu.matmul %get3A_26, %get3A_4, %dot_general3A_29 {dimension_numbers = #tpu.dot_dimension_numbers<[1], [1], [0], [0], [0, 0, 1, 0], [], []>, transpose_lhs_hint = false} : vector<1250x128xf32>, vector<16x128xf32>, vector<1250x16xf32> -> vector<1250x16xf32>
    %get3A_31 = arith.constant 0 : index
    %get3A_32 = arith.constant 3 : index
    %get3A_33 = arith.constant 0 : index
    %get3A_34 = vector.load %arg0[%get3A_31, %get3A_32, %get3A_33] : memref<1250x8x128xf32, #tpu.memory_space<vmem>>, vector<1250x1x128xf32>
    %get3A_35 = vector.shape_cast %get3A_34 : vector<1250x1x128xf32> to vector<1250x128xf32>
    %dot_general3A_36 = arith.constant dense<0.000000e+00> : vector<1250x16xf32>
    %dot_general3A_37 = tpu.matmul %get3A_35, %get3A_1, %dot_general3A_36 {dimension_numbers = #tpu.dot_dimension_numbers<[1], [1], [0], [0], [0, 0, 1, 0], [], []>, transpose_lhs_hint = false} : vector<1250x128xf32>, vector<16x128xf32>, vector<1250x16xf32> -> vector<1250x16xf32>
    %dot_general3A_38 = arith.constant dense<0.000000e+00> : vector<1250x16xf32>
    %dot_general3A_39 = tpu.matmul %get3A_35, %get3A_4, %dot_general3A_38 {dimension_numbers = #tpu.dot_dimension_numbers<[1], [1], [0], [0], [0, 0, 1, 0], [], []>, transpose_lhs_hint = false} : vector<1250x128xf32>, vector<16x128xf32>, vector<1250x16xf32> -> vector<1250x16xf32>
    %get3A_40 = arith.constant 0 : index
    %get3A_41 = arith.constant 4 : index
    %get3A_42 = arith.constant 0 : index
    %get3A_43 = vector.load %arg0[%get3A_40, %get3A_41, %get3A_42] : memref<1250x8x128xf32, #tpu.memory_space<vmem>>, vector<1250x1x128xf32>
    %get3A_44 = vector.shape_cast %get3A_43 : vector<1250x1x128xf32> to vector<1250x128xf32>
    %dot_general3A_45 = arith.constant dense<0.000000e+00> : vector<1250x16xf32>
    %dot_general3A_46 = tpu.matmul %get3A_44, %get3A_1, %dot_general3A_45 {dimension_numbers = #tpu.dot_dimension_numbers<[1], [1], [0], [0], [0, 0, 1, 0], [], []>, transpose_lhs_hint = false} : vector<1250x128xf32>, vector<16x128xf32>, vector<1250x16xf32> -> vector<1250x16xf32>
    %dot_general3A_47 = arith.constant dense<0.000000e+00> : vector<1250x16xf32>
    %dot_general3A_48 = tpu.matmul %get3A_44, %get3A_4, %dot_general3A_47 {dimension_numbers = #tpu.dot_dimension_numbers<[1], [1], [0], [0], [0, 0, 1, 0], [], []>, transpose_lhs_hint = false} : vector<1250x128xf32>, vector<16x128xf32>, vector<1250x16xf32> -> vector<1250x16xf32>
    %get3A_49 = arith.constant 0 : index
    %get3A_50 = arith.constant 5 : index
    %get3A_51 = arith.constant 0 : index
    %get3A_52 = vector.load %arg0[%get3A_49, %get3A_50, %get3A_51] : memref<1250x8x128xf32, #tpu.memory_space<vmem>>, vector<1250x1x128xf32>
    %get3A_53 = vector.shape_cast %get3A_52 : vector<1250x1x128xf32> to vector<1250x128xf32>
    %dot_general3A_54 = arith.constant dense<0.000000e+00> : vector<1250x16xf32>
    %dot_general3A_55 = tpu.matmul %get3A_53, %get3A_1, %dot_general3A_54 {dimension_numbers = #tpu.dot_dimension_numbers<[1], [1], [0], [0], [0, 0, 1, 0], [], []>, transpose_lhs_hint = false} : vector<1250x128xf32>, vector<16x128xf32>, vector<1250x16xf32> -> vector<1250x16xf32>
    %dot_general3A_56 = arith.constant dense<0.000000e+00> : vector<1250x16xf32>
    %dot_general3A_57 = tpu.matmul %get3A_53, %get3A_4, %dot_general3A_56 {dimension_numbers = #tpu.dot_dimension_numbers<[1], [1], [0], [0], [0, 0, 1, 0], [], []>, transpose_lhs_hint = false} : vector<1250x128xf32>, vector<16x128xf32>, vector<1250x16xf32> -> vector<1250x16xf32>
    %get3A_58 = arith.constant 0 : index
    %get3A_59 = arith.constant 6 : index
    %get3A_60 = arith.constant 0 : index
    %get3A_61 = vector.load %arg0[%get3A_58, %get3A_59, %get3A_60] : memref<1250x8x128xf32, #tpu.memory_space<vmem>>, vector<1250x1x128xf32>
    %get3A_62 = vector.shape_cast %get3A_61 : vector<1250x1x128xf32> to vector<1250x128xf32>
    %dot_general3A_63 = arith.constant dense<0.000000e+00> : vector<1250x16xf32>
    %dot_general3A_64 = tpu.matmul %get3A_62, %get3A_1, %dot_general3A_63 {dimension_numbers = #tpu.dot_dimension_numbers<[1], [1], [0], [0], [0, 0, 1, 0], [], []>, transpose_lhs_hint = false} : vector<1250x128xf32>, vector<16x128xf32>, vector<1250x16xf32> -> vector<1250x16xf32>
    %dot_general3A_65 = arith.constant dense<0.000000e+00> : vector<1250x16xf32>
    %dot_general3A_66 = tpu.matmul %get3A_62, %get3A_4, %dot_general3A_65 {dimension_numbers = #tpu.dot_dimension_numbers<[1], [1], [0], [0], [0, 0, 1, 0], [], []>, transpose_lhs_hint = false} : vector<1250x128xf32>, vector<16x128xf32>, vector<1250x16xf32> -> vector<1250x16xf32>
    %get3A_67 = arith.constant 0 : index
    %get3A_68 = arith.constant 7 : index
    %get3A_69 = arith.constant 0 : index
    %get3A_70 = vector.load %arg0[%get3A_67, %get3A_68, %get3A_69] : memref<1250x8x128xf32, #tpu.memory_space<vmem>>, vector<1250x1x128xf32>
    %get3A_71 = vector.shape_cast %get3A_70 : vector<1250x1x128xf32> to vector<1250x128xf32>
    %dot_general3A_72 = arith.constant dense<0.000000e+00> : vector<1250x16xf32>
    %dot_general3A_73 = tpu.matmul %get3A_71, %get3A_1, %dot_general3A_72 {dimension_numbers = #tpu.dot_dimension_numbers<[1], [1], [0], [0], [0, 0, 1, 0], [], []>, transpose_lhs_hint = false} : vector<1250x128xf32>, vector<16x128xf32>, vector<1250x16xf32> -> vector<1250x16xf32>
    %dot_general3A_74 = arith.constant dense<0.000000e+00> : vector<1250x16xf32>
    %dot_general3A_75 = tpu.matmul %get3A_71, %get3A_4, %dot_general3A_74 {dimension_numbers = #tpu.dot_dimension_numbers<[1], [1], [0], [0], [0, 0, 1, 0], [], []>, transpose_lhs_hint = false} : vector<1250x128xf32>, vector<16x128xf32>, vector<1250x16xf32> -> vector<1250x16xf32>
    %concatenate3A = tpu.concatenate %dot_general3A_10, %dot_general3A_19, %dot_general3A_28, %dot_general3A_37, %dot_general3A_46, %dot_general3A_55, %dot_general3A_64, %dot_general3A_73 in 1 : vector<1250x16xf32>, vector<1250x16xf32>, vector<1250x16xf32>, vector<1250x16xf32>, vector<1250x16xf32>, vector<1250x16xf32>, vector<1250x16xf32>, vector<1250x16xf32> -> vector<1250x128xf32>
    %swap3A = arith.constant 0 : index
    %swap3A_76 = arith.constant 0 : index
    %swap3A_77 = vector.load %arg3[%swap3A, %swap3A_76] : memref<1250x128xf32, #tpu.memory_space<vmem>>, vector<1250x128xf32>
    tpu.vector_store %arg3[%swap3A, %swap3A_76], %concatenate3A {strides = array<i32>} : memref<1250x128xf32, #tpu.memory_space<vmem>>, vector<1250x128xf32>,
    %concatenate3A_78 = tpu.concatenate %dot_general3A_12, %dot_general3A_21, %dot_general3A_30, %dot_general3A_39, %dot_general3A_48, %dot_general3A_57, %dot_general3A_66, %dot_general3A_75 in 1 : vector<1250x16xf32>, vector<1250x16xf32>, vector<1250x16xf32>, vector<1250x16xf32>, vector<1250x16xf32>, vector<1250x16xf32>, vector<1250x16xf32>, vector<1250x16xf32> -> vector<1250x128xf32>
    %swap3A_79 = arith.constant 0 : index
    %swap3A_80 = arith.constant 0 : index
    %swap3A_81 = vector.load %arg4[%swap3A_79, %swap3A_80] : memref<1250x128xf32, #tpu.memory_space<vmem>>, vector<1250x128xf32>
    tpu.vector_store %arg4[%swap3A_79, %swap3A_80], %concatenate3A_78 {strides = array<i32>} : memref<1250x128xf32, #tpu.memory_space<vmem>>, vector<1250x128xf32>,
    return
  }
}

module attributes {stable_mosaic.version = 14 : i64} {
  func.func @_midp_body(%arg0: memref<1250x128xf32, #tpu.memory_space<vmem>>, %arg1: memref<1250x128xf32, #tpu.memory_space<vmem>>, %arg2: memref<1250x128xf32, #tpu.memory_space<vmem>>, %arg3: memref<1250x128xf32, #tpu.memory_space<vmem>>, %arg4: memref<1250x128xf32, #tpu.memory_space<vmem>>, %arg5: memref<1x128xf32, #tpu.memory_space<vmem>>, %arg6: memref<16x16xf32, #tpu.memory_space<vmem>>, %arg7: memref<16x16xf32, #tpu.memory_space<vmem>>, %arg8: memref<1x128xf32, #tpu.memory_space<vmem>>, %arg9: memref<1250x128xf32, #tpu.memory_space<vmem>>, %arg10: memref<1250x128xf32, #tpu.memory_space<vmem>>) attributes {dimension_semantics = [], scalar_prefetch = 0 : i64, scratch_operands = 0 : i64, tpu.core_type = #tpu.core_type<tc>} {
    %get3A = arith.constant 0 : index
    %get3A_0 = arith.constant 0 : index
    %get3A_1 = vector.load %arg2[%get3A, %get3A_0] : memref<1250x128xf32, #tpu.memory_space<vmem>>, vector<1250x128xf32>
    %get3A_2 = arith.constant 0 : index
    %get3A_3 = arith.constant 0 : index
    %get3A_4 = vector.load %arg3[%get3A_2, %get3A_3] : memref<1250x128xf32, #tpu.memory_space<vmem>>, vector<1250x128xf32>
    %add3A = arith.addf %get3A_1, %get3A_4 : vector<1250x128xf32>
    %max3A = arith.constant 1.000000e+00 : f32
    %max3A_5 = vector.broadcast %max3A : f32 to vector<1250x128xf32>
    %max3A_6 = arith.maximumf %add3A, %max3A_5 : vector<1250x128xf32>
    %get3A_7 = arith.constant 0 : index
    %get3A_8 = arith.constant 0 : index
    %get3A_9 = vector.load %arg0[%get3A_7, %get3A_8] : memref<1250x128xf32, #tpu.memory_space<vmem>>, vector<1250x128xf32>
    %get3A_10 = arith.constant 0 : index
    %get3A_11 = arith.constant 0 : index
    %get3A_12 = vector.load %arg1[%get3A_10, %get3A_11] : memref<1250x128xf32, #tpu.memory_space<vmem>>, vector<1250x128xf32>
    %add3A_13 = arith.addf %get3A_9, %get3A_12 : vector<1250x128xf32>
    %div3A = arith.divf %add3A_13, %max3A_6 : vector<1250x128xf32>
    %get3A_14 = arith.constant 0 : index
    %get3A_15 = arith.constant 0 : index
    %get3A_16 = vector.load %arg5[%get3A_14, %get3A_15] : memref<1x128xf32, #tpu.memory_space<vmem>>, vector<1x128xf32>
    %add3A_17 = vector.broadcast %get3A_16 : vector<1x128xf32> to vector<1250x128xf32>
    %add3A_18 = arith.addf %div3A, %add3A_17 : vector<1250x128xf32>
    %get3A_19 = arith.constant 0 : index
    %get3A_20 = arith.constant 0 : index
    %get3A_21 = vector.load %arg4[%get3A_19, %get3A_20] : memref<1250x128xf32, #tpu.memory_space<vmem>>, vector<1250x128xf32>
    %add3A_22 = arith.addf %add3A_18, %get3A_21 : vector<1250x128xf32>
    %max3A_23 = arith.constant 0.000000e+00 : f32
    %max3A_24 = vector.broadcast %max3A_23 : f32 to vector<1250x128xf32>
    %max3A_25 = arith.maximumf %add3A_22, %max3A_24 : vector<1250x128xf32>
    %get3A_26 = arith.constant 0 : index
    %get3A_27 = arith.constant 0 : index
    %get3A_28 = vector.load %arg6[%get3A_26, %get3A_27] : memref<16x16xf32, #tpu.memory_space<vmem>>, vector<16x16xf32>
    %slice3A = vector.extract_strided_slice %max3A_25 {offsets = [0, 0], sizes = [1250, 16], strides = [1, 1]} : vector<1250x128xf32> to vector<1250x16xf32>
    %dot_general3A = arith.constant dense<0.000000e+00> : vector<1250x16xf32>
    %dot_general3A_29 = tpu.matmul %slice3A, %get3A_28, %dot_general3A {dimension_numbers = #tpu.dot_dimension_numbers<[1], [1], [0], [0], [0, 0, 1, 0], [], []>, transpose_lhs_hint = false} : vector<1250x16xf32>, vector<16x16xf32>, vector<1250x16xf32> -> vector<1250x16xf32>
    %slice3A_30 = vector.extract_strided_slice %max3A_25 {offsets = [0, 16], sizes = [1250, 16], strides = [1, 1]} : vector<1250x128xf32> to vector<1250x16xf32>
    %dot_general3A_31 = arith.constant dense<0.000000e+00> : vector<1250x16xf32>
    %dot_general3A_32 = tpu.matmul %slice3A_30, %get3A_28, %dot_general3A_31 {dimension_numbers = #tpu.dot_dimension_numbers<[1], [1], [0], [0], [0, 0, 1, 0], [], []>, transpose_lhs_hint = false} : vector<1250x16xf32>, vector<16x16xf32>, vector<1250x16xf32> -> vector<1250x16xf32>
    %slice3A_33 = vector.extract_strided_slice %max3A_25 {offsets = [0, 32], sizes = [1250, 16], strides = [1, 1]} : vector<1250x128xf32> to vector<1250x16xf32>
    %dot_general3A_34 = arith.constant dense<0.000000e+00> : vector<1250x16xf32>
    %dot_general3A_35 = tpu.matmul %slice3A_33, %get3A_28, %dot_general3A_34 {dimension_numbers = #tpu.dot_dimension_numbers<[1], [1], [0], [0], [0, 0, 1, 0], [], []>, transpose_lhs_hint = false} : vector<1250x16xf32>, vector<16x16xf32>, vector<1250x16xf32> -> vector<1250x16xf32>
    %slice3A_36 = vector.extract_strided_slice %max3A_25 {offsets = [0, 48], sizes = [1250, 16], strides = [1, 1]} : vector<1250x128xf32> to vector<1250x16xf32>
    %dot_general3A_37 = arith.constant dense<0.000000e+00> : vector<1250x16xf32>
    %dot_general3A_38 = tpu.matmul %slice3A_36, %get3A_28, %dot_general3A_37 {dimension_numbers = #tpu.dot_dimension_numbers<[1], [1], [0], [0], [0, 0, 1, 0], [], []>, transpose_lhs_hint = false} : vector<1250x16xf32>, vector<16x16xf32>, vector<1250x16xf32> -> vector<1250x16xf32>
    %slice3A_39 = vector.extract_strided_slice %max3A_25 {offsets = [0, 64], sizes = [1250, 16], strides = [1, 1]} : vector<1250x128xf32> to vector<1250x16xf32>
    %dot_general3A_40 = arith.constant dense<0.000000e+00> : vector<1250x16xf32>
    %dot_general3A_41 = tpu.matmul %slice3A_39, %get3A_28, %dot_general3A_40 {dimension_numbers = #tpu.dot_dimension_numbers<[1], [1], [0], [0], [0, 0, 1, 0], [], []>, transpose_lhs_hint = false} : vector<1250x16xf32>, vector<16x16xf32>, vector<1250x16xf32> -> vector<1250x16xf32>
    %slice3A_42 = vector.extract_strided_slice %max3A_25 {offsets = [0, 80], sizes = [1250, 16], strides = [1, 1]} : vector<1250x128xf32> to vector<1250x16xf32>
    %dot_general3A_43 = arith.constant dense<0.000000e+00> : vector<1250x16xf32>
    %dot_general3A_44 = tpu.matmul %slice3A_42, %get3A_28, %dot_general3A_43 {dimension_numbers = #tpu.dot_dimension_numbers<[1], [1], [0], [0], [0, 0, 1, 0], [], []>, transpose_lhs_hint = false} : vector<1250x16xf32>, vector<16x16xf32>, vector<1250x16xf32> -> vector<1250x16xf32>
    %slice3A_45 = vector.extract_strided_slice %max3A_25 {offsets = [0, 96], sizes = [1250, 16], strides = [1, 1]} : vector<1250x128xf32> to vector<1250x16xf32>
    %dot_general3A_46 = arith.constant dense<0.000000e+00> : vector<1250x16xf32>
    %dot_general3A_47 = tpu.matmul %slice3A_45, %get3A_28, %dot_general3A_46 {dimension_numbers = #tpu.dot_dimension_numbers<[1], [1], [0], [0], [0, 0, 1, 0], [], []>, transpose_lhs_hint = false} : vector<1250x16xf32>, vector<16x16xf32>, vector<1250x16xf32> -> vector<1250x16xf32>
    %slice3A_48 = vector.extract_strided_slice %max3A_25 {offsets = [0, 112], sizes = [1250, 16], strides = [1, 1]} : vector<1250x128xf32> to vector<1250x16xf32>
    %dot_general3A_49 = arith.constant dense<0.000000e+00> : vector<1250x16xf32>
    %dot_general3A_50 = tpu.matmul %slice3A_48, %get3A_28, %dot_general3A_49 {dimension_numbers = #tpu.dot_dimension_numbers<[1], [1], [0], [0], [0, 0, 1, 0], [], []>, transpose_lhs_hint = false} : vector<1250x16xf32>, vector<16x16xf32>, vector<1250x16xf32> -> vector<1250x16xf32>
    %concatenate3A = tpu.concatenate %dot_general3A_29, %dot_general3A_32, %dot_general3A_35, %dot_general3A_38, %dot_general3A_41, %dot_general3A_44, %dot_general3A_47, %dot_general3A_50 in 1 : vector<1250x16xf32>, vector<1250x16xf32>, vector<1250x16xf32>, vector<1250x16xf32>, vector<1250x16xf32>, vector<1250x16xf32>, vector<1250x16xf32>, vector<1250x16xf32> -> vector<1250x128xf32>
    %swap3A = arith.constant 0 : index
    %swap3A_51 = arith.constant 0 : index
    %swap3A_52 = vector.load %arg9[%swap3A, %swap3A_51] : memref<1250x128xf32, #tpu.memory_space<vmem>>, vector<1250x128xf32>
    tpu.vector_store %arg9[%swap3A, %swap3A_51], %concatenate3A {strides = array<i32>} : memref<1250x128xf32, #tpu.memory_space<vmem>>, vector<1250x128xf32>,
    %get3A_53 = arith.constant 0 : index
    %get3A_54 = arith.constant 0 : index
    %get3A_55 = vector.load %arg7[%get3A_53, %get3A_54] : memref<16x16xf32, #tpu.memory_space<vmem>>, vector<16x16xf32>
    %slice3A_56 = vector.extract_strided_slice %max3A_25 {offsets = [0, 0], sizes = [1250, 16], strides = [1, 1]} : vector<1250x128xf32> to vector<1250x16xf32>
    %dot_general3A_57 = arith.constant dense<0.000000e+00> : vector<1250x16xf32>
    %dot_general3A_58 = tpu.matmul %slice3A_56, %get3A_55, %dot_general3A_57 {dimension_numbers = #tpu.dot_dimension_numbers<[1], [1], [0], [0], [0, 0, 1, 0], [], []>, transpose_lhs_hint = false} : vector<1250x16xf32>, vector<16x16xf32>, vector<1250x16xf32> -> vector<1250x16xf32>
    %slice3A_59 = vector.extract_strided_slice %max3A_25 {offsets = [0, 16], sizes = [1250, 16], strides = [1, 1]} : vector<1250x128xf32> to vector<1250x16xf32>
    %dot_general3A_60 = arith.constant dense<0.000000e+00> : vector<1250x16xf32>
    %dot_general3A_61 = tpu.matmul %slice3A_59, %get3A_55, %dot_general3A_60 {dimension_numbers = #tpu.dot_dimension_numbers<[1], [1], [0], [0], [0, 0, 1, 0], [], []>, transpose_lhs_hint = false} : vector<1250x16xf32>, vector<16x16xf32>, vector<1250x16xf32> -> vector<1250x16xf32>
    %slice3A_62 = vector.extract_strided_slice %max3A_25 {offsets = [0, 32], sizes = [1250, 16], strides = [1, 1]} : vector<1250x128xf32> to vector<1250x16xf32>
    %dot_general3A_63 = arith.constant dense<0.000000e+00> : vector<1250x16xf32>
    %dot_general3A_64 = tpu.matmul %slice3A_62, %get3A_55, %dot_general3A_63 {dimension_numbers = #tpu.dot_dimension_numbers<[1], [1], [0], [0], [0, 0, 1, 0], [], []>, transpose_lhs_hint = false} : vector<1250x16xf32>, vector<16x16xf32>, vector<1250x16xf32> -> vector<1250x16xf32>
    %slice3A_65 = vector.extract_strided_slice %max3A_25 {offsets = [0, 48], sizes = [1250, 16], strides = [1, 1]} : vector<1250x128xf32> to vector<1250x16xf32>
    %dot_general3A_66 = arith.constant dense<0.000000e+00> : vector<1250x16xf32>
    %dot_general3A_67 = tpu.matmul %slice3A_65, %get3A_55, %dot_general3A_66 {dimension_numbers = #tpu.dot_dimension_numbers<[1], [1], [0], [0], [0, 0, 1, 0], [], []>, transpose_lhs_hint = false} : vector<1250x16xf32>, vector<16x16xf32>, vector<1250x16xf32> -> vector<1250x16xf32>
    %slice3A_68 = vector.extract_strided_slice %max3A_25 {offsets = [0, 64], sizes = [1250, 16], strides = [1, 1]} : vector<1250x128xf32> to vector<1250x16xf32>
    %dot_general3A_69 = arith.constant dense<0.000000e+00> : vector<1250x16xf32>
    %dot_general3A_70 = tpu.matmul %slice3A_68, %get3A_55, %dot_general3A_69 {dimension_numbers = #tpu.dot_dimension_numbers<[1], [1], [0], [0], [0, 0, 1, 0], [], []>, transpose_lhs_hint = false} : vector<1250x16xf32>, vector<16x16xf32>, vector<1250x16xf32> -> vector<1250x16xf32>
    %slice3A_71 = vector.extract_strided_slice %max3A_25 {offsets = [0, 80], sizes = [1250, 16], strides = [1, 1]} : vector<1250x128xf32> to vector<1250x16xf32>
    %dot_general3A_72 = arith.constant dense<0.000000e+00> : vector<1250x16xf32>
    %dot_general3A_73 = tpu.matmul %slice3A_71, %get3A_55, %dot_general3A_72 {dimension_numbers = #tpu.dot_dimension_numbers<[1], [1], [0], [0], [0, 0, 1, 0], [], []>, transpose_lhs_hint = false} : vector<1250x16xf32>, vector<16x16xf32>, vector<1250x16xf32> -> vector<1250x16xf32>
    %slice3A_74 = vector.extract_strided_slice %max3A_25 {offsets = [0, 96], sizes = [1250, 16], strides = [1, 1]} : vector<1250x128xf32> to vector<1250x16xf32>
    %dot_general3A_75 = arith.constant dense<0.000000e+00> : vector<1250x16xf32>
    %dot_general3A_76 = tpu.matmul %slice3A_74, %get3A_55, %dot_general3A_75 {dimension_numbers = #tpu.dot_dimension_numbers<[1], [1], [0], [0], [0, 0, 1, 0], [], []>, transpose_lhs_hint = false} : vector<1250x16xf32>, vector<16x16xf32>, vector<1250x16xf32> -> vector<1250x16xf32>
    %slice3A_77 = vector.extract_strided_slice %max3A_25 {offsets = [0, 112], sizes = [1250, 16], strides = [1, 1]} : vector<1250x128xf32> to vector<1250x16xf32>
    %dot_general3A_78 = arith.constant dense<0.000000e+00> : vector<1250x16xf32>
    %dot_general3A_79 = tpu.matmul %slice3A_77, %get3A_55, %dot_general3A_78 {dimension_numbers = #tpu.dot_dimension_numbers<[1], [1], [0], [0], [0, 0, 1, 0], [], []>, transpose_lhs_hint = false} : vector<1250x16xf32>, vector<16x16xf32>, vector<1250x16xf32> -> vector<1250x16xf32>
    %concatenate3A_80 = tpu.concatenate %dot_general3A_58, %dot_general3A_61, %dot_general3A_64, %dot_general3A_67, %dot_general3A_70, %dot_general3A_73, %dot_general3A_76, %dot_general3A_79 in 1 : vector<1250x16xf32>, vector<1250x16xf32>, vector<1250x16xf32>, vector<1250x16xf32>, vector<1250x16xf32>, vector<1250x16xf32>, vector<1250x16xf32>, vector<1250x16xf32> -> vector<1250x128xf32>
    %get3A_81 = arith.constant 0 : index
    %get3A_82 = arith.constant 0 : index
    %get3A_83 = vector.load %arg8[%get3A_81, %get3A_82] : memref<1x128xf32, #tpu.memory_space<vmem>>, vector<1x128xf32>
    %add3A_84 = vector.broadcast %get3A_83 : vector<1x128xf32> to vector<1250x128xf32>
    %add3A_85 = arith.addf %concatenate3A_80, %add3A_84 : vector<1250x128xf32>
    %swap3A_86 = arith.constant 0 : index
    %swap3A_87 = arith.constant 0 : index
    %swap3A_88 = vector.load %arg10[%swap3A_86, %swap3A_87] : memref<1250x128xf32, #tpu.memory_space<vmem>>, vector<1250x128xf32>
    tpu.vector_store %arg10[%swap3A_86, %swap3A_87], %add3A_85 {strides = array<i32>} : memref<1250x128xf32, #tpu.memory_space<vmem>>, vector<1250x128xf32>,
    return
  }
}

module attributes {stable_mosaic.version = 14 : i64} {
  func.func @_finalp_body(%arg0: memref<1250x128xf32, #tpu.memory_space<vmem>>, %arg1: memref<1250x128xf32, #tpu.memory_space<vmem>>, %arg2: memref<1250x128xf32, #tpu.memory_space<vmem>>, %arg3: memref<1250x128xf32, #tpu.memory_space<vmem>>, %arg4: memref<1250x128xf32, #tpu.memory_space<vmem>>, %arg5: memref<8x1250xi32, #tpu.memory_space<vmem>>, %arg6: memref<128x16xf32, #tpu.memory_space<vmem>>) attributes {dimension_semantics = [], scalar_prefetch = 0 : i64, scratch_operands = 0 : i64, tpu.core_type = #tpu.core_type<tc>} {
    %get3A = arith.constant 0 : index
    %get3A_0 = arith.constant 0 : index
    %get3A_1 = vector.load %arg2[%get3A, %get3A_0] : memref<1250x128xf32, #tpu.memory_space<vmem>>, vector<1250x128xf32>
    %get3A_2 = arith.constant 0 : index
    %get3A_3 = arith.constant 0 : index
    %get3A_4 = vector.load %arg3[%get3A_2, %get3A_3] : memref<1250x128xf32, #tpu.memory_space<vmem>>, vector<1250x128xf32>
    %add3A = arith.addf %get3A_1, %get3A_4 : vector<1250x128xf32>
    %max3A = arith.constant 1.000000e+00 : f32
    %max3A_5 = vector.broadcast %max3A : f32 to vector<1250x128xf32>
    %max3A_6 = arith.maximumf %add3A, %max3A_5 : vector<1250x128xf32>
    %get3A_7 = arith.constant 0 : index
    %get3A_8 = arith.constant 0 : index
    %get3A_9 = vector.load %arg0[%get3A_7, %get3A_8] : memref<1250x128xf32, #tpu.memory_space<vmem>>, vector<1250x128xf32>
    %get3A_10 = arith.constant 0 : index
    %get3A_11 = arith.constant 0 : index
    %get3A_12 = vector.load %arg1[%get3A_10, %get3A_11] : memref<1250x128xf32, #tpu.memory_space<vmem>>, vector<1250x128xf32>
    %add3A_13 = arith.addf %get3A_9, %get3A_12 : vector<1250x128xf32>
    %div3A = arith.divf %add3A_13, %max3A_6 : vector<1250x128xf32>
    %get3A_14 = arith.constant 0 : index
    %get3A_15 = arith.constant 0 : index
    %get3A_16 = vector.load %arg4[%get3A_14, %get3A_15] : memref<1250x128xf32, #tpu.memory_space<vmem>>, vector<1250x128xf32>
    %add3A_17 = arith.addf %div3A, %get3A_16 : vector<1250x128xf32>
    %broadcast_in_dim3A = arith.constant 0.000000e+00 : f32
    %broadcast_in_dim3A_18 = vector.broadcast %broadcast_in_dim3A : f32 to vector<128x16xf32>
    %broadcast_in_dim3A_19 = arith.constant 0.000000e+00 : f32
    %broadcast_in_dim3A_20 = vector.broadcast %broadcast_in_dim3A_19 : f32 to vector<128x1xf32>
    %get3A_21 = arith.constant 0 : index
    %get3A_22 = arith.constant 0 : index
    %get3A_23 = vector.load %arg5[%get3A_21, %get3A_22] : memref<8x1250xi32, #tpu.memory_space<vmem>>, vector<1x1250xi32>
    %iota3A = tpu.iota {dimensions = array<i32: 0>} : vector<128x1250xi32>
    %broadcast_in_dim3A_24 = vector.shape_cast %get3A_23 : vector<1x1250xi32> to vector<1x1250xi32>
    %broadcast_in_dim3A_25 = vector.broadcast %broadcast_in_dim3A_24 : vector<1x1250xi32> to vector<128x1250xi32>
    %eq3A = arith.cmpi eq, %iota3A, %broadcast_in_dim3A_25 : vector<128x1250xi32>
    %convert_element_type3A = arith.extui %eq3A : vector<128x1250xi1> to vector<128x1250xi32>
    %convert_element_type3A_26 = arith.sitofp %convert_element_type3A : vector<128x1250xi32> to vector<128x1250xf32>
    %slice3A = vector.extract_strided_slice %add3A_17 {offsets = [0, 0], sizes = [1250, 16], strides = [1, 1]} : vector<1250x128xf32> to vector<1250x16xf32>
    %dot_general3A = arith.constant dense<0.000000e+00> : vector<128x16xf32>
    %dot_general3A_27 = tpu.matmul %convert_element_type3A_26, %slice3A, %dot_general3A {dimension_numbers = #tpu.dot_dimension_numbers<[1], [0], [0], [1], [0, 0, 1, 1], [], []>, transpose_lhs_hint = false} : vector<128x1250xf32>, vector<1250x16xf32>, vector<128x16xf32> -> vector<128x16xf32>
    %add3A_28 = arith.addf %broadcast_in_dim3A_18, %dot_general3A_27 : vector<128x16xf32>
    %reduce_sum3A = arith.constant dense<0.000000e+00> : vector<128xf32>
    %reduce_sum3A_29 = vector.multi_reduction <add>, %convert_element_type3A_26, %reduce_sum3A [1] : vector<128x1250xf32> to vector<128xf32>
    %broadcast_in_dim3A_30 = vector.shape_cast %reduce_sum3A_29 : vector<128xf32> to vector<128x1xf32>
    %add3A_31 = arith.addf %broadcast_in_dim3A_20, %broadcast_in_dim3A_30 : vector<128x1xf32>
    %get3A_32 = arith.constant 1 : index
    %get3A_33 = arith.constant 0 : index
    %get3A_34 = vector.load %arg5[%get3A_32, %get3A_33] : memref<8x1250xi32, #tpu.memory_space<vmem>>, vector<1x1250xi32>
    %iota3A_35 = tpu.iota {dimensions = array<i32: 0>} : vector<128x1250xi32>
    %broadcast_in_dim3A_36 = vector.shape_cast %get3A_34 : vector<1x1250xi32> to vector<1x1250xi32>
    %broadcast_in_dim3A_37 = vector.broadcast %broadcast_in_dim3A_36 : vector<1x1250xi32> to vector<128x1250xi32>
    %eq3A_38 = arith.cmpi eq, %iota3A_35, %broadcast_in_dim3A_37 : vector<128x1250xi32>
    %convert_element_type3A_39 = arith.extui %eq3A_38 : vector<128x1250xi1> to vector<128x1250xi32>
    %convert_element_type3A_40 = arith.sitofp %convert_element_type3A_39 : vector<128x1250xi32> to vector<128x1250xf32>
    %slice3A_41 = vector.extract_strided_slice %add3A_17 {offsets = [0, 16], sizes = [1250, 16], strides = [1, 1]} : vector<1250x128xf32> to vector<1250x16xf32>
    %dot_general3A_42 = arith.constant dense<0.000000e+00> : vector<128x16xf32>
    %dot_general3A_43 = tpu.matmul %convert_element_type3A_40, %slice3A_41, %dot_general3A_42 {dimension_numbers = #tpu.dot_dimension_numbers<[1], [0], [0], [1], [0, 0, 1, 1], [], []>, transpose_lhs_hint = false} : vector<128x1250xf32>, vector<1250x16xf32>, vector<128x16xf32> -> vector<128x16xf32>
    %add3A_44 = arith.addf %add3A_28, %dot_general3A_43 : vector<128x16xf32>
    %reduce_sum3A_45 = arith.constant dense<0.000000e+00> : vector<128xf32>
    %reduce_sum3A_46 = vector.multi_reduction <add>, %convert_element_type3A_40, %reduce_sum3A_45 [1] : vector<128x1250xf32> to vector<128xf32>
    %broadcast_in_dim3A_47 = vector.shape_cast %reduce_sum3A_46 : vector<128xf32> to vector<128x1xf32>
    %add3A_48 = arith.addf %add3A_31, %broadcast_in_dim3A_47 : vector<128x1xf32>
    %get3A_49 = arith.constant 2 : index
    %get3A_50 = arith.constant 0 : index
    %get3A_51 = vector.load %arg5[%get3A_49, %get3A_50] : memref<8x1250xi32, #tpu.memory_space<vmem>>, vector<1x1250xi32>
    %iota3A_52 = tpu.iota {dimensions = array<i32: 0>} : vector<128x1250xi32>
    %broadcast_in_dim3A_53 = vector.shape_cast %get3A_51 : vector<1x1250xi32> to vector<1x1250xi32>
    %broadcast_in_dim3A_54 = vector.broadcast %broadcast_in_dim3A_53 : vector<1x1250xi32> to vector<128x1250xi32>
    %eq3A_55 = arith.cmpi eq, %iota3A_52, %broadcast_in_dim3A_54 : vector<128x1250xi32>
    %convert_element_type3A_56 = arith.extui %eq3A_55 : vector<128x1250xi1> to vector<128x1250xi32>
    %convert_element_type3A_57 = arith.sitofp %convert_element_type3A_56 : vector<128x1250xi32> to vector<128x1250xf32>
    %slice3A_58 = vector.extract_strided_slice %add3A_17 {offsets = [0, 32], sizes = [1250, 16], strides = [1, 1]} : vector<1250x128xf32> to vector<1250x16xf32>
    %dot_general3A_59 = arith.constant dense<0.000000e+00> : vector<128x16xf32>
    %dot_general3A_60 = tpu.matmul %convert_element_type3A_57, %slice3A_58, %dot_general3A_59 {dimension_numbers = #tpu.dot_dimension_numbers<[1], [0], [0], [1], [0, 0, 1, 1], [], []>, transpose_lhs_hint = false} : vector<128x1250xf32>, vector<1250x16xf32>, vector<128x16xf32> -> vector<128x16xf32>
    %add3A_61 = arith.addf %add3A_44, %dot_general3A_60 : vector<128x16xf32>
    %reduce_sum3A_62 = arith.constant dense<0.000000e+00> : vector<128xf32>
    %reduce_sum3A_63 = vector.multi_reduction <add>, %convert_element_type3A_57, %reduce_sum3A_62 [1] : vector<128x1250xf32> to vector<128xf32>
    %broadcast_in_dim3A_64 = vector.shape_cast %reduce_sum3A_63 : vector<128xf32> to vector<128x1xf32>
    %add3A_65 = arith.addf %add3A_48, %broadcast_in_dim3A_64 : vector<128x1xf32>
    %get3A_66 = arith.constant 3 : index
    %get3A_67 = arith.constant 0 : index
    %get3A_68 = vector.load %arg5[%get3A_66, %get3A_67] : memref<8x1250xi32, #tpu.memory_space<vmem>>, vector<1x1250xi32>
    %iota3A_69 = tpu.iota {dimensions = array<i32: 0>} : vector<128x1250xi32>
    %broadcast_in_dim3A_70 = vector.shape_cast %get3A_68 : vector<1x1250xi32> to vector<1x1250xi32>
    %broadcast_in_dim3A_71 = vector.broadcast %broadcast_in_dim3A_70 : vector<1x1250xi32> to vector<128x1250xi32>
    %eq3A_72 = arith.cmpi eq, %iota3A_69, %broadcast_in_dim3A_71 : vector<128x1250xi32>
    %convert_element_type3A_73 = arith.extui %eq3A_72 : vector<128x1250xi1> to vector<128x1250xi32>
    %convert_element_type3A_74 = arith.sitofp %convert_element_type3A_73 : vector<128x1250xi32> to vector<128x1250xf32>
    %slice3A_75 = vector.extract_strided_slice %add3A_17 {offsets = [0, 48], sizes = [1250, 16], strides = [1, 1]} : vector<1250x128xf32> to vector<1250x16xf32>
    %dot_general3A_76 = arith.constant dense<0.000000e+00> : vector<128x16xf32>
    %dot_general3A_77 = tpu.matmul %convert_element_type3A_74, %slice3A_75, %dot_general3A_76 {dimension_numbers = #tpu.dot_dimension_numbers<[1], [0], [0], [1], [0, 0, 1, 1], [], []>, transpose_lhs_hint = false} : vector<128x1250xf32>, vector<1250x16xf32>, vector<128x16xf32> -> vector<128x16xf32>
    %add3A_78 = arith.addf %add3A_61, %dot_general3A_77 : vector<128x16xf32>
    %reduce_sum3A_79 = arith.constant dense<0.000000e+00> : vector<128xf32>
    %reduce_sum3A_80 = vector.multi_reduction <add>, %convert_element_type3A_74, %reduce_sum3A_79 [1] : vector<128x1250xf32> to vector<128xf32>
    %broadcast_in_dim3A_81 = vector.shape_cast %reduce_sum3A_80 : vector<128xf32> to vector<128x1xf32>
    %add3A_82 = arith.addf %add3A_65, %broadcast_in_dim3A_81 : vector<128x1xf32>
    %get3A_83 = arith.constant 4 : index
    %get3A_84 = arith.constant 0 : index
    %get3A_85 = vector.load %arg5[%get3A_83, %get3A_84] : memref<8x1250xi32, #tpu.memory_space<vmem>>, vector<1x1250xi32>
    %iota3A_86 = tpu.iota {dimensions = array<i32: 0>} : vector<128x1250xi32>
    %broadcast_in_dim3A_87 = vector.shape_cast %get3A_85 : vector<1x1250xi32> to vector<1x1250xi32>
    %broadcast_in_dim3A_88 = vector.broadcast %broadcast_in_dim3A_87 : vector<1x1250xi32> to vector<128x1250xi32>
    %eq3A_89 = arith.cmpi eq, %iota3A_86, %broadcast_in_dim3A_88 : vector<128x1250xi32>
    %convert_element_type3A_90 = arith.extui %eq3A_89 : vector<128x1250xi1> to vector<128x1250xi32>
    %convert_element_type3A_91 = arith.sitofp %convert_element_type3A_90 : vector<128x1250xi32> to vector<128x1250xf32>
    %slice3A_92 = vector.extract_strided_slice %add3A_17 {offsets = [0, 64], sizes = [1250, 16], strides = [1, 1]} : vector<1250x128xf32> to vector<1250x16xf32>
    %dot_general3A_93 = arith.constant dense<0.000000e+00> : vector<128x16xf32>
    %dot_general3A_94 = tpu.matmul %convert_element_type3A_91, %slice3A_92, %dot_general3A_93 {dimension_numbers = #tpu.dot_dimension_numbers<[1], [0], [0], [1], [0, 0, 1, 1], [], []>, transpose_lhs_hint = false} : vector<128x1250xf32>, vector<1250x16xf32>, vector<128x16xf32> -> vector<128x16xf32>
    %add3A_95 = arith.addf %add3A_78, %dot_general3A_94 : vector<128x16xf32>
    %reduce_sum3A_96 = arith.constant dense<0.000000e+00> : vector<128xf32>
    %reduce_sum3A_97 = vector.multi_reduction <add>, %convert_element_type3A_91, %reduce_sum3A_96 [1] : vector<128x1250xf32> to vector<128xf32>
    %broadcast_in_dim3A_98 = vector.shape_cast %reduce_sum3A_97 : vector<128xf32> to vector<128x1xf32>
    %add3A_99 = arith.addf %add3A_82, %broadcast_in_dim3A_98 : vector<128x1xf32>
    %get3A_100 = arith.constant 5 : index
    %get3A_101 = arith.constant 0 : index
    %get3A_102 = vector.load %arg5[%get3A_100, %get3A_101] : memref<8x1250xi32, #tpu.memory_space<vmem>>, vector<1x1250xi32>
    %iota3A_103 = tpu.iota {dimensions = array<i32: 0>} : vector<128x1250xi32>
    %broadcast_in_dim3A_104 = vector.shape_cast %get3A_102 : vector<1x1250xi32> to vector<1x1250xi32>
    %broadcast_in_dim3A_105 = vector.broadcast %broadcast_in_dim3A_104 : vector<1x1250xi32> to vector<128x1250xi32>
    %eq3A_106 = arith.cmpi eq, %iota3A_103, %broadcast_in_dim3A_105 : vector<128x1250xi32>
    %convert_element_type3A_107 = arith.extui %eq3A_106 : vector<128x1250xi1> to vector<128x1250xi32>
    %convert_element_type3A_108 = arith.sitofp %convert_element_type3A_107 : vector<128x1250xi32> to vector<128x1250xf32>
    %slice3A_109 = vector.extract_strided_slice %add3A_17 {offsets = [0, 80], sizes = [1250, 16], strides = [1, 1]} : vector<1250x128xf32> to vector<1250x16xf32>
    %dot_general3A_110 = arith.constant dense<0.000000e+00> : vector<128x16xf32>
    %dot_general3A_111 = tpu.matmul %convert_element_type3A_108, %slice3A_109, %dot_general3A_110 {dimension_numbers = #tpu.dot_dimension_numbers<[1], [0], [0], [1], [0, 0, 1, 1], [], []>, transpose_lhs_hint = false} : vector<128x1250xf32>, vector<1250x16xf32>, vector<128x16xf32> -> vector<128x16xf32>
    %add3A_112 = arith.addf %add3A_95, %dot_general3A_111 : vector<128x16xf32>
    %reduce_sum3A_113 = arith.constant dense<0.000000e+00> : vector<128xf32>
    %reduce_sum3A_114 = vector.multi_reduction <add>, %convert_element_type3A_108, %reduce_sum3A_113 [1] : vector<128x1250xf32> to vector<128xf32>
    %broadcast_in_dim3A_115 = vector.shape_cast %reduce_sum3A_114 : vector<128xf32> to vector<128x1xf32>
    %add3A_116 = arith.addf %add3A_99, %broadcast_in_dim3A_115 : vector<128x1xf32>
    %get3A_117 = arith.constant 6 : index
    %get3A_118 = arith.constant 0 : index
    %get3A_119 = vector.load %arg5[%get3A_117, %get3A_118] : memref<8x1250xi32, #tpu.memory_space<vmem>>, vector<1x1250xi32>
    %iota3A_120 = tpu.iota {dimensions = array<i32: 0>} : vector<128x1250xi32>
    %broadcast_in_dim3A_121 = vector.shape_cast %get3A_119 : vector<1x1250xi32> to vector<1x1250xi32>
    %broadcast_in_dim3A_122 = vector.broadcast %broadcast_in_dim3A_121 : vector<1x1250xi32> to vector<128x1250xi32>
    %eq3A_123 = arith.cmpi eq, %iota3A_120, %broadcast_in_dim3A_122 : vector<128x1250xi32>
    %convert_element_type3A_124 = arith.extui %eq3A_123 : vector<128x1250xi1> to vector<128x1250xi32>
    %convert_element_type3A_125 = arith.sitofp %convert_element_type3A_124 : vector<128x1250xi32> to vector<128x1250xf32>
    %slice3A_126 = vector.extract_strided_slice %add3A_17 {offsets = [0, 96], sizes = [1250, 16], strides = [1, 1]} : vector<1250x128xf32> to vector<1250x16xf32>
    %dot_general3A_127 = arith.constant dense<0.000000e+00> : vector<128x16xf32>
    %dot_general3A_128 = tpu.matmul %convert_element_type3A_125, %slice3A_126, %dot_general3A_127 {dimension_numbers = #tpu.dot_dimension_numbers<[1], [0], [0], [1], [0, 0, 1, 1], [], []>, transpose_lhs_hint = false} : vector<128x1250xf32>, vector<1250x16xf32>, vector<128x16xf32> -> vector<128x16xf32>
    %add3A_129 = arith.addf %add3A_112, %dot_general3A_128 : vector<128x16xf32>
    %reduce_sum3A_130 = arith.constant dense<0.000000e+00> : vector<128xf32>
    %reduce_sum3A_131 = vector.multi_reduction <add>, %convert_element_type3A_125, %reduce_sum3A_130 [1] : vector<128x1250xf32> to vector<128xf32>
    %broadcast_in_dim3A_132 = vector.shape_cast %reduce_sum3A_131 : vector<128xf32> to vector<128x1xf32>
    %add3A_133 = arith.addf %add3A_116, %broadcast_in_dim3A_132 : vector<128x1xf32>
    %get3A_134 = arith.constant 7 : index
    %get3A_135 = arith.constant 0 : index
    %get3A_136 = vector.load %arg5[%get3A_134, %get3A_135] : memref<8x1250xi32, #tpu.memory_space<vmem>>, vector<1x1250xi32>
    %iota3A_137 = tpu.iota {dimensions = array<i32: 0>} : vector<128x1250xi32>
    %broadcast_in_dim3A_138 = vector.shape_cast %get3A_136 : vector<1x1250xi32> to vector<1x1250xi32>
    %broadcast_in_dim3A_139 = vector.broadcast %broadcast_in_dim3A_138 : vector<1x1250xi32> to vector<128x1250xi32>
    %eq3A_140 = arith.cmpi eq, %iota3A_137, %broadcast_in_dim3A_139 : vector<128x1250xi32>
    %convert_element_type3A_141 = arith.extui %eq3A_140 : vector<128x1250xi1> to vector<128x1250xi32>
    %convert_element_type3A_142 = arith.sitofp %convert_element_type3A_141 : vector<128x1250xi32> to vector<128x1250xf32>
    %slice3A_143 = vector.extract_strided_slice %add3A_17 {offsets = [0, 112], sizes = [1250, 16], strides = [1, 1]} : vector<1250x128xf32> to vector<1250x16xf32>
    %dot_general3A_144 = arith.constant dense<0.000000e+00> : vector<128x16xf32>
    %dot_general3A_145 = tpu.matmul %convert_element_type3A_142, %slice3A_143, %dot_general3A_144 {dimension_numbers = #tpu.dot_dimension_numbers<[1], [0], [0], [1], [0, 0, 1, 1], [], []>, transpose_lhs_hint = false} : vector<128x1250xf32>, vector<1250x16xf32>, vector<128x16xf32> -> vector<128x16xf32>
    %add3A_146 = arith.addf %add3A_129, %dot_general3A_145 : vector<128x16xf32>
    %reduce_sum3A_147 = arith.constant dense<0.000000e+00> : vector<128xf32>
    %reduce_sum3A_148 = vector.multi_reduction <add>, %convert_element_type3A_142, %reduce_sum3A_147 [1] : vector<128x1250xf32> to vector<128xf32>
    %broadcast_in_dim3A_149 = vector.shape_cast %reduce_sum3A_148 : vector<128xf32> to vector<128x1xf32>
    %add3A_150 = arith.addf %add3A_133, %broadcast_in_dim3A_149 : vector<128x1xf32>
    %max3A_151 = arith.constant 1.000000e+00 : f32
    %max3A_152 = vector.broadcast %max3A_151 : f32 to vector<128x1xf32>
    %max3A_153 = arith.maximumf %add3A_150, %max3A_152 : vector<128x1xf32>
    %div3A_154 = vector.broadcast %max3A_153 : vector<128x1xf32> to vector<128x16xf32>
    %div3A_155 = arith.divf %add3A_146, %div3A_154 : vector<128x16xf32>
    %swap3A = arith.constant 0 : index
    %swap3A_156 = arith.constant 0 : index
    %swap3A_157 = vector.load %arg6[%swap3A, %swap3A_156] : memref<128x16xf32, #tpu.memory_space<vmem>>, vector<128x16xf32>
    tpu.vector_store %arg6[%swap3A, %swap3A_156], %div3A_155 {strides = array<i32>} : memref<128x16xf32, #tpu.memory_space<vmem>>, vector<128x16xf32>,
    return
  }
}

</mosaic_0001>

<sc_bundles>
// kernel: kernel.10.cloned.1.call-start
scs
__scs_entry_jumppad:
0x0: {  	(pc) =	sbr.rel $0x88, $3  }
0x1: {  	(tag) =	ssettag $0x0;
	lr =	simm.s32 $0x1  }
0x2: {  	[smem:$0x3F98] =	sst lr;
	_ =	strace $0xD0000000  }
0x3: {  	_ = 	snop  }
0x4: {  	_ = 	snop  }
0x5: {  	_ = 	snop  }
0x6: {  	_ = 	snop  }
0x7: {  	_ = 	snop  }
__scs_overlays_trampoline_lowered:
0x8: {  	[smem:$0x3FA7] =	sst s0  }
0x9: {  	[smem:$0x3FA8] =	sst s1  }
0xa: {  	[smem:$0x3FA9] =	sst s2  }
0xb: {  	[smem:$0x3FAA] =	sst s3  }
0xc: {  	[smem:$0x3FAB] =	sst s4  }
0xd: {  	[smem:$0x3FAC] =	sst s5  }
0xe: {  	[smem:$0x3FAD] =	sst s6  }
0xf: {  	[smem:$0x3FAE] =	sst s7  }
0x10: {  	[smem:$0x3FAF] =	sst s8  }
0x11: {  	[smem:$0x3FB0] =	sst s9;
	s0 =	simm.s32 @!p0 $0x0  }
0x12: {  	s1 =	sld [smem:$0x3F96];
	s0 =	simm.s32 @p0 $0x1  }
0x13: {  	[smem:$0x3FB1] =	sst s0;
	s0 =	simm.s32 @!p1 $0x0  }
0x14: {  	s2 =	sld [smem:$0x3F95];
	s0 =	simm.s32 @p1 $0x1  }
0x15: {  	[smem:$0x3FB2] =	sst s0;
	s0 =	simm.s32 @!p2 $0x0  }
0x16: {  	s3 =	sld [smem:$0x3FDB];
	s0 =	simm.s32 @p2 $0x1  }
0x17: {  	s4 =	simm.s32 $0x1BF5;
	[smem:$0x3FB4] =	sst s0  }
0x18: {  	s0 =	sld [smem:$0x3F97];
	_ =	swait.ge [sflag:s4], $0x0  }
0x19: {  	s7 =	sld [smem:$0x3F98]  }
0x1a: {  	s8 =	sadd.s32 $0xFFFFE003, lr  }
0x1b: {  	s9 =	sadd.s32 $0xFFFFFEF7, lr;
	s5 =	simm.s32 $0xFFFFFFFF;
	p2 =	slt.u32 s8, $0xFFFFF086  }
0x1c: {  	p1 =	slt.u32 s9, $0xF7A;
	s5 =	simm.s32 @!p2 $0x0  }
0x1d: {  	s5 =	simm.s32 @p1 $0x1;
	p0 =	seq.s32 s7, s2  }
0x1e: {  	s7 =	smul.u32 @!p0 $0xF7A, s2;
	p2 =	seq.s32 @!p0 s5, $0x0  }
0x1f: {  	s9 =	smul.u32 $0xF7A, s1;
	s8 =	simm.s32 @!p0 $0x1BF5;
	p2 =	por !p2, p0  }
0x20: {  	[sflag:s8] =	ssyncset.s32 @!p0 $0xFFFFF086;
	s6 =	sadd.s32 @!p0 s3, s7;
	s7 =	simm.s32 @!p0 $0x108  }
0x21: {  	s3 =	sadd.s32 s3, s9;
	s6 =	sadd.s32 @!p0 $0x88, s6;
	s7 =	simm.s32 @p2 $0x1082  }
0x22: {  	[simem:s7], [sflag:s8] =	dma.local @!p0 [hbm:s6], $0xF7A  }
0x23: {  	s9 =	sor.u32 $0xD0000000, s2;
	s6 =	simm.s32 $0x108;
	_ =	swait.ge @!p0 [sflag:s8], $0x0  }
0x24: {  	s3 =	sadd.s32 $0x88, s3;
	s6 =	simm.s32 @!p1 $0x1082;
	[sflag:s4] =	ssyncset.s32 $0xFFFFF086  }
0x25: {  	[simem:s6], [sflag:s4] =	dma.local [hbm:s3], $0xF7A  }
0x26: {  	[smem:$0x3F98] =	sst s1;
	(tag) =	ssettag s2;
	_ =	strace s9  }
0x27: {  	s1 =	sld [smem:$0x3FA8]  }
0x28: {  	s2 =	sld [smem:$0x3FA9]  }
0x29: {  	s4 =	sld [smem:$0x3FAB]  }
0x2a: {  	p0 =	seq.s32 s5, $0x0;
	s5 =	sld [smem:$0x3FAC]  }
0x2b: {  	s6 =	sld [smem:$0x3FAD]  }
0x2c: {  	s7 =	sld [smem:$0x3FAE]  }
0x2d: {  	s3 =	simm.s32 $0x108;
	s8 =	sld [smem:$0x3FAF]  }
0x2e: {  	s3 =	simm.s32 @!p0 $0x1082;
	s9 =	sld [smem:$0x3FB0]  }
0x2f: {  	lr =	sadd.s32 s0, s3;
	s0 =	sld [smem:$0x3FA7]  }
0x30: {  	s3 =	sld [smem:$0x3FAA]  }
0x31: {  	[smem:$0x3FB3] =	sst s10  }
0x32: {  	s10 =	sld [smem:$0x3FB1];
	_ =	sdelay $0x3  }
0x33: {  	p0 =	seq.s32 s10, $0x1;
	s10 =	sld [smem:$0x3FB3];
	_ =	sdelay $0x3  }
0x34: {  	[smem:$0x3FB3] =	sst s10  }
0x35: {  	s10 =	sld [smem:$0x3FB2];
	_ =	sdelay $0x3  }
0x36: {  	p1 =	seq.s32 s10, $0x1;
	s10 =	sld [smem:$0x3FB3];
	_ =	sdelay $0x3  }
0x37: {  	[smem:$0x3FB3] =	sst s10  }
0x38: {  	s10 =	sld [smem:$0x3FB4]  }
0x39: {  	_ = 	snop;
	(pc) =	sbr.ind lr, $3  }
0x3a: {  	_ = 	snop  }
0x3b: {  	_ = 	snop  }
0x3c: {  	p2 =	seq.s32 s10, $0x1;
	s10 =	sld [smem:$0x3FB3]  }
0x3d: {  	_ =	shalt  }
0x3e: {  	_ =	shalt  }
0x3f: {  	_ =	shalt  }
0x40: {  	_ =	shalt  }
0x41: {  	_ =	shalt  }
0x42: {  	_ =	shalt  }
0x43: {  	_ =	shalt  }
0x44: {  	_ =	shalt  }
0x45: {  	_ =	shalt  }
0x46: {  	_ =	shalt  }
0x47: {  	_ =	shalt  }
0x48: {  	_ =	shalt  }
0x49: {  	_ =	shalt  }
0x4a: {  	_ =	shalt  }
0x4b: {  	_ =	shalt  }
0x4c: {  	_ =	shalt  }
0x4d: {  	_ =	shalt  }
0x4e: {  	_ =	shalt  }
0x4f: {  	_ =	shalt  }
0x50: {  	_ =	shalt  }
0x51: {  	_ =	shalt  }
0x52: {  	_ =	shalt  }
0x53: {  	_ =	shalt  }
0x54: {  	_ =	shalt  }
0x55: {  	_ =	shalt  }
0x56: {  	_ =	shalt  }
0x57: {  	_ =	shalt  }
0x58: {  	_ =	shalt  }
0x59: {  	_ =	shalt  }
0x5a: {  	_ =	shalt  }
0x5b: {  	_ =	shalt  }
0x5c: {  	_ =	shalt  }
0x5d: {  	_ =	shalt  }
0x5e: {  	_ =	shalt  }
0x5f: {  	_ =	shalt  }
0x60: {  	_ =	shalt  }
0x61: {  	_ =	shalt  }
0x62: {  	_ =	shalt  }
0x63: {  	_ =	shalt  }
0x64: {  	_ =	shalt  }
0x65: {  	_ =	shalt  }
0x66: {  	_ =	shalt  }
0x67: {  	_ =	shalt  }
0x68: {  	_ =	shalt  }
0x69: {  	_ =	shalt  }
0x6a: {  	_ =	shalt  }
0x6b: {  	_ =	shalt  }
0x6c: {  	_ =	shalt  }
0x6d: {  	_ =	shalt  }
0x6e: {  	_ =	shalt  }
0x6f: {  	_ =	shalt  }
0x70: {  	_ =	shalt  }
0x71: {  	_ =	shalt  }
0x72: {  	_ =	shalt  }
0x73: {  	_ =	shalt  }
0x74: {  	_ =	shalt  }
0x75: {  	_ =	shalt  }
0x76: {  	_ =	shalt  }
0x77: {  	_ =	shalt  }
0x78: {  	_ =	shalt  }
0x79: {  	_ =	shalt  }
0x7a: {  	_ =	shalt  }
0x7b: {  	_ =	shalt  }
0x7c: {  	_ =	shalt  }
0x7d: {  	_ =	shalt  }
0x7e: {  	_ =	shalt  }
0x7f: {  	_ =	shalt  }
0x80: {  	_ =	shalt  }
0x81: {  	_ =	shalt  }
0x82: {  	_ =	shalt  }
0x83: {  	_ =	shalt  }
0x84: {  	_ =	shalt  }
0x85: {  	_ =	shalt  }
0x86: {  	_ =	shalt  }
0x87: {  	_ =	shalt  }
.Lfunc_end0:
.L_simem_size_0:
called_computation.1_lowered:
.L_overlay_start_0:
0x88: {  	s2 =	sld [smem:$0x3FD9]  }
0x89: {  	s3 =	sld [smem:$0x3FFE];
	_ =	sdelay $0x1  }
0x8a: {  	s1 =	srdreg.scid  }
0x8b: {  	s0 =	sand.u32 $0x1, s1  }
0x8c: {  	s16 =	sshll.u32 s0, $0xA;
	s2 =	sadd.s32 s3, s2  }
0x8d: {  	s2 =	sadd.s32 s2, s16  }
0x8e: {  	[smem:$0x3FBF] =	sst s2  }
0x8f: {  	_ = 	snop  }
0x90: {  	(tm) =	ssettm $0x1  }
0x91: {  	s17 =	sld [smem:$0x3FFB];
	_ =	sdelay $0x3  }
0x92: {  	_ =	strace s17  }
0x93: {  	s2 =	sld [smem:$0x3FFC];
	_ =	sdelay $0x3  }
0x94: {  	_ =	strace s2  }
0x95: {  	s2 =	sld [smem:$0x3FFD];
	_ =	sdelay $0x3  }
0x96: {  	_ =	strace s2  }
0x97: {  	_ =	strace $0x8FFFFFFF  }
0x98: {  	s18 =	sld [smem:$0x3FDB];
	_ =	sdelay $0x1  }
0x99: {  	s19 =	simm.s32 $_scs_section_size  }
0x9a: {  	s4 =	simm.s32 $_size__tile_overlayer_lowered;
	s5 =	simm.s32 $_tile_overlayer_lowered  }
0x9b: {  	s22 =	simm.s32 $0x1BFF;
	s21 =	sshll.u32 s5, $0x1;
	s2 =	sadd.s32 s19, s18  }
0x9c: {  	s6 =	simm.s32 $0x0;
	s20 =	sshll.u32 s4, $0x1;
	s4 =	sadd.s32 s21, s2  }
0x9d: {  	[timem:s6], [sflag:s22] =	dma.local [hbm:s4], s20  }
0x9e: {  	_ =	swait.ge [sflag:s22], s20  }
0x9f: {  	s3 =	ssub.s32 $0x0, s20;
	[sflag:s22] =	ssyncset.done $0x0  }
0xa0: {  	[sflag:s22] =	ssyncadd.s32 s3;
	_ =	sdelay $0x1  }
0xa1: {  	s23 =	simm.s32 $0x1B8B  }
0xa2: {  	_ =	swait.ge [sflag:s23], $0x1  }
0xa3: {  	[sflag:s23] =	ssyncset.done $0x0  }
0xa4: {  	s25 =	simm.s32 $0x1B8E;
	s24 =	sld [smem:$0x3FFE];
	[sflag:s23] =	ssyncadd.s32 $0xFFFFFFFF  }
0xa5: {  	s26 =	simm.s32 $execute0_lowered;
	[smem:$0x3FD2] =	sst s25  }
0xa6: {  	s4 =	sshll.u32 s26, $0x1;
	_ =	strace $0x80000049;
	[dreg:$0x1] =	wrdreg $0xFFFFFFFF  }
0xa7: {  	s28 =	simm.s32 $_size_execute0_lowered;
	s2 =	sadd.s32 s2, s4;
	[dreg:$0x0] =	wrdreg $0x0  }
0xa8: {  	s4 =	sshll.u32 s28, $0x1;
	[dreg:$0x2] =	wrdreg s2  }
0xa9: {  	[dreg:$0x3] =	wrdreg s4  }
0xaa: {  	[dreg:$0x4] =	wrdreg $0xC0  }
0xab: {  	_ =	task [dreg:s6], $0x5FFFF  }
0xac: {  	[dreg:$0x1] =	wrdreg $0xFFFFFFFF  }
0xad: {  	[dreg:$0x0] =	wrdreg $0x60  }
0xae: {  	[dreg:$0x2] =	wrdreg s24  }
0xaf: {  	[dreg:$0x3] =	wrdreg $0x109A00  }
0xb0: {  	[dreg:$0x4] =	wrdreg $0x9  }
0xb1: {  	_ =	task.clear_ibuf [dreg:s6], $0x5FFFF;
	_ =	strace $0x90000049  }
0xb2: {  	s29 =	simm.s32 $0x9;
	_ =	strace $0x8000004B  }
0xb3: {  	_ =	swait.ge [sflag:s29], $0x1  }
0xb4: {  	[sflag:s29] =	ssyncadd.s32 $0xFFFFFFFF  }
0xb5: {  	_ =	strace $0x9000004B  }
0xb6: {  	_ =	sfence  }
0xb7: {  	s30 =	sld [smem:$0x0];
	_ =	sdelay $0x2  }
0xb8: {  	s31 =	sshll.u32 s1, $0xD;
	s1 =	sshrl.u32 s1, $0x2  }
0xb9: {  	s3 =	sand.u32 $0x4000, s31;
	s1 =	sadd.s32 s1, s30  }
0xba: {  	s0 =	sor.u32 s3, s0;
	s1 =	sshll.u32 s1, $0x11  }
0xbb: {  	s0 =	sor.u32 s1, s0  }
0xbc: {  	s0 =	sadd.s32 $0x8F2B, s0  }
0xbd: {  	[sflag:s0] =	ssyncadd.remote.s32 $0x1  }
0xbe: {  	_ =	sfence.sel $0xFFFF  }
0xbf: {  	[dreg:$0x0] =	wrdreg $0xFFFFFFFF;
	(pc) =	sbr.abs _section_cstart, $3  }
0xc0: {  	[dreg:$0x1] =	wrdreg $0xFFFFFFFF  }
0xc1: {  	_ =	task.clear_ibuf [dreg:s6], $0x2FFFF;
	_ =	strace $0x9FFFFFFF  }
0xc2: {  	(tm) =	ssettm $0x7FFFFFFF  }
0xc3: {  	_ =	shalt  }
tec
execute0_lowered:
.L_overlay_start_1:
0x0: {  	(tag) =	ssettag $0x1  }
0x1: {  	s0 =	rddreg [dreg:$0x0]  }
0x2: {  	s2 =	rddreg [dreg:$0x1]  }
0x3: {  	s1 =	srdreg.scid;
	s12 =	stileid.u32;
	s3 =	simm.s32 $0x0  }
0x4: {  	s30 =	simm.s32 $0x3E8;
	s29 =	simm.s32 $0x2;
	s31 =	simm.s32 $0x5  }
0x5: {  	s28 =	simm.s32 $0x4;
	s1 =	sand.u32 $0x1, s1;
	s4 =	sshll.u32 s12, $0x1  }
0x6: {  	[smem:$0x7FF] =	sst s3;
	s8 =	sadd.s32 $0x3800, s0;
	s5 =	ssub.s32 $0x2, s1  }
0x7: {  	s4 =	sor.u32 s1, s4;
	_ =	strace $0x8000004A;
	p0 =	seq.s32 s1, $0x1  }
0x8: {  	s1 =	simm.s32 $0x21200;
	s6 =	sshrl.u32 s5, $0x1;
	s7 =	smul.u32 $0x2710, s4  }
0x9: {  	s4 =	sadd.s32 $0x17200, s0;
	s1 =	simm.s32 @!p0 $0x1C200;
	s6 =	ssub.s32 s5, s6  }
0xa: {  	s0 =	sadd.s32 s1, s0;
	s1 =	simm.s32 $0x7;
	s16 =	sshrl.u32 s7, $0x3  }
0xb: {  	s9 =	sadd.s32 $0x3E8, s7;
	s10 =	sadd.s32 $0x4E5E8, s7;
	s19 =	sadd.s32 $0xBB8, s7  }
0xc: {  	s20 =	sadd.s32 $0x4EDB8, s7;
	s23 =	sadd.s32 $0x1388, s7;
	s25 =	sadd.s32 $0x4F588, s7  }
0xd: {  	s14 =	sadd.s32 $0x1B58, s7;
	s15 =	sadd.s32 $0x4FD58, s7;
	s5 =	sadd.s32 s8, s16  }
0xe: {  	s9 =	sshrl.u32 s9, $0x3;
	s10 =	sshrl.u32 s10, $0x3;
	s13 =	sshrl.u32 s25, $0x3  }
0xf: {  	s16 =	sadd.s32 $0x2328, s7;
	s11 =	sadd.s32 $0x9C40, s5;
	[dreg:$0x18] =	wrdreg s5  }
0x10: {  	s7 =	sadd.s32 $0x50528, s7;
	s9 =	sadd.s32 s8, s9;
	[dreg:$0x3] =	wrdreg s11  }
0x11: {  	s17 =	sadd.s32 s8, s10;
	s18 =	sadd.s32 $0xFA, s5;
	[dreg:$0x4] =	wrdreg s9  }
0x12: {  	s21 =	sadd.s32 $0x9D3A, s5;
	s10 =	sshrl.u32 s20, $0x3;
	[dreg:$0x5] =	wrdreg s17  }
0x13: {  	s24 =	sadd.s32 $0x1F4, s5;
	s26 =	sadd.s32 $0x9E34, s5;
	[dreg:$0x6] =	wrdreg s18  }
0x14: {  	s7 =	sshrl.u32 s7, $0x3;
	s25 =	sadd.s32 $0x3E8, s5;
	[dreg:$0x7] =	wrdreg s21  }
0x15: {  	s9 =	sshrl.u32 s19, $0x3;
	s22 =	sadd.s32 s8, s10;
	[dreg:$0xa] =	wrdreg s24  }
0x16: {  	[dreg:$0xb] =	wrdreg s26;
	s10 =	sshrl.u32 s15, $0x3;
	s18 =	sshrl.u32 s16, $0x3  }
0x17: {  	s19 =	smul.u32 $0x2710, s12;
	s7 =	sadd.s32 s8, s7;
	s21 =	sadd.s32 $0x2EE, s5  }
0x18: {  	s24 =	smax.u32 s6, $0x1;
	[dreg:$0x16] =	wrdreg s25;
	s26 =	sadd.s32 $0xA028, s5  }
0x19: {  	s11 =	simm.s32 $0x2EE0;
	s12 =	simm.s32 $0xBB8;
	[dreg:$0x9] =	wrdreg s22  }
0x1a: {  	s15 =	simm.s32 $0x36B0;
	s16 =	simm.s32 $0x1388;
	[dreg:$0x11] =	wrdreg s7  }
0x1b: {  	s25 =	simm.s32 $0x2328;
	s6 =	simm.s32 $0x0;
	[dreg:$0x12] =	wrdreg s21  }
0x1c: {  	s9 =	sadd.s32 s8, s9;
	s17 =	sadd.s32 s8, s10;
	[dreg:$0x15] =	wrdreg s24  }
0x1d: {  	s22 =	sadd.s32 $0x9F2E, s5;
	[dreg:$0x17] =	wrdreg s26;
	s10 =	simm.s32 $0x7D0  }
0x1e: {  	s5 =	simm.s32 $0x1B58;
	s24 =	simm.s32 $0x4268;
	[dreg:$0x8] =	wrdreg s9  }
0x1f: {  	s21 =	simm.s32 $0x1F40;
	s26 =	simm.s32 $0x4E20;
	[dreg:$0xf] =	wrdreg s17  }
0x20: {  	s9 =	sshrl.u32 s23, $0x3;
	s20 =	sshrl.u32 s19, $0x3;
	[dreg:$0x14] =	wrdreg s22  }
0x21: {  	s23 =	sadd.s32 s19, s2;
	s17 =	simm.s32 $0x3A98;
	s19 =	simm.s32 $0x3E80  }
0x22: {  	s2 =	simm.s32 $0x4A38;
	s9 =	sadd.s32 s8, s9;
	[dreg:$0x19] =	wrdreg s23  }
0x23: {  	s22 =	simm.s32 $0x1;
	s0 =	sadd.s32 s0, s20;
	[dreg:$0xc] =	wrdreg s9  }
0x24: {  	s23 =	simm.s32 $0x4650;
	s9 =	sadd.s32 s8, s13;
	[dreg:$0x13] =	wrdreg s0  }
0x25: {  	s13 =	simm.s32 $0x32C8;
	[dreg:$0xd] =	wrdreg s9;
	s9 =	sshrl.u32 s14, $0x3  }
0x26: {  	s0 =	simm.s32 $0x6;
	s14 =	simm.s32 $0xFA0;
	s9 =	sadd.s32 s8, s9  }
0x27: {  	[dreg:$0xe] =	wrdreg s9;
	s9 =	sadd.s32 s8, s18;
	s8 =	simm.s32 $0x2AF8  }
0x28: {  	v0 =	vimm.f32 $0.0e+00;
	s18 =	simm.s32 $0x1770;
	[dreg:$0x10] =	wrdreg s9;
	s9 =	simm.s32 $0x2710  }
.LBB2_1:
0x29: {  	s7 =	rddreg [dreg:$0x18]  }
0x2a: {  	[tilespmem:s3], [sflag:$0x1] =	stream.linear.gather [hbm4b:s7+s3], $0x3E8, $0x38;
	[tilespmem:$0x130B0] =	vst v63  }
0x2b: {  	s20 =	rddreg [dreg:$0x3]  }
0x2c: {  	[tilespmem:s9], [sflag:$0x1] =	stream.linear.gather [hbm4b:s20+s3], $0x3E8, $0x38;
	[tilespmem:$0x130B0] =	vst v63  }
0x2d: {  	s20 =	rddreg [dreg:$0x4]  }
0x2e: {  	[tilespmem:s30], [sflag:$0x1] =	stream.linear.gather [hbm4b:s20+s3], $0x3E8, $0x38;
	[tilespmem:$0x130B0] =	vst v63  }
0x2f: {  	s20 =	rddreg [dreg:$0x5]  }
0x30: {  	[tilespmem:s8], [sflag:$0x1] =	stream.linear.gather [hbm4b:s20+s3], $0x3E8, $0x38;
	[tilespmem:$0x130B0] =	vst v63  }
0x31: {  	s20 =	rddreg [dreg:$0x6]  }
0x32: {  	[tilespmem:s10], [sflag:$0x1] =	stream.linear.gather [hbm4b:s20+s3], $0x3E8, $0x38;
	[tilespmem:$0x130B0] =	vst v63  }
0x33: {  	s8 =	rddreg [dreg:$0x7]  }
0x34: {  	[tilespmem:s11], [sflag:$0x1] =	stream.linear.gather [hbm4b:s8+s3], $0x3E8, $0x38;
	[tilespmem:$0x130B0] =	vst v63  }
0x35: {  	s10 =	rddreg [dreg:$0x8]  }
0x36: {  	[tilespmem:s12], [sflag:$0x1] =	stream.linear.gather [hbm4b:s10+s3], $0x3E8, $0x38;
	[tilespmem:$0x130B0] =	vst v63  }
0x37: {  	s11 =	rddreg [dreg:$0x9]  }
0x38: {  	[tilespmem:s13], [sflag:$0x1] =	stream.linear.gather [hbm4b:s11+s3], $0x3E8, $0x38;
	[tilespmem:$0x130B0] =	vst v63  }
0x39: {  	s12 =	rddreg [dreg:$0xa]  }
0x3a: {  	[tilespmem:s14], [sflag:$0x1] =	stream.linear.gather [hbm4b:s12+s3], $0x3E8, $0x38;
	[tilespmem:$0x130B0] =	vst v63  }
0x3b: {  	s13 =	rddreg [dreg:$0xb]  }
0x3c: {  	[tilespmem:s15], [sflag:$0x1] =	stream.linear.gather [hbm4b:s13+s3], $0x3E8, $0x38;
	[tilespmem:$0x130B0] =	vst v63  }
0x3d: {  	s14 =	rddreg [dreg:$0xc]  }
0x3e: {  	[tilespmem:s16], [sflag:$0x1] =	stream.linear.gather [hbm4b:s14+s3], $0x3E8, $0x38;
	[tilespmem:$0x130B0] =	vst v63  }
0x3f: {  	s15 =	rddreg [dreg:$0xd]  }
0x40: {  	[tilespmem:s17], [sflag:$0x1] =	stream.linear.gather [hbm4b:s15+s3], $0x3E8, $0x38;
	[tilespmem:$0x130B0] =	vst v63  }
0x41: {  	s16 =	rddreg [dreg:$0x12]  }
0x42: {  	[tilespmem:s18], [sflag:$0x1] =	stream.linear.gather [hbm4b:s16+s3], $0x3E8, $0x38;
	[tilespmem:$0x130B0] =	vst v63  }
0x43: {  	s17 =	rddreg [dreg:$0x14]  }
0x44: {  	[tilespmem:s19], [sflag:$0x1] =	stream.linear.gather [hbm4b:s17+s3], $0x3E8, $0x38;
	[tilespmem:$0x130B0] =	vst v63  }
0x45: {  	s18 =	rddreg [dreg:$0xe]  }
0x46: {  	[tilespmem:s5], [sflag:$0x1] =	stream.linear.gather [hbm4b:s18+s3], $0x3E8, $0x38;
	[tilespmem:$0x130B0] =	vst v63  }
0x47: {  	s7 =	simm.s32 $0x40;
	s19 =	rddreg [dreg:$0xf]  }
0x48: {  	[tilespmem:s24], [sflag:$0x1] =	stream.linear.gather [hbm4b:s19+s3], $0x3E8, $0x38;
	[tilespmem:$0x130B0] =	vst v63  }
0x49: {  	s20 =	rddreg [dreg:$0x16];
	s8 =	simm.s32 $0x0;
	s11 =	simm.s32 $0xBB8  }
0x4a: {  	[tilespmem:s21], [sflag:$0x1] =	stream.linear.gather [hbm4b:s20+s3], $0x3E8, $0x38;
	[tilespmem:$0x130B0] =	vst v63  }
0x4b: {  	s13 =	simm.s32 $0xFA0;
	s15 =	simm.s32 $0x1388;
	s21 =	rddreg [dreg:$0x17]  }
0x4c: {  	[tilespmem:s23], [sflag:$0x1] =	stream.linear.gather [hbm4b:s21+s3], $0x3E8, $0x38;
	[tilespmem:$0x130B0] =	vst v63  }
0x4d: {  	s17 =	simm.s32 $0x1770;
	s24 =	rddreg [dreg:$0x10];
	s19 =	simm.s32 $0x1B58  }
0x4e: {  	[tilespmem:s25], [sflag:$0x1] =	stream.linear.gather [hbm4b:s24+s3], $0x3E8, $0x38;
	[tilespmem:$0x130B0] =	vst v63  }
0x4f: {  	s23 =	simm.s32 $0x2328;
	s25 =	rddreg [dreg:$0x11];
	s24 =	simm.s32 $0x1F40  }
0x50: {  	[tilespmem:s2], [sflag:$0x1] =	stream.linear.gather [hbm4b:s25+s3], $0x3E8, $0x38;
	[tilespmem:$0x130B0] =	vst v63  }
.LBB2_2:
0x51: {  	p0 =	sne.s32 s7, $0x9C00;
	[tilespmem:s8+$0x4E20] =	vst v0;
	s8 =	smov.u32 s7;
	s7 =	sadd.s32 $0x40, s7  }
.Ltmp0:
0x52: {  	(pc) =	sbr.rel @p0 .LBB2_2-.Ltmp0, $2  }
0x53: {  	_ =	sdelay $0x2  }
0x54: {  	s8 =	sshra.s32 s8, $0x2  }
0x55: {  	[tilespmem:s8+$0x4E20] =	vst v0;
	s8 =	rddreg [dreg:$0x19];
	s2 =	simm.s32 $0x8  }
0x56: {  	[spmem:s8] =	stream.linear.scatter [tilespmem:s26], [sflag:$0x8], $0x2710, $0x38;
	[tilespmem:$0x130B0] =	vst v63  }
0x57: {  	_ =	swait.ge [sflag:s2], $0x2710  }
0x58: {  	[sflag:s2] =	ssyncset.done $0x0  }
0x59: {  	[sflag:s2] =	ssyncadd.s32 $0xFFFFD8F0  }
0x5a: {  	[bflag:$0x0] =	sbarrier.arrive $0xFFFF  }
0x5b: {  	_ =	swait.ge [sflag:s22], $0x3E8  }
0x5c: {  	[sflag:s22] =	ssyncset.done $0x0  }
0x5d: {  	[sflag:s22] =	ssyncadd.s32 $0xFFFFFC18  }
0x5e: {  	_ =	swait.ge [sflag:s22], $0x3E8  }
0x5f: {  	[sflag:s22] =	ssyncset.done $0x0  }
0x60: {  	[sflag:s22] =	ssyncadd.s32 $0xFFFFFC18  }
0x61: {  	_ =	swait.ge [sflag:s22], $0x3E8  }
0x62: {  	[sflag:s22] =	ssyncset.done $0x0  }
0x63: {  	[sflag:s22] =	ssyncadd.s32 $0xFFFFFC18  }
0x64: {  	_ =	swait.ge [sflag:s22], $0x3E8  }
0x65: {  	[sflag:s22] =	ssyncset.done $0x0  }
0x66: {  	[sflag:s22] =	ssyncadd.s32 $0xFFFFFC18  }
0x67: {  	_ =	swait.ge [sflag:s22], $0x3E8  }
0x68: {  	[sflag:s22] =	ssyncset.done $0x0  }
0x69: {  	[sflag:s22] =	ssyncadd.s32 $0xFFFFFC18  }
0x6a: {  	_ =	swait.ge [sflag:s22], $0x3E8  }
0x6b: {  	[sflag:s22] =	ssyncset.done $0x0  }
0x6c: {  	[sflag:s22] =	ssyncadd.s32 $0xFFFFFC18  }
0x6d: {  	_ =	swait.ge [sflag:s22], $0x3E8  }
0x6e: {  	[sflag:s22] =	ssyncset.done $0x0  }
0x6f: {  	[sflag:s22] =	ssyncadd.s32 $0xFFFFFC18  }
0x70: {  	_ =	swait.ge [sflag:s22], $0x3E8  }
0x71: {  	[sflag:s22] =	ssyncset.done $0x0  }
0x72: {  	[sflag:s22] =	ssyncadd.s32 $0xFFFFFC18  }
0x73: {  	_ =	swait.ge [sflag:s22], $0x3E8  }
0x74: {  	[sflag:s22] =	ssyncset.done $0x0  }
0x75: {  	[sflag:s22] =	ssyncadd.s32 $0xFFFFFC18  }
0x76: {  	_ =	swait.ge [sflag:s22], $0x3E8  }
0x77: {  	[sflag:s22] =	ssyncset.done $0x0  }
0x78: {  	[sflag:s22] =	ssyncadd.s32 $0xFFFFFC18  }
0x79: {  	_ =	swait.ge [sflag:s22], $0x3E8  }
0x7a: {  	[sflag:s22] =	ssyncset.done $0x0  }
0x7b: {  	[sflag:s22] =	ssyncadd.s32 $0xFFFFFC18  }
0x7c: {  	_ =	swait.ge [sflag:s22], $0x3E8  }
0x7d: {  	[sflag:s22] =	ssyncset.done $0x0  }
0x7e: {  	[sflag:s22] =	ssyncadd.s32 $0xFFFFFC18  }
0x7f: {  	_ =	swait.ge [sflag:s22], $0x3E8  }
0x80: {  	[sflag:s22] =	ssyncset.done $0x0  }
0x81: {  	[sflag:s22] =	ssyncadd.s32 $0xFFFFFC18  }
0x82: {  	_ =	swait.ge [sflag:s22], $0x3E8  }
0x83: {  	[sflag:s22] =	ssyncset.done $0x0  }
0x84: {  	[sflag:s22] =	ssyncadd.s32 $0xFFFFFC18  }
0x85: {  	_ =	swait.ge [sflag:s22], $0x3E8  }
0x86: {  	[sflag:s22] =	ssyncset.done $0x0  }
0x87: {  	[sflag:s22] =	ssyncadd.s32 $0xFFFFFC18  }
0x88: {  	_ =	swait.ge [sflag:s22], $0x3E8  }
0x89: {  	[sflag:s22] =	ssyncset.done $0x0  }
0x8a: {  	[sflag:s22] =	ssyncadd.s32 $0xFFFFFC18  }
0x8b: {  	_ =	swait.ge [sflag:s22], $0x3E8  }
0x8c: {  	[sflag:s22] =	ssyncset.done $0x0  }
0x8d: {  	[sflag:s22] =	ssyncadd.s32 $0xFFFFFC18  }
0x8e: {  	_ =	swait.ge [sflag:s22], $0x3E8  }
0x8f: {  	[sflag:s22] =	ssyncset.done $0x0  }
0x90: {  	[sflag:s22] =	ssyncadd.s32 $0xFFFFFC18  }
0x91: {  	_ =	swait.ge [sflag:s22], $0x3E8  }
0x92: {  	[sflag:s22] =	ssyncset.done $0x0  }
0x93: {  	[sflag:s22] =	ssyncadd.s32 $0xFFFFFC18  }
0x94: {  	_ =	swait.ge [sflag:s22], $0x3E8  }
0x95: {  	[sflag:s22] =	ssyncset.done $0x0  }
0x96: {  	[sflag:s22] =	ssyncadd.s32 $0xFFFFFC18  }
0x97: {  	[tilespmem:s26], [sflag:$0x2] =	stream.indirect.gather [hbm4b:s4+s30], $0x10, s3, s30, $0xb8;
	[tilespmem:$0x130B0] =	vst v63  }
0x98: {  	s25 =	simm.s32 $0x8CA0  }
0x99: {  	[tilespmem:s25], [sflag:$0x3] =	stream.indirect.gather [hbm4b:s4+s30], $0x10, s30, s30, $0xb8;
	[tilespmem:$0x130B0] =	vst v63  }
0x9a: {  	_ =	swait.ge [sflag:s29], $0x3E80  }
0x9b: {  	[sflag:s29] =	ssyncset.done $0x0  }
0x9c: {  	[sflag:s29] =	ssyncadd.s32 $0xFFFFC180  }
0x9d: {  	s20 =	rddreg [dreg:$0x1]  }
0x9e: {  	[spmem:s20] =	stream.indirect.scatter.add.f32 [tilespmem:s26], [sflag:$0x5], $0x10, s9, s30, $0xb8;
	[tilespmem:$0x130B0] =	vst v63  }
0x9f: {  	s10 =	simm.s32 $0x7D0;
	s21 =	simm.s32 $0x3;
	s9 =	simm.s32 $0xCB20  }
0xa0: {  	[tilespmem:s9], [sflag:$0x4] =	stream.indirect.gather [hbm4b:s4+s30], $0x10, s10, s30, $0xb8;
	[tilespmem:$0x130B0] =	vst v63  }
0xa1: {  	_ =	swait.ge [sflag:s21], $0x3E80  }
0xa2: {  	[sflag:s21] =	ssyncset.done $0x0  }
0xa3: {  	s7 =	simm.s32 $0x2AF8;
	[sflag:s21] =	ssyncadd.s32 $0xFFFFC180  }
0xa4: {  	[spmem:s20] =	stream.indirect.scatter.add.f32 [tilespmem:s25], [sflag:$0x6], $0x10, s7, s30, $0xb8;
	[tilespmem:$0x130B0] =	vst v63  }
0xa5: {  	_ =	swait.ge [sflag:s31], $0x3E80  }
0xa6: {  	[sflag:s31] =	ssyncset.done $0x0  }
0xa7: {  	[sflag:s31] =	ssyncadd.s32 $0xFFFFC180  }
0xa8: {  	[tilespmem:s26], [sflag:$0x2] =	stream.indirect.gather [hbm4b:s4+s30], $0x10, s11, s30, $0xb8;
	[tilespmem:$0x130B0] =	vst v63  }
0xa9: {  	_ =	swait.ge [sflag:s28], $0x3E80  }
0xaa: {  	[sflag:s28] =	ssyncset.done $0x0  }
0xab: {  	s11 =	simm.s32 $0x2EE0;
	[sflag:s28] =	ssyncadd.s32 $0xFFFFC180  }
0xac: {  	[spmem:s20] =	stream.indirect.scatter.add.f32 [tilespmem:s9], [sflag:$0x7], $0x10, s11, s30, $0xb8;
	[tilespmem:$0x130B0] =	vst v63  }
0xad: {  	_ =	swait.ge [sflag:s0], $0x3E80  }
0xae: {  	[sflag:s0] =	ssyncset.done $0x0  }
0xaf: {  	[sflag:s0] =	ssyncadd.s32 $0xFFFFC180  }
0xb0: {  	[tilespmem:s25], [sflag:$0x3] =	stream.indirect.gather [hbm4b:s4+s30], $0x10, s13, s30, $0xb8;
	[tilespmem:$0x130B0] =	vst v63  }
0xb1: {  	_ =	swait.ge [sflag:s29], $0x3E80  }
0xb2: {  	[sflag:s29] =	ssyncset.done $0x0  }
0xb3: {  	s13 =	simm.s32 $0x32C8;
	[sflag:s29] =	ssyncadd.s32 $0xFFFFC180  }
0xb4: {  	[spmem:s20] =	stream.indirect.scatter.add.f32 [tilespmem:s26], [sflag:$0x5], $0x10, s13, s30, $0xb8;
	[tilespmem:$0x130B0] =	vst v63  }
0xb5: {  	_ =	swait.ge [sflag:s1], $0x3E80  }
0xb6: {  	[sflag:s1] =	ssyncset.done $0x0  }
0xb7: {  	[sflag:s1] =	ssyncadd.s32 $0xFFFFC180  }
0xb8: {  	[tilespmem:s9], [sflag:$0x4] =	stream.indirect.gather [hbm4b:s4+s30], $0x10, s15, s30, $0xb8;
	[tilespmem:$0x130B0] =	vst v63  }
0xb9: {  	_ =	swait.ge [sflag:s21], $0x3E80  }
0xba: {  	[sflag:s21] =	ssyncset.done $0x0  }
0xbb: {  	s15 =	simm.s32 $0x36B0;
	[sflag:s21] =	ssyncadd.s32 $0xFFFFC180  }
0xbc: {  	[spmem:s20] =	stream.indirect.scatter.add.f32 [tilespmem:s25], [sflag:$0x6], $0x10, s15, s30, $0xb8;
	[tilespmem:$0x130B0] =	vst v63  }
0xbd: {  	_ =	swait.ge [sflag:s31], $0x3E80  }
0xbe: {  	[sflag:s31] =	ssyncset.done $0x0  }
0xbf: {  	[sflag:s31] =	ssyncadd.s32 $0xFFFFC180  }
0xc0: {  	[tilespmem:s26], [sflag:$0x2] =	stream.indirect.gather [hbm4b:s4+s30], $0x10, s17, s30, $0xb8;
	[tilespmem:$0x130B0] =	vst v63  }
0xc1: {  	_ =	swait.ge [sflag:s28], $0x3E80  }
0xc2: {  	[sflag:s28] =	ssyncset.done $0x0  }
0xc3: {  	s17 =	simm.s32 $0x3A98;
	[sflag:s28] =	ssyncadd.s32 $0xFFFFC180  }
0xc4: {  	[spmem:s20] =	stream.indirect.scatter.add.f32 [tilespmem:s9], [sflag:$0x7], $0x10, s17, s30, $0xb8;
	[tilespmem:$0x130B0] =	vst v63  }
0xc5: {  	_ =	swait.ge [sflag:s0], $0x3E80  }
0xc6: {  	[sflag:s0] =	ssyncset.done $0x0  }
0xc7: {  	[sflag:s0] =	ssyncadd.s32 $0xFFFFC180  }
0xc8: {  	[tilespmem:s25], [sflag:$0x3] =	stream.indirect.gather [hbm4b:s4+s30], $0x10, s19, s30, $0xb8;
	[tilespmem:$0x130B0] =	vst v63  }
0xc9: {  	_ =	swait.ge [sflag:s29], $0x3E80  }
0xca: {  	[sflag:s29] =	ssyncset.done $0x0  }
0xcb: {  	s19 =	simm.s32 $0x3E80;
	[sflag:s29] =	ssyncadd.s32 $0xFFFFC180  }
0xcc: {  	[spmem:s20] =	stream.indirect.scatter.add.f32 [tilespmem:s26], [sflag:$0x5], $0x10, s19, s30, $0xb8;
	[tilespmem:$0x130B0] =	vst v63  }
0xcd: {  	_ =	swait.ge [sflag:s1], $0x3E80  }
0xce: {  	[sflag:s1] =	ssyncset.done $0x0  }
0xcf: {  	[sflag:s1] =	ssyncadd.s32 $0xFFFFC180  }
0xd0: {  	[tilespmem:s9], [sflag:$0x4] =	stream.indirect.gather [hbm4b:s4+s30], $0x10, s24, s30, $0xb8;
	[tilespmem:$0x130B0] =	vst v63  }
0xd1: {  	_ =	swait.ge [sflag:s21], $0x3E80  }
0xd2: {  	[sflag:s21] =	ssyncset.done $0x0  }
0xd3: {  	s24 =	simm.s32 $0x4268;
	[sflag:s21] =	ssyncadd.s32 $0xFFFFC180  }
0xd4: {  	[spmem:s20] =	stream.indirect.scatter.add.f32 [tilespmem:s25], [sflag:$0x6], $0x10, s24, s30, $0xb8;
	[tilespmem:$0x130B0] =	vst v63  }
0xd5: {  	_ =	swait.ge [sflag:s31], $0x3E80  }
0xd6: {  	[sflag:s31] =	ssyncset.done $0x0  }
0xd7: {  	[sflag:s31] =	ssyncadd.s32 $0xFFFFC180  }
0xd8: {  	[tilespmem:s26], [sflag:$0x2] =	stream.indirect.gather [hbm4b:s4+s30], $0x10, s23, s30, $0xb8;
	[tilespmem:$0x130B0] =	vst v63  }
0xd9: {  	_ =	swait.ge [sflag:s28], $0x3E80  }
0xda: {  	[sflag:s28] =	ssyncset.done $0x0  }
0xdb: {  	s23 =	simm.s32 $0x4650;
	[sflag:s28] =	ssyncadd.s32 $0xFFFFC180  }
0xdc: {  	[spmem:s20] =	stream.indirect.scatter.add.f32 [tilespmem:s9], [sflag:$0x7], $0x10, s23, s30, $0xb8;
	[tilespmem:$0x130B0] =	vst v63  }
0xdd: {  	_ =	swait.ge [sflag:s29], $0x3E80  }
0xde: {  	[sflag:s29] =	ssyncset.done $0x0  }
0xdf: {  	s2 =	simm.s32 $0x4A38;
	[sflag:s29] =	ssyncadd.s32 $0xFFFFC180  }
0xe0: {  	[spmem:s20] =	stream.indirect.scatter.add.f32 [tilespmem:s26], [sflag:$0x5], $0x10, s2, s30, $0xb8;
	[tilespmem:$0x130B0] =	vst v63  }
0xe1: {  	_ =	swait.ge [sflag:s0], $0x3E80  }
0xe2: {  	[sflag:s0] =	ssyncset.done $0x0  }
0xe3: {  	[sflag:s0] =	ssyncadd.s32 $0xFFFFC180  }
0xe4: {  	_ =	swait.ge [sflag:s1], $0x3E80  }
0xe5: {  	[sflag:s1] =	ssyncset.done $0x0  }
0xe6: {  	[sflag:s1] =	ssyncadd.s32 $0xFFFFC180  }
0xe7: {  	_ =	swait.ge [sflag:s31], $0x3E80  }
0xe8: {  	[sflag:s31] =	ssyncset.done $0x0  }
0xe9: {  	s9 =	stileid.u32;
	[sflag:s31] =	ssyncadd.s32 $0xFFFFC180  }
0xea: {  	s7 =	sshll.u32 s9, $0x6;
	[bflag:$0x0] =	sbarrier.arrive $0xFFFF  }
0xeb: {  	s8 =	sshrl.u32 s8, $0x3;
	s7 =	sor.u32 $0x1C08, s7;
	s20 =	rddreg [dreg:$0x13]  }
0xec: {  	[hbm:s20], [sflag:s7] =	dma.local [spmem:s8], $0x4E2  }
0xed: {  	s20 =	simm.s32 $0x8  }
0xee: {  	_ =	swait.ge [sflag:s20], $0x4E2  }
0xef: {  	s6 =	sadd.s32 $0x1, s6;
	s7 =	rddreg [dreg:$0x15]  }
0xf0: {  	p0 =	sne.s32 s6, s7  }
.Ltmp1:
0xf1: {  	_ = 	snop;
	(pc) =	sbr.rel @p0 .LBB2_1-.Ltmp1, $4  }
0xf2: {  	s12 =	simm.s32 $0xBB8;
	s14 =	simm.s32 $0xFA0;
	s16 =	simm.s32 $0x1388  }
0xf3: {  	s18 =	simm.s32 $0x1770;
	s5 =	simm.s32 $0x1B58;
	s21 =	simm.s32 $0x1F40  }
0xf4: {  	s25 =	simm.s32 $0x2328;
	[sflag:s20] =	ssyncset.done $0x0;
	s20 =	simm.s32 $0x8  }
0xf5: {  	s9 =	simm.s32 $0x2710;
	s8 =	simm.s32 $0x2AF8;
	[sflag:s20] =	ssyncadd.s32 $0xFFFFFB1E  }
0xf6: {  	_ =	sfence.sel $0x180000  }
0xf7: {  	[bflag:$0x0] =	sbarrier.arrive $0xFFFF  }
0xf8: {  	_ =	strace $0x9000004A  }
0xf9: {  	s0 =	stileid.u32;
	[bflag:$0x2] =	sbarrier.arrive $0xFFFF  }
0xfa: {  	p0 =	sne.s32 s0, $0x0;
	s0 =	rddreg [dreg:$0x2]  }
0xfb: {  	s0 =	sadd.s32 @!p0 $0x100000, s0  }
0xfc: {  	[sflag:s0] =	ssyncadd.tile.s32 @!p0 $0x1;
	_ =	shalt  }
.Lfunc_end2:
_tile_overlayer_lowered:
.L_overlay_start_2:
0xfd: {  	(tag) =	ssettag $0x2  }
0xfe: {  	s0 =	rddreg [dreg:$0x0];
	s2 =	stileid.u32  }
0xff: {  	s1 =	rddreg [dreg:$0x1];
	p0 =	sne.s32 s2, $0x0  }
0x100: {  	s3 =	rddreg [dreg:$0x2];
	[bflag:$0x3] =	sbarrier.arrive $0xFFFF;
	s2 =	simm.s32 @!p0 $0x1C08  }
0x101: {  	[timem:s3], [sflag:s2] =	dma.local @!p0 [hbm:s0], s1  }
0x102: {  	s0 =	simm.s32 @!p0 $0x8  }
0x103: {  	_ =	swait.ge @!p0 [sflag:s0], s1  }
0x104: {  	s1 =	ssub.s32 @!p0 $0x0, s1;
	[sflag:s0] =	ssyncset.done @!p0 $0x0  }
0x105: {  	[sflag:s0] =	ssyncadd.s32 @!p0 s1  }
0x106: {  	[bflag:$0x3] =	sbarrier.arrive $0xFFFF  }
0x107: {  	_ =	shalt  }

// kernel: kernel.7.cloned.1.call-start
scs
__scs_entry_jumppad:
0x0: {  	(pc) =	sbr.rel $0x88, $3  }
0x1: {  	(tag) =	ssettag $0x0;
	lr =	simm.s32 $0x1  }
0x2: {  	[smem:$0x3F98] =	sst lr;
	_ =	strace $0xD0000000  }
0x3: {  	_ = 	snop  }
0x4: {  	_ = 	snop  }
0x5: {  	_ = 	snop  }
0x6: {  	_ = 	snop  }
0x7: {  	_ = 	snop  }
__scs_overlays_trampoline_lowered:
0x8: {  	[smem:$0x3FA7] =	sst s0  }
0x9: {  	[smem:$0x3FA8] =	sst s1  }
0xa: {  	[smem:$0x3FA9] =	sst s2  }
0xb: {  	[smem:$0x3FAA] =	sst s3  }
0xc: {  	[smem:$0x3FAB] =	sst s4  }
0xd: {  	[smem:$0x3FAC] =	sst s5  }
0xe: {  	[smem:$0x3FAD] =	sst s6  }
0xf: {  	[smem:$0x3FAE] =	sst s7  }
0x10: {  	[smem:$0x3FAF] =	sst s8  }
0x11: {  	[smem:$0x3FB0] =	sst s9;
	s0 =	simm.s32 @!p0 $0x0  }
0x12: {  	s1 =	sld [smem:$0x3F96];
	s0 =	simm.s32 @p0 $0x1  }
0x13: {  	[smem:$0x3FB1] =	sst s0;
	s0 =	simm.s32 @!p1 $0x0  }
0x14: {  	s2 =	sld [smem:$0x3F95];
	s0 =	simm.s32 @p1 $0x1  }
0x15: {  	[smem:$0x3FB2] =	sst s0;
	s0 =	simm.s32 @!p2 $0x0  }
0x16: {  	s3 =	sld [smem:$0x3FDB];
	s0 =	simm.s32 @p2 $0x1  }
0x17: {  	s4 =	simm.s32 $0x1BF5;
	[smem:$0x3FB4] =	sst s0  }
0x18: {  	s0 =	sld [smem:$0x3F97];
	_ =	swait.ge [sflag:s4], $0x0  }
0x19: {  	s7 =	sld [smem:$0x3F98]  }
0x1a: {  	s8 =	sadd.s32 $0xFFFFE003, lr  }
0x1b: {  	s9 =	sadd.s32 $0xFFFFFEF7, lr;
	s5 =	simm.s32 $0xFFFFFFFF;
	p2 =	slt.u32 s8, $0xFFFFF086  }
0x1c: {  	p1 =	slt.u32 s9, $0xF7A;
	s5 =	simm.s32 @!p2 $0x0  }
0x1d: {  	s5 =	simm.s32 @p1 $0x1;
	p0 =	seq.s32 s7, s2  }
0x1e: {  	s7 =	smul.u32 @!p0 $0xF7A, s2;
	p2 =	seq.s32 @!p0 s5, $0x0  }
0x1f: {  	s9 =	smul.u32 $0xF7A, s1;
	s8 =	simm.s32 @!p0 $0x1BF5;
	p2 =	por !p2, p0  }
0x20: {  	[sflag:s8] =	ssyncset.s32 @!p0 $0xFFFFF086;
	s6 =	sadd.s32 @!p0 s3, s7;
	s7 =	simm.s32 @!p0 $0x108  }
0x21: {  	s3 =	sadd.s32 s3, s9;
	s6 =	sadd.s32 @!p0 $0x88, s6;
	s7 =	simm.s32 @p2 $0x1082  }
0x22: {  	[simem:s7], [sflag:s8] =	dma.local @!p0 [hbm:s6], $0xF7A  }
0x23: {  	s9 =	sor.u32 $0xD0000000, s2;
	s6 =	simm.s32 $0x108;
	_ =	swait.ge @!p0 [sflag:s8], $0x0  }
0x24: {  	s3 =	sadd.s32 $0x88, s3;
	s6 =	simm.s32 @!p1 $0x1082;
	[sflag:s4] =	ssyncset.s32 $0xFFFFF086  }
0x25: {  	[simem:s6], [sflag:s4] =	dma.local [hbm:s3], $0xF7A  }
0x26: {  	[smem:$0x3F98] =	sst s1;
	(tag) =	ssettag s2;
	_ =	strace s9  }
0x27: {  	s1 =	sld [smem:$0x3FA8]  }
0x28: {  	s2 =	sld [smem:$0x3FA9]  }
0x29: {  	s4 =	sld [smem:$0x3FAB]  }
0x2a: {  	p0 =	seq.s32 s5, $0x0;
	s5 =	sld [smem:$0x3FAC]  }
0x2b: {  	s6 =	sld [smem:$0x3FAD]  }
0x2c: {  	s7 =	sld [smem:$0x3FAE]  }
0x2d: {  	s3 =	simm.s32 $0x108;
	s8 =	sld [smem:$0x3FAF]  }
0x2e: {  	s3 =	simm.s32 @!p0 $0x1082;
	s9 =	sld [smem:$0x3FB0]  }
0x2f: {  	lr =	sadd.s32 s0, s3;
	s0 =	sld [smem:$0x3FA7]  }
0x30: {  	s3 =	sld [smem:$0x3FAA]  }
0x31: {  	[smem:$0x3FB3] =	sst s10  }
0x32: {  	s10 =	sld [smem:$0x3FB1];
	_ =	sdelay $0x3  }
0x33: {  	p0 =	seq.s32 s10, $0x1;
	s10 =	sld [smem:$0x3FB3];
	_ =	sdelay $0x3  }
0x34: {  	[smem:$0x3FB3] =	sst s10  }
0x35: {  	s10 =	sld [smem:$0x3FB2];
	_ =	sdelay $0x3  }
0x36: {  	p1 =	seq.s32 s10, $0x1;
	s10 =	sld [smem:$0x3FB3];
	_ =	sdelay $0x3  }
0x37: {  	[smem:$0x3FB3] =	sst s10  }
0x38: {  	s10 =	sld [smem:$0x3FB4]  }
0x39: {  	_ = 	snop;
	(pc) =	sbr.ind lr, $3  }
0x3a: {  	_ = 	snop  }
0x3b: {  	_ = 	snop  }
0x3c: {  	p2 =	seq.s32 s10, $0x1;
	s10 =	sld [smem:$0x3FB3]  }
0x3d: {  	_ =	shalt  }
0x3e: {  	_ =	shalt  }
0x3f: {  	_ =	shalt  }
0x40: {  	_ =	shalt  }
0x41: {  	_ =	shalt  }
0x42: {  	_ =	shalt  }
0x43: {  	_ =	shalt  }
0x44: {  	_ =	shalt  }
0x45: {  	_ =	shalt  }
0x46: {  	_ =	shalt  }
0x47: {  	_ =	shalt  }
0x48: {  	_ =	shalt  }
0x49: {  	_ =	shalt  }
0x4a: {  	_ =	shalt  }
0x4b: {  	_ =	shalt  }
0x4c: {  	_ =	shalt  }
0x4d: {  	_ =	shalt  }
0x4e: {  	_ =	shalt  }
0x4f: {  	_ =	shalt  }
0x50: {  	_ =	shalt  }
0x51: {  	_ =	shalt  }
0x52: {  	_ =	shalt  }
0x53: {  	_ =	shalt  }
0x54: {  	_ =	shalt  }
0x55: {  	_ =	shalt  }
0x56: {  	_ =	shalt  }
0x57: {  	_ =	shalt  }
0x58: {  	_ =	shalt  }
0x59: {  	_ =	shalt  }
0x5a: {  	_ =	shalt  }
0x5b: {  	_ =	shalt  }
0x5c: {  	_ =	shalt  }
0x5d: {  	_ =	shalt  }
0x5e: {  	_ =	shalt  }
0x5f: {  	_ =	shalt  }
0x60: {  	_ =	shalt  }
0x61: {  	_ =	shalt  }
0x62: {  	_ =	shalt  }
0x63: {  	_ =	shalt  }
0x64: {  	_ =	shalt  }
0x65: {  	_ =	shalt  }
0x66: {  	_ =	shalt  }
0x67: {  	_ =	shalt  }
0x68: {  	_ =	shalt  }
0x69: {  	_ =	shalt  }
0x6a: {  	_ =	shalt  }
0x6b: {  	_ =	shalt  }
0x6c: {  	_ =	shalt  }
0x6d: {  	_ =	shalt  }
0x6e: {  	_ =	shalt  }
0x6f: {  	_ =	shalt  }
0x70: {  	_ =	shalt  }
0x71: {  	_ =	shalt  }
0x72: {  	_ =	shalt  }
0x73: {  	_ =	shalt  }
0x74: {  	_ =	shalt  }
0x75: {  	_ =	shalt  }
0x76: {  	_ =	shalt  }
0x77: {  	_ =	shalt  }
0x78: {  	_ =	shalt  }
0x79: {  	_ =	shalt  }
0x7a: {  	_ =	shalt  }
0x7b: {  	_ =	shalt  }
0x7c: {  	_ =	shalt  }
0x7d: {  	_ =	shalt  }
0x7e: {  	_ =	shalt  }
0x7f: {  	_ =	shalt  }
0x80: {  	_ =	shalt  }
0x81: {  	_ =	shalt  }
0x82: {  	_ =	shalt  }
0x83: {  	_ =	shalt  }
0x84: {  	_ =	shalt  }
0x85: {  	_ =	shalt  }
0x86: {  	_ =	shalt  }
0x87: {  	_ =	shalt  }
.Lfunc_end0:
.L_simem_size_0:
called_computation_lowered:
.L_overlay_start_0:
0x88: {  	s2 =	sld [smem:$0x3FD9]  }
0x89: {  	s3 =	sld [smem:$0x3FFE];
	_ =	sdelay $0x1  }
0x8a: {  	s1 =	srdreg.scid  }
0x8b: {  	s0 =	sand.u32 $0x1, s1  }
0x8c: {  	s16 =	sshll.u32 s0, $0xA;
	s2 =	sadd.s32 s3, s2  }
0x8d: {  	s2 =	sadd.s32 s2, s16  }
0x8e: {  	[smem:$0x3FBF] =	sst s2  }
0x8f: {  	_ = 	snop  }
0x90: {  	(tm) =	ssettm $0x1  }
0x91: {  	s17 =	sld [smem:$0x3FFB];
	_ =	sdelay $0x3  }
0x92: {  	_ =	strace s17  }
0x93: {  	s2 =	sld [smem:$0x3FFC];
	_ =	sdelay $0x3  }
0x94: {  	_ =	strace s2  }
0x95: {  	s2 =	sld [smem:$0x3FFD];
	_ =	sdelay $0x3  }
0x96: {  	_ =	strace s2  }
0x97: {  	_ =	strace $0x8FFFFFFF  }
0x98: {  	s18 =	sld [smem:$0x3FDB];
	_ =	sdelay $0x1  }
0x99: {  	s19 =	simm.s32 $_scs_section_size  }
0x9a: {  	s4 =	simm.s32 $_size__tile_overlayer_lowered;
	s5 =	simm.s32 $_tile_overlayer_lowered  }
0x9b: {  	s22 =	simm.s32 $0x1BFF;
	s21 =	sshll.u32 s5, $0x1;
	s2 =	sadd.s32 s19, s18  }
0x9c: {  	s6 =	simm.s32 $0x0;
	s20 =	sshll.u32 s4, $0x1;
	s4 =	sadd.s32 s21, s2  }
0x9d: {  	[timem:s6], [sflag:s22] =	dma.local [hbm:s4], s20  }
0x9e: {  	_ =	swait.ge [sflag:s22], s20  }
0x9f: {  	s3 =	ssub.s32 $0x0, s20;
	[sflag:s22] =	ssyncset.done $0x0  }
0xa0: {  	[sflag:s22] =	ssyncadd.s32 s3;
	_ =	sdelay $0x1  }
0xa1: {  	s23 =	simm.s32 $0x1B8B  }
0xa2: {  	_ =	swait.ge [sflag:s23], $0x1  }
0xa3: {  	[sflag:s23] =	ssyncset.done $0x0  }
0xa4: {  	s25 =	simm.s32 $0x1B8E;
	s24 =	sld [smem:$0x3FFE];
	[sflag:s23] =	ssyncadd.s32 $0xFFFFFFFF  }
0xa5: {  	s26 =	simm.s32 $execute0_lowered;
	[smem:$0x3FD2] =	sst s25  }
0xa6: {  	s4 =	sshll.u32 s26, $0x1;
	_ =	strace $0x80000046;
	[dreg:$0x1] =	wrdreg $0xFFFFFFFF  }
0xa7: {  	s28 =	simm.s32 $_size_execute0_lowered;
	s2 =	sadd.s32 s2, s4;
	[dreg:$0x0] =	wrdreg $0x0  }
0xa8: {  	s4 =	sshll.u32 s28, $0x1;
	[dreg:$0x2] =	wrdreg s2  }
0xa9: {  	[dreg:$0x3] =	wrdreg s4  }
0xaa: {  	[dreg:$0x4] =	wrdreg $0xC0  }
0xab: {  	_ =	task [dreg:s6], $0x5FFFF  }
0xac: {  	[dreg:$0x1] =	wrdreg $0xFFFFFFFF  }
0xad: {  	[dreg:$0x0] =	wrdreg $0x60  }
0xae: {  	[dreg:$0x2] =	wrdreg s24  }
0xaf: {  	[dreg:$0x3] =	wrdreg $0x148200  }
0xb0: {  	[dreg:$0x4] =	wrdreg $0x16F300  }
0xb1: {  	[dreg:$0x5] =	wrdreg $0x9  }
0xb2: {  	_ =	task.clear_ibuf [dreg:s6], $0x6FFFF;
	_ =	strace $0x90000046  }
0xb3: {  	s29 =	simm.s32 $0x9;
	_ =	strace $0x80000048  }
0xb4: {  	_ =	swait.ge [sflag:s29], $0x1  }
0xb5: {  	[sflag:s29] =	ssyncadd.s32 $0xFFFFFFFF  }
0xb6: {  	_ =	strace $0x90000048  }
0xb7: {  	_ =	sfence  }
0xb8: {  	s30 =	sld [smem:$0x0];
	_ =	sdelay $0x2  }
0xb9: {  	s31 =	sshll.u32 s1, $0xD;
	s1 =	sshrl.u32 s1, $0x2  }
0xba: {  	s3 =	sand.u32 $0x4000, s31;
	s1 =	sadd.s32 s1, s30  }
0xbb: {  	s0 =	sor.u32 s3, s0;
	s1 =	sshll.u32 s1, $0x11  }
0xbc: {  	s0 =	sor.u32 s1, s0  }
0xbd: {  	s0 =	sadd.s32 $0x8F2B, s0  }
0xbe: {  	[sflag:s0] =	ssyncadd.remote.s32 $0x1  }
0xbf: {  	_ =	sfence.sel $0xFFFF  }
0xc0: {  	[dreg:$0x0] =	wrdreg $0xFFFFFFFF;
	(pc) =	sbr.abs _section_cstart, $3  }
0xc1: {  	[dreg:$0x1] =	wrdreg $0xFFFFFFFF  }
0xc2: {  	_ =	task.clear_ibuf [dreg:s6], $0x2FFFF;
	_ =	strace $0x9FFFFFFF  }
0xc3: {  	(tm) =	ssettm $0x7FFFFFFF  }
tec
execute0_lowered:
.L_overlay_start_1:
0x0: {  	(tag) =	ssettag $0x1  }
0x1: {  	s0 =	rddreg [dreg:$0x0]  }
0x2: {  	s1 =	rddreg [dreg:$0x1]  }
0x3: {  	s3 =	rddreg [dreg:$0x2];
	s4 =	simm.s32 $0x0;
	s2 =	srdreg.scid  }
0x4: {  	s14 =	stileid.u32;
	s30 =	simm.s32 $0x3E80;
	s29 =	simm.s32 $0x1  }
0x5: {  	s31 =	simm.s32 $0x4E20;
	s28 =	simm.s32 $0x109A0;
	[smem:$0x7FF] =	sst s4  }
0x6: {  	s2 =	sand.u32 $0x1, s2;
	s6 =	sshll.u32 s14, $0x1;
	s5 =	sadd.s32 $0x17200, s0  }
0x7: {  	s7 =	sadd.s32 $0x3800, s0;
	s8 =	sadd.s32 $0x1C200, s0;
	s9 =	sadd.s32 $0x21200, s0  }
0x8: {  	s10 =	sadd.s32 $0x26200, s0;
	s0 =	sadd.s32 $0x2B200, s0;
	_ =	strace $0x80000047  }
0x9: {  	s6 =	sor.u32 s2, s6;
	s11 =	ssub.s32 $0x2, s2;
	p0 =	seq.s32 s2, $0x1  }
0xa: {  	s2 =	simm.s32 $0x3E8;
	s6 =	smul.u32 $0x2710, s6;
	s12 =	sshrl.u32 s11, $0x1  }
0xb: {  	s8 =	smov.u32 @p0 s9;
	s10 =	smov.u32 @p0 s0;
	s9 =	simm.s32 $0x2710  }
0xc: {  	s11 =	ssub.s32 s11, s12;
	s13 =	sshrl.u32 s6, $0x3;
	s21 =	sadd.s32 $0x3E8, s6  }
0xd: {  	s22 =	sadd.s32 $0x4E5E8, s6;
	s24 =	sadd.s32 $0xBB8, s6;
	s26 =	sadd.s32 $0x4EDB8, s6  }
0xe: {  	s16 =	sadd.s32 $0x1388, s6;
	s18 =	sadd.s32 $0x4F588, s6;
	s20 =	sadd.s32 $0x1B58, s6  }
0xf: {  	s15 =	sadd.s32 s7, s13;
	s12 =	sshrl.u32 s21, $0x3;
	s23 =	sshrl.u32 s22, $0x3  }
0x10: {  	s25 =	sshrl.u32 s24, $0x3;
	s17 =	sshrl.u32 s16, $0x3;
	s19 =	sshrl.u32 s18, $0x3  }
0x11: {  	s21 =	sshrl.u32 s20, $0x3;
	s22 =	sadd.s32 $0x4FD58, s6;
	s24 =	sadd.s32 $0x2328, s6  }
0x12: {  	s6 =	sadd.s32 $0x50528, s6;
	s13 =	sadd.s32 $0x9C40, s15;
	[dreg:$0x4] =	wrdreg s15  }
0x13: {  	s12 =	sadd.s32 s7, s12;
	s6 =	sshrl.u32 s6, $0x3;
	[dreg:$0x5] =	wrdreg s13  }
0x14: {  	s16 =	sadd.s32 $0x1F4, s15;
	[dreg:$0x6] =	wrdreg s12;
	s12 =	sadd.s32 s7, s23  }
0x15: {  	s13 =	sshrl.u32 s26, $0x3;
	s23 =	sshrl.u32 s22, $0x3;
	[dreg:$0x12] =	wrdreg s16  }
0x16: {  	s26 =	smul.u32 $0x2710, s14;
	s6 =	sadd.s32 s7, s6;
	[dreg:$0x7] =	wrdreg s12  }
0x17: {  	s22 =	sadd.s32 $0x9E34, s15;
	s16 =	simm.s32 $0x1F40;
	[dreg:$0xf] =	wrdreg s6  }
0x18: {  	s12 =	sadd.s32 s7, s25;
	s25 =	sshrl.u32 s24, $0x3;
	[dreg:$0x16] =	wrdreg s22  }
0x19: {  	s24 =	sadd.s32 $0x9F2E, s15;
	s22 =	simm.s32 $0x8;
	[dreg:$0x8] =	wrdreg s12  }
0x1a: {  	s6 =	simm.s32 $0x0;
	s12 =	sadd.s32 s7, s13;
	[dreg:$0x18] =	wrdreg s24  }
0x1b: {  	s13 =	sadd.s32 $0x9D3A, s15;
	s14 =	sshrl.u32 s26, $0x3;
	[dreg:$0x9] =	wrdreg s12  }
0x1c: {  	s20 =	sadd.s32 s26, s3;
	s24 =	simm.s32 $0x1770;
	[dreg:$0x11] =	wrdreg s13  }
0x1d: {  	s3 =	simm.s32 $0x4650;
	s12 =	sadd.s32 s7, s17;
	[dreg:$0x1c] =	wrdreg s20  }
0x1e: {  	s17 =	sadd.s32 s8, s14;
	s18 =	sadd.s32 s10, s14;
	[dreg:$0xa] =	wrdreg s12  }
0x1f: {  	s13 =	simm.s32 $0x2EE0;
	s8 =	simm.s32 $0xBB8;
	[dreg:$0x13] =	wrdreg s17  }
0x20: {  	s14 =	simm.s32 $0xFA0;
	s12 =	sadd.s32 s7, s19;
	[dreg:$0x14] =	wrdreg s18  }
0x21: {  	s10 =	simm.s32 $0x1B58;
	s19 =	sadd.s32 s26, s1;
	[dreg:$0xb] =	wrdreg s12  }
0x22: {  	s20 =	simm.s32 $0x4;
	s26 =	sadd.s32 $0xA028, s15;
	[dreg:$0x1b] =	wrdreg s19  }
0x23: {  	s17 =	simm.s32 $0x32C8;
	s12 =	sadd.s32 s7, s21;
	[dreg:$0x1a] =	wrdreg s26  }
0x24: {  	s1 =	simm.s32 $0x4268;
	s21 =	smax.u32 s11, $0x1;
	[dreg:$0xc] =	wrdreg s12  }
0x25: {  	s18 =	simm.s32 $0x4A38;
	s12 =	sadd.s32 s7, s23;
	[dreg:$0x15] =	wrdreg s21  }
0x26: {  	s11 =	simm.s32 $0x7D0;
	s23 =	sadd.s32 $0x2EE, s15;
	[dreg:$0xd] =	wrdreg s12  }
0x27: {  	s26 =	simm.s32 $0x6;
	s12 =	sadd.s32 s7, s25;
	[dreg:$0x17] =	wrdreg s23  }
0x28: {  	s19 =	simm.s32 $0x7;
	s7 =	sadd.s32 $0xFA, s15;
	[dreg:$0xe] =	wrdreg s12  }
0x29: {  	s21 =	simm.s32 $0x36B0;
	s25 =	sadd.s32 $0x3E8, s15;
	[dreg:$0x10] =	wrdreg s7  }
0x2a: {  	s23 =	simm.s32 $0x3A98;
	s15 =	simm.s32 $0x5;
	[dreg:$0x19] =	wrdreg s25  }
0x2b: {  	v0 =	vimm.f32 $0.0e+00;
	v1 =	vimm.f32 $1.000000000e+00;
	s7 =	simm.s32 $0x2AF8;
	s25 =	simm.s32 $0x1388;
	s12 =	simm.s32 $0x2328  }
.LBB2_1:
0x2c: {  	s0 =	rddreg [dreg:$0x4]  }
0x2d: {  	[tilespmem:s4], [sflag:$0x1] =	stream.linear.gather [hbm4b:s0+s4], $0x3E8, $0x38;
	[tilespmem:$0x19640] =	vst v63  }
0x2e: {  	s0 =	rddreg [dreg:$0x5]  }
0x2f: {  	[tilespmem:s9], [sflag:$0x1] =	stream.linear.gather [hbm4b:s0+s4], $0x3E8, $0x38;
	[tilespmem:$0x19640] =	vst v63  }
0x30: {  	s0 =	rddreg [dreg:$0x6]  }
0x31: {  	[tilespmem:s2], [sflag:$0x1] =	stream.linear.gather [hbm4b:s0+s4], $0x3E8, $0x38;
	[tilespmem:$0x19640] =	vst v63  }
0x32: {  	s0 =	rddreg [dreg:$0x7]  }
0x33: {  	[tilespmem:s7], [sflag:$0x1] =	stream.linear.gather [hbm4b:s0+s4], $0x3E8, $0x38;
	[tilespmem:$0x19640] =	vst v63  }
0x34: {  	s7 =	rddreg [dreg:$0x10]  }
0x35: {  	[tilespmem:s11], [sflag:$0x1] =	stream.linear.gather [hbm4b:s7+s4], $0x3E8, $0x38;
	[tilespmem:$0x19640] =	vst v63  }
0x36: {  	s7 =	rddreg [dreg:$0x11]  }
0x37: {  	s11 =	rddreg [dreg:$0x8]  }
0x38: {  	[tilespmem:s13], [sflag:$0x1] =	stream.linear.gather [hbm4b:s7+s4], $0x3E8, $0x38;
	[tilespmem:$0x19640] =	vst v63  }
0x39: {  	s13 =	rddreg [dreg:$0x9]  }
0x3a: {  	[tilespmem:s8], [sflag:$0x1] =	stream.linear.gather [hbm4b:s11+s4], $0x3E8, $0x38;
	[tilespmem:$0x19640] =	vst v63  }
0x3b: {  	s7 =	rddreg [dreg:$0x16]  }
0x3c: {  	[tilespmem:s17], [sflag:$0x1] =	stream.linear.gather [hbm4b:s13+s4], $0x3E8, $0x38;
	[tilespmem:$0x19640] =	vst v63  }
0x3d: {  	s17 =	rddreg [dreg:$0x12]  }
0x3e: {  	[tilespmem:s14], [sflag:$0x1] =	stream.linear.gather [hbm4b:s17+s4], $0x3E8, $0x38;
	[tilespmem:$0x19640] =	vst v63  }
0x3f: {  	s8 =	rddreg [dreg:$0xa]  }
0x40: {  	[tilespmem:s21], [sflag:$0x1] =	stream.linear.gather [hbm4b:s7+s4], $0x3E8, $0x38;
	[tilespmem:$0x19640] =	vst v63  }
0x41: {  	s11 =	rddreg [dreg:$0xb]  }
0x42: {  	[tilespmem:s25], [sflag:$0x1] =	stream.linear.gather [hbm4b:s8+s4], $0x3E8, $0x38;
	[tilespmem:$0x19640] =	vst v63  }
0x43: {  	s13 =	rddreg [dreg:$0x17]  }
0x44: {  	[tilespmem:s23], [sflag:$0x1] =	stream.linear.gather [hbm4b:s11+s4], $0x3E8, $0x38;
	[tilespmem:$0x19640] =	vst v63  }
0x45: {  	s14 =	rddreg [dreg:$0x18]  }
0x46: {  	[tilespmem:s24], [sflag:$0x1] =	stream.linear.gather [hbm4b:s13+s4], $0x3E8, $0x38;
	[tilespmem:$0x19640] =	vst v63  }
0x47: {  	s17 =	rddreg [dreg:$0xc]  }
0x48: {  	[tilespmem:s30], [sflag:$0x1] =	stream.linear.gather [hbm4b:s14+s4], $0x3E8, $0x38;
	[tilespmem:$0x19640] =	vst v63  }
0x49: {  	s21 =	rddreg [dreg:$0xd]  }
0x4a: {  	[tilespmem:s10], [sflag:$0x1] =	stream.linear.gather [hbm4b:s17+s4], $0x3E8, $0x38;
	[tilespmem:$0x19640] =	vst v63  }
0x4b: {  	s25 =	rddreg [dreg:$0xe]  }
0x4c: {  	[tilespmem:s1], [sflag:$0x1] =	stream.linear.gather [hbm4b:s21+s4], $0x3E8, $0x38;
	[tilespmem:$0x19640] =	vst v63  }
0x4d: {  	s23 =	rddreg [dreg:$0x19]  }
0x4e: {  	[tilespmem:s16], [sflag:$0x1] =	stream.linear.gather [hbm4b:s23+s4], $0x3E8, $0x38;
	[tilespmem:$0x19640] =	vst v63  }
0x4f: {  	s0 =	simm.s32 $0x0;
	s24 =	rddreg [dreg:$0x1a]  }
0x50: {  	[tilespmem:s3], [sflag:$0x1] =	stream.linear.gather [hbm4b:s24+s4], $0x3E8, $0x38;
	[tilespmem:$0x19640] =	vst v63  }
0x51: {  	s13 =	simm.s32 $0xBB8;
	s30 =	rddreg [dreg:$0xf];
	s17 =	simm.s32 $0xFA0  }
0x52: {  	[tilespmem:s12], [sflag:$0x1] =	stream.linear.gather [hbm4b:s25+s4], $0x3E8, $0x38;
	[tilespmem:$0x19640] =	vst v63  }
0x53: {  	s21 =	simm.s32 $0x1388;
	s1 =	simm.s32 $0x1F40;
	s23 =	simm.s32 $0x1770  }
0x54: {  	[tilespmem:s18], [sflag:$0x1] =	stream.linear.gather [hbm4b:s30+s4], $0x3E8, $0x38;
	[tilespmem:$0x19640] =	vst v63  }
.LBB2_2:
0x55: {  	p0 =	sne.s32 s0, $0x9C00  }
.Ltmp0:
0x56: {  	_ = 	snop;
	(pc) =	sbr.rel @p0 .LBB2_2-.Ltmp0, $3  }
0x57: {  	_ =	sdelay $0x1  }
0x58: {  	s7 =	sshra.s32 s0, $0x2  }
0x59: {  	s0 =	sadd.s32 $0x40, s0;
	[tilespmem:s7+$0x4E20] =	vst v0  }
0x5a: {  	s0 =	simm.s32 $0x40;
	s7 =	simm.s32 $0x0  }
.LBB2_4:
0x5b: {  	p0 =	sne.s32 s0, $0xF9C0;
	[tilespmem:s7+$0x109A0] =	vst v1;
	s7 =	smov.u32 s0;
	s0 =	sadd.s32 $0x40, s0  }
.Ltmp1:
0x5c: {  	(pc) =	sbr.rel @p0 .LBB2_4-.Ltmp1, $2  }
0x5d: {  	_ =	sdelay $0x2  }
0x5e: {  	s7 =	sshra.s32 s7, $0x2  }
0x5f: {  	[tilespmem:s7+$0x109A0] =	vst v1;
	s7 =	rddreg [dreg:$0x1b];
	s8 =	simm.s32 $0x9  }
0x60: {  	[spmem:s7] =	stream.linear.scatter [tilespmem:s31], [sflag:$0x9], $0x2710, $0x38;
	[tilespmem:$0x19640] =	vst v63  }
0x61: {  	_ =	swait.ge [sflag:s8], $0x2710  }
0x62: {  	[sflag:s8] =	ssyncset.done $0x0  }
0x63: {  	s30 =	rddreg [dreg:$0x1c];
	[sflag:s8] =	ssyncadd.s32 $0xFFFFD8F0  }
0x64: {  	[spmem:s30] =	stream.linear.scatter [tilespmem:s31], [sflag:$0x9], $0x2710, $0x38;
	[tilespmem:$0x19640] =	vst v63  }
0x65: {  	_ =	swait.ge [sflag:s8], $0x2710  }
0x66: {  	[sflag:s8] =	ssyncset.done $0x0  }
0x67: {  	[sflag:s8] =	ssyncadd.s32 $0xFFFFD8F0  }
0x68: {  	[bflag:$0x0] =	sbarrier.arrive $0xFFFF  }
0x69: {  	_ =	swait.ge [sflag:s29], $0x3E8  }
0x6a: {  	[sflag:s29] =	ssyncset.done $0x0  }
0x6b: {  	[sflag:s29] =	ssyncadd.s32 $0xFFFFFC18  }
0x6c: {  	_ =	swait.ge [sflag:s29], $0x3E8  }
0x6d: {  	[sflag:s29] =	ssyncset.done $0x0  }
0x6e: {  	[sflag:s29] =	ssyncadd.s32 $0xFFFFFC18  }
0x6f: {  	_ =	swait.ge [sflag:s29], $0x3E8  }
0x70: {  	[sflag:s29] =	ssyncset.done $0x0  }
0x71: {  	[sflag:s29] =	ssyncadd.s32 $0xFFFFFC18  }
0x72: {  	_ =	swait.ge [sflag:s29], $0x3E8  }
0x73: {  	[sflag:s29] =	ssyncset.done $0x0  }
0x74: {  	[sflag:s29] =	ssyncadd.s32 $0xFFFFFC18  }
0x75: {  	_ =	swait.ge [sflag:s29], $0x3E8  }
0x76: {  	[sflag:s29] =	ssyncset.done $0x0  }
0x77: {  	[sflag:s29] =	ssyncadd.s32 $0xFFFFFC18  }
0x78: {  	_ =	swait.ge [sflag:s29], $0x3E8  }
0x79: {  	[sflag:s29] =	ssyncset.done $0x0  }
0x7a: {  	[sflag:s29] =	ssyncadd.s32 $0xFFFFFC18  }
0x7b: {  	_ =	swait.ge [sflag:s29], $0x3E8  }
0x7c: {  	[sflag:s29] =	ssyncset.done $0x0  }
0x7d: {  	[sflag:s29] =	ssyncadd.s32 $0xFFFFFC18  }
0x7e: {  	_ =	swait.ge [sflag:s29], $0x3E8  }
0x7f: {  	[sflag:s29] =	ssyncset.done $0x0  }
0x80: {  	[sflag:s29] =	ssyncadd.s32 $0xFFFFFC18  }
0x81: {  	_ =	swait.ge [sflag:s29], $0x3E8  }
0x82: {  	[sflag:s29] =	ssyncset.done $0x0  }
0x83: {  	[sflag:s29] =	ssyncadd.s32 $0xFFFFFC18  }
0x84: {  	_ =	swait.ge [sflag:s29], $0x3E8  }
0x85: {  	[sflag:s29] =	ssyncset.done $0x0  }
0x86: {  	[sflag:s29] =	ssyncadd.s32 $0xFFFFFC18  }
0x87: {  	_ =	swait.ge [sflag:s29], $0x3E8  }
0x88: {  	[sflag:s29] =	ssyncset.done $0x0  }
0x89: {  	[sflag:s29] =	ssyncadd.s32 $0xFFFFFC18  }
0x8a: {  	_ =	swait.ge [sflag:s29], $0x3E8  }
0x8b: {  	[sflag:s29] =	ssyncset.done $0x0  }
0x8c: {  	[sflag:s29] =	ssyncadd.s32 $0xFFFFFC18  }
0x8d: {  	_ =	swait.ge [sflag:s29], $0x3E8  }
0x8e: {  	[sflag:s29] =	ssyncset.done $0x0  }
0x8f: {  	[sflag:s29] =	ssyncadd.s32 $0xFFFFFC18  }
0x90: {  	_ =	swait.ge [sflag:s29], $0x3E8  }
0x91: {  	[sflag:s29] =	ssyncset.done $0x0  }
0x92: {  	[sflag:s29] =	ssyncadd.s32 $0xFFFFFC18  }
0x93: {  	_ =	swait.ge [sflag:s29], $0x3E8  }
0x94: {  	[sflag:s29] =	ssyncset.done $0x0  }
0x95: {  	[sflag:s29] =	ssyncadd.s32 $0xFFFFFC18  }
0x96: {  	_ =	swait.ge [sflag:s29], $0x3E8  }
0x97: {  	[sflag:s29] =	ssyncset.done $0x0  }
0x98: {  	[sflag:s29] =	ssyncadd.s32 $0xFFFFFC18  }
0x99: {  	_ =	swait.ge [sflag:s29], $0x3E8  }
0x9a: {  	[sflag:s29] =	ssyncset.done $0x0  }
0x9b: {  	[sflag:s29] =	ssyncadd.s32 $0xFFFFFC18  }
0x9c: {  	_ =	swait.ge [sflag:s29], $0x3E8  }
0x9d: {  	[sflag:s29] =	ssyncset.done $0x0  }
0x9e: {  	[sflag:s29] =	ssyncadd.s32 $0xFFFFFC18  }
0x9f: {  	_ =	swait.ge [sflag:s29], $0x3E8  }
0xa0: {  	[sflag:s29] =	ssyncset.done $0x0  }
0xa1: {  	[sflag:s29] =	ssyncadd.s32 $0xFFFFFC18  }
0xa2: {  	_ =	swait.ge [sflag:s29], $0x3E8  }
0xa3: {  	[sflag:s29] =	ssyncset.done $0x0  }
0xa4: {  	[sflag:s29] =	ssyncadd.s32 $0xFFFFFC18  }
0xa5: {  	[tilespmem:s31], [sflag:$0x2] =	stream.indirect.gather [hbm4b:s5+s2], $0x10, s4, s2, $0xb8;
	[tilespmem:$0x19640] =	vst v63  }
0xa6: {  	s18 =	simm.s32 $0x8CA0;
	s14 =	simm.s32 $0x2  }
0xa7: {  	[tilespmem:s18], [sflag:$0x3] =	stream.indirect.gather [hbm4b:s5+s2], $0x10, s2, s2, $0xb8;
	[tilespmem:$0x19640] =	vst v63  }
0xa8: {  	_ =	swait.ge [sflag:s14], $0x3E80  }
0xa9: {  	[sflag:s14] =	ssyncset.done $0x0  }
0xaa: {  	[sflag:s14] =	ssyncadd.s32 $0xFFFFC180  }
0xab: {  	s3 =	rddreg [dreg:$0x1]  }
0xac: {  	[spmem:s3] =	stream.indirect.scatter.add.f32 [tilespmem:s31], [sflag:$0x5], $0x10, s9, s2, $0xb8;
	[tilespmem:$0x19640] =	vst v63  }
0xad: {  	s12 =	rddreg [dreg:$0x2]  }
0xae: {  	[spmem:s12] =	stream.indirect.scatter.add.f32 [tilespmem:s28], [sflag:$0x8], $0x10, s9, s2, $0xb8;
	[tilespmem:$0x19640] =	vst v63  }
0xaf: {  	s11 =	simm.s32 $0x7D0;
	s16 =	simm.s32 $0x3;
	s9 =	simm.s32 $0xCB20  }
0xb0: {  	[tilespmem:s9], [sflag:$0x4] =	stream.indirect.gather [hbm4b:s5+s2], $0x10, s11, s2, $0xb8;
	[tilespmem:$0x19640] =	vst v63  }
0xb1: {  	_ =	swait.ge [sflag:s16], $0x3E80  }
0xb2: {  	[sflag:s16] =	ssyncset.done $0x0  }
0xb3: {  	s0 =	simm.s32 $0x2AF8;
	[sflag:s16] =	ssyncadd.s32 $0xFFFFC180  }
0xb4: {  	[spmem:s3] =	stream.indirect.scatter.add.f32 [tilespmem:s18], [sflag:$0x6], $0x10, s0, s2, $0xb8;
	[tilespmem:$0x19640] =	vst v63  }
0xb5: {  	_ = 	snop  }
0xb6: {  	[spmem:s12] =	stream.indirect.scatter.add.f32 [tilespmem:s28], [sflag:$0x8], $0x10, s0, s2, $0xb8;
	[tilespmem:$0x19640] =	vst v63  }
0xb7: {  	_ =	swait.ge [sflag:s15], $0x3E80  }
0xb8: {  	[sflag:s15] =	ssyncset.done $0x0  }
0xb9: {  	[sflag:s15] =	ssyncadd.s32 $0xFFFFC180  }
0xba: {  	[tilespmem:s31], [sflag:$0x2] =	stream.indirect.gather [hbm4b:s5+s2], $0x10, s13, s2, $0xb8;
	[tilespmem:$0x19640] =	vst v63  }
0xbb: {  	_ =	swait.ge [sflag:s20], $0x3E80  }
0xbc: {  	[sflag:s20] =	ssyncset.done $0x0  }
0xbd: {  	s13 =	simm.s32 $0x2EE0;
	[sflag:s20] =	ssyncadd.s32 $0xFFFFC180  }
0xbe: {  	[spmem:s3] =	stream.indirect.scatter.add.f32 [tilespmem:s9], [sflag:$0x7], $0x10, s13, s2, $0xb8;
	[tilespmem:$0x19640] =	vst v63  }
0xbf: {  	_ = 	snop  }
0xc0: {  	[spmem:s12] =	stream.indirect.scatter.add.f32 [tilespmem:s28], [sflag:$0x8], $0x10, s13, s2, $0xb8;
	[tilespmem:$0x19640] =	vst v63  }
0xc1: {  	_ =	swait.ge [sflag:s26], $0x3E80  }
0xc2: {  	[sflag:s26] =	ssyncset.done $0x0  }
0xc3: {  	[sflag:s26] =	ssyncadd.s32 $0xFFFFC180  }
0xc4: {  	[tilespmem:s18], [sflag:$0x3] =	stream.indirect.gather [hbm4b:s5+s2], $0x10, s17, s2, $0xb8;
	[tilespmem:$0x19640] =	vst v63  }
0xc5: {  	_ =	swait.ge [sflag:s14], $0x3E80  }
0xc6: {  	[sflag:s14] =	ssyncset.done $0x0  }
0xc7: {  	s17 =	simm.s32 $0x32C8;
	[sflag:s14] =	ssyncadd.s32 $0xFFFFC180  }
0xc8: {  	[spmem:s3] =	stream.indirect.scatter.add.f32 [tilespmem:s31], [sflag:$0x5], $0x10, s17, s2, $0xb8;
	[tilespmem:$0x19640] =	vst v63  }
0xc9: {  	_ = 	snop  }
0xca: {  	[spmem:s12] =	stream.indirect.scatter.add.f32 [tilespmem:s28], [sflag:$0x8], $0x10, s17, s2, $0xb8;
	[tilespmem:$0x19640] =	vst v63  }
0xcb: {  	_ =	swait.ge [sflag:s19], $0x3E80  }
0xcc: {  	[sflag:s19] =	ssyncset.done $0x0  }
0xcd: {  	[sflag:s19] =	ssyncadd.s32 $0xFFFFC180  }
0xce: {  	[tilespmem:s9], [sflag:$0x4] =	stream.indirect.gather [hbm4b:s5+s2], $0x10, s21, s2, $0xb8;
	[tilespmem:$0x19640] =	vst v63  }
0xcf: {  	_ =	swait.ge [sflag:s16], $0x3E80  }
0xd0: {  	[sflag:s16] =	ssyncset.done $0x0  }
0xd1: {  	s21 =	simm.s32 $0x36B0;
	[sflag:s16] =	ssyncadd.s32 $0xFFFFC180  }
0xd2: {  	[spmem:s3] =	stream.indirect.scatter.add.f32 [tilespmem:s18], [sflag:$0x6], $0x10, s21, s2, $0xb8;
	[tilespmem:$0x19640] =	vst v63  }
0xd3: {  	_ = 	snop  }
0xd4: {  	[spmem:s12] =	stream.indirect.scatter.add.f32 [tilespmem:s28], [sflag:$0x8], $0x10, s21, s2, $0xb8;
	[tilespmem:$0x19640] =	vst v63  }
0xd5: {  	_ =	swait.ge [sflag:s15], $0x3E80  }
0xd6: {  	[sflag:s15] =	ssyncset.done $0x0  }
0xd7: {  	[sflag:s15] =	ssyncadd.s32 $0xFFFFC180  }
0xd8: {  	[tilespmem:s31], [sflag:$0x2] =	stream.indirect.gather [hbm4b:s5+s2], $0x10, s23, s2, $0xb8;
	[tilespmem:$0x19640] =	vst v63  }
0xd9: {  	_ =	swait.ge [sflag:s20], $0x3E80  }
0xda: {  	[sflag:s20] =	ssyncset.done $0x0  }
0xdb: {  	s23 =	simm.s32 $0x3A98;
	[sflag:s20] =	ssyncadd.s32 $0xFFFFC180  }
0xdc: {  	[spmem:s3] =	stream.indirect.scatter.add.f32 [tilespmem:s9], [sflag:$0x7], $0x10, s23, s2, $0xb8;
	[tilespmem:$0x19640] =	vst v63  }
0xdd: {  	_ = 	snop  }
0xde: {  	[spmem:s12] =	stream.indirect.scatter.add.f32 [tilespmem:s28], [sflag:$0x8], $0x10, s23, s2, $0xb8;
	[tilespmem:$0x19640] =	vst v63  }
0xdf: {  	_ =	swait.ge [sflag:s26], $0x3E80  }
0xe0: {  	[sflag:s26] =	ssyncset.done $0x0  }
0xe1: {  	s10 =	simm.s32 $0x1B58;
	[sflag:s26] =	ssyncadd.s32 $0xFFFFC180  }
0xe2: {  	[tilespmem:s18], [sflag:$0x3] =	stream.indirect.gather [hbm4b:s5+s2], $0x10, s10, s2, $0xb8;
	[tilespmem:$0x19640] =	vst v63  }
0xe3: {  	_ =	swait.ge [sflag:s14], $0x3E80  }
0xe4: {  	[sflag:s14] =	ssyncset.done $0x0  }
0xe5: {  	s0 =	simm.s32 $0x3E80;
	[sflag:s14] =	ssyncadd.s32 $0xFFFFC180  }
0xe6: {  	[spmem:s3] =	stream.indirect.scatter.add.f32 [tilespmem:s31], [sflag:$0x5], $0x10, s0, s2, $0xb8;
	[tilespmem:$0x19640] =	vst v63  }
0xe7: {  	_ = 	snop  }
0xe8: {  	[spmem:s12] =	stream.indirect.scatter.add.f32 [tilespmem:s28], [sflag:$0x8], $0x10, s0, s2, $0xb8;
	[tilespmem:$0x19640] =	vst v63  }
0xe9: {  	_ =	swait.ge [sflag:s19], $0x3E80  }
0xea: {  	[sflag:s19] =	ssyncset.done $0x0  }
0xeb: {  	[sflag:s19] =	ssyncadd.s32 $0xFFFFC180  }
0xec: {  	[tilespmem:s9], [sflag:$0x4] =	stream.indirect.gather [hbm4b:s5+s2], $0x10, s1, s2, $0xb8;
	[tilespmem:$0x19640] =	vst v63  }
0xed: {  	_ =	swait.ge [sflag:s16], $0x3E80  }
0xee: {  	[sflag:s16] =	ssyncset.done $0x0  }
0xef: {  	s1 =	simm.s32 $0x4268;
	[sflag:s16] =	ssyncadd.s32 $0xFFFFC180  }
0xf0: {  	[spmem:s3] =	stream.indirect.scatter.add.f32 [tilespmem:s18], [sflag:$0x6], $0x10, s1, s2, $0xb8;
	[tilespmem:$0x19640] =	vst v63  }
0xf1: {  	_ = 	snop  }
0xf2: {  	[spmem:s12] =	stream.indirect.scatter.add.f32 [tilespmem:s28], [sflag:$0x8], $0x10, s1, s2, $0xb8;
	[tilespmem:$0x19640] =	vst v63  }
0xf3: {  	_ =	swait.ge [sflag:s15], $0x3E80  }
0xf4: {  	[sflag:s15] =	ssyncset.done $0x0  }
0xf5: {  	s18 =	simm.s32 $0x2328;
	[sflag:s15] =	ssyncadd.s32 $0xFFFFC180  }
0xf6: {  	[tilespmem:s31], [sflag:$0x2] =	stream.indirect.gather [hbm4b:s5+s2], $0x10, s18, s2, $0xb8;
	[tilespmem:$0x19640] =	vst v63  }
0xf7: {  	_ =	swait.ge [sflag:s20], $0x3E80  }
0xf8: {  	[sflag:s20] =	ssyncset.done $0x0  }
0xf9: {  	s18 =	simm.s32 $0x4650;
	[sflag:s20] =	ssyncadd.s32 $0xFFFFC180  }
0xfa: {  	[spmem:s3] =	stream.indirect.scatter.add.f32 [tilespmem:s9], [sflag:$0x7], $0x10, s18, s2, $0xb8;
	[tilespmem:$0x19640] =	vst v63  }
0xfb: {  	_ = 	snop  }
0xfc: {  	[spmem:s12] =	stream.indirect.scatter.add.f32 [tilespmem:s28], [sflag:$0x8], $0x10, s18, s2, $0xb8;
	[tilespmem:$0x19640] =	vst v63  }
0xfd: {  	_ =	swait.ge [sflag:s14], $0x3E80  }
0xfe: {  	[sflag:s14] =	ssyncset.done $0x0  }
0xff: {  	s18 =	simm.s32 $0x4A38;
	[sflag:s14] =	ssyncadd.s32 $0xFFFFC180  }
0x100: {  	[spmem:s3] =	stream.indirect.scatter.add.f32 [tilespmem:s31], [sflag:$0x5], $0x10, s18, s2, $0xb8;
	[tilespmem:$0x19640] =	vst v63  }
0x101: {  	_ = 	snop  }
0x102: {  	[spmem:s12] =	stream.indirect.scatter.add.f32 [tilespmem:s28], [sflag:$0x8], $0x10, s18, s2, $0xb8;
	[tilespmem:$0x19640] =	vst v63  }
0x103: {  	_ =	swait.ge [sflag:s26], $0x3E80  }
0x104: {  	[sflag:s26] =	ssyncset.done $0x0  }
0x105: {  	[sflag:s26] =	ssyncadd.s32 $0xFFFFC180  }
0x106: {  	_ =	swait.ge [sflag:s19], $0x3E80  }
0x107: {  	[sflag:s19] =	ssyncset.done $0x0  }
0x108: {  	[sflag:s19] =	ssyncadd.s32 $0xFFFFC180  }
0x109: {  	_ =	swait.ge [sflag:s15], $0x3E80  }
0x10a: {  	[sflag:s15] =	ssyncset.done $0x0  }
0x10b: {  	[sflag:s15] =	ssyncadd.s32 $0xFFFFC180  }
0x10c: {  	_ =	swait.ge [sflag:s22], $0x3E80  }
0x10d: {  	[sflag:s22] =	ssyncset.done $0x0  }
0x10e: {  	[sflag:s22] =	ssyncadd.s32 $0xFFFFC180  }
0x10f: {  	_ =	swait.ge [sflag:s22], $0x3E80  }
0x110: {  	[sflag:s22] =	ssyncset.done $0x0  }
0x111: {  	[sflag:s22] =	ssyncadd.s32 $0xFFFFC180  }
0x112: {  	_ =	swait.ge [sflag:s22], $0x3E80  }
0x113: {  	[sflag:s22] =	ssyncset.done $0x0  }
0x114: {  	[sflag:s22] =	ssyncadd.s32 $0xFFFFC180  }
0x115: {  	_ =	swait.ge [sflag:s22], $0x3E80  }
0x116: {  	[sflag:s22] =	ssyncset.done $0x0  }
0x117: {  	[sflag:s22] =	ssyncadd.s32 $0xFFFFC180  }
0x118: {  	_ =	swait.ge [sflag:s22], $0x3E80  }
0x119: {  	[sflag:s22] =	ssyncset.done $0x0  }
0x11a: {  	[sflag:s22] =	ssyncadd.s32 $0xFFFFC180  }
0x11b: {  	_ =	swait.ge [sflag:s22], $0x3E80  }
0x11c: {  	[sflag:s22] =	ssyncset.done $0x0  }
0x11d: {  	[sflag:s22] =	ssyncadd.s32 $0xFFFFC180  }
0x11e: {  	_ =	swait.ge [sflag:s22], $0x3E80  }
0x11f: {  	[sflag:s22] =	ssyncset.done $0x0  }
0x120: {  	[sflag:s22] =	ssyncadd.s32 $0xFFFFC180  }
0x121: {  	_ =	swait.ge [sflag:s22], $0x3E80  }
0x122: {  	[sflag:s22] =	ssyncset.done $0x0  }
0x123: {  	[sflag:s22] =	ssyncadd.s32 $0xFFFFC180  }
0x124: {  	_ =	swait.ge [sflag:s22], $0x3E80  }
0x125: {  	[sflag:s22] =	ssyncset.done $0x0  }
0x126: {  	[sflag:s22] =	ssyncadd.s32 $0xFFFFC180  }
0x127: {  	_ =	swait.ge [sflag:s22], $0x3E80  }
0x128: {  	[sflag:s22] =	ssyncset.done $0x0  }
0x129: {  	s9 =	stileid.u32;
	[sflag:s22] =	ssyncadd.s32 $0xFFFFC180  }
0x12a: {  	s0 =	sshll.u32 s9, $0x6;
	[bflag:$0x0] =	sbarrier.arrive $0xFFFF  }
0x12b: {  	s7 =	sshrl.u32 s7, $0x3;
	s0 =	sor.u32 $0x1C09, s0;
	s9 =	rddreg [dreg:$0x13]  }
0x12c: {  	[hbm:s9], [sflag:s0] =	dma.local [spmem:s7], $0x4E2  }
0x12d: {  	_ =	swait.ge [sflag:s8], $0x4E2  }
0x12e: {  	[sflag:s8] =	ssyncset.done $0x0  }
0x12f: {  	s7 =	sshrl.u32 s30, $0x3;
	s9 =	rddreg [dreg:$0x14];
	[sflag:s8] =	ssyncadd.s32 $0xFFFFFB1E  }
0x130: {  	[hbm:s9], [sflag:s0] =	dma.local [spmem:s7], $0x4E2  }
0x131: {  	_ =	swait.ge [sflag:s8], $0x4E2  }
0x132: {  	s6 =	sadd.s32 $0x1, s6;
	s0 =	rddreg [dreg:$0x15]  }
0x133: {  	p0 =	sne.s32 s6, s0  }
.Ltmp2:
0x134: {  	_ = 	snop;
	(pc) =	sbr.rel @p0 .LBB2_1-.Ltmp2, $4  }
0x135: {  	s25 =	simm.s32 $0x1388;
	s24 =	simm.s32 $0x1770;
	s16 =	simm.s32 $0x1F40  }
0x136: {  	s14 =	simm.s32 $0xFA0;
	s3 =	simm.s32 $0x4650;
	s12 =	simm.s32 $0x2328  }
0x137: {  	s30 =	simm.s32 $0x3E80;
	s7 =	simm.s32 $0x2AF8;
	[sflag:s8] =	ssyncset.done $0x0  }
0x138: {  	s9 =	simm.s32 $0x2710;
	[sflag:s8] =	ssyncadd.s32 $0xFFFFFB1E;
	s8 =	simm.s32 $0xBB8  }
0x139: {  	_ =	sfence.sel $0x180000  }
0x13a: {  	[bflag:$0x0] =	sbarrier.arrive $0xFFFF  }
0x13b: {  	_ =	strace $0x90000047  }
0x13c: {  	s0 =	stileid.u32;
	[bflag:$0x2] =	sbarrier.arrive $0xFFFF  }
0x13d: {  	p0 =	sne.s32 s0, $0x0;
	s0 =	rddreg [dreg:$0x3]  }
0x13e: {  	s0 =	sadd.s32 @!p0 $0x100000, s0  }
0x13f: {  	[sflag:s0] =	ssyncadd.tile.s32 @!p0 $0x1;
	_ =	shalt  }
.Lfunc_end2:
_tile_overlayer_lowered:
.L_overlay_start_2:
0x140: {  	(tag) =	ssettag $0x2  }
0x141: {  	s0 =	rddreg [dreg:$0x0];
	s2 =	stileid.u32  }
0x142: {  	s1 =	rddreg [dreg:$0x1];
	p0 =	sne.s32 s2, $0x0  }
0x143: {  	s3 =	rddreg [dreg:$0x2];
	[bflag:$0x3] =	sbarrier.arrive $0xFFFF;
	s2 =	simm.s32 @!p0 $0x1C09  }
0x144: {  	[timem:s3], [sflag:s2] =	dma.local @!p0 [hbm:s0], s1  }
0x145: {  	s0 =	simm.s32 @!p0 $0x9  }
0x146: {  	_ =	swait.ge @!p0 [sflag:s0], s1  }
0x147: {  	s1 =	ssub.s32 @!p0 $0x0, s1;
	[sflag:s0] =	ssyncset.done @!p0 $0x0  }
0x148: {  	[sflag:s0] =	ssyncadd.s32 @!p0 s1  }
0x149: {  	[bflag:$0x3] =	sbarrier.arrive $0xFFFF  }
0x14a: {  	_ =	shalt  }

</sc_bundles>
